<compile_context>
chip_gen: v7x
topology: tpu7x:2x2x1
jax: 0.10.2.dev20260603
libtpu: 0.0.44.dev20260713+nightly
codegen_flags: <defaults>
</compile_context>

<pallas_src>
import functools

import jax
import jax.numpy as jnp
from jax import lax
from jax.experimental import pallas as pl
from jax.experimental.pallas import tpu as pltpu
from jax.experimental.pallas import tpu_sc as plsc

NC = 2
NS = 16
NW = NC * NS
KE = 128
LANES = 16


def _node_pad(n):
  unit = NS * KE
  return ((n + 1 + unit - 1) // unit) * unit


def _edge_pad(e):
  unit = NW * KE
  return ((e + unit - 1) // unit) * unit


def _sc_hist(esd, np_, ept):
  blocks = ept // KE
  rows_pt = np_ // NS
  copies = rows_pt // KE
  mesh = plsc.VectorSubcoreMesh(core_axis_name="c", subcore_axis_name="s")

  @functools.partial(
      pl.kernel,
      out_type=jax.ShapeDtypeStruct((NC, np_, 128), jnp.float32),
      mesh=mesh,
      scratch_types=[
          pltpu.VMEM((blocks, 2, KE), jnp.int32),
          pltpu.VMEM((KE, 128), jnp.float32),
          pltpu.VMEM_SHARED((np_, 128), jnp.float32),
      ],
  )
  def hist(esd_hbm, out_hbm, eidx_v, buf_v, hist_sh):
    c = lax.axis_index("c")
    s = lax.axis_index("s")
    wid = c * NS + s
    row_base = s * rows_pt

    def zero_chunk(t, _):
      buf_v[t // 8, pl.ds((t % 8) * LANES, LANES)] = jnp.zeros(
          (LANES,), jnp.float32)
      return 0
    lax.fori_loop(0, KE * 8, zero_chunk, 0)

    def zcopy(j, _):
      pltpu.sync_copy(buf_v, hist_sh.at[pl.ds(row_base + j * KE, KE)])
      return 0
    lax.fori_loop(0, copies, zcopy, 0)

    def one_chunk(t, _):
      buf_v[t // 8, pl.ds((t % 8) * LANES, LANES)] = jnp.ones(
          (LANES,), jnp.float32)
      return 0
    lax.fori_loop(0, KE * 8, one_chunk, 0)

    pltpu.sync_copy(esd_hbm.at[pl.ds(wid * blocks, blocks)], eidx_v)
    plsc.subcore_barrier()

    def edge_block(i, _):
      pltpu.sync_copy(buf_v, hist_sh.at[eidx_v.at[i, 1]], add=True)
      return 0
    lax.fori_loop(0, blocks, edge_block, 0)

    plsc.subcore_barrier()
    pltpu.sync_copy(hist_sh.at[pl.ds(row_base, rows_pt)],
                    out_hbm.at[c, pl.ds(row_base, rows_pt)])

  return hist(esd)


NBUF = 4
KEA = 64


def _sc_aggregate(esd, y, np_, b0t, b1t, phases, bph):
  rows_pt = np_ // NS
  copies = rows_pt // KEA
  mesh = plsc.VectorSubcoreMesh(core_axis_name="c", subcore_axis_name="s")

  @functools.partial(
      pl.kernel,
      out_type=jax.ShapeDtypeStruct((NC, np_, 128), jnp.float32),
      mesh=mesh,
      scratch_types=[
          pltpu.VMEM((bph, 2, KEA), jnp.int32),
          pltpu.VMEM((NBUF, KEA, 128), jnp.float32),
          pltpu.VMEM_SHARED((np_, 128), jnp.float32),
          pltpu.SemaphoreType.DMA((NBUF,)),
      ],
  )
  def agg(esd_hbm, y_hbm, out_hbm, eidx_v, rows_v, acc_sh, sem):
    c = lax.axis_index("c")
    s = lax.axis_index("s")
    my_blocks = jnp.where(c == 0, b0t, b1t)
    my_base = jnp.where(c == 0, s * b0t, NS * b0t + s * b1t)
    row_base = s * rows_pt

    def zero_chunk(t, _):
      rows_v[0, t // 8, pl.ds((t % 8) * LANES, LANES)] = jnp.zeros(
          (LANES,), jnp.float32)
      return 0
    lax.fori_loop(0, KEA * 8, zero_chunk, 0)

    def zcopy(j, _):
      pltpu.sync_copy(rows_v.at[0], acc_sh.at[pl.ds(row_base + j * KEA, KEA)])
      return 0
    lax.fori_loop(0, copies, zcopy, 0)

    plsc.subcore_barrier()

    for p in range(phases):
      off = p * bph
      nblk = jnp.clip(my_blocks - off, 0, bph)

      @pl.when(nblk > 0)
      def _phase():
        pltpu.sync_copy(esd_hbm.at[pl.ds(my_base + off, bph)], eidx_v)
        for k in range(NBUF - 1):
          @pl.when(k < nblk)
          def _prime():
            pltpu.async_copy(y_hbm.at[eidx_v.at[k, 0]], rows_v.at[k],
                             sem.at[k])

        def edge_block(i, _):
          nxt = i + NBUF - 1

          @pl.when(nxt < nblk)
          def _prefetch():
            pltpu.async_copy(y_hbm.at[eidx_v.at[nxt, 0]],
                             rows_v.at[nxt % NBUF], sem.at[nxt % NBUF])

          b = i % NBUF
          pltpu.make_async_copy(y_hbm.at[eidx_v.at[i, 0]], rows_v.at[b],
                                sem.at[b]).wait()
          pltpu.sync_copy(rows_v.at[b], acc_sh.at[eidx_v.at[i, 1]], add=True)
          return 0
        lax.fori_loop(0, nblk, edge_block, 0)

    plsc.subcore_barrier()
    pltpu.sync_copy(acc_sh.at[pl.ds(row_base, rows_pt)],
                    out_hbm.at[c, pl.ds(row_base, rows_pt)])

  return agg(esd, y)


def _dinv_from_hist(h_ref):
  deg = h_ref[0, :, 0:1] + h_ref[1, :, 0:1] + 1.0
  return lax.rsqrt(deg)


def _tc_first(x_p, w1, hcat, np_, rb):
  def body(x_ref, w_ref, h_ref, y_ref):
    dinv = _dinv_from_hist(h_ref)
    xw = jnp.dot(x_ref[...], w_ref[...],
                 preferred_element_type=jnp.float32,
                 precision=lax.Precision.HIGHEST)
    y_ref[...] = xw * dinv

  return pl.pallas_call(
      body,
      grid=(np_ // rb,),
      in_specs=[
          pl.BlockSpec((rb, 128), lambda i: (i, 0)),
          pl.BlockSpec((128, 128), lambda i: (0, 0)),
          pl.BlockSpec((NC, rb, 128), lambda i: (0, i, 0)),
      ],
      out_specs=pl.BlockSpec((rb, 128), lambda i: (i, 0)),
      out_shape=jax.ShapeDtypeStruct((np_, 128), jnp.float32),
  )(x_p, w1, hcat)


def _tc_mid(acc, y1, b1r, w2, hcat, np_, rb):
  def body(a_ref, y_ref, b_ref, w_ref, h_ref, o_ref):
    dinv = _dinv_from_hist(h_ref)
    h = (a_ref[0] + a_ref[1] + y_ref[...]) * dinv + b_ref[...]
    hw = jnp.dot(h, w_ref[...],
                 preferred_element_type=jnp.float32,
                 precision=lax.Precision.HIGHEST)
    o_ref[...] = hw * dinv

  return pl.pallas_call(
      body,
      grid=(np_ // rb,),
      in_specs=[
          pl.BlockSpec((NC, rb, 128), lambda i: (0, i, 0)),
          pl.BlockSpec((rb, 128), lambda i: (i, 0)),
          pl.BlockSpec((1, 128), lambda i: (0, 0)),
          pl.BlockSpec((128, 128), lambda i: (0, 0)),
          pl.BlockSpec((NC, rb, 128), lambda i: (0, i, 0)),
      ],
      out_specs=pl.BlockSpec((rb, 128), lambda i: (i, 0)),
      out_shape=jax.ShapeDtypeStruct((np_, 128), jnp.float32),
  )(acc, y1, b1r, w2, hcat)


def _tc_last(acc, y2, b2r, hcat, np_, rb):
  def body(a_ref, y_ref, b_ref, h_ref, o_ref):
    dinv = _dinv_from_hist(h_ref)
    o_ref[...] = (a_ref[0] + a_ref[1] + y_ref[...]) * dinv + b_ref[...]

  return pl.pallas_call(
      body,
      grid=(np_ // rb,),
      in_specs=[
          pl.BlockSpec((NC, rb, 128), lambda i: (0, i, 0)),
          pl.BlockSpec((rb, 128), lambda i: (i, 0)),
          pl.BlockSpec((1, 128), lambda i: (0, 0)),
          pl.BlockSpec((NC, rb, 128), lambda i: (0, i, 0)),
      ],
      out_specs=pl.BlockSpec((rb, 128), lambda i: (i, 0)),
      out_shape=jax.ShapeDtypeStruct((np_, 128), jnp.float32),
  )(acc, y2, b2r, hcat)


def kernel(x, edge_index, W1, b1, W2, b2):
  n, d = x.shape
  e = edge_index.shape[1]
  np_ = _node_pad(n)
  e_pad = _edge_pad(e)
  ept = e_pad // NW
  rb = 1280 if np_ % 1280 == 0 else NS * KE

  blocks = ept // KE
  src = edge_index[0].astype(jnp.int32)
  dst = edge_index[1].astype(jnp.int32)
  if e_pad != e:
    pad = e_pad - e
    src = jnp.concatenate([src, jnp.zeros((pad,), jnp.int32)])
    dst = jnp.concatenate([dst, jnp.full((pad,), n, jnp.int32)])
  esd = jnp.stack([src.reshape(NW, blocks, KE),
                   dst.reshape(NW, blocks, KE)],
                  axis=2).reshape(NW * blocks, 2, KE)

  tblk_a = e_pad // KEA
  b0t = max(1, min(tblk_a // NS, round(tblk_a * 0.73 / NS)))
  b1t = tblk_a // NS - b0t
  phases = -(-max(b0t, b1t) // 53)
  bph = (max(b0t, b1t) + phases - 1) // phases
  esd_a = jnp.concatenate(
      [jnp.stack([src.reshape(NW, ept // KEA, KEA),
                  dst.reshape(NW, ept // KEA, KEA)],
                 axis=2).reshape(tblk_a, 2, KEA),
       jnp.zeros((bph, 2, KEA), jnp.int32)], axis=0)

  x_p = jnp.pad(x, ((0, np_ - n), (0, 0)))
  b1r = b1.reshape(1, d)
  b2r = b2.reshape(1, d)

  hcat = _sc_hist(esd, np_, ept)

  y1 = _tc_first(x_p, W1, hcat, np_, rb)
  acc1 = _sc_aggregate(esd_a, y1, np_, b0t, b1t, phases, bph)
  y2 = _tc_mid(acc1, y1, b1r, W2, hcat, np_, rb)
  acc2 = _sc_aggregate(esd_a, y2, np_, b0t, b1t, phases, bph)
  out = _tc_last(acc2, y2, b2r, hcat, np_, rb)
  return out[:n]

# --- scband reference (transcript-rebuilt; emitter-appended) ---
"""Pipeline reference for scband-graph-space-39204461478500 (READ-ONLY COPY).

The authoritative reference and input builder live on the scoring server;
editing this copy changes nothing except your own understanding.
"""

import jax, jax.numpy as jnp
import numpy as np

N = 10000
E = 320000
D_IN = 128
D_HID = 128
D_OUT = 128


def gcn_conv(x, edge_index, W, b):
    # Faithful PyG GCNConv: add self-loops, symmetric deg^{-1/2} normalization,
    # linear transform, scatter-add aggregation, bias.
    n = x.shape[0]
    src = edge_index[0]
    dst = edge_index[1]
    loop = jnp.arange(n, dtype=edge_index.dtype)
    src = jnp.concatenate([src, loop])
    dst = jnp.concatenate([dst, loop])
    deg = jnp.zeros((n,), dtype=x.dtype).at[dst].add(1.0)
    dinv = jnp.where(deg > 0, deg ** -0.5, 0.0)
    norm = dinv[src] * dinv[dst]
    xw = x @ W
    msg = xw[src] * norm[:, None]
    out = jnp.zeros((n, W.shape[1]), dtype=x.dtype).at[dst].add(msg)
    return out + b


def setup_inputs(seed: int = 0) -> dict:
    key = jax.random.key(seed)
    k1, k2, k3, k4, k5, k6 = jax.random.split(key, 6)
    x = jax.random.normal(k1, (N, D_IN), dtype=jnp.float32)
    edge_index = jax.random.randint(k2, (2, E), 0, N, dtype=jnp.int64)
    s1 = 1.0 / np.sqrt(D_IN)
    s2 = 1.0 / np.sqrt(D_HID)
    W1 = jax.random.uniform(k3, (D_IN, D_HID), dtype=jnp.float32, minval=-s1, maxval=s1)
    b1 = jax.random.uniform(k4, (D_HID,), dtype=jnp.float32, minval=-s1, maxval=s1)
    W2 = jax.random.uniform(k5, (D_HID, D_OUT), dtype=jnp.float32, minval=-s2, maxval=s2)
    b2 = jax.random.uniform(k6, (D_OUT,), dtype=jnp.float32, minval=-s2, maxval=s2)
    return {"x": x, "edge_index": edge_index, "W1": W1, "b1": b1, "W2": W2, "b2": b2}


def reference(x, edge_index, W1, b1, W2, b2):
    # op1 = GCNConv(inp, hid)  (first LayerChoice option)
    h = gcn_conv(x, edge_index, W1, b1)
    # op2 = GCNConv(hid, oup)  (first LayerChoice option)
    out = gcn_conv(h, edge_index, W2, b2)
    return out

if __name__ == "__main__":
    import jax
    _d = setup_inputs()
    print(jax.jit(kernel)(*tuple(_d.values())))

</pallas_src>

<mosaic_0001>
#map = affine_map<(d0, d1) -> (0, 0, 0)>
#map1 = affine_map<(d0, d1) -> (0, 0)>
module attributes {stable_mosaic.version = 14 : i64} {
  func.func @agg(%arg0: i32, %arg1: i32, %arg2: memref<5103x2x64xi32, #tpu.memory_space<hbm>>, %arg3: memref<10240x128xf32, #tpu.memory_space<hbm>>, %arg4: memref<2x10240x128xf32, #tpu.memory_space<hbm>>, %arg5: memref<47x2x64xi32, #tpu.memory_space<vmem>>, %arg6: memref<4x64x128xf32, #tpu.memory_space<vmem>>, %arg7: memref<10240x128xf32, #tpu.memory_space<vmem_shared>>, %arg8: memref<4x!tpu.dma_semaphore, #tpu.memory_space<semaphore_mem>>) attributes {dimension_semantics = [#tpu.dimension_semantics<core_parallel>, #tpu.dimension_semantics<subcore_parallel>], iteration_bounds = array<i64: 2, 16>, scalar_prefetch = 0 : i64, scratch_operands = 4 : i64, tpu.core_type = #tpu.core_type<sc_vector_subcore>, window_params = [{transform_indices = #map}, {transform_indices = #map1}, {transform_indices = #map}]} {
    %eq3A = arith.constant 0 : i32
    %eq3A_0 = arith.cmpi eq, %arg0, %eq3A : i32
    %jit3A = arith.constant 231 : i32
    %jit3A_1 = arith.constant 85 : i32
    %select_n3A = arith.select %eq3A_0, %jit3A, %jit3A_1 : i32
    %eq3A_2 = arith.constant 0 : i32
    %eq3A_3 = arith.cmpi eq, %arg0, %eq3A_2 : i32
    %mul3A = arith.constant 231 : i32
    %mul3A_4 = arith.muli %arg1, %mul3A : i32
    %mul3A_5 = arith.constant 85 : i32
    %mul3A_6 = arith.muli %arg1, %mul3A_5 : i32
    %add3A = arith.constant 3696 : i32
    %add3A_7 = arith.addi %add3A, %mul3A_6 : i32
    %select_n3A_8 = arith.select %eq3A_3, %mul3A_4, %add3A_7 : i32
    %mul3A_9 = arith.constant 640 : i32
    %mul3A_10 = arith.muli %arg1, %mul3A_9 : i32
    %scan3A = arith.constant 0 : i32
    %scan3A_11 = arith.constant 0 : i32
    %scan3A_12 = arith.constant 512 : i32
    %scan3A_13 = arith.addi %scan3A_11, %scan3A_12 : i32
    %scan3A_14 = arith.constant 1 : i32
    %scan3A_15 = scf.for %scan3A_74 = %scan3A_11 to %scan3A_13 step %scan3A_14 iter_args(%scan3A_75 = %scan3A) -> (i32)  : i32 {
      %broadcast_in_dim3A = arith.constant 0.000000e+00 : f32
      %broadcast_in_dim3A_76 = vector.broadcast %broadcast_in_dim3A : f32 to vector<16xf32>
      %jit3A_77 = arith.constant 8 : i32
      %div3A = arith.divsi %scan3A_74, %jit3A_77 : i32
      %sign3A = arith.constant 0 : i32
      %sign3A_78 = arith.cmpi sgt, %scan3A_74, %sign3A : i32
      %sign3A_79 = arith.extui %sign3A_78 : i1 to i32
      %sign3A_80 = arith.constant 0 : i32
      %sign3A_81 = arith.cmpi slt, %scan3A_74, %sign3A_80 : i32
      %sign3A_82 = arith.extui %sign3A_81 : i1 to i32
      %sign3A_83 = arith.subi %sign3A_79, %sign3A_82 : i32
      %sign3A_84 = arith.constant 0 : i32
      %sign3A_85 = arith.cmpi sgt, %jit3A_77, %sign3A_84 : i32
      %sign3A_86 = arith.extui %sign3A_85 : i1 to i32
      %sign3A_87 = arith.constant 0 : i32
      %sign3A_88 = arith.cmpi slt, %jit3A_77, %sign3A_87 : i32
      %sign3A_89 = arith.extui %sign3A_88 : i1 to i32
      %sign3A_90 = arith.subi %sign3A_86, %sign3A_89 : i32
      %ne3A = arith.cmpi ne, %sign3A_83, %sign3A_90 : i32
      %rem3A = arith.remsi %scan3A_74, %jit3A_77 : i32
      %ne3A_91 = arith.constant 0 : i32
      %ne3A_92 = arith.cmpi ne, %rem3A, %ne3A_91 : i32
      %and3A = arith.andi %ne3A, %ne3A_92 : i1
      %sub3A_93 = arith.constant 1 : i32
      %sub3A_94 = arith.subi %div3A, %sub3A_93 : i32
      %select_n3A_95 = arith.select %and3A, %sub3A_94, %div3A : i32
      %jit3A_96 = arith.constant 8 : i32
      %eq3A_97 = arith.constant 0 : i32
      %eq3A_98 = arith.cmpi eq, %jit3A_96, %eq3A_97 : i32
      %jit3A_99 = arith.constant 1 : i32
      %select_n3A_100 = arith.select %eq3A_98, %jit3A_99, %jit3A_96 : i32
      %rem3A_101 = arith.remsi %scan3A_74, %select_n3A_100 : i32
      %ne3A_102 = arith.constant 0 : i32
      %ne3A_103 = arith.cmpi ne, %rem3A_101, %ne3A_102 : i32
      %lt3A = arith.constant 0 : i32
      %lt3A_104 = arith.cmpi slt, %rem3A_101, %lt3A : i32
      %lt3A_105 = arith.constant 0 : i32
      %lt3A_106 = arith.cmpi slt, %select_n3A_100, %lt3A_105 : i32
      %ne3A_107 = arith.xori %lt3A_104, %lt3A_106 : i1
      %and3A_108 = arith.andi %ne3A_107, %ne3A_103 : i1
      %add3A_109 = arith.addi %rem3A_101, %select_n3A_100 : i32
      %select_n3A_110 = arith.select %and3A_108, %add3A_109, %rem3A_101 : i32
      %mul3A_111 = arith.constant 16 : i32
      %mul3A_112 = arith.muli %select_n3A_110, %mul3A_111 : i32
      %swap3A = arith.constant 0 : i32
      %swap3A_113 = arith.index_cast %swap3A : i32 to index
      %swap3A_114 = arith.index_cast %select_n3A_95 : i32 to index
      %swap3A_115 = arith.index_cast %mul3A_112 : i32 to index
      %swap3A_116 = tpu.vector_load %arg6[%swap3A_113, %swap3A_114, %swap3A_115] {strides = array<i32>} : memref<4x64x128xf32, #tpu.memory_space<vmem>>, vector<1x1x16xf32>,
      %swap3A_117 = vector.shape_cast %swap3A_116 : vector<1x1x16xf32> to vector<16xf32>
      %swap3A_118 = vector.shape_cast %broadcast_in_dim3A_76 : vector<16xf32> to vector<1x1x16xf32>
      tpu.vector_store %arg6[%swap3A_113, %swap3A_114, %swap3A_115], %swap3A_118 {strides = array<i32>} : memref<4x64x128xf32, #tpu.memory_space<vmem>>, vector<1x1x16xf32>,
      %scan3A_119 = arith.constant 0 : i32
      scf.yield %scan3A_119 : i32
    }
    %scan3A_16 = arith.constant 512 : i32
    %scan3A_17 = arith.constant 0 : i32
    %scan3A_18 = arith.constant 0 : i32
    %scan3A_19 = arith.constant 10 : i32
    %scan3A_20 = arith.addi %scan3A_18, %scan3A_19 : i32
    %scan3A_21 = arith.constant 1 : i32
    %scan3A_22 = scf.for %scan3A_74 = %scan3A_18 to %scan3A_20 step %scan3A_21 iter_args(%scan3A_75 = %scan3A_17) -> (i32)  : i32 {
      %mul3A_76 = arith.constant 64 : i32
      %mul3A_77 = arith.muli %scan3A_74, %mul3A_76 : i32
      %add3A_78 = arith.addi %mul3A_10, %mul3A_77 : i32
      %run_scoped3A = arith.constant 0 : i32
      "tpu.region"() ({
        %run_scoped3A_80 = tpu.sem_alloc : memref<!tpu.dma_semaphore, #tpu.memory_space<semaphore_mem>>
        %dma_start3A = arith.constant 0 : i32
        %dma_start3A_81 = arith.constant 0 : i32
        %dma_start3A_82 = tpu.memref_slice %arg6[%run_scoped3A, %dma_start3A, %dma_start3A_81] : memref<4x64x128xf32, #tpu.memory_space<vmem>> -> memref<1x64x128xf32, #tpu.memory_space<vmem>>
        %dma_start3A_83 = tpu.memref_squeeze %dma_start3A_82 : memref<1x64x128xf32, #tpu.memory_space<vmem>> -> memref<64x128xf32, #tpu.memory_space<vmem>>
        %dma_start3A_84 = arith.constant 0 : i32
        %dma_start3A_85 = tpu.memref_slice %arg7[%add3A_78, %dma_start3A_84] : memref<10240x128xf32, #tpu.memory_space<vmem_shared>> -> memref<64x128xf32, #tpu.memory_space<vmem_shared>>
        %dma_start3A_86 = arith.constant 0 : i32
        %dma_start3A_87 = tpu.memref_slice %arg7[%add3A_78, %dma_start3A_86] : memref<10240x128xf32, #tpu.memory_space<vmem_shared>> -> memref<64x128xf32, #tpu.memory_space<vmem_shared>>
        %dma_start3A_88 = arith.constant 0 : i32
        %dma_start3A_89 = arith.constant 0 : i32
        %dma_start3A_90 = tpu.memref_slice %arg6[%run_scoped3A, %dma_start3A_88, %dma_start3A_89] : memref<4x64x128xf32, #tpu.memory_space<vmem>> -> memref<1x64x128xf32, #tpu.memory_space<vmem>>
        %dma_start3A_91 = tpu.memref_squeeze %dma_start3A_90 : memref<1x64x128xf32, #tpu.memory_space<vmem>> -> memref<64x128xf32, #tpu.memory_space<vmem>>
        tpu.enqueue_dma source(%dma_start3A_91 : memref<64x128xf32, #tpu.memory_space<vmem>>) target(%dma_start3A_87 : memref<64x128xf32, #tpu.memory_space<vmem_shared>>) target_semaphore(%run_scoped3A_80 : memref<!tpu.dma_semaphore, #tpu.memory_space<semaphore_mem>>)
        %dma_wait3A = arith.constant 0 : i32
        %dma_wait3A_92 = arith.constant 0 : i32
        %dma_wait3A_93 = tpu.memref_slice %arg6[%run_scoped3A, %dma_wait3A, %dma_wait3A_92] : memref<4x64x128xf32, #tpu.memory_space<vmem>> -> memref<1x64x128xf32, #tpu.memory_space<vmem>>
        %dma_wait3A_94 = tpu.memref_squeeze %dma_wait3A_93 : memref<1x64x128xf32, #tpu.memory_space<vmem>> -> memref<64x128xf32, #tpu.memory_space<vmem>>
        %dma_wait3A_95 = arith.constant 0 : i32
        %dma_wait3A_96 = tpu.memref_slice %arg7[%add3A_78, %dma_wait3A_95] : memref<10240x128xf32, #tpu.memory_space<vmem_shared>> -> memref<64x128xf32, #tpu.memory_space<vmem_shared>>
        %dma_wait3A_97 = arith.constant 0 : i32
        %dma_wait3A_98 = tpu.memref_slice %arg7[%add3A_78, %dma_wait3A_97] : memref<10240x128xf32, #tpu.memory_space<vmem_shared>> -> memref<64x128xf32, #tpu.memory_space<vmem_shared>>
        %dma_wait3A_99 = arith.constant 0 : i32
        %dma_wait3A_100 = arith.constant 0 : i32
        %dma_wait3A_101 = tpu.memref_slice %arg6[%run_scoped3A, %dma_wait3A_99, %dma_wait3A_100] : memref<4x64x128xf32, #tpu.memory_space<vmem>> -> memref<1x64x128xf32, #tpu.memory_space<vmem>>
        %dma_wait3A_102 = tpu.memref_squeeze %dma_wait3A_101 : memref<1x64x128xf32, #tpu.memory_space<vmem>> -> memref<64x128xf32, #tpu.memory_space<vmem>>
        tpu.wait_dma2 semaphore(%run_scoped3A_80 : memref<!tpu.dma_semaphore, #tpu.memory_space<semaphore_mem>>) src(%dma_wait3A_102 : memref<64x128xf32, #tpu.memory_space<vmem>>) dst(%dma_wait3A_98 : memref<64x128xf32, #tpu.memory_space<vmem_shared>>)
        tpu.yield
      }) : () -> ()
      %scan3A_79 = arith.constant 0 : i32
      scf.yield %scan3A_79 : i32
    }
    %scan3A_23 = arith.constant 10 : i32
    %barrier3A = arith.constant 0 : index
    tpu.barrier barrier_id(%barrier3A)
    %sub3A = arith.constant 0 : i32
    %sub3A_24 = arith.subi %select_n3A, %sub3A : i32
    %jit3A_25 = arith.constant 0 : i32
    %jit3A_26 = arith.constant 47 : i32
    %max3A = arith.maxsi %jit3A_25, %sub3A_24 : i32
    %min3A = arith.minsi %jit3A_26, %max3A : i32
    %gt3A = arith.constant 0 : i32
    %gt3A_27 = arith.cmpi sgt, %min3A, %gt3A : i32
    %convert_element_type3A = arith.extui %gt3A_27 : i1 to i32
    %cond3A = arith.constant 0 : i32
    %cond3A_28 = arith.cmpi ne, %convert_element_type3A, %cond3A : i32
    scf.if %cond3A_28 {
      %add3A_74 = arith.constant 0 : i32
      %add3A_75 = arith.addi %select_n3A_8, %add3A_74 : i32
      "tpu.region"() ({
        %run_scoped3A = tpu.sem_alloc : memref<!tpu.dma_semaphore, #tpu.memory_space<semaphore_mem>>
        %dma_start3A = arith.constant 0 : i32
        %dma_start3A_102 = arith.constant 0 : i32
        %dma_start3A_103 = tpu.memref_slice %arg2[%add3A_75, %dma_start3A, %dma_start3A_102] : memref<5103x2x64xi32, #tpu.memory_space<hbm>> -> memref<47x2x64xi32, #tpu.memory_space<hbm>>
        %dma_start3A_104 = arith.constant 0 : i32
        %dma_start3A_105 = arith.constant 0 : i32
        %dma_start3A_106 = tpu.memref_slice %arg2[%add3A_75, %dma_start3A_104, %dma_start3A_105] : memref<5103x2x64xi32, #tpu.memory_space<hbm>> -> memref<47x2x64xi32, #tpu.memory_space<hbm>>
        tpu.enqueue_dma source(%dma_start3A_106 : memref<47x2x64xi32, #tpu.memory_space<hbm>>) target(%arg5 : memref<47x2x64xi32, #tpu.memory_space<vmem>>) target_semaphore(%run_scoped3A : memref<!tpu.dma_semaphore, #tpu.memory_space<semaphore_mem>>)
        %dma_wait3A = arith.constant 0 : i32
        %dma_wait3A_107 = arith.constant 0 : i32
        %dma_wait3A_108 = tpu.memref_slice %arg2[%add3A_75, %dma_wait3A, %dma_wait3A_107] : memref<5103x2x64xi32, #tpu.memory_space<hbm>> -> memref<47x2x64xi32, #tpu.memory_space<hbm>>
        %dma_wait3A_109 = arith.constant 0 : i32
        %dma_wait3A_110 = arith.constant 0 : i32
        %dma_wait3A_111 = tpu.memref_slice %arg2[%add3A_75, %dma_wait3A_109, %dma_wait3A_110] : memref<5103x2x64xi32, #tpu.memory_space<hbm>> -> memref<47x2x64xi32, #tpu.memory_space<hbm>>
        tpu.wait_dma2 semaphore(%run_scoped3A : memref<!tpu.dma_semaphore, #tpu.memory_space<semaphore_mem>>) src(%dma_wait3A_111 : memref<47x2x64xi32, #tpu.memory_space<hbm>>) dst(%arg5 : memref<47x2x64xi32, #tpu.memory_space<vmem>>)
        tpu.yield
      }) : () -> ()
      %gt3A_76 = arith.constant 0 : i32
      %gt3A_77 = arith.cmpi sgt, %min3A, %gt3A_76 : i32
      %convert_element_type3A_78 = arith.extui %gt3A_77 : i1 to i32
      %cond3A_79 = arith.constant 0 : i32
      %cond3A_80 = arith.cmpi ne, %convert_element_type3A_78, %cond3A_79 : i32
      scf.if %cond3A_80 {
        %dma_start3A = arith.constant 0 : i32
        %dma_start3A_102 = arith.constant 0 : i32
        %dma_start3A_103 = arith.constant 0 : i32
        %dma_start3A_104 = arith.constant 0 : i32
        %dma_start3A_105 = arith.constant 0 : i32
        %dma_start3A_106 = arith.constant 0 : i32
        %dma_start3A_107 = tpu.memref_slice %arg6[%dma_start3A_103, %dma_start3A_105, %dma_start3A_106] : memref<4x64x128xf32, #tpu.memory_space<vmem>> -> memref<1x64x128xf32, #tpu.memory_space<vmem>>
        %dma_start3A_108 = tpu.memref_squeeze %dma_start3A_107 : memref<1x64x128xf32, #tpu.memory_space<vmem>> -> memref<64x128xf32, #tpu.memory_space<vmem>>
        %dma_start3A_109 = arith.constant 0 : i32
        %dma_start3A_110 = tpu.memref_slice %arg5[%dma_start3A, %dma_start3A_102, %dma_start3A_109] : memref<47x2x64xi32, #tpu.memory_space<vmem>> -> memref<1x1x64xi32, #tpu.memory_space<vmem>>
        %dma_start3A_111 = tpu.memref_squeeze %dma_start3A_110 : memref<1x1x64xi32, #tpu.memory_space<vmem>> -> memref<64xi32, #tpu.memory_space<vmem>>
        %dma_start3A_112 = arith.constant 0 : i32
        %dma_start3A_113 = arith.constant 0 : i32
        %dma_start3A_114 = tpu.memref_slice %arg3[%dma_start3A_112, %dma_start3A_113] : memref<10240x128xf32, #tpu.memory_space<hbm>> -> memref<10240x128xf32, #tpu.memory_space<hbm>>
        %dma_start3A_115 = tpu.memref_slice %arg8[%dma_start3A_104] : memref<4x!tpu.dma_semaphore, #tpu.memory_space<semaphore_mem>> -> memref<1x!tpu.dma_semaphore, #tpu.memory_space<semaphore_mem>>
        %dma_start3A_116 = tpu.memref_squeeze %dma_start3A_115 : memref<1x!tpu.dma_semaphore, #tpu.memory_space<semaphore_mem>> -> memref<!tpu.dma_semaphore, #tpu.memory_space<semaphore_mem>>
        tpu.enqueue_indirect_dma source(%dma_start3A_114 : memref<10240x128xf32, #tpu.memory_space<hbm>>) target(%dma_start3A_108 : memref<64x128xf32, #tpu.memory_space<vmem>>) offsets(%dma_start3A_111 : memref<64xi32, #tpu.memory_space<vmem>>) semaphore(%dma_start3A_116 : memref<!tpu.dma_semaphore, #tpu.memory_space<semaphore_mem>>)
      } else {
      }
      %gt3A_81 = arith.constant 1 : i32
      %gt3A_82 = arith.cmpi sgt, %min3A, %gt3A_81 : i32
      %convert_element_type3A_83 = arith.extui %gt3A_82 : i1 to i32
      %cond3A_84 = arith.constant 0 : i32
      %cond3A_85 = arith.cmpi ne, %convert_element_type3A_83, %cond3A_84 : i32
      scf.if %cond3A_85 {
        %dma_start3A = arith.constant 1 : i32
        %dma_start3A_102 = arith.constant 0 : i32
        %dma_start3A_103 = arith.constant 1 : i32
        %dma_start3A_104 = arith.constant 1 : i32
        %dma_start3A_105 = arith.constant 0 : i32
        %dma_start3A_106 = arith.constant 0 : i32
        %dma_start3A_107 = tpu.memref_slice %arg6[%dma_start3A_103, %dma_start3A_105, %dma_start3A_106] : memref<4x64x128xf32, #tpu.memory_space<vmem>> -> memref<1x64x128xf32, #tpu.memory_space<vmem>>
        %dma_start3A_108 = tpu.memref_squeeze %dma_start3A_107 : memref<1x64x128xf32, #tpu.memory_space<vmem>> -> memref<64x128xf32, #tpu.memory_space<vmem>>
        %dma_start3A_109 = arith.constant 0 : i32
        %dma_start3A_110 = tpu.memref_slice %arg5[%dma_start3A, %dma_start3A_102, %dma_start3A_109] : memref<47x2x64xi32, #tpu.memory_space<vmem>> -> memref<1x1x64xi32, #tpu.memory_space<vmem>>
        %dma_start3A_111 = tpu.memref_squeeze %dma_start3A_110 : memref<1x1x64xi32, #tpu.memory_space<vmem>> -> memref<64xi32, #tpu.memory_space<vmem>>
        %dma_start3A_112 = arith.constant 0 : i32
        %dma_start3A_113 = arith.constant 0 : i32
        %dma_start3A_114 = tpu.memref_slice %arg3[%dma_start3A_112, %dma_start3A_113] : memref<10240x128xf32, #tpu.memory_space<hbm>> -> memref<10240x128xf32, #tpu.memory_space<hbm>>
        %dma_start3A_115 = tpu.memref_slice %arg8[%dma_start3A_104] : memref<4x!tpu.dma_semaphore, #tpu.memory_space<semaphore_mem>> -> memref<1x!tpu.dma_semaphore, #tpu.memory_space<semaphore_mem>>
        %dma_start3A_116 = tpu.memref_squeeze %dma_start3A_115 : memref<1x!tpu.dma_semaphore, #tpu.memory_space<semaphore_mem>> -> memref<!tpu.dma_semaphore, #tpu.memory_space<semaphore_mem>>
        tpu.enqueue_indirect_dma source(%dma_start3A_114 : memref<10240x128xf32, #tpu.memory_space<hbm>>) target(%dma_start3A_108 : memref<64x128xf32, #tpu.memory_space<vmem>>) offsets(%dma_start3A_111 : memref<64xi32, #tpu.memory_space<vmem>>) semaphore(%dma_start3A_116 : memref<!tpu.dma_semaphore, #tpu.memory_space<semaphore_mem>>)
      } else {
      }
      %gt3A_86 = arith.constant 2 : i32
      %gt3A_87 = arith.cmpi sgt, %min3A, %gt3A_86 : i32
      %convert_element_type3A_88 = arith.extui %gt3A_87 : i1 to i32
      %cond3A_89 = arith.constant 0 : i32
      %cond3A_90 = arith.cmpi ne, %convert_element_type3A_88, %cond3A_89 : i32
      scf.if %cond3A_90 {
        %dma_start3A = arith.constant 2 : i32
        %dma_start3A_102 = arith.constant 0 : i32
        %dma_start3A_103 = arith.constant 2 : i32
        %dma_start3A_104 = arith.constant 2 : i32
        %dma_start3A_105 = arith.constant 0 : i32
        %dma_start3A_106 = arith.constant 0 : i32
        %dma_start3A_107 = tpu.memref_slice %arg6[%dma_start3A_103, %dma_start3A_105, %dma_start3A_106] : memref<4x64x128xf32, #tpu.memory_space<vmem>> -> memref<1x64x128xf32, #tpu.memory_space<vmem>>
        %dma_start3A_108 = tpu.memref_squeeze %dma_start3A_107 : memref<1x64x128xf32, #tpu.memory_space<vmem>> -> memref<64x128xf32, #tpu.memory_space<vmem>>
        %dma_start3A_109 = arith.constant 0 : i32
        %dma_start3A_110 = tpu.memref_slice %arg5[%dma_start3A, %dma_start3A_102, %dma_start3A_109] : memref<47x2x64xi32, #tpu.memory_space<vmem>> -> memref<1x1x64xi32, #tpu.memory_space<vmem>>
        %dma_start3A_111 = tpu.memref_squeeze %dma_start3A_110 : memref<1x1x64xi32, #tpu.memory_space<vmem>> -> memref<64xi32, #tpu.memory_space<vmem>>
        %dma_start3A_112 = arith.constant 0 : i32
        %dma_start3A_113 = arith.constant 0 : i32
        %dma_start3A_114 = tpu.memref_slice %arg3[%dma_start3A_112, %dma_start3A_113] : memref<10240x128xf32, #tpu.memory_space<hbm>> -> memref<10240x128xf32, #tpu.memory_space<hbm>>
        %dma_start3A_115 = tpu.memref_slice %arg8[%dma_start3A_104] : memref<4x!tpu.dma_semaphore, #tpu.memory_space<semaphore_mem>> -> memref<1x!tpu.dma_semaphore, #tpu.memory_space<semaphore_mem>>
        %dma_start3A_116 = tpu.memref_squeeze %dma_start3A_115 : memref<1x!tpu.dma_semaphore, #tpu.memory_space<semaphore_mem>> -> memref<!tpu.dma_semaphore, #tpu.memory_space<semaphore_mem>>
        tpu.enqueue_indirect_dma source(%dma_start3A_114 : memref<10240x128xf32, #tpu.memory_space<hbm>>) target(%dma_start3A_108 : memref<64x128xf32, #tpu.memory_space<vmem>>) offsets(%dma_start3A_111 : memref<64xi32, #tpu.memory_space<vmem>>) semaphore(%dma_start3A_116 : memref<!tpu.dma_semaphore, #tpu.memory_space<semaphore_mem>>)
      } else {
      }
      %while3A = arith.constant 0 : i32
      %while3A_91 = arith.constant 0 : i32
      %while3A_92 = arith.subi %min3A, %while3A : i32
      %while3A_93 = arith.addi %while3A, %while3A_92 : i32
      %while3A_94 = arith.constant 1 : i32
      %while3A_95 = arith.divsi %while3A_92, %while3A_94 : i32
      %while3A_96 = arith.muli %while3A_95, %while3A_94 : i32
      %while3A_97 = arith.addi %while3A, %while3A_96 : i32
      %while3A_98 = arith.constant 1 : i32
      %while3A_99 = scf.for %while3A_102 = %while3A to %while3A_97 step %while3A_98 iter_args(%while3A_103 = %while3A_91) -> (i32)  : i32 {
        %add3A_104 = arith.constant 4 : i32
        %add3A_105 = arith.addi %while3A_102, %add3A_104 : i32
        %sub3A_106 = arith.constant 1 : i32
        %sub3A_107 = arith.subi %add3A_105, %sub3A_106 : i32
        %lt3A = arith.cmpi slt, %sub3A_107, %min3A : i32
        %convert_element_type3A_108 = arith.extui %lt3A : i1 to i32
        %cond3A_109 = arith.constant 0 : i32
        %cond3A_110 = arith.cmpi ne, %convert_element_type3A_108, %cond3A_109 : i32
        scf.if %cond3A_110 {
          %jit3A_137 = arith.constant 4 : i32
          %eq3A_138 = arith.constant 0 : i32
          %eq3A_139 = arith.cmpi eq, %jit3A_137, %eq3A_138 : i32
          %jit3A_140 = arith.constant 1 : i32
          %select_n3A_141 = arith.select %eq3A_139, %jit3A_140, %jit3A_137 : i32
          %rem3A_142 = arith.remsi %sub3A_107, %select_n3A_141 : i32
          %ne3A_143 = arith.constant 0 : i32
          %ne3A_144 = arith.cmpi ne, %rem3A_142, %ne3A_143 : i32
          %lt3A_145 = arith.constant 0 : i32
          %lt3A_146 = arith.cmpi slt, %rem3A_142, %lt3A_145 : i32
          %lt3A_147 = arith.constant 0 : i32
          %lt3A_148 = arith.cmpi slt, %select_n3A_141, %lt3A_147 : i32
          %ne3A_149 = arith.xori %lt3A_146, %lt3A_148 : i1
          %and3A_150 = arith.andi %ne3A_149, %ne3A_144 : i1
          %add3A_151 = arith.addi %rem3A_142, %select_n3A_141 : i32
          %select_n3A_152 = arith.select %and3A_150, %add3A_151, %rem3A_142 : i32
          %jit3A_153 = arith.constant 4 : i32
          %eq3A_154 = arith.constant 0 : i32
          %eq3A_155 = arith.cmpi eq, %jit3A_153, %eq3A_154 : i32
          %jit3A_156 = arith.constant 1 : i32
          %select_n3A_157 = arith.select %eq3A_155, %jit3A_156, %jit3A_153 : i32
          %rem3A_158 = arith.remsi %sub3A_107, %select_n3A_157 : i32
          %ne3A_159 = arith.constant 0 : i32
          %ne3A_160 = arith.cmpi ne, %rem3A_158, %ne3A_159 : i32
          %lt3A_161 = arith.constant 0 : i32
          %lt3A_162 = arith.cmpi slt, %rem3A_158, %lt3A_161 : i32
          %lt3A_163 = arith.constant 0 : i32
          %lt3A_164 = arith.cmpi slt, %select_n3A_157, %lt3A_163 : i32
          %ne3A_165 = arith.xori %lt3A_162, %lt3A_164 : i1
          %and3A_166 = arith.andi %ne3A_165, %ne3A_160 : i1
          %add3A_167 = arith.addi %rem3A_158, %select_n3A_157 : i32
          %select_n3A_168 = arith.select %and3A_166, %add3A_167, %rem3A_158 : i32
          %dma_start3A = arith.constant 0 : i32
          %dma_start3A_169 = arith.constant 0 : i32
          %dma_start3A_170 = arith.constant 0 : i32
          %dma_start3A_171 = tpu.memref_slice %arg6[%select_n3A_152, %dma_start3A_169, %dma_start3A_170] : memref<4x64x128xf32, #tpu.memory_space<vmem>> -> memref<1x64x128xf32, #tpu.memory_space<vmem>>
          %dma_start3A_172 = tpu.memref_squeeze %dma_start3A_171 : memref<1x64x128xf32, #tpu.memory_space<vmem>> -> memref<64x128xf32, #tpu.memory_space<vmem>>
          %dma_start3A_173 = arith.constant 0 : i32
          %dma_start3A_174 = tpu.memref_slice %arg5[%sub3A_107, %dma_start3A, %dma_start3A_173] : memref<47x2x64xi32, #tpu.memory_space<vmem>> -> memref<1x1x64xi32, #tpu.memory_space<vmem>>
          %dma_start3A_175 = tpu.memref_squeeze %dma_start3A_174 : memref<1x1x64xi32, #tpu.memory_space<vmem>> -> memref<64xi32, #tpu.memory_space<vmem>>
          %dma_start3A_176 = arith.constant 0 : i32
          %dma_start3A_177 = arith.constant 0 : i32
          %dma_start3A_178 = tpu.memref_slice %arg3[%dma_start3A_176, %dma_start3A_177] : memref<10240x128xf32, #tpu.memory_space<hbm>> -> memref<10240x128xf32, #tpu.memory_space<hbm>>
          %dma_start3A_179 = tpu.memref_slice %arg8[%select_n3A_168] : memref<4x!tpu.dma_semaphore, #tpu.memory_space<semaphore_mem>> -> memref<1x!tpu.dma_semaphore, #tpu.memory_space<semaphore_mem>>
          %dma_start3A_180 = tpu.memref_squeeze %dma_start3A_179 : memref<1x!tpu.dma_semaphore, #tpu.memory_space<semaphore_mem>> -> memref<!tpu.dma_semaphore, #tpu.memory_space<semaphore_mem>>
          tpu.enqueue_indirect_dma source(%dma_start3A_178 : memref<10240x128xf32, #tpu.memory_space<hbm>>) target(%dma_start3A_172 : memref<64x128xf32, #tpu.memory_space<vmem>>) offsets(%dma_start3A_175 : memref<64xi32, #tpu.memory_space<vmem>>) semaphore(%dma_start3A_180 : memref<!tpu.dma_semaphore, #tpu.memory_space<semaphore_mem>>)
        } else {
        }
        %jit3A_111 = arith.constant 4 : i32
        %eq3A_112 = arith.constant 0 : i32
        %eq3A_113 = arith.cmpi eq, %jit3A_111, %eq3A_112 : i32
        %jit3A_114 = arith.constant 1 : i32
        %select_n3A_115 = arith.select %eq3A_113, %jit3A_114, %jit3A_111 : i32
        %rem3A = arith.remsi %while3A_102, %select_n3A_115 : i32
        %ne3A = arith.constant 0 : i32
        %ne3A_116 = arith.cmpi ne, %rem3A, %ne3A : i32
        %lt3A_117 = arith.constant 0 : i32
        %lt3A_118 = arith.cmpi slt, %rem3A, %lt3A_117 : i32
        %lt3A_119 = arith.constant 0 : i32
        %lt3A_120 = arith.cmpi slt, %select_n3A_115, %lt3A_119 : i32
        %ne3A_121 = arith.xori %lt3A_118, %lt3A_120 : i1
        %and3A = arith.andi %ne3A_121, %ne3A_116 : i1
        %add3A_122 = arith.addi %rem3A, %select_n3A_115 : i32
        %select_n3A_123 = arith.select %and3A, %add3A_122, %rem3A : i32
        %dma_wait3A = arith.constant 0 : i32
        %dma_wait3A_124 = arith.constant 0 : i32
        %dma_wait3A_125 = arith.constant 0 : i32
        %dma_wait3A_126 = tpu.memref_slice %arg6[%select_n3A_123, %dma_wait3A_124, %dma_wait3A_125] : memref<4x64x128xf32, #tpu.memory_space<vmem>> -> memref<1x64x128xf32, #tpu.memory_space<vmem>>
        %dma_wait3A_127 = tpu.memref_squeeze %dma_wait3A_126 : memref<1x64x128xf32, #tpu.memory_space<vmem>> -> memref<64x128xf32, #tpu.memory_space<vmem>>
        %dma_wait3A_128 = arith.constant 0 : i32
        %dma_wait3A_129 = tpu.memref_slice %arg5[%while3A_102, %dma_wait3A, %dma_wait3A_128] : memref<47x2x64xi32, #tpu.memory_space<vmem>> -> memref<1x1x64xi32, #tpu.memory_space<vmem>>
        %dma_wait3A_130 = tpu.memref_squeeze %dma_wait3A_129 : memref<1x1x64xi32, #tpu.memory_space<vmem>> -> memref<64xi32, #tpu.memory_space<vmem>>
        %dma_wait3A_131 = arith.constant 0 : i32
        %dma_wait3A_132 = arith.constant 0 : i32
        %dma_wait3A_133 = tpu.memref_slice %arg3[%dma_wait3A_131, %dma_wait3A_132] : memref<10240x128xf32, #tpu.memory_space<hbm>> -> memref<10240x128xf32, #tpu.memory_space<hbm>>
        %dma_wait3A_134 = tpu.memref_slice %arg8[%select_n3A_123] : memref<4x!tpu.dma_semaphore, #tpu.memory_space<semaphore_mem>> -> memref<1x!tpu.dma_semaphore, #tpu.memory_space<semaphore_mem>>
        %dma_wait3A_135 = tpu.memref_squeeze %dma_wait3A_134 : memref<1x!tpu.dma_semaphore, #tpu.memory_space<semaphore_mem>> -> memref<!tpu.dma_semaphore, #tpu.memory_space<semaphore_mem>>
        tpu.wait_indirect_dma semaphore(%dma_wait3A_135 : memref<!tpu.dma_semaphore, #tpu.memory_space<semaphore_mem>>) src(%dma_wait3A_133 : memref<10240x128xf32, #tpu.memory_space<hbm>>) dst(%dma_wait3A_127 : memref<64x128xf32, #tpu.memory_space<vmem>>)
        %run_scoped3A = arith.constant 1 : i32
        "tpu.region"() ({
          %run_scoped3A_137 = tpu.sem_alloc : memref<!tpu.dma_semaphore, #tpu.memory_space<semaphore_mem>>
          %dma_start3A = arith.constant 0 : i32
          %dma_start3A_138 = arith.constant 0 : i32
          %dma_start3A_139 = tpu.memref_slice %arg6[%select_n3A_123, %dma_start3A, %dma_start3A_138] : memref<4x64x128xf32, #tpu.memory_space<vmem>> -> memref<1x64x128xf32, #tpu.memory_space<vmem>>
          %dma_start3A_140 = tpu.memref_squeeze %dma_start3A_139 : memref<1x64x128xf32, #tpu.memory_space<vmem>> -> memref<64x128xf32, #tpu.memory_space<vmem>>
          %dma_start3A_141 = arith.constant 0 : i32
          %dma_start3A_142 = tpu.memref_slice %arg5[%while3A_102, %run_scoped3A, %dma_start3A_141] : memref<47x2x64xi32, #tpu.memory_space<vmem>> -> memref<1x1x64xi32, #tpu.memory_space<vmem>>
          %dma_start3A_143 = tpu.memref_squeeze %dma_start3A_142 : memref<1x1x64xi32, #tpu.memory_space<vmem>> -> memref<64xi32, #tpu.memory_space<vmem>>
          %dma_start3A_144 = arith.constant 0 : i32
          %dma_start3A_145 = arith.constant 0 : i32
          %dma_start3A_146 = tpu.memref_slice %arg7[%dma_start3A_144, %dma_start3A_145] : memref<10240x128xf32, #tpu.memory_space<vmem_shared>> -> memref<10240x128xf32, #tpu.memory_space<vmem_shared>>
          tpu.enqueue_indirect_dma source(%dma_start3A_140 : memref<64x128xf32, #tpu.memory_space<vmem>>) target(%dma_start3A_146 : memref<10240x128xf32, #tpu.memory_space<vmem_shared>>) offsets(%dma_start3A_143 : memref<64xi32, #tpu.memory_space<vmem>>) semaphore(%run_scoped3A_137 : memref<!tpu.dma_semaphore, #tpu.memory_space<semaphore_mem>>) {add = true}
          %dma_wait3A_147 = arith.constant 0 : i32
          %dma_wait3A_148 = arith.constant 0 : i32
          %dma_wait3A_149 = tpu.memref_slice %arg6[%select_n3A_123, %dma_wait3A_147, %dma_wait3A_148] : memref<4x64x128xf32, #tpu.memory_space<vmem>> -> memref<1x64x128xf32, #tpu.memory_space<vmem>>
          %dma_wait3A_150 = tpu.memref_squeeze %dma_wait3A_149 : memref<1x64x128xf32, #tpu.memory_space<vmem>> -> memref<64x128xf32, #tpu.memory_space<vmem>>
          %dma_wait3A_151 = arith.constant 0 : i32
          %dma_wait3A_152 = tpu.memref_slice %arg5[%while3A_102, %run_scoped3A, %dma_wait3A_151] : memref<47x2x64xi32, #tpu.memory_space<vmem>> -> memref<1x1x64xi32, #tpu.memory_space<vmem>>
          %dma_wait3A_153 = tpu.memref_squeeze %dma_wait3A_152 : memref<1x1x64xi32, #tpu.memory_space<vmem>> -> memref<64xi32, #tpu.memory_space<vmem>>
          %dma_wait3A_154 = arith.constant 0 : i32
          %dma_wait3A_155 = arith.constant 0 : i32
          %dma_wait3A_156 = tpu.memref_slice %arg7[%dma_wait3A_154, %dma_wait3A_155] : memref<10240x128xf32, #tpu.memory_space<vmem_shared>> -> memref<10240x128xf32, #tpu.memory_space<vmem_shared>>
          tpu.wait_indirect_dma semaphore(%run_scoped3A_137 : memref<!tpu.dma_semaphore, #tpu.memory_space<semaphore_mem>>) src(%dma_wait3A_150 : memref<64x128xf32, #tpu.memory_space<vmem>>) dst(%dma_wait3A_156 : memref<10240x128xf32, #tpu.memory_space<vmem_shared>>)
          tpu.yield
        }) : () -> ()
        %while3A_136 = arith.constant 0 : i32
        scf.yield %while3A_136 : i32
      }
      %while3A_100 = arith.constant 1 : i32
      %while3A_101 = scf.for %while3A_102 = %while3A_97 to %while3A_93 step %while3A_100 iter_args(%while3A_103 = %while3A_99) -> (i32)  : i32 {
        %add3A_104 = arith.constant 4 : i32
        %add3A_105 = arith.addi %while3A_102, %add3A_104 : i32
        %sub3A_106 = arith.constant 1 : i32
        %sub3A_107 = arith.subi %add3A_105, %sub3A_106 : i32
        %lt3A = arith.cmpi slt, %sub3A_107, %min3A : i32
        %convert_element_type3A_108 = arith.extui %lt3A : i1 to i32
        %cond3A_109 = arith.constant 0 : i32
        %cond3A_110 = arith.cmpi ne, %convert_element_type3A_108, %cond3A_109 : i32
        scf.if %cond3A_110 {
          %jit3A_137 = arith.constant 4 : i32
          %eq3A_138 = arith.constant 0 : i32
          %eq3A_139 = arith.cmpi eq, %jit3A_137, %eq3A_138 : i32
          %jit3A_140 = arith.constant 1 : i32
          %select_n3A_141 = arith.select %eq3A_139, %jit3A_140, %jit3A_137 : i32
          %rem3A_142 = arith.remsi %sub3A_107, %select_n3A_141 : i32
          %ne3A_143 = arith.constant 0 : i32
          %ne3A_144 = arith.cmpi ne, %rem3A_142, %ne3A_143 : i32
          %lt3A_145 = arith.constant 0 : i32
          %lt3A_146 = arith.cmpi slt, %rem3A_142, %lt3A_145 : i32
          %lt3A_147 = arith.constant 0 : i32
          %lt3A_148 = arith.cmpi slt, %select_n3A_141, %lt3A_147 : i32
          %ne3A_149 = arith.xori %lt3A_146, %lt3A_148 : i1
          %and3A_150 = arith.andi %ne3A_149, %ne3A_144 : i1
          %add3A_151 = arith.addi %rem3A_142, %select_n3A_141 : i32
          %select_n3A_152 = arith.select %and3A_150, %add3A_151, %rem3A_142 : i32
          %jit3A_153 = arith.constant 4 : i32
          %eq3A_154 = arith.constant 0 : i32
          %eq3A_155 = arith.cmpi eq, %jit3A_153, %eq3A_154 : i32
          %jit3A_156 = arith.constant 1 : i32
          %select_n3A_157 = arith.select %eq3A_155, %jit3A_156, %jit3A_153 : i32
          %rem3A_158 = arith.remsi %sub3A_107, %select_n3A_157 : i32
          %ne3A_159 = arith.constant 0 : i32
          %ne3A_160 = arith.cmpi ne, %rem3A_158, %ne3A_159 : i32
          %lt3A_161 = arith.constant 0 : i32
          %lt3A_162 = arith.cmpi slt, %rem3A_158, %lt3A_161 : i32
          %lt3A_163 = arith.constant 0 : i32
          %lt3A_164 = arith.cmpi slt, %select_n3A_157, %lt3A_163 : i32
          %ne3A_165 = arith.xori %lt3A_162, %lt3A_164 : i1
          %and3A_166 = arith.andi %ne3A_165, %ne3A_160 : i1
          %add3A_167 = arith.addi %rem3A_158, %select_n3A_157 : i32
          %select_n3A_168 = arith.select %and3A_166, %add3A_167, %rem3A_158 : i32
          %dma_start3A = arith.constant 0 : i32
          %dma_start3A_169 = arith.constant 0 : i32
          %dma_start3A_170 = arith.constant 0 : i32
          %dma_start3A_171 = tpu.memref_slice %arg6[%select_n3A_152, %dma_start3A_169, %dma_start3A_170] : memref<4x64x128xf32, #tpu.memory_space<vmem>> -> memref<1x64x128xf32, #tpu.memory_space<vmem>>
          %dma_start3A_172 = tpu.memref_squeeze %dma_start3A_171 : memref<1x64x128xf32, #tpu.memory_space<vmem>> -> memref<64x128xf32, #tpu.memory_space<vmem>>
          %dma_start3A_173 = arith.constant 0 : i32
          %dma_start3A_174 = tpu.memref_slice %arg5[%sub3A_107, %dma_start3A, %dma_start3A_173] : memref<47x2x64xi32, #tpu.memory_space<vmem>> -> memref<1x1x64xi32, #tpu.memory_space<vmem>>
          %dma_start3A_175 = tpu.memref_squeeze %dma_start3A_174 : memref<1x1x64xi32, #tpu.memory_space<vmem>> -> memref<64xi32, #tpu.memory_space<vmem>>
          %dma_start3A_176 = arith.constant 0 : i32
          %dma_start3A_177 = arith.constant 0 : i32
          %dma_start3A_178 = tpu.memref_slice %arg3[%dma_start3A_176, %dma_start3A_177] : memref<10240x128xf32, #tpu.memory_space<hbm>> -> memref<10240x128xf32, #tpu.memory_space<hbm>>
          %dma_start3A_179 = tpu.memref_slice %arg8[%select_n3A_168] : memref<4x!tpu.dma_semaphore, #tpu.memory_space<semaphore_mem>> -> memref<1x!tpu.dma_semaphore, #tpu.memory_space<semaphore_mem>>
          %dma_start3A_180 = tpu.memref_squeeze %dma_start3A_179 : memref<1x!tpu.dma_semaphore, #tpu.memory_space<semaphore_mem>> -> memref<!tpu.dma_semaphore, #tpu.memory_space<semaphore_mem>>
          tpu.enqueue_indirect_dma source(%dma_start3A_178 : memref<10240x128xf32, #tpu.memory_space<hbm>>) target(%dma_start3A_172 : memref<64x128xf32, #tpu.memory_space<vmem>>) offsets(%dma_start3A_175 : memref<64xi32, #tpu.memory_space<vmem>>) semaphore(%dma_start3A_180 : memref<!tpu.dma_semaphore, #tpu.memory_space<semaphore_mem>>)
        } else {
        }
        %jit3A_111 = arith.constant 4 : i32
        %eq3A_112 = arith.constant 0 : i32
        %eq3A_113 = arith.cmpi eq, %jit3A_111, %eq3A_112 : i32
        %jit3A_114 = arith.constant 1 : i32
        %select_n3A_115 = arith.select %eq3A_113, %jit3A_114, %jit3A_111 : i32
        %rem3A = arith.remsi %while3A_102, %select_n3A_115 : i32
        %ne3A = arith.constant 0 : i32
        %ne3A_116 = arith.cmpi ne, %rem3A, %ne3A : i32
        %lt3A_117 = arith.constant 0 : i32
        %lt3A_118 = arith.cmpi slt, %rem3A, %lt3A_117 : i32
        %lt3A_119 = arith.constant 0 : i32
        %lt3A_120 = arith.cmpi slt, %select_n3A_115, %lt3A_119 : i32
        %ne3A_121 = arith.xori %lt3A_118, %lt3A_120 : i1
        %and3A = arith.andi %ne3A_121, %ne3A_116 : i1
        %add3A_122 = arith.addi %rem3A, %select_n3A_115 : i32
        %select_n3A_123 = arith.select %and3A, %add3A_122, %rem3A : i32
        %dma_wait3A = arith.constant 0 : i32
        %dma_wait3A_124 = arith.constant 0 : i32
        %dma_wait3A_125 = arith.constant 0 : i32
        %dma_wait3A_126 = tpu.memref_slice %arg6[%select_n3A_123, %dma_wait3A_124, %dma_wait3A_125] : memref<4x64x128xf32, #tpu.memory_space<vmem>> -> memref<1x64x128xf32, #tpu.memory_space<vmem>>
        %dma_wait3A_127 = tpu.memref_squeeze %dma_wait3A_126 : memref<1x64x128xf32, #tpu.memory_space<vmem>> -> memref<64x128xf32, #tpu.memory_space<vmem>>
        %dma_wait3A_128 = arith.constant 0 : i32
        %dma_wait3A_129 = tpu.memref_slice %arg5[%while3A_102, %dma_wait3A, %dma_wait3A_128] : memref<47x2x64xi32, #tpu.memory_space<vmem>> -> memref<1x1x64xi32, #tpu.memory_space<vmem>>
        %dma_wait3A_130 = tpu.memref_squeeze %dma_wait3A_129 : memref<1x1x64xi32, #tpu.memory_space<vmem>> -> memref<64xi32, #tpu.memory_space<vmem>>
        %dma_wait3A_131 = arith.constant 0 : i32
        %dma_wait3A_132 = arith.constant 0 : i32
        %dma_wait3A_133 = tpu.memref_slice %arg3[%dma_wait3A_131, %dma_wait3A_132] : memref<10240x128xf32, #tpu.memory_space<hbm>> -> memref<10240x128xf32, #tpu.memory_space<hbm>>
        %dma_wait3A_134 = tpu.memref_slice %arg8[%select_n3A_123] : memref<4x!tpu.dma_semaphore, #tpu.memory_space<semaphore_mem>> -> memref<1x!tpu.dma_semaphore, #tpu.memory_space<semaphore_mem>>
        %dma_wait3A_135 = tpu.memref_squeeze %dma_wait3A_134 : memref<1x!tpu.dma_semaphore, #tpu.memory_space<semaphore_mem>> -> memref<!tpu.dma_semaphore, #tpu.memory_space<semaphore_mem>>
        tpu.wait_indirect_dma semaphore(%dma_wait3A_135 : memref<!tpu.dma_semaphore, #tpu.memory_space<semaphore_mem>>) src(%dma_wait3A_133 : memref<10240x128xf32, #tpu.memory_space<hbm>>) dst(%dma_wait3A_127 : memref<64x128xf32, #tpu.memory_space<vmem>>)
        %run_scoped3A = arith.constant 1 : i32
        "tpu.region"() ({
          %run_scoped3A_137 = tpu.sem_alloc : memref<!tpu.dma_semaphore, #tpu.memory_space<semaphore_mem>>
          %dma_start3A = arith.constant 0 : i32
          %dma_start3A_138 = arith.constant 0 : i32
          %dma_start3A_139 = tpu.memref_slice %arg6[%select_n3A_123, %dma_start3A, %dma_start3A_138] : memref<4x64x128xf32, #tpu.memory_space<vmem>> -> memref<1x64x128xf32, #tpu.memory_space<vmem>>
          %dma_start3A_140 = tpu.memref_squeeze %dma_start3A_139 : memref<1x64x128xf32, #tpu.memory_space<vmem>> -> memref<64x128xf32, #tpu.memory_space<vmem>>
          %dma_start3A_141 = arith.constant 0 : i32
          %dma_start3A_142 = tpu.memref_slice %arg5[%while3A_102, %run_scoped3A, %dma_start3A_141] : memref<47x2x64xi32, #tpu.memory_space<vmem>> -> memref<1x1x64xi32, #tpu.memory_space<vmem>>
          %dma_start3A_143 = tpu.memref_squeeze %dma_start3A_142 : memref<1x1x64xi32, #tpu.memory_space<vmem>> -> memref<64xi32, #tpu.memory_space<vmem>>
          %dma_start3A_144 = arith.constant 0 : i32
          %dma_start3A_145 = arith.constant 0 : i32
          %dma_start3A_146 = tpu.memref_slice %arg7[%dma_start3A_144, %dma_start3A_145] : memref<10240x128xf32, #tpu.memory_space<vmem_shared>> -> memref<10240x128xf32, #tpu.memory_space<vmem_shared>>
          tpu.enqueue_indirect_dma source(%dma_start3A_140 : memref<64x128xf32, #tpu.memory_space<vmem>>) target(%dma_start3A_146 : memref<10240x128xf32, #tpu.memory_space<vmem_shared>>) offsets(%dma_start3A_143 : memref<64xi32, #tpu.memory_space<vmem>>) semaphore(%run_scoped3A_137 : memref<!tpu.dma_semaphore, #tpu.memory_space<semaphore_mem>>) {add = true}
          %dma_wait3A_147 = arith.constant 0 : i32
          %dma_wait3A_148 = arith.constant 0 : i32
          %dma_wait3A_149 = tpu.memref_slice %arg6[%select_n3A_123, %dma_wait3A_147, %dma_wait3A_148] : memref<4x64x128xf32, #tpu.memory_space<vmem>> -> memref<1x64x128xf32, #tpu.memory_space<vmem>>
          %dma_wait3A_150 = tpu.memref_squeeze %dma_wait3A_149 : memref<1x64x128xf32, #tpu.memory_space<vmem>> -> memref<64x128xf32, #tpu.memory_space<vmem>>
          %dma_wait3A_151 = arith.constant 0 : i32
          %dma_wait3A_152 = tpu.memref_slice %arg5[%while3A_102, %run_scoped3A, %dma_wait3A_151] : memref<47x2x64xi32, #tpu.memory_space<vmem>> -> memref<1x1x64xi32, #tpu.memory_space<vmem>>
          %dma_wait3A_153 = tpu.memref_squeeze %dma_wait3A_152 : memref<1x1x64xi32, #tpu.memory_space<vmem>> -> memref<64xi32, #tpu.memory_space<vmem>>
          %dma_wait3A_154 = arith.constant 0 : i32
          %dma_wait3A_155 = arith.constant 0 : i32
          %dma_wait3A_156 = tpu.memref_slice %arg7[%dma_wait3A_154, %dma_wait3A_155] : memref<10240x128xf32, #tpu.memory_space<vmem_shared>> -> memref<10240x128xf32, #tpu.memory_space<vmem_shared>>
          tpu.wait_indirect_dma semaphore(%run_scoped3A_137 : memref<!tpu.dma_semaphore, #tpu.memory_space<semaphore_mem>>) src(%dma_wait3A_150 : memref<64x128xf32, #tpu.memory_space<vmem>>) dst(%dma_wait3A_156 : memref<10240x128xf32, #tpu.memory_space<vmem_shared>>)
          tpu.yield
        }) : () -> ()
        %while3A_136 = arith.constant 0 : i32
        scf.yield %while3A_136 : i32
      }
    } else {
    }
    %sub3A_29 = arith.constant 47 : i32
    %sub3A_30 = arith.subi %select_n3A, %sub3A_29 : i32
    %jit3A_31 = arith.constant 0 : i32
    %jit3A_32 = arith.constant 47 : i32
    %max3A_33 = arith.maxsi %jit3A_31, %sub3A_30 : i32
    %min3A_34 = arith.minsi %jit3A_32, %max3A_33 : i32
    %gt3A_35 = arith.constant 0 : i32
    %gt3A_36 = arith.cmpi sgt, %min3A_34, %gt3A_35 : i32
    %convert_element_type3A_37 = arith.extui %gt3A_36 : i1 to i32
    %cond3A_38 = arith.constant 0 : i32
    %cond3A_39 = arith.cmpi ne, %convert_element_type3A_37, %cond3A_38 : i32
    scf.if %cond3A_39 {
      %add3A_74 = arith.constant 47 : i32
      %add3A_75 = arith.addi %select_n3A_8, %add3A_74 : i32
      "tpu.region"() ({
        %run_scoped3A = tpu.sem_alloc : memref<!tpu.dma_semaphore, #tpu.memory_space<semaphore_mem>>
        %dma_start3A = arith.constant 0 : i32
        %dma_start3A_102 = arith.constant 0 : i32
        %dma_start3A_103 = tpu.memref_slice %arg2[%add3A_75, %dma_start3A, %dma_start3A_102] : memref<5103x2x64xi32, #tpu.memory_space<hbm>> -> memref<47x2x64xi32, #tpu.memory_space<hbm>>
        %dma_start3A_104 = arith.constant 0 : i32
        %dma_start3A_105 = arith.constant 0 : i32
        %dma_start3A_106 = tpu.memref_slice %arg2[%add3A_75, %dma_start3A_104, %dma_start3A_105] : memref<5103x2x64xi32, #tpu.memory_space<hbm>> -> memref<47x2x64xi32, #tpu.memory_space<hbm>>
        tpu.enqueue_dma source(%dma_start3A_106 : memref<47x2x64xi32, #tpu.memory_space<hbm>>) target(%arg5 : memref<47x2x64xi32, #tpu.memory_space<vmem>>) target_semaphore(%run_scoped3A : memref<!tpu.dma_semaphore, #tpu.memory_space<semaphore_mem>>)
        %dma_wait3A = arith.constant 0 : i32
        %dma_wait3A_107 = arith.constant 0 : i32
        %dma_wait3A_108 = tpu.memref_slice %arg2[%add3A_75, %dma_wait3A, %dma_wait3A_107] : memref<5103x2x64xi32, #tpu.memory_space<hbm>> -> memref<47x2x64xi32, #tpu.memory_space<hbm>>
        %dma_wait3A_109 = arith.constant 0 : i32
        %dma_wait3A_110 = arith.constant 0 : i32
        %dma_wait3A_111 = tpu.memref_slice %arg2[%add3A_75, %dma_wait3A_109, %dma_wait3A_110] : memref<5103x2x64xi32, #tpu.memory_space<hbm>> -> memref<47x2x64xi32, #tpu.memory_space<hbm>>
        tpu.wait_dma2 semaphore(%run_scoped3A : memref<!tpu.dma_semaphore, #tpu.memory_space<semaphore_mem>>) src(%dma_wait3A_111 : memref<47x2x64xi32, #tpu.memory_space<hbm>>) dst(%arg5 : memref<47x2x64xi32, #tpu.memory_space<vmem>>)
        tpu.yield
      }) : () -> ()
      %gt3A_76 = arith.constant 0 : i32
      %gt3A_77 = arith.cmpi sgt, %min3A_34, %gt3A_76 : i32
      %convert_element_type3A_78 = arith.extui %gt3A_77 : i1 to i32
      %cond3A_79 = arith.constant 0 : i32
      %cond3A_80 = arith.cmpi ne, %convert_element_type3A_78, %cond3A_79 : i32
      scf.if %cond3A_80 {
        %dma_start3A = arith.constant 0 : i32
        %dma_start3A_102 = arith.constant 0 : i32
        %dma_start3A_103 = arith.constant 0 : i32
        %dma_start3A_104 = arith.constant 0 : i32
        %dma_start3A_105 = arith.constant 0 : i32
        %dma_start3A_106 = arith.constant 0 : i32
        %dma_start3A_107 = tpu.memref_slice %arg6[%dma_start3A_103, %dma_start3A_105, %dma_start3A_106] : memref<4x64x128xf32, #tpu.memory_space<vmem>> -> memref<1x64x128xf32, #tpu.memory_space<vmem>>
        %dma_start3A_108 = tpu.memref_squeeze %dma_start3A_107 : memref<1x64x128xf32, #tpu.memory_space<vmem>> -> memref<64x128xf32, #tpu.memory_space<vmem>>
        %dma_start3A_109 = arith.constant 0 : i32
        %dma_start3A_110 = tpu.memref_slice %arg5[%dma_start3A, %dma_start3A_102, %dma_start3A_109] : memref<47x2x64xi32, #tpu.memory_space<vmem>> -> memref<1x1x64xi32, #tpu.memory_space<vmem>>
        %dma_start3A_111 = tpu.memref_squeeze %dma_start3A_110 : memref<1x1x64xi32, #tpu.memory_space<vmem>> -> memref<64xi32, #tpu.memory_space<vmem>>
        %dma_start3A_112 = arith.constant 0 : i32
        %dma_start3A_113 = arith.constant 0 : i32
        %dma_start3A_114 = tpu.memref_slice %arg3[%dma_start3A_112, %dma_start3A_113] : memref<10240x128xf32, #tpu.memory_space<hbm>> -> memref<10240x128xf32, #tpu.memory_space<hbm>>
        %dma_start3A_115 = tpu.memref_slice %arg8[%dma_start3A_104] : memref<4x!tpu.dma_semaphore, #tpu.memory_space<semaphore_mem>> -> memref<1x!tpu.dma_semaphore, #tpu.memory_space<semaphore_mem>>
        %dma_start3A_116 = tpu.memref_squeeze %dma_start3A_115 : memref<1x!tpu.dma_semaphore, #tpu.memory_space<semaphore_mem>> -> memref<!tpu.dma_semaphore, #tpu.memory_space<semaphore_mem>>
        tpu.enqueue_indirect_dma source(%dma_start3A_114 : memref<10240x128xf32, #tpu.memory_space<hbm>>) target(%dma_start3A_108 : memref<64x128xf32, #tpu.memory_space<vmem>>) offsets(%dma_start3A_111 : memref<64xi32, #tpu.memory_space<vmem>>) semaphore(%dma_start3A_116 : memref<!tpu.dma_semaphore, #tpu.memory_space<semaphore_mem>>)
      } else {
      }
      %gt3A_81 = arith.constant 1 : i32
      %gt3A_82 = arith.cmpi sgt, %min3A_34, %gt3A_81 : i32
      %convert_element_type3A_83 = arith.extui %gt3A_82 : i1 to i32
      %cond3A_84 = arith.constant 0 : i32
      %cond3A_85 = arith.cmpi ne, %convert_element_type3A_83, %cond3A_84 : i32
      scf.if %cond3A_85 {
        %dma_start3A = arith.constant 1 : i32
        %dma_start3A_102 = arith.constant 0 : i32
        %dma_start3A_103 = arith.constant 1 : i32
        %dma_start3A_104 = arith.constant 1 : i32
        %dma_start3A_105 = arith.constant 0 : i32
        %dma_start3A_106 = arith.constant 0 : i32
        %dma_start3A_107 = tpu.memref_slice %arg6[%dma_start3A_103, %dma_start3A_105, %dma_start3A_106] : memref<4x64x128xf32, #tpu.memory_space<vmem>> -> memref<1x64x128xf32, #tpu.memory_space<vmem>>
        %dma_start3A_108 = tpu.memref_squeeze %dma_start3A_107 : memref<1x64x128xf32, #tpu.memory_space<vmem>> -> memref<64x128xf32, #tpu.memory_space<vmem>>
        %dma_start3A_109 = arith.constant 0 : i32
        %dma_start3A_110 = tpu.memref_slice %arg5[%dma_start3A, %dma_start3A_102, %dma_start3A_109] : memref<47x2x64xi32, #tpu.memory_space<vmem>> -> memref<1x1x64xi32, #tpu.memory_space<vmem>>
        %dma_start3A_111 = tpu.memref_squeeze %dma_start3A_110 : memref<1x1x64xi32, #tpu.memory_space<vmem>> -> memref<64xi32, #tpu.memory_space<vmem>>
        %dma_start3A_112 = arith.constant 0 : i32
        %dma_start3A_113 = arith.constant 0 : i32
        %dma_start3A_114 = tpu.memref_slice %arg3[%dma_start3A_112, %dma_start3A_113] : memref<10240x128xf32, #tpu.memory_space<hbm>> -> memref<10240x128xf32, #tpu.memory_space<hbm>>
        %dma_start3A_115 = tpu.memref_slice %arg8[%dma_start3A_104] : memref<4x!tpu.dma_semaphore, #tpu.memory_space<semaphore_mem>> -> memref<1x!tpu.dma_semaphore, #tpu.memory_space<semaphore_mem>>
        %dma_start3A_116 = tpu.memref_squeeze %dma_start3A_115 : memref<1x!tpu.dma_semaphore, #tpu.memory_space<semaphore_mem>> -> memref<!tpu.dma_semaphore, #tpu.memory_space<semaphore_mem>>
        tpu.enqueue_indirect_dma source(%dma_start3A_114 : memref<10240x128xf32, #tpu.memory_space<hbm>>) target(%dma_start3A_108 : memref<64x128xf32, #tpu.memory_space<vmem>>) offsets(%dma_start3A_111 : memref<64xi32, #tpu.memory_space<vmem>>) semaphore(%dma_start3A_116 : memref<!tpu.dma_semaphore, #tpu.memory_space<semaphore_mem>>)
      } else {
      }
      %gt3A_86 = arith.constant 2 : i32
      %gt3A_87 = arith.cmpi sgt, %min3A_34, %gt3A_86 : i32
      %convert_element_type3A_88 = arith.extui %gt3A_87 : i1 to i32
      %cond3A_89 = arith.constant 0 : i32
      %cond3A_90 = arith.cmpi ne, %convert_element_type3A_88, %cond3A_89 : i32
      scf.if %cond3A_90 {
        %dma_start3A = arith.constant 2 : i32
        %dma_start3A_102 = arith.constant 0 : i32
        %dma_start3A_103 = arith.constant 2 : i32
        %dma_start3A_104 = arith.constant 2 : i32
        %dma_start3A_105 = arith.constant 0 : i32
        %dma_start3A_106 = arith.constant 0 : i32
        %dma_start3A_107 = tpu.memref_slice %arg6[%dma_start3A_103, %dma_start3A_105, %dma_start3A_106] : memref<4x64x128xf32, #tpu.memory_space<vmem>> -> memref<1x64x128xf32, #tpu.memory_space<vmem>>
        %dma_start3A_108 = tpu.memref_squeeze %dma_start3A_107 : memref<1x64x128xf32, #tpu.memory_space<vmem>> -> memref<64x128xf32, #tpu.memory_space<vmem>>
        %dma_start3A_109 = arith.constant 0 : i32
        %dma_start3A_110 = tpu.memref_slice %arg5[%dma_start3A, %dma_start3A_102, %dma_start3A_109] : memref<47x2x64xi32, #tpu.memory_space<vmem>> -> memref<1x1x64xi32, #tpu.memory_space<vmem>>
        %dma_start3A_111 = tpu.memref_squeeze %dma_start3A_110 : memref<1x1x64xi32, #tpu.memory_space<vmem>> -> memref<64xi32, #tpu.memory_space<vmem>>
        %dma_start3A_112 = arith.constant 0 : i32
        %dma_start3A_113 = arith.constant 0 : i32
        %dma_start3A_114 = tpu.memref_slice %arg3[%dma_start3A_112, %dma_start3A_113] : memref<10240x128xf32, #tpu.memory_space<hbm>> -> memref<10240x128xf32, #tpu.memory_space<hbm>>
        %dma_start3A_115 = tpu.memref_slice %arg8[%dma_start3A_104] : memref<4x!tpu.dma_semaphore, #tpu.memory_space<semaphore_mem>> -> memref<1x!tpu.dma_semaphore, #tpu.memory_space<semaphore_mem>>
        %dma_start3A_116 = tpu.memref_squeeze %dma_start3A_115 : memref<1x!tpu.dma_semaphore, #tpu.memory_space<semaphore_mem>> -> memref<!tpu.dma_semaphore, #tpu.memory_space<semaphore_mem>>
        tpu.enqueue_indirect_dma source(%dma_start3A_114 : memref<10240x128xf32, #tpu.memory_space<hbm>>) target(%dma_start3A_108 : memref<64x128xf32, #tpu.memory_space<vmem>>) offsets(%dma_start3A_111 : memref<64xi32, #tpu.memory_space<vmem>>) semaphore(%dma_start3A_116 : memref<!tpu.dma_semaphore, #tpu.memory_space<semaphore_mem>>)
      } else {
      }
      %while3A = arith.constant 0 : i32
      %while3A_91 = arith.constant 0 : i32
      %while3A_92 = arith.subi %min3A_34, %while3A : i32
      %while3A_93 = arith.addi %while3A, %while3A_92 : i32
      %while3A_94 = arith.constant 1 : i32
      %while3A_95 = arith.divsi %while3A_92, %while3A_94 : i32
      %while3A_96 = arith.muli %while3A_95, %while3A_94 : i32
      %while3A_97 = arith.addi %while3A, %while3A_96 : i32
      %while3A_98 = arith.constant 1 : i32
      %while3A_99 = scf.for %while3A_102 = %while3A to %while3A_97 step %while3A_98 iter_args(%while3A_103 = %while3A_91) -> (i32)  : i32 {
        %add3A_104 = arith.constant 4 : i32
        %add3A_105 = arith.addi %while3A_102, %add3A_104 : i32
        %sub3A_106 = arith.constant 1 : i32
        %sub3A_107 = arith.subi %add3A_105, %sub3A_106 : i32
        %lt3A = arith.cmpi slt, %sub3A_107, %min3A_34 : i32
        %convert_element_type3A_108 = arith.extui %lt3A : i1 to i32
        %cond3A_109 = arith.constant 0 : i32
        %cond3A_110 = arith.cmpi ne, %convert_element_type3A_108, %cond3A_109 : i32
        scf.if %cond3A_110 {
          %jit3A_137 = arith.constant 4 : i32
          %eq3A_138 = arith.constant 0 : i32
          %eq3A_139 = arith.cmpi eq, %jit3A_137, %eq3A_138 : i32
          %jit3A_140 = arith.constant 1 : i32
          %select_n3A_141 = arith.select %eq3A_139, %jit3A_140, %jit3A_137 : i32
          %rem3A_142 = arith.remsi %sub3A_107, %select_n3A_141 : i32
          %ne3A_143 = arith.constant 0 : i32
          %ne3A_144 = arith.cmpi ne, %rem3A_142, %ne3A_143 : i32
          %lt3A_145 = arith.constant 0 : i32
          %lt3A_146 = arith.cmpi slt, %rem3A_142, %lt3A_145 : i32
          %lt3A_147 = arith.constant 0 : i32
          %lt3A_148 = arith.cmpi slt, %select_n3A_141, %lt3A_147 : i32
          %ne3A_149 = arith.xori %lt3A_146, %lt3A_148 : i1
          %and3A_150 = arith.andi %ne3A_149, %ne3A_144 : i1
          %add3A_151 = arith.addi %rem3A_142, %select_n3A_141 : i32
          %select_n3A_152 = arith.select %and3A_150, %add3A_151, %rem3A_142 : i32
          %jit3A_153 = arith.constant 4 : i32
          %eq3A_154 = arith.constant 0 : i32
          %eq3A_155 = arith.cmpi eq, %jit3A_153, %eq3A_154 : i32
          %jit3A_156 = arith.constant 1 : i32
          %select_n3A_157 = arith.select %eq3A_155, %jit3A_156, %jit3A_153 : i32
          %rem3A_158 = arith.remsi %sub3A_107, %select_n3A_157 : i32
          %ne3A_159 = arith.constant 0 : i32
          %ne3A_160 = arith.cmpi ne, %rem3A_158, %ne3A_159 : i32
          %lt3A_161 = arith.constant 0 : i32
          %lt3A_162 = arith.cmpi slt, %rem3A_158, %lt3A_161 : i32
          %lt3A_163 = arith.constant 0 : i32
          %lt3A_164 = arith.cmpi slt, %select_n3A_157, %lt3A_163 : i32
          %ne3A_165 = arith.xori %lt3A_162, %lt3A_164 : i1
          %and3A_166 = arith.andi %ne3A_165, %ne3A_160 : i1
          %add3A_167 = arith.addi %rem3A_158, %select_n3A_157 : i32
          %select_n3A_168 = arith.select %and3A_166, %add3A_167, %rem3A_158 : i32
          %dma_start3A = arith.constant 0 : i32
          %dma_start3A_169 = arith.constant 0 : i32
          %dma_start3A_170 = arith.constant 0 : i32
          %dma_start3A_171 = tpu.memref_slice %arg6[%select_n3A_152, %dma_start3A_169, %dma_start3A_170] : memref<4x64x128xf32, #tpu.memory_space<vmem>> -> memref<1x64x128xf32, #tpu.memory_space<vmem>>
          %dma_start3A_172 = tpu.memref_squeeze %dma_start3A_171 : memref<1x64x128xf32, #tpu.memory_space<vmem>> -> memref<64x128xf32, #tpu.memory_space<vmem>>
          %dma_start3A_173 = arith.constant 0 : i32
          %dma_start3A_174 = tpu.memref_slice %arg5[%sub3A_107, %dma_start3A, %dma_start3A_173] : memref<47x2x64xi32, #tpu.memory_space<vmem>> -> memref<1x1x64xi32, #tpu.memory_space<vmem>>
          %dma_start3A_175 = tpu.memref_squeeze %dma_start3A_174 : memref<1x1x64xi32, #tpu.memory_space<vmem>> -> memref<64xi32, #tpu.memory_space<vmem>>
          %dma_start3A_176 = arith.constant 0 : i32
          %dma_start3A_177 = arith.constant 0 : i32
          %dma_start3A_178 = tpu.memref_slice %arg3[%dma_start3A_176, %dma_start3A_177] : memref<10240x128xf32, #tpu.memory_space<hbm>> -> memref<10240x128xf32, #tpu.memory_space<hbm>>
          %dma_start3A_179 = tpu.memref_slice %arg8[%select_n3A_168] : memref<4x!tpu.dma_semaphore, #tpu.memory_space<semaphore_mem>> -> memref<1x!tpu.dma_semaphore, #tpu.memory_space<semaphore_mem>>
          %dma_start3A_180 = tpu.memref_squeeze %dma_start3A_179 : memref<1x!tpu.dma_semaphore, #tpu.memory_space<semaphore_mem>> -> memref<!tpu.dma_semaphore, #tpu.memory_space<semaphore_mem>>
          tpu.enqueue_indirect_dma source(%dma_start3A_178 : memref<10240x128xf32, #tpu.memory_space<hbm>>) target(%dma_start3A_172 : memref<64x128xf32, #tpu.memory_space<vmem>>) offsets(%dma_start3A_175 : memref<64xi32, #tpu.memory_space<vmem>>) semaphore(%dma_start3A_180 : memref<!tpu.dma_semaphore, #tpu.memory_space<semaphore_mem>>)
        } else {
        }
        %jit3A_111 = arith.constant 4 : i32
        %eq3A_112 = arith.constant 0 : i32
        %eq3A_113 = arith.cmpi eq, %jit3A_111, %eq3A_112 : i32
        %jit3A_114 = arith.constant 1 : i32
        %select_n3A_115 = arith.select %eq3A_113, %jit3A_114, %jit3A_111 : i32
        %rem3A = arith.remsi %while3A_102, %select_n3A_115 : i32
        %ne3A = arith.constant 0 : i32
        %ne3A_116 = arith.cmpi ne, %rem3A, %ne3A : i32
        %lt3A_117 = arith.constant 0 : i32
        %lt3A_118 = arith.cmpi slt, %rem3A, %lt3A_117 : i32
        %lt3A_119 = arith.constant 0 : i32
        %lt3A_120 = arith.cmpi slt, %select_n3A_115, %lt3A_119 : i32
        %ne3A_121 = arith.xori %lt3A_118, %lt3A_120 : i1
        %and3A = arith.andi %ne3A_121, %ne3A_116 : i1
        %add3A_122 = arith.addi %rem3A, %select_n3A_115 : i32
        %select_n3A_123 = arith.select %and3A, %add3A_122, %rem3A : i32
        %dma_wait3A = arith.constant 0 : i32
        %dma_wait3A_124 = arith.constant 0 : i32
        %dma_wait3A_125 = arith.constant 0 : i32
        %dma_wait3A_126 = tpu.memref_slice %arg6[%select_n3A_123, %dma_wait3A_124, %dma_wait3A_125] : memref<4x64x128xf32, #tpu.memory_space<vmem>> -> memref<1x64x128xf32, #tpu.memory_space<vmem>>
        %dma_wait3A_127 = tpu.memref_squeeze %dma_wait3A_126 : memref<1x64x128xf32, #tpu.memory_space<vmem>> -> memref<64x128xf32, #tpu.memory_space<vmem>>
        %dma_wait3A_128 = arith.constant 0 : i32
        %dma_wait3A_129 = tpu.memref_slice %arg5[%while3A_102, %dma_wait3A, %dma_wait3A_128] : memref<47x2x64xi32, #tpu.memory_space<vmem>> -> memref<1x1x64xi32, #tpu.memory_space<vmem>>
        %dma_wait3A_130 = tpu.memref_squeeze %dma_wait3A_129 : memref<1x1x64xi32, #tpu.memory_space<vmem>> -> memref<64xi32, #tpu.memory_space<vmem>>
        %dma_wait3A_131 = arith.constant 0 : i32
        %dma_wait3A_132 = arith.constant 0 : i32
        %dma_wait3A_133 = tpu.memref_slice %arg3[%dma_wait3A_131, %dma_wait3A_132] : memref<10240x128xf32, #tpu.memory_space<hbm>> -> memref<10240x128xf32, #tpu.memory_space<hbm>>
        %dma_wait3A_134 = tpu.memref_slice %arg8[%select_n3A_123] : memref<4x!tpu.dma_semaphore, #tpu.memory_space<semaphore_mem>> -> memref<1x!tpu.dma_semaphore, #tpu.memory_space<semaphore_mem>>
        %dma_wait3A_135 = tpu.memref_squeeze %dma_wait3A_134 : memref<1x!tpu.dma_semaphore, #tpu.memory_space<semaphore_mem>> -> memref<!tpu.dma_semaphore, #tpu.memory_space<semaphore_mem>>
        tpu.wait_indirect_dma semaphore(%dma_wait3A_135 : memref<!tpu.dma_semaphore, #tpu.memory_space<semaphore_mem>>) src(%dma_wait3A_133 : memref<10240x128xf32, #tpu.memory_space<hbm>>) dst(%dma_wait3A_127 : memref<64x128xf32, #tpu.memory_space<vmem>>)
        %run_scoped3A = arith.constant 1 : i32
        "tpu.region"() ({
          %run_scoped3A_137 = tpu.sem_alloc : memref<!tpu.dma_semaphore, #tpu.memory_space<semaphore_mem>>
          %dma_start3A = arith.constant 0 : i32
          %dma_start3A_138 = arith.constant 0 : i32
          %dma_start3A_139 = tpu.memref_slice %arg6[%select_n3A_123, %dma_start3A, %dma_start3A_138] : memref<4x64x128xf32, #tpu.memory_space<vmem>> -> memref<1x64x128xf32, #tpu.memory_space<vmem>>
          %dma_start3A_140 = tpu.memref_squeeze %dma_start3A_139 : memref<1x64x128xf32, #tpu.memory_space<vmem>> -> memref<64x128xf32, #tpu.memory_space<vmem>>
          %dma_start3A_141 = arith.constant 0 : i32
          %dma_start3A_142 = tpu.memref_slice %arg5[%while3A_102, %run_scoped3A, %dma_start3A_141] : memref<47x2x64xi32, #tpu.memory_space<vmem>> -> memref<1x1x64xi32, #tpu.memory_space<vmem>>
          %dma_start3A_143 = tpu.memref_squeeze %dma_start3A_142 : memref<1x1x64xi32, #tpu.memory_space<vmem>> -> memref<64xi32, #tpu.memory_space<vmem>>
          %dma_start3A_144 = arith.constant 0 : i32
          %dma_start3A_145 = arith.constant 0 : i32
          %dma_start3A_146 = tpu.memref_slice %arg7[%dma_start3A_144, %dma_start3A_145] : memref<10240x128xf32, #tpu.memory_space<vmem_shared>> -> memref<10240x128xf32, #tpu.memory_space<vmem_shared>>
          tpu.enqueue_indirect_dma source(%dma_start3A_140 : memref<64x128xf32, #tpu.memory_space<vmem>>) target(%dma_start3A_146 : memref<10240x128xf32, #tpu.memory_space<vmem_shared>>) offsets(%dma_start3A_143 : memref<64xi32, #tpu.memory_space<vmem>>) semaphore(%run_scoped3A_137 : memref<!tpu.dma_semaphore, #tpu.memory_space<semaphore_mem>>) {add = true}
          %dma_wait3A_147 = arith.constant 0 : i32
          %dma_wait3A_148 = arith.constant 0 : i32
          %dma_wait3A_149 = tpu.memref_slice %arg6[%select_n3A_123, %dma_wait3A_147, %dma_wait3A_148] : memref<4x64x128xf32, #tpu.memory_space<vmem>> -> memref<1x64x128xf32, #tpu.memory_space<vmem>>
          %dma_wait3A_150 = tpu.memref_squeeze %dma_wait3A_149 : memref<1x64x128xf32, #tpu.memory_space<vmem>> -> memref<64x128xf32, #tpu.memory_space<vmem>>
          %dma_wait3A_151 = arith.constant 0 : i32
          %dma_wait3A_152 = tpu.memref_slice %arg5[%while3A_102, %run_scoped3A, %dma_wait3A_151] : memref<47x2x64xi32, #tpu.memory_space<vmem>> -> memref<1x1x64xi32, #tpu.memory_space<vmem>>
          %dma_wait3A_153 = tpu.memref_squeeze %dma_wait3A_152 : memref<1x1x64xi32, #tpu.memory_space<vmem>> -> memref<64xi32, #tpu.memory_space<vmem>>
          %dma_wait3A_154 = arith.constant 0 : i32
          %dma_wait3A_155 = arith.constant 0 : i32
          %dma_wait3A_156 = tpu.memref_slice %arg7[%dma_wait3A_154, %dma_wait3A_155] : memref<10240x128xf32, #tpu.memory_space<vmem_shared>> -> memref<10240x128xf32, #tpu.memory_space<vmem_shared>>
          tpu.wait_indirect_dma semaphore(%run_scoped3A_137 : memref<!tpu.dma_semaphore, #tpu.memory_space<semaphore_mem>>) src(%dma_wait3A_150 : memref<64x128xf32, #tpu.memory_space<vmem>>) dst(%dma_wait3A_156 : memref<10240x128xf32, #tpu.memory_space<vmem_shared>>)
          tpu.yield
        }) : () -> ()
        %while3A_136 = arith.constant 0 : i32
        scf.yield %while3A_136 : i32
      }
      %while3A_100 = arith.constant 1 : i32
      %while3A_101 = scf.for %while3A_102 = %while3A_97 to %while3A_93 step %while3A_100 iter_args(%while3A_103 = %while3A_99) -> (i32)  : i32 {
        %add3A_104 = arith.constant 4 : i32
        %add3A_105 = arith.addi %while3A_102, %add3A_104 : i32
        %sub3A_106 = arith.constant 1 : i32
        %sub3A_107 = arith.subi %add3A_105, %sub3A_106 : i32
        %lt3A = arith.cmpi slt, %sub3A_107, %min3A_34 : i32
        %convert_element_type3A_108 = arith.extui %lt3A : i1 to i32
        %cond3A_109 = arith.constant 0 : i32
        %cond3A_110 = arith.cmpi ne, %convert_element_type3A_108, %cond3A_109 : i32
        scf.if %cond3A_110 {
          %jit3A_137 = arith.constant 4 : i32
          %eq3A_138 = arith.constant 0 : i32
          %eq3A_139 = arith.cmpi eq, %jit3A_137, %eq3A_138 : i32
          %jit3A_140 = arith.constant 1 : i32
          %select_n3A_141 = arith.select %eq3A_139, %jit3A_140, %jit3A_137 : i32
          %rem3A_142 = arith.remsi %sub3A_107, %select_n3A_141 : i32
          %ne3A_143 = arith.constant 0 : i32
          %ne3A_144 = arith.cmpi ne, %rem3A_142, %ne3A_143 : i32
          %lt3A_145 = arith.constant 0 : i32
          %lt3A_146 = arith.cmpi slt, %rem3A_142, %lt3A_145 : i32
          %lt3A_147 = arith.constant 0 : i32
          %lt3A_148 = arith.cmpi slt, %select_n3A_141, %lt3A_147 : i32
          %ne3A_149 = arith.xori %lt3A_146, %lt3A_148 : i1
          %and3A_150 = arith.andi %ne3A_149, %ne3A_144 : i1
          %add3A_151 = arith.addi %rem3A_142, %select_n3A_141 : i32
          %select_n3A_152 = arith.select %and3A_150, %add3A_151, %rem3A_142 : i32
          %jit3A_153 = arith.constant 4 : i32
          %eq3A_154 = arith.constant 0 : i32
          %eq3A_155 = arith.cmpi eq, %jit3A_153, %eq3A_154 : i32
          %jit3A_156 = arith.constant 1 : i32
          %select_n3A_157 = arith.select %eq3A_155, %jit3A_156, %jit3A_153 : i32
          %rem3A_158 = arith.remsi %sub3A_107, %select_n3A_157 : i32
          %ne3A_159 = arith.constant 0 : i32
          %ne3A_160 = arith.cmpi ne, %rem3A_158, %ne3A_159 : i32
          %lt3A_161 = arith.constant 0 : i32
          %lt3A_162 = arith.cmpi slt, %rem3A_158, %lt3A_161 : i32
          %lt3A_163 = arith.constant 0 : i32
          %lt3A_164 = arith.cmpi slt, %select_n3A_157, %lt3A_163 : i32
          %ne3A_165 = arith.xori %lt3A_162, %lt3A_164 : i1
          %and3A_166 = arith.andi %ne3A_165, %ne3A_160 : i1
          %add3A_167 = arith.addi %rem3A_158, %select_n3A_157 : i32
          %select_n3A_168 = arith.select %and3A_166, %add3A_167, %rem3A_158 : i32
          %dma_start3A = arith.constant 0 : i32
          %dma_start3A_169 = arith.constant 0 : i32
          %dma_start3A_170 = arith.constant 0 : i32
          %dma_start3A_171 = tpu.memref_slice %arg6[%select_n3A_152, %dma_start3A_169, %dma_start3A_170] : memref<4x64x128xf32, #tpu.memory_space<vmem>> -> memref<1x64x128xf32, #tpu.memory_space<vmem>>
          %dma_start3A_172 = tpu.memref_squeeze %dma_start3A_171 : memref<1x64x128xf32, #tpu.memory_space<vmem>> -> memref<64x128xf32, #tpu.memory_space<vmem>>
          %dma_start3A_173 = arith.constant 0 : i32
          %dma_start3A_174 = tpu.memref_slice %arg5[%sub3A_107, %dma_start3A, %dma_start3A_173] : memref<47x2x64xi32, #tpu.memory_space<vmem>> -> memref<1x1x64xi32, #tpu.memory_space<vmem>>
          %dma_start3A_175 = tpu.memref_squeeze %dma_start3A_174 : memref<1x1x64xi32, #tpu.memory_space<vmem>> -> memref<64xi32, #tpu.memory_space<vmem>>
          %dma_start3A_176 = arith.constant 0 : i32
          %dma_start3A_177 = arith.constant 0 : i32
          %dma_start3A_178 = tpu.memref_slice %arg3[%dma_start3A_176, %dma_start3A_177] : memref<10240x128xf32, #tpu.memory_space<hbm>> -> memref<10240x128xf32, #tpu.memory_space<hbm>>
          %dma_start3A_179 = tpu.memref_slice %arg8[%select_n3A_168] : memref<4x!tpu.dma_semaphore, #tpu.memory_space<semaphore_mem>> -> memref<1x!tpu.dma_semaphore, #tpu.memory_space<semaphore_mem>>
          %dma_start3A_180 = tpu.memref_squeeze %dma_start3A_179 : memref<1x!tpu.dma_semaphore, #tpu.memory_space<semaphore_mem>> -> memref<!tpu.dma_semaphore, #tpu.memory_space<semaphore_mem>>
          tpu.enqueue_indirect_dma source(%dma_start3A_178 : memref<10240x128xf32, #tpu.memory_space<hbm>>) target(%dma_start3A_172 : memref<64x128xf32, #tpu.memory_space<vmem>>) offsets(%dma_start3A_175 : memref<64xi32, #tpu.memory_space<vmem>>) semaphore(%dma_start3A_180 : memref<!tpu.dma_semaphore, #tpu.memory_space<semaphore_mem>>)
        } else {
        }
        %jit3A_111 = arith.constant 4 : i32
        %eq3A_112 = arith.constant 0 : i32
        %eq3A_113 = arith.cmpi eq, %jit3A_111, %eq3A_112 : i32
        %jit3A_114 = arith.constant 1 : i32
        %select_n3A_115 = arith.select %eq3A_113, %jit3A_114, %jit3A_111 : i32
        %rem3A = arith.remsi %while3A_102, %select_n3A_115 : i32
        %ne3A = arith.constant 0 : i32
        %ne3A_116 = arith.cmpi ne, %rem3A, %ne3A : i32
        %lt3A_117 = arith.constant 0 : i32
        %lt3A_118 = arith.cmpi slt, %rem3A, %lt3A_117 : i32
        %lt3A_119 = arith.constant 0 : i32
        %lt3A_120 = arith.cmpi slt, %select_n3A_115, %lt3A_119 : i32
        %ne3A_121 = arith.xori %lt3A_118, %lt3A_120 : i1
        %and3A = arith.andi %ne3A_121, %ne3A_116 : i1
        %add3A_122 = arith.addi %rem3A, %select_n3A_115 : i32
        %select_n3A_123 = arith.select %and3A, %add3A_122, %rem3A : i32
        %dma_wait3A = arith.constant 0 : i32
        %dma_wait3A_124 = arith.constant 0 : i32
        %dma_wait3A_125 = arith.constant 0 : i32
        %dma_wait3A_126 = tpu.memref_slice %arg6[%select_n3A_123, %dma_wait3A_124, %dma_wait3A_125] : memref<4x64x128xf32, #tpu.memory_space<vmem>> -> memref<1x64x128xf32, #tpu.memory_space<vmem>>
        %dma_wait3A_127 = tpu.memref_squeeze %dma_wait3A_126 : memref<1x64x128xf32, #tpu.memory_space<vmem>> -> memref<64x128xf32, #tpu.memory_space<vmem>>
        %dma_wait3A_128 = arith.constant 0 : i32
        %dma_wait3A_129 = tpu.memref_slice %arg5[%while3A_102, %dma_wait3A, %dma_wait3A_128] : memref<47x2x64xi32, #tpu.memory_space<vmem>> -> memref<1x1x64xi32, #tpu.memory_space<vmem>>
        %dma_wait3A_130 = tpu.memref_squeeze %dma_wait3A_129 : memref<1x1x64xi32, #tpu.memory_space<vmem>> -> memref<64xi32, #tpu.memory_space<vmem>>
        %dma_wait3A_131 = arith.constant 0 : i32
        %dma_wait3A_132 = arith.constant 0 : i32
        %dma_wait3A_133 = tpu.memref_slice %arg3[%dma_wait3A_131, %dma_wait3A_132] : memref<10240x128xf32, #tpu.memory_space<hbm>> -> memref<10240x128xf32, #tpu.memory_space<hbm>>
        %dma_wait3A_134 = tpu.memref_slice %arg8[%select_n3A_123] : memref<4x!tpu.dma_semaphore, #tpu.memory_space<semaphore_mem>> -> memref<1x!tpu.dma_semaphore, #tpu.memory_space<semaphore_mem>>
        %dma_wait3A_135 = tpu.memref_squeeze %dma_wait3A_134 : memref<1x!tpu.dma_semaphore, #tpu.memory_space<semaphore_mem>> -> memref<!tpu.dma_semaphore, #tpu.memory_space<semaphore_mem>>
        tpu.wait_indirect_dma semaphore(%dma_wait3A_135 : memref<!tpu.dma_semaphore, #tpu.memory_space<semaphore_mem>>) src(%dma_wait3A_133 : memref<10240x128xf32, #tpu.memory_space<hbm>>) dst(%dma_wait3A_127 : memref<64x128xf32, #tpu.memory_space<vmem>>)
        %run_scoped3A = arith.constant 1 : i32
        "tpu.region"() ({
          %run_scoped3A_137 = tpu.sem_alloc : memref<!tpu.dma_semaphore, #tpu.memory_space<semaphore_mem>>
          %dma_start3A = arith.constant 0 : i32
          %dma_start3A_138 = arith.constant 0 : i32
          %dma_start3A_139 = tpu.memref_slice %arg6[%select_n3A_123, %dma_start3A, %dma_start3A_138] : memref<4x64x128xf32, #tpu.memory_space<vmem>> -> memref<1x64x128xf32, #tpu.memory_space<vmem>>
          %dma_start3A_140 = tpu.memref_squeeze %dma_start3A_139 : memref<1x64x128xf32, #tpu.memory_space<vmem>> -> memref<64x128xf32, #tpu.memory_space<vmem>>
          %dma_start3A_141 = arith.constant 0 : i32
          %dma_start3A_142 = tpu.memref_slice %arg5[%while3A_102, %run_scoped3A, %dma_start3A_141] : memref<47x2x64xi32, #tpu.memory_space<vmem>> -> memref<1x1x64xi32, #tpu.memory_space<vmem>>
          %dma_start3A_143 = tpu.memref_squeeze %dma_start3A_142 : memref<1x1x64xi32, #tpu.memory_space<vmem>> -> memref<64xi32, #tpu.memory_space<vmem>>
          %dma_start3A_144 = arith.constant 0 : i32
          %dma_start3A_145 = arith.constant 0 : i32
          %dma_start3A_146 = tpu.memref_slice %arg7[%dma_start3A_144, %dma_start3A_145] : memref<10240x128xf32, #tpu.memory_space<vmem_shared>> -> memref<10240x128xf32, #tpu.memory_space<vmem_shared>>
          tpu.enqueue_indirect_dma source(%dma_start3A_140 : memref<64x128xf32, #tpu.memory_space<vmem>>) target(%dma_start3A_146 : memref<10240x128xf32, #tpu.memory_space<vmem_shared>>) offsets(%dma_start3A_143 : memref<64xi32, #tpu.memory_space<vmem>>) semaphore(%run_scoped3A_137 : memref<!tpu.dma_semaphore, #tpu.memory_space<semaphore_mem>>) {add = true}
          %dma_wait3A_147 = arith.constant 0 : i32
          %dma_wait3A_148 = arith.constant 0 : i32
          %dma_wait3A_149 = tpu.memref_slice %arg6[%select_n3A_123, %dma_wait3A_147, %dma_wait3A_148] : memref<4x64x128xf32, #tpu.memory_space<vmem>> -> memref<1x64x128xf32, #tpu.memory_space<vmem>>
          %dma_wait3A_150 = tpu.memref_squeeze %dma_wait3A_149 : memref<1x64x128xf32, #tpu.memory_space<vmem>> -> memref<64x128xf32, #tpu.memory_space<vmem>>
          %dma_wait3A_151 = arith.constant 0 : i32
          %dma_wait3A_152 = tpu.memref_slice %arg5[%while3A_102, %run_scoped3A, %dma_wait3A_151] : memref<47x2x64xi32, #tpu.memory_space<vmem>> -> memref<1x1x64xi32, #tpu.memory_space<vmem>>
          %dma_wait3A_153 = tpu.memref_squeeze %dma_wait3A_152 : memref<1x1x64xi32, #tpu.memory_space<vmem>> -> memref<64xi32, #tpu.memory_space<vmem>>
          %dma_wait3A_154 = arith.constant 0 : i32
          %dma_wait3A_155 = arith.constant 0 : i32
          %dma_wait3A_156 = tpu.memref_slice %arg7[%dma_wait3A_154, %dma_wait3A_155] : memref<10240x128xf32, #tpu.memory_space<vmem_shared>> -> memref<10240x128xf32, #tpu.memory_space<vmem_shared>>
          tpu.wait_indirect_dma semaphore(%run_scoped3A_137 : memref<!tpu.dma_semaphore, #tpu.memory_space<semaphore_mem>>) src(%dma_wait3A_150 : memref<64x128xf32, #tpu.memory_space<vmem>>) dst(%dma_wait3A_156 : memref<10240x128xf32, #tpu.memory_space<vmem_shared>>)
          tpu.yield
        }) : () -> ()
        %while3A_136 = arith.constant 0 : i32
        scf.yield %while3A_136 : i32
      }
    } else {
    }
    %sub3A_40 = arith.constant 94 : i32
    %sub3A_41 = arith.subi %select_n3A, %sub3A_40 : i32
    %jit3A_42 = arith.constant 0 : i32
    %jit3A_43 = arith.constant 47 : i32
    %max3A_44 = arith.maxsi %jit3A_42, %sub3A_41 : i32
    %min3A_45 = arith.minsi %jit3A_43, %max3A_44 : i32
    %gt3A_46 = arith.constant 0 : i32
    %gt3A_47 = arith.cmpi sgt, %min3A_45, %gt3A_46 : i32
    %convert_element_type3A_48 = arith.extui %gt3A_47 : i1 to i32
    %cond3A_49 = arith.constant 0 : i32
    %cond3A_50 = arith.cmpi ne, %convert_element_type3A_48, %cond3A_49 : i32
    scf.if %cond3A_50 {
      %add3A_74 = arith.constant 94 : i32
      %add3A_75 = arith.addi %select_n3A_8, %add3A_74 : i32
      "tpu.region"() ({
        %run_scoped3A = tpu.sem_alloc : memref<!tpu.dma_semaphore, #tpu.memory_space<semaphore_mem>>
        %dma_start3A = arith.constant 0 : i32
        %dma_start3A_102 = arith.constant 0 : i32
        %dma_start3A_103 = tpu.memref_slice %arg2[%add3A_75, %dma_start3A, %dma_start3A_102] : memref<5103x2x64xi32, #tpu.memory_space<hbm>> -> memref<47x2x64xi32, #tpu.memory_space<hbm>>
        %dma_start3A_104 = arith.constant 0 : i32
        %dma_start3A_105 = arith.constant 0 : i32
        %dma_start3A_106 = tpu.memref_slice %arg2[%add3A_75, %dma_start3A_104, %dma_start3A_105] : memref<5103x2x64xi32, #tpu.memory_space<hbm>> -> memref<47x2x64xi32, #tpu.memory_space<hbm>>
        tpu.enqueue_dma source(%dma_start3A_106 : memref<47x2x64xi32, #tpu.memory_space<hbm>>) target(%arg5 : memref<47x2x64xi32, #tpu.memory_space<vmem>>) target_semaphore(%run_scoped3A : memref<!tpu.dma_semaphore, #tpu.memory_space<semaphore_mem>>)
        %dma_wait3A = arith.constant 0 : i32
        %dma_wait3A_107 = arith.constant 0 : i32
        %dma_wait3A_108 = tpu.memref_slice %arg2[%add3A_75, %dma_wait3A, %dma_wait3A_107] : memref<5103x2x64xi32, #tpu.memory_space<hbm>> -> memref<47x2x64xi32, #tpu.memory_space<hbm>>
        %dma_wait3A_109 = arith.constant 0 : i32
        %dma_wait3A_110 = arith.constant 0 : i32
        %dma_wait3A_111 = tpu.memref_slice %arg2[%add3A_75, %dma_wait3A_109, %dma_wait3A_110] : memref<5103x2x64xi32, #tpu.memory_space<hbm>> -> memref<47x2x64xi32, #tpu.memory_space<hbm>>
        tpu.wait_dma2 semaphore(%run_scoped3A : memref<!tpu.dma_semaphore, #tpu.memory_space<semaphore_mem>>) src(%dma_wait3A_111 : memref<47x2x64xi32, #tpu.memory_space<hbm>>) dst(%arg5 : memref<47x2x64xi32, #tpu.memory_space<vmem>>)
        tpu.yield
      }) : () -> ()
      %gt3A_76 = arith.constant 0 : i32
      %gt3A_77 = arith.cmpi sgt, %min3A_45, %gt3A_76 : i32
      %convert_element_type3A_78 = arith.extui %gt3A_77 : i1 to i32
      %cond3A_79 = arith.constant 0 : i32
      %cond3A_80 = arith.cmpi ne, %convert_element_type3A_78, %cond3A_79 : i32
      scf.if %cond3A_80 {
        %dma_start3A = arith.constant 0 : i32
        %dma_start3A_102 = arith.constant 0 : i32
        %dma_start3A_103 = arith.constant 0 : i32
        %dma_start3A_104 = arith.constant 0 : i32
        %dma_start3A_105 = arith.constant 0 : i32
        %dma_start3A_106 = arith.constant 0 : i32
        %dma_start3A_107 = tpu.memref_slice %arg6[%dma_start3A_103, %dma_start3A_105, %dma_start3A_106] : memref<4x64x128xf32, #tpu.memory_space<vmem>> -> memref<1x64x128xf32, #tpu.memory_space<vmem>>
        %dma_start3A_108 = tpu.memref_squeeze %dma_start3A_107 : memref<1x64x128xf32, #tpu.memory_space<vmem>> -> memref<64x128xf32, #tpu.memory_space<vmem>>
        %dma_start3A_109 = arith.constant 0 : i32
        %dma_start3A_110 = tpu.memref_slice %arg5[%dma_start3A, %dma_start3A_102, %dma_start3A_109] : memref<47x2x64xi32, #tpu.memory_space<vmem>> -> memref<1x1x64xi32, #tpu.memory_space<vmem>>
        %dma_start3A_111 = tpu.memref_squeeze %dma_start3A_110 : memref<1x1x64xi32, #tpu.memory_space<vmem>> -> memref<64xi32, #tpu.memory_space<vmem>>
        %dma_start3A_112 = arith.constant 0 : i32
        %dma_start3A_113 = arith.constant 0 : i32
        %dma_start3A_114 = tpu.memref_slice %arg3[%dma_start3A_112, %dma_start3A_113] : memref<10240x128xf32, #tpu.memory_space<hbm>> -> memref<10240x128xf32, #tpu.memory_space<hbm>>
        %dma_start3A_115 = tpu.memref_slice %arg8[%dma_start3A_104] : memref<4x!tpu.dma_semaphore, #tpu.memory_space<semaphore_mem>> -> memref<1x!tpu.dma_semaphore, #tpu.memory_space<semaphore_mem>>
        %dma_start3A_116 = tpu.memref_squeeze %dma_start3A_115 : memref<1x!tpu.dma_semaphore, #tpu.memory_space<semaphore_mem>> -> memref<!tpu.dma_semaphore, #tpu.memory_space<semaphore_mem>>
        tpu.enqueue_indirect_dma source(%dma_start3A_114 : memref<10240x128xf32, #tpu.memory_space<hbm>>) target(%dma_start3A_108 : memref<64x128xf32, #tpu.memory_space<vmem>>) offsets(%dma_start3A_111 : memref<64xi32, #tpu.memory_space<vmem>>) semaphore(%dma_start3A_116 : memref<!tpu.dma_semaphore, #tpu.memory_space<semaphore_mem>>)
      } else {
      }
      %gt3A_81 = arith.constant 1 : i32
      %gt3A_82 = arith.cmpi sgt, %min3A_45, %gt3A_81 : i32
      %convert_element_type3A_83 = arith.extui %gt3A_82 : i1 to i32
      %cond3A_84 = arith.constant 0 : i32
      %cond3A_85 = arith.cmpi ne, %convert_element_type3A_83, %cond3A_84 : i32
      scf.if %cond3A_85 {
        %dma_start3A = arith.constant 1 : i32
        %dma_start3A_102 = arith.constant 0 : i32
        %dma_start3A_103 = arith.constant 1 : i32
        %dma_start3A_104 = arith.constant 1 : i32
        %dma_start3A_105 = arith.constant 0 : i32
        %dma_start3A_106 = arith.constant 0 : i32
        %dma_start3A_107 = tpu.memref_slice %arg6[%dma_start3A_103, %dma_start3A_105, %dma_start3A_106] : memref<4x64x128xf32, #tpu.memory_space<vmem>> -> memref<1x64x128xf32, #tpu.memory_space<vmem>>
        %dma_start3A_108 = tpu.memref_squeeze %dma_start3A_107 : memref<1x64x128xf32, #tpu.memory_space<vmem>> -> memref<64x128xf32, #tpu.memory_space<vmem>>
        %dma_start3A_109 = arith.constant 0 : i32
        %dma_start3A_110 = tpu.memref_slice %arg5[%dma_start3A, %dma_start3A_102, %dma_start3A_109] : memref<47x2x64xi32, #tpu.memory_space<vmem>> -> memref<1x1x64xi32, #tpu.memory_space<vmem>>
        %dma_start3A_111 = tpu.memref_squeeze %dma_start3A_110 : memref<1x1x64xi32, #tpu.memory_space<vmem>> -> memref<64xi32, #tpu.memory_space<vmem>>
        %dma_start3A_112 = arith.constant 0 : i32
        %dma_start3A_113 = arith.constant 0 : i32
        %dma_start3A_114 = tpu.memref_slice %arg3[%dma_start3A_112, %dma_start3A_113] : memref<10240x128xf32, #tpu.memory_space<hbm>> -> memref<10240x128xf32, #tpu.memory_space<hbm>>
        %dma_start3A_115 = tpu.memref_slice %arg8[%dma_start3A_104] : memref<4x!tpu.dma_semaphore, #tpu.memory_space<semaphore_mem>> -> memref<1x!tpu.dma_semaphore, #tpu.memory_space<semaphore_mem>>
        %dma_start3A_116 = tpu.memref_squeeze %dma_start3A_115 : memref<1x!tpu.dma_semaphore, #tpu.memory_space<semaphore_mem>> -> memref<!tpu.dma_semaphore, #tpu.memory_space<semaphore_mem>>
        tpu.enqueue_indirect_dma source(%dma_start3A_114 : memref<10240x128xf32, #tpu.memory_space<hbm>>) target(%dma_start3A_108 : memref<64x128xf32, #tpu.memory_space<vmem>>) offsets(%dma_start3A_111 : memref<64xi32, #tpu.memory_space<vmem>>) semaphore(%dma_start3A_116 : memref<!tpu.dma_semaphore, #tpu.memory_space<semaphore_mem>>)
      } else {
      }
      %gt3A_86 = arith.constant 2 : i32
      %gt3A_87 = arith.cmpi sgt, %min3A_45, %gt3A_86 : i32
      %convert_element_type3A_88 = arith.extui %gt3A_87 : i1 to i32
      %cond3A_89 = arith.constant 0 : i32
      %cond3A_90 = arith.cmpi ne, %convert_element_type3A_88, %cond3A_89 : i32
      scf.if %cond3A_90 {
        %dma_start3A = arith.constant 2 : i32
        %dma_start3A_102 = arith.constant 0 : i32
        %dma_start3A_103 = arith.constant 2 : i32
        %dma_start3A_104 = arith.constant 2 : i32
        %dma_start3A_105 = arith.constant 0 : i32
        %dma_start3A_106 = arith.constant 0 : i32
        %dma_start3A_107 = tpu.memref_slice %arg6[%dma_start3A_103, %dma_start3A_105, %dma_start3A_106] : memref<4x64x128xf32, #tpu.memory_space<vmem>> -> memref<1x64x128xf32, #tpu.memory_space<vmem>>
        %dma_start3A_108 = tpu.memref_squeeze %dma_start3A_107 : memref<1x64x128xf32, #tpu.memory_space<vmem>> -> memref<64x128xf32, #tpu.memory_space<vmem>>
        %dma_start3A_109 = arith.constant 0 : i32
        %dma_start3A_110 = tpu.memref_slice %arg5[%dma_start3A, %dma_start3A_102, %dma_start3A_109] : memref<47x2x64xi32, #tpu.memory_space<vmem>> -> memref<1x1x64xi32, #tpu.memory_space<vmem>>
        %dma_start3A_111 = tpu.memref_squeeze %dma_start3A_110 : memref<1x1x64xi32, #tpu.memory_space<vmem>> -> memref<64xi32, #tpu.memory_space<vmem>>
        %dma_start3A_112 = arith.constant 0 : i32
        %dma_start3A_113 = arith.constant 0 : i32
        %dma_start3A_114 = tpu.memref_slice %arg3[%dma_start3A_112, %dma_start3A_113] : memref<10240x128xf32, #tpu.memory_space<hbm>> -> memref<10240x128xf32, #tpu.memory_space<hbm>>
        %dma_start3A_115 = tpu.memref_slice %arg8[%dma_start3A_104] : memref<4x!tpu.dma_semaphore, #tpu.memory_space<semaphore_mem>> -> memref<1x!tpu.dma_semaphore, #tpu.memory_space<semaphore_mem>>
        %dma_start3A_116 = tpu.memref_squeeze %dma_start3A_115 : memref<1x!tpu.dma_semaphore, #tpu.memory_space<semaphore_mem>> -> memref<!tpu.dma_semaphore, #tpu.memory_space<semaphore_mem>>
        tpu.enqueue_indirect_dma source(%dma_start3A_114 : memref<10240x128xf32, #tpu.memory_space<hbm>>) target(%dma_start3A_108 : memref<64x128xf32, #tpu.memory_space<vmem>>) offsets(%dma_start3A_111 : memref<64xi32, #tpu.memory_space<vmem>>) semaphore(%dma_start3A_116 : memref<!tpu.dma_semaphore, #tpu.memory_space<semaphore_mem>>)
      } else {
      }
      %while3A = arith.constant 0 : i32
      %while3A_91 = arith.constant 0 : i32
      %while3A_92 = arith.subi %min3A_45, %while3A : i32
      %while3A_93 = arith.addi %while3A, %while3A_92 : i32
      %while3A_94 = arith.constant 1 : i32
      %while3A_95 = arith.divsi %while3A_92, %while3A_94 : i32
      %while3A_96 = arith.muli %while3A_95, %while3A_94 : i32
      %while3A_97 = arith.addi %while3A, %while3A_96 : i32
      %while3A_98 = arith.constant 1 : i32
      %while3A_99 = scf.for %while3A_102 = %while3A to %while3A_97 step %while3A_98 iter_args(%while3A_103 = %while3A_91) -> (i32)  : i32 {
        %add3A_104 = arith.constant 4 : i32
        %add3A_105 = arith.addi %while3A_102, %add3A_104 : i32
        %sub3A_106 = arith.constant 1 : i32
        %sub3A_107 = arith.subi %add3A_105, %sub3A_106 : i32
        %lt3A = arith.cmpi slt, %sub3A_107, %min3A_45 : i32
        %convert_element_type3A_108 = arith.extui %lt3A : i1 to i32
        %cond3A_109 = arith.constant 0 : i32
        %cond3A_110 = arith.cmpi ne, %convert_element_type3A_108, %cond3A_109 : i32
        scf.if %cond3A_110 {
          %jit3A_137 = arith.constant 4 : i32
          %eq3A_138 = arith.constant 0 : i32
          %eq3A_139 = arith.cmpi eq, %jit3A_137, %eq3A_138 : i32
          %jit3A_140 = arith.constant 1 : i32
          %select_n3A_141 = arith.select %eq3A_139, %jit3A_140, %jit3A_137 : i32
          %rem3A_142 = arith.remsi %sub3A_107, %select_n3A_141 : i32
          %ne3A_143 = arith.constant 0 : i32
          %ne3A_144 = arith.cmpi ne, %rem3A_142, %ne3A_143 : i32
          %lt3A_145 = arith.constant 0 : i32
          %lt3A_146 = arith.cmpi slt, %rem3A_142, %lt3A_145 : i32
          %lt3A_147 = arith.constant 0 : i32
          %lt3A_148 = arith.cmpi slt, %select_n3A_141, %lt3A_147 : i32
          %ne3A_149 = arith.xori %lt3A_146, %lt3A_148 : i1
          %and3A_150 = arith.andi %ne3A_149, %ne3A_144 : i1
          %add3A_151 = arith.addi %rem3A_142, %select_n3A_141 : i32
          %select_n3A_152 = arith.select %and3A_150, %add3A_151, %rem3A_142 : i32
          %jit3A_153 = arith.constant 4 : i32
          %eq3A_154 = arith.constant 0 : i32
          %eq3A_155 = arith.cmpi eq, %jit3A_153, %eq3A_154 : i32
          %jit3A_156 = arith.constant 1 : i32
          %select_n3A_157 = arith.select %eq3A_155, %jit3A_156, %jit3A_153 : i32
          %rem3A_158 = arith.remsi %sub3A_107, %select_n3A_157 : i32
          %ne3A_159 = arith.constant 0 : i32
          %ne3A_160 = arith.cmpi ne, %rem3A_158, %ne3A_159 : i32
          %lt3A_161 = arith.constant 0 : i32
          %lt3A_162 = arith.cmpi slt, %rem3A_158, %lt3A_161 : i32
          %lt3A_163 = arith.constant 0 : i32
          %lt3A_164 = arith.cmpi slt, %select_n3A_157, %lt3A_163 : i32
          %ne3A_165 = arith.xori %lt3A_162, %lt3A_164 : i1
          %and3A_166 = arith.andi %ne3A_165, %ne3A_160 : i1
          %add3A_167 = arith.addi %rem3A_158, %select_n3A_157 : i32
          %select_n3A_168 = arith.select %and3A_166, %add3A_167, %rem3A_158 : i32
          %dma_start3A = arith.constant 0 : i32
          %dma_start3A_169 = arith.constant 0 : i32
          %dma_start3A_170 = arith.constant 0 : i32
          %dma_start3A_171 = tpu.memref_slice %arg6[%select_n3A_152, %dma_start3A_169, %dma_start3A_170] : memref<4x64x128xf32, #tpu.memory_space<vmem>> -> memref<1x64x128xf32, #tpu.memory_space<vmem>>
          %dma_start3A_172 = tpu.memref_squeeze %dma_start3A_171 : memref<1x64x128xf32, #tpu.memory_space<vmem>> -> memref<64x128xf32, #tpu.memory_space<vmem>>
          %dma_start3A_173 = arith.constant 0 : i32
          %dma_start3A_174 = tpu.memref_slice %arg5[%sub3A_107, %dma_start3A, %dma_start3A_173] : memref<47x2x64xi32, #tpu.memory_space<vmem>> -> memref<1x1x64xi32, #tpu.memory_space<vmem>>
          %dma_start3A_175 = tpu.memref_squeeze %dma_start3A_174 : memref<1x1x64xi32, #tpu.memory_space<vmem>> -> memref<64xi32, #tpu.memory_space<vmem>>
          %dma_start3A_176 = arith.constant 0 : i32
          %dma_start3A_177 = arith.constant 0 : i32
          %dma_start3A_178 = tpu.memref_slice %arg3[%dma_start3A_176, %dma_start3A_177] : memref<10240x128xf32, #tpu.memory_space<hbm>> -> memref<10240x128xf32, #tpu.memory_space<hbm>>
          %dma_start3A_179 = tpu.memref_slice %arg8[%select_n3A_168] : memref<4x!tpu.dma_semaphore, #tpu.memory_space<semaphore_mem>> -> memref<1x!tpu.dma_semaphore, #tpu.memory_space<semaphore_mem>>
          %dma_start3A_180 = tpu.memref_squeeze %dma_start3A_179 : memref<1x!tpu.dma_semaphore, #tpu.memory_space<semaphore_mem>> -> memref<!tpu.dma_semaphore, #tpu.memory_space<semaphore_mem>>
          tpu.enqueue_indirect_dma source(%dma_start3A_178 : memref<10240x128xf32, #tpu.memory_space<hbm>>) target(%dma_start3A_172 : memref<64x128xf32, #tpu.memory_space<vmem>>) offsets(%dma_start3A_175 : memref<64xi32, #tpu.memory_space<vmem>>) semaphore(%dma_start3A_180 : memref<!tpu.dma_semaphore, #tpu.memory_space<semaphore_mem>>)
        } else {
        }
        %jit3A_111 = arith.constant 4 : i32
        %eq3A_112 = arith.constant 0 : i32
        %eq3A_113 = arith.cmpi eq, %jit3A_111, %eq3A_112 : i32
        %jit3A_114 = arith.constant 1 : i32
        %select_n3A_115 = arith.select %eq3A_113, %jit3A_114, %jit3A_111 : i32
        %rem3A = arith.remsi %while3A_102, %select_n3A_115 : i32
        %ne3A = arith.constant 0 : i32
        %ne3A_116 = arith.cmpi ne, %rem3A, %ne3A : i32
        %lt3A_117 = arith.constant 0 : i32
        %lt3A_118 = arith.cmpi slt, %rem3A, %lt3A_117 : i32
        %lt3A_119 = arith.constant 0 : i32
        %lt3A_120 = arith.cmpi slt, %select_n3A_115, %lt3A_119 : i32
        %ne3A_121 = arith.xori %lt3A_118, %lt3A_120 : i1
        %and3A = arith.andi %ne3A_121, %ne3A_116 : i1
        %add3A_122 = arith.addi %rem3A, %select_n3A_115 : i32
        %select_n3A_123 = arith.select %and3A, %add3A_122, %rem3A : i32
        %dma_wait3A = arith.constant 0 : i32
        %dma_wait3A_124 = arith.constant 0 : i32
        %dma_wait3A_125 = arith.constant 0 : i32
        %dma_wait3A_126 = tpu.memref_slice %arg6[%select_n3A_123, %dma_wait3A_124, %dma_wait3A_125] : memref<4x64x128xf32, #tpu.memory_space<vmem>> -> memref<1x64x128xf32, #tpu.memory_space<vmem>>
        %dma_wait3A_127 = tpu.memref_squeeze %dma_wait3A_126 : memref<1x64x128xf32, #tpu.memory_space<vmem>> -> memref<64x128xf32, #tpu.memory_space<vmem>>
        %dma_wait3A_128 = arith.constant 0 : i32
        %dma_wait3A_129 = tpu.memref_slice %arg5[%while3A_102, %dma_wait3A, %dma_wait3A_128] : memref<47x2x64xi32, #tpu.memory_space<vmem>> -> memref<1x1x64xi32, #tpu.memory_space<vmem>>
        %dma_wait3A_130 = tpu.memref_squeeze %dma_wait3A_129 : memref<1x1x64xi32, #tpu.memory_space<vmem>> -> memref<64xi32, #tpu.memory_space<vmem>>
        %dma_wait3A_131 = arith.constant 0 : i32
        %dma_wait3A_132 = arith.constant 0 : i32
        %dma_wait3A_133 = tpu.memref_slice %arg3[%dma_wait3A_131, %dma_wait3A_132] : memref<10240x128xf32, #tpu.memory_space<hbm>> -> memref<10240x128xf32, #tpu.memory_space<hbm>>
        %dma_wait3A_134 = tpu.memref_slice %arg8[%select_n3A_123] : memref<4x!tpu.dma_semaphore, #tpu.memory_space<semaphore_mem>> -> memref<1x!tpu.dma_semaphore, #tpu.memory_space<semaphore_mem>>
        %dma_wait3A_135 = tpu.memref_squeeze %dma_wait3A_134 : memref<1x!tpu.dma_semaphore, #tpu.memory_space<semaphore_mem>> -> memref<!tpu.dma_semaphore, #tpu.memory_space<semaphore_mem>>
        tpu.wait_indirect_dma semaphore(%dma_wait3A_135 : memref<!tpu.dma_semaphore, #tpu.memory_space<semaphore_mem>>) src(%dma_wait3A_133 : memref<10240x128xf32, #tpu.memory_space<hbm>>) dst(%dma_wait3A_127 : memref<64x128xf32, #tpu.memory_space<vmem>>)
        %run_scoped3A = arith.constant 1 : i32
        "tpu.region"() ({
          %run_scoped3A_137 = tpu.sem_alloc : memref<!tpu.dma_semaphore, #tpu.memory_space<semaphore_mem>>
          %dma_start3A = arith.constant 0 : i32
          %dma_start3A_138 = arith.constant 0 : i32
          %dma_start3A_139 = tpu.memref_slice %arg6[%select_n3A_123, %dma_start3A, %dma_start3A_138] : memref<4x64x128xf32, #tpu.memory_space<vmem>> -> memref<1x64x128xf32, #tpu.memory_space<vmem>>
          %dma_start3A_140 = tpu.memref_squeeze %dma_start3A_139 : memref<1x64x128xf32, #tpu.memory_space<vmem>> -> memref<64x128xf32, #tpu.memory_space<vmem>>
          %dma_start3A_141 = arith.constant 0 : i32
          %dma_start3A_142 = tpu.memref_slice %arg5[%while3A_102, %run_scoped3A, %dma_start3A_141] : memref<47x2x64xi32, #tpu.memory_space<vmem>> -> memref<1x1x64xi32, #tpu.memory_space<vmem>>
          %dma_start3A_143 = tpu.memref_squeeze %dma_start3A_142 : memref<1x1x64xi32, #tpu.memory_space<vmem>> -> memref<64xi32, #tpu.memory_space<vmem>>
          %dma_start3A_144 = arith.constant 0 : i32
          %dma_start3A_145 = arith.constant 0 : i32
          %dma_start3A_146 = tpu.memref_slice %arg7[%dma_start3A_144, %dma_start3A_145] : memref<10240x128xf32, #tpu.memory_space<vmem_shared>> -> memref<10240x128xf32, #tpu.memory_space<vmem_shared>>
          tpu.enqueue_indirect_dma source(%dma_start3A_140 : memref<64x128xf32, #tpu.memory_space<vmem>>) target(%dma_start3A_146 : memref<10240x128xf32, #tpu.memory_space<vmem_shared>>) offsets(%dma_start3A_143 : memref<64xi32, #tpu.memory_space<vmem>>) semaphore(%run_scoped3A_137 : memref<!tpu.dma_semaphore, #tpu.memory_space<semaphore_mem>>) {add = true}
          %dma_wait3A_147 = arith.constant 0 : i32
          %dma_wait3A_148 = arith.constant 0 : i32
          %dma_wait3A_149 = tpu.memref_slice %arg6[%select_n3A_123, %dma_wait3A_147, %dma_wait3A_148] : memref<4x64x128xf32, #tpu.memory_space<vmem>> -> memref<1x64x128xf32, #tpu.memory_space<vmem>>
          %dma_wait3A_150 = tpu.memref_squeeze %dma_wait3A_149 : memref<1x64x128xf32, #tpu.memory_space<vmem>> -> memref<64x128xf32, #tpu.memory_space<vmem>>
          %dma_wait3A_151 = arith.constant 0 : i32
          %dma_wait3A_152 = tpu.memref_slice %arg5[%while3A_102, %run_scoped3A, %dma_wait3A_151] : memref<47x2x64xi32, #tpu.memory_space<vmem>> -> memref<1x1x64xi32, #tpu.memory_space<vmem>>
          %dma_wait3A_153 = tpu.memref_squeeze %dma_wait3A_152 : memref<1x1x64xi32, #tpu.memory_space<vmem>> -> memref<64xi32, #tpu.memory_space<vmem>>
          %dma_wait3A_154 = arith.constant 0 : i32
          %dma_wait3A_155 = arith.constant 0 : i32
          %dma_wait3A_156 = tpu.memref_slice %arg7[%dma_wait3A_154, %dma_wait3A_155] : memref<10240x128xf32, #tpu.memory_space<vmem_shared>> -> memref<10240x128xf32, #tpu.memory_space<vmem_shared>>
          tpu.wait_indirect_dma semaphore(%run_scoped3A_137 : memref<!tpu.dma_semaphore, #tpu.memory_space<semaphore_mem>>) src(%dma_wait3A_150 : memref<64x128xf32, #tpu.memory_space<vmem>>) dst(%dma_wait3A_156 : memref<10240x128xf32, #tpu.memory_space<vmem_shared>>)
          tpu.yield
        }) : () -> ()
        %while3A_136 = arith.constant 0 : i32
        scf.yield %while3A_136 : i32
      }
      %while3A_100 = arith.constant 1 : i32
      %while3A_101 = scf.for %while3A_102 = %while3A_97 to %while3A_93 step %while3A_100 iter_args(%while3A_103 = %while3A_99) -> (i32)  : i32 {
        %add3A_104 = arith.constant 4 : i32
        %add3A_105 = arith.addi %while3A_102, %add3A_104 : i32
        %sub3A_106 = arith.constant 1 : i32
        %sub3A_107 = arith.subi %add3A_105, %sub3A_106 : i32
        %lt3A = arith.cmpi slt, %sub3A_107, %min3A_45 : i32
        %convert_element_type3A_108 = arith.extui %lt3A : i1 to i32
        %cond3A_109 = arith.constant 0 : i32
        %cond3A_110 = arith.cmpi ne, %convert_element_type3A_108, %cond3A_109 : i32
        scf.if %cond3A_110 {
          %jit3A_137 = arith.constant 4 : i32
          %eq3A_138 = arith.constant 0 : i32
          %eq3A_139 = arith.cmpi eq, %jit3A_137, %eq3A_138 : i32
          %jit3A_140 = arith.constant 1 : i32
          %select_n3A_141 = arith.select %eq3A_139, %jit3A_140, %jit3A_137 : i32
          %rem3A_142 = arith.remsi %sub3A_107, %select_n3A_141 : i32
          %ne3A_143 = arith.constant 0 : i32
          %ne3A_144 = arith.cmpi ne, %rem3A_142, %ne3A_143 : i32
          %lt3A_145 = arith.constant 0 : i32
          %lt3A_146 = arith.cmpi slt, %rem3A_142, %lt3A_145 : i32
          %lt3A_147 = arith.constant 0 : i32
          %lt3A_148 = arith.cmpi slt, %select_n3A_141, %lt3A_147 : i32
          %ne3A_149 = arith.xori %lt3A_146, %lt3A_148 : i1
          %and3A_150 = arith.andi %ne3A_149, %ne3A_144 : i1
          %add3A_151 = arith.addi %rem3A_142, %select_n3A_141 : i32
          %select_n3A_152 = arith.select %and3A_150, %add3A_151, %rem3A_142 : i32
          %jit3A_153 = arith.constant 4 : i32
          %eq3A_154 = arith.constant 0 : i32
          %eq3A_155 = arith.cmpi eq, %jit3A_153, %eq3A_154 : i32
          %jit3A_156 = arith.constant 1 : i32
          %select_n3A_157 = arith.select %eq3A_155, %jit3A_156, %jit3A_153 : i32
          %rem3A_158 = arith.remsi %sub3A_107, %select_n3A_157 : i32
          %ne3A_159 = arith.constant 0 : i32
          %ne3A_160 = arith.cmpi ne, %rem3A_158, %ne3A_159 : i32
          %lt3A_161 = arith.constant 0 : i32
          %lt3A_162 = arith.cmpi slt, %rem3A_158, %lt3A_161 : i32
          %lt3A_163 = arith.constant 0 : i32
          %lt3A_164 = arith.cmpi slt, %select_n3A_157, %lt3A_163 : i32
          %ne3A_165 = arith.xori %lt3A_162, %lt3A_164 : i1
          %and3A_166 = arith.andi %ne3A_165, %ne3A_160 : i1
          %add3A_167 = arith.addi %rem3A_158, %select_n3A_157 : i32
          %select_n3A_168 = arith.select %and3A_166, %add3A_167, %rem3A_158 : i32
          %dma_start3A = arith.constant 0 : i32
          %dma_start3A_169 = arith.constant 0 : i32
          %dma_start3A_170 = arith.constant 0 : i32
          %dma_start3A_171 = tpu.memref_slice %arg6[%select_n3A_152, %dma_start3A_169, %dma_start3A_170] : memref<4x64x128xf32, #tpu.memory_space<vmem>> -> memref<1x64x128xf32, #tpu.memory_space<vmem>>
          %dma_start3A_172 = tpu.memref_squeeze %dma_start3A_171 : memref<1x64x128xf32, #tpu.memory_space<vmem>> -> memref<64x128xf32, #tpu.memory_space<vmem>>
          %dma_start3A_173 = arith.constant 0 : i32
          %dma_start3A_174 = tpu.memref_slice %arg5[%sub3A_107, %dma_start3A, %dma_start3A_173] : memref<47x2x64xi32, #tpu.memory_space<vmem>> -> memref<1x1x64xi32, #tpu.memory_space<vmem>>
          %dma_start3A_175 = tpu.memref_squeeze %dma_start3A_174 : memref<1x1x64xi32, #tpu.memory_space<vmem>> -> memref<64xi32, #tpu.memory_space<vmem>>
          %dma_start3A_176 = arith.constant 0 : i32
          %dma_start3A_177 = arith.constant 0 : i32
          %dma_start3A_178 = tpu.memref_slice %arg3[%dma_start3A_176, %dma_start3A_177] : memref<10240x128xf32, #tpu.memory_space<hbm>> -> memref<10240x128xf32, #tpu.memory_space<hbm>>
          %dma_start3A_179 = tpu.memref_slice %arg8[%select_n3A_168] : memref<4x!tpu.dma_semaphore, #tpu.memory_space<semaphore_mem>> -> memref<1x!tpu.dma_semaphore, #tpu.memory_space<semaphore_mem>>
          %dma_start3A_180 = tpu.memref_squeeze %dma_start3A_179 : memref<1x!tpu.dma_semaphore, #tpu.memory_space<semaphore_mem>> -> memref<!tpu.dma_semaphore, #tpu.memory_space<semaphore_mem>>
          tpu.enqueue_indirect_dma source(%dma_start3A_178 : memref<10240x128xf32, #tpu.memory_space<hbm>>) target(%dma_start3A_172 : memref<64x128xf32, #tpu.memory_space<vmem>>) offsets(%dma_start3A_175 : memref<64xi32, #tpu.memory_space<vmem>>) semaphore(%dma_start3A_180 : memref<!tpu.dma_semaphore, #tpu.memory_space<semaphore_mem>>)
        } else {
        }
        %jit3A_111 = arith.constant 4 : i32
        %eq3A_112 = arith.constant 0 : i32
        %eq3A_113 = arith.cmpi eq, %jit3A_111, %eq3A_112 : i32
        %jit3A_114 = arith.constant 1 : i32
        %select_n3A_115 = arith.select %eq3A_113, %jit3A_114, %jit3A_111 : i32
        %rem3A = arith.remsi %while3A_102, %select_n3A_115 : i32
        %ne3A = arith.constant 0 : i32
        %ne3A_116 = arith.cmpi ne, %rem3A, %ne3A : i32
        %lt3A_117 = arith.constant 0 : i32
        %lt3A_118 = arith.cmpi slt, %rem3A, %lt3A_117 : i32
        %lt3A_119 = arith.constant 0 : i32
        %lt3A_120 = arith.cmpi slt, %select_n3A_115, %lt3A_119 : i32
        %ne3A_121 = arith.xori %lt3A_118, %lt3A_120 : i1
        %and3A = arith.andi %ne3A_121, %ne3A_116 : i1
        %add3A_122 = arith.addi %rem3A, %select_n3A_115 : i32
        %select_n3A_123 = arith.select %and3A, %add3A_122, %rem3A : i32
        %dma_wait3A = arith.constant 0 : i32
        %dma_wait3A_124 = arith.constant 0 : i32
        %dma_wait3A_125 = arith.constant 0 : i32
        %dma_wait3A_126 = tpu.memref_slice %arg6[%select_n3A_123, %dma_wait3A_124, %dma_wait3A_125] : memref<4x64x128xf32, #tpu.memory_space<vmem>> -> memref<1x64x128xf32, #tpu.memory_space<vmem>>
        %dma_wait3A_127 = tpu.memref_squeeze %dma_wait3A_126 : memref<1x64x128xf32, #tpu.memory_space<vmem>> -> memref<64x128xf32, #tpu.memory_space<vmem>>
        %dma_wait3A_128 = arith.constant 0 : i32
        %dma_wait3A_129 = tpu.memref_slice %arg5[%while3A_102, %dma_wait3A, %dma_wait3A_128] : memref<47x2x64xi32, #tpu.memory_space<vmem>> -> memref<1x1x64xi32, #tpu.memory_space<vmem>>
        %dma_wait3A_130 = tpu.memref_squeeze %dma_wait3A_129 : memref<1x1x64xi32, #tpu.memory_space<vmem>> -> memref<64xi32, #tpu.memory_space<vmem>>
        %dma_wait3A_131 = arith.constant 0 : i32
        %dma_wait3A_132 = arith.constant 0 : i32
        %dma_wait3A_133 = tpu.memref_slice %arg3[%dma_wait3A_131, %dma_wait3A_132] : memref<10240x128xf32, #tpu.memory_space<hbm>> -> memref<10240x128xf32, #tpu.memory_space<hbm>>
        %dma_wait3A_134 = tpu.memref_slice %arg8[%select_n3A_123] : memref<4x!tpu.dma_semaphore, #tpu.memory_space<semaphore_mem>> -> memref<1x!tpu.dma_semaphore, #tpu.memory_space<semaphore_mem>>
        %dma_wait3A_135 = tpu.memref_squeeze %dma_wait3A_134 : memref<1x!tpu.dma_semaphore, #tpu.memory_space<semaphore_mem>> -> memref<!tpu.dma_semaphore, #tpu.memory_space<semaphore_mem>>
        tpu.wait_indirect_dma semaphore(%dma_wait3A_135 : memref<!tpu.dma_semaphore, #tpu.memory_space<semaphore_mem>>) src(%dma_wait3A_133 : memref<10240x128xf32, #tpu.memory_space<hbm>>) dst(%dma_wait3A_127 : memref<64x128xf32, #tpu.memory_space<vmem>>)
        %run_scoped3A = arith.constant 1 : i32
        "tpu.region"() ({
          %run_scoped3A_137 = tpu.sem_alloc : memref<!tpu.dma_semaphore, #tpu.memory_space<semaphore_mem>>
          %dma_start3A = arith.constant 0 : i32
          %dma_start3A_138 = arith.constant 0 : i32
          %dma_start3A_139 = tpu.memref_slice %arg6[%select_n3A_123, %dma_start3A, %dma_start3A_138] : memref<4x64x128xf32, #tpu.memory_space<vmem>> -> memref<1x64x128xf32, #tpu.memory_space<vmem>>
          %dma_start3A_140 = tpu.memref_squeeze %dma_start3A_139 : memref<1x64x128xf32, #tpu.memory_space<vmem>> -> memref<64x128xf32, #tpu.memory_space<vmem>>
          %dma_start3A_141 = arith.constant 0 : i32
          %dma_start3A_142 = tpu.memref_slice %arg5[%while3A_102, %run_scoped3A, %dma_start3A_141] : memref<47x2x64xi32, #tpu.memory_space<vmem>> -> memref<1x1x64xi32, #tpu.memory_space<vmem>>
          %dma_start3A_143 = tpu.memref_squeeze %dma_start3A_142 : memref<1x1x64xi32, #tpu.memory_space<vmem>> -> memref<64xi32, #tpu.memory_space<vmem>>
          %dma_start3A_144 = arith.constant 0 : i32
          %dma_start3A_145 = arith.constant 0 : i32
          %dma_start3A_146 = tpu.memref_slice %arg7[%dma_start3A_144, %dma_start3A_145] : memref<10240x128xf32, #tpu.memory_space<vmem_shared>> -> memref<10240x128xf32, #tpu.memory_space<vmem_shared>>
          tpu.enqueue_indirect_dma source(%dma_start3A_140 : memref<64x128xf32, #tpu.memory_space<vmem>>) target(%dma_start3A_146 : memref<10240x128xf32, #tpu.memory_space<vmem_shared>>) offsets(%dma_start3A_143 : memref<64xi32, #tpu.memory_space<vmem>>) semaphore(%run_scoped3A_137 : memref<!tpu.dma_semaphore, #tpu.memory_space<semaphore_mem>>) {add = true}
          %dma_wait3A_147 = arith.constant 0 : i32
          %dma_wait3A_148 = arith.constant 0 : i32
          %dma_wait3A_149 = tpu.memref_slice %arg6[%select_n3A_123, %dma_wait3A_147, %dma_wait3A_148] : memref<4x64x128xf32, #tpu.memory_space<vmem>> -> memref<1x64x128xf32, #tpu.memory_space<vmem>>
          %dma_wait3A_150 = tpu.memref_squeeze %dma_wait3A_149 : memref<1x64x128xf32, #tpu.memory_space<vmem>> -> memref<64x128xf32, #tpu.memory_space<vmem>>
          %dma_wait3A_151 = arith.constant 0 : i32
          %dma_wait3A_152 = tpu.memref_slice %arg5[%while3A_102, %run_scoped3A, %dma_wait3A_151] : memref<47x2x64xi32, #tpu.memory_space<vmem>> -> memref<1x1x64xi32, #tpu.memory_space<vmem>>
          %dma_wait3A_153 = tpu.memref_squeeze %dma_wait3A_152 : memref<1x1x64xi32, #tpu.memory_space<vmem>> -> memref<64xi32, #tpu.memory_space<vmem>>
          %dma_wait3A_154 = arith.constant 0 : i32
          %dma_wait3A_155 = arith.constant 0 : i32
          %dma_wait3A_156 = tpu.memref_slice %arg7[%dma_wait3A_154, %dma_wait3A_155] : memref<10240x128xf32, #tpu.memory_space<vmem_shared>> -> memref<10240x128xf32, #tpu.memory_space<vmem_shared>>
          tpu.wait_indirect_dma semaphore(%run_scoped3A_137 : memref<!tpu.dma_semaphore, #tpu.memory_space<semaphore_mem>>) src(%dma_wait3A_150 : memref<64x128xf32, #tpu.memory_space<vmem>>) dst(%dma_wait3A_156 : memref<10240x128xf32, #tpu.memory_space<vmem_shared>>)
          tpu.yield
        }) : () -> ()
        %while3A_136 = arith.constant 0 : i32
        scf.yield %while3A_136 : i32
      }
    } else {
    }
    %sub3A_51 = arith.constant 141 : i32
    %sub3A_52 = arith.subi %select_n3A, %sub3A_51 : i32
    %jit3A_53 = arith.constant 0 : i32
    %jit3A_54 = arith.constant 47 : i32
    %max3A_55 = arith.maxsi %jit3A_53, %sub3A_52 : i32
    %min3A_56 = arith.minsi %jit3A_54, %max3A_55 : i32
    %gt3A_57 = arith.constant 0 : i32
    %gt3A_58 = arith.cmpi sgt, %min3A_56, %gt3A_57 : i32
    %convert_element_type3A_59 = arith.extui %gt3A_58 : i1 to i32
    %cond3A_60 = arith.constant 0 : i32
    %cond3A_61 = arith.cmpi ne, %convert_element_type3A_59, %cond3A_60 : i32
    scf.if %cond3A_61 {
      %add3A_74 = arith.constant 141 : i32
      %add3A_75 = arith.addi %select_n3A_8, %add3A_74 : i32
      "tpu.region"() ({
        %run_scoped3A = tpu.sem_alloc : memref<!tpu.dma_semaphore, #tpu.memory_space<semaphore_mem>>
        %dma_start3A = arith.constant 0 : i32
        %dma_start3A_102 = arith.constant 0 : i32
        %dma_start3A_103 = tpu.memref_slice %arg2[%add3A_75, %dma_start3A, %dma_start3A_102] : memref<5103x2x64xi32, #tpu.memory_space<hbm>> -> memref<47x2x64xi32, #tpu.memory_space<hbm>>
        %dma_start3A_104 = arith.constant 0 : i32
        %dma_start3A_105 = arith.constant 0 : i32
        %dma_start3A_106 = tpu.memref_slice %arg2[%add3A_75, %dma_start3A_104, %dma_start3A_105] : memref<5103x2x64xi32, #tpu.memory_space<hbm>> -> memref<47x2x64xi32, #tpu.memory_space<hbm>>
        tpu.enqueue_dma source(%dma_start3A_106 : memref<47x2x64xi32, #tpu.memory_space<hbm>>) target(%arg5 : memref<47x2x64xi32, #tpu.memory_space<vmem>>) target_semaphore(%run_scoped3A : memref<!tpu.dma_semaphore, #tpu.memory_space<semaphore_mem>>)
        %dma_wait3A = arith.constant 0 : i32
        %dma_wait3A_107 = arith.constant 0 : i32
        %dma_wait3A_108 = tpu.memref_slice %arg2[%add3A_75, %dma_wait3A, %dma_wait3A_107] : memref<5103x2x64xi32, #tpu.memory_space<hbm>> -> memref<47x2x64xi32, #tpu.memory_space<hbm>>
        %dma_wait3A_109 = arith.constant 0 : i32
        %dma_wait3A_110 = arith.constant 0 : i32
        %dma_wait3A_111 = tpu.memref_slice %arg2[%add3A_75, %dma_wait3A_109, %dma_wait3A_110] : memref<5103x2x64xi32, #tpu.memory_space<hbm>> -> memref<47x2x64xi32, #tpu.memory_space<hbm>>
        tpu.wait_dma2 semaphore(%run_scoped3A : memref<!tpu.dma_semaphore, #tpu.memory_space<semaphore_mem>>) src(%dma_wait3A_111 : memref<47x2x64xi32, #tpu.memory_space<hbm>>) dst(%arg5 : memref<47x2x64xi32, #tpu.memory_space<vmem>>)
        tpu.yield
      }) : () -> ()
      %gt3A_76 = arith.constant 0 : i32
      %gt3A_77 = arith.cmpi sgt, %min3A_56, %gt3A_76 : i32
      %convert_element_type3A_78 = arith.extui %gt3A_77 : i1 to i32
      %cond3A_79 = arith.constant 0 : i32
      %cond3A_80 = arith.cmpi ne, %convert_element_type3A_78, %cond3A_79 : i32
      scf.if %cond3A_80 {
        %dma_start3A = arith.constant 0 : i32
        %dma_start3A_102 = arith.constant 0 : i32
        %dma_start3A_103 = arith.constant 0 : i32
        %dma_start3A_104 = arith.constant 0 : i32
        %dma_start3A_105 = arith.constant 0 : i32
        %dma_start3A_106 = arith.constant 0 : i32
        %dma_start3A_107 = tpu.memref_slice %arg6[%dma_start3A_103, %dma_start3A_105, %dma_start3A_106] : memref<4x64x128xf32, #tpu.memory_space<vmem>> -> memref<1x64x128xf32, #tpu.memory_space<vmem>>
        %dma_start3A_108 = tpu.memref_squeeze %dma_start3A_107 : memref<1x64x128xf32, #tpu.memory_space<vmem>> -> memref<64x128xf32, #tpu.memory_space<vmem>>
        %dma_start3A_109 = arith.constant 0 : i32
        %dma_start3A_110 = tpu.memref_slice %arg5[%dma_start3A, %dma_start3A_102, %dma_start3A_109] : memref<47x2x64xi32, #tpu.memory_space<vmem>> -> memref<1x1x64xi32, #tpu.memory_space<vmem>>
        %dma_start3A_111 = tpu.memref_squeeze %dma_start3A_110 : memref<1x1x64xi32, #tpu.memory_space<vmem>> -> memref<64xi32, #tpu.memory_space<vmem>>
        %dma_start3A_112 = arith.constant 0 : i32
        %dma_start3A_113 = arith.constant 0 : i32
        %dma_start3A_114 = tpu.memref_slice %arg3[%dma_start3A_112, %dma_start3A_113] : memref<10240x128xf32, #tpu.memory_space<hbm>> -> memref<10240x128xf32, #tpu.memory_space<hbm>>
        %dma_start3A_115 = tpu.memref_slice %arg8[%dma_start3A_104] : memref<4x!tpu.dma_semaphore, #tpu.memory_space<semaphore_mem>> -> memref<1x!tpu.dma_semaphore, #tpu.memory_space<semaphore_mem>>
        %dma_start3A_116 = tpu.memref_squeeze %dma_start3A_115 : memref<1x!tpu.dma_semaphore, #tpu.memory_space<semaphore_mem>> -> memref<!tpu.dma_semaphore, #tpu.memory_space<semaphore_mem>>
        tpu.enqueue_indirect_dma source(%dma_start3A_114 : memref<10240x128xf32, #tpu.memory_space<hbm>>) target(%dma_start3A_108 : memref<64x128xf32, #tpu.memory_space<vmem>>) offsets(%dma_start3A_111 : memref<64xi32, #tpu.memory_space<vmem>>) semaphore(%dma_start3A_116 : memref<!tpu.dma_semaphore, #tpu.memory_space<semaphore_mem>>)
      } else {
      }
      %gt3A_81 = arith.constant 1 : i32
      %gt3A_82 = arith.cmpi sgt, %min3A_56, %gt3A_81 : i32
      %convert_element_type3A_83 = arith.extui %gt3A_82 : i1 to i32
      %cond3A_84 = arith.constant 0 : i32
      %cond3A_85 = arith.cmpi ne, %convert_element_type3A_83, %cond3A_84 : i32
      scf.if %cond3A_85 {
        %dma_start3A = arith.constant 1 : i32
        %dma_start3A_102 = arith.constant 0 : i32
        %dma_start3A_103 = arith.constant 1 : i32
        %dma_start3A_104 = arith.constant 1 : i32
        %dma_start3A_105 = arith.constant 0 : i32
        %dma_start3A_106 = arith.constant 0 : i32
        %dma_start3A_107 = tpu.memref_slice %arg6[%dma_start3A_103, %dma_start3A_105, %dma_start3A_106] : memref<4x64x128xf32, #tpu.memory_space<vmem>> -> memref<1x64x128xf32, #tpu.memory_space<vmem>>
        %dma_start3A_108 = tpu.memref_squeeze %dma_start3A_107 : memref<1x64x128xf32, #tpu.memory_space<vmem>> -> memref<64x128xf32, #tpu.memory_space<vmem>>
        %dma_start3A_109 = arith.constant 0 : i32
        %dma_start3A_110 = tpu.memref_slice %arg5[%dma_start3A, %dma_start3A_102, %dma_start3A_109] : memref<47x2x64xi32, #tpu.memory_space<vmem>> -> memref<1x1x64xi32, #tpu.memory_space<vmem>>
        %dma_start3A_111 = tpu.memref_squeeze %dma_start3A_110 : memref<1x1x64xi32, #tpu.memory_space<vmem>> -> memref<64xi32, #tpu.memory_space<vmem>>
        %dma_start3A_112 = arith.constant 0 : i32
        %dma_start3A_113 = arith.constant 0 : i32
        %dma_start3A_114 = tpu.memref_slice %arg3[%dma_start3A_112, %dma_start3A_113] : memref<10240x128xf32, #tpu.memory_space<hbm>> -> memref<10240x128xf32, #tpu.memory_space<hbm>>
        %dma_start3A_115 = tpu.memref_slice %arg8[%dma_start3A_104] : memref<4x!tpu.dma_semaphore, #tpu.memory_space<semaphore_mem>> -> memref<1x!tpu.dma_semaphore, #tpu.memory_space<semaphore_mem>>
        %dma_start3A_116 = tpu.memref_squeeze %dma_start3A_115 : memref<1x!tpu.dma_semaphore, #tpu.memory_space<semaphore_mem>> -> memref<!tpu.dma_semaphore, #tpu.memory_space<semaphore_mem>>
        tpu.enqueue_indirect_dma source(%dma_start3A_114 : memref<10240x128xf32, #tpu.memory_space<hbm>>) target(%dma_start3A_108 : memref<64x128xf32, #tpu.memory_space<vmem>>) offsets(%dma_start3A_111 : memref<64xi32, #tpu.memory_space<vmem>>) semaphore(%dma_start3A_116 : memref<!tpu.dma_semaphore, #tpu.memory_space<semaphore_mem>>)
      } else {
      }
      %gt3A_86 = arith.constant 2 : i32
      %gt3A_87 = arith.cmpi sgt, %min3A_56, %gt3A_86 : i32
      %convert_element_type3A_88 = arith.extui %gt3A_87 : i1 to i32
      %cond3A_89 = arith.constant 0 : i32
      %cond3A_90 = arith.cmpi ne, %convert_element_type3A_88, %cond3A_89 : i32
      scf.if %cond3A_90 {
        %dma_start3A = arith.constant 2 : i32
        %dma_start3A_102 = arith.constant 0 : i32
        %dma_start3A_103 = arith.constant 2 : i32
        %dma_start3A_104 = arith.constant 2 : i32
        %dma_start3A_105 = arith.constant 0 : i32
        %dma_start3A_106 = arith.constant 0 : i32
        %dma_start3A_107 = tpu.memref_slice %arg6[%dma_start3A_103, %dma_start3A_105, %dma_start3A_106] : memref<4x64x128xf32, #tpu.memory_space<vmem>> -> memref<1x64x128xf32, #tpu.memory_space<vmem>>
        %dma_start3A_108 = tpu.memref_squeeze %dma_start3A_107 : memref<1x64x128xf32, #tpu.memory_space<vmem>> -> memref<64x128xf32, #tpu.memory_space<vmem>>
        %dma_start3A_109 = arith.constant 0 : i32
        %dma_start3A_110 = tpu.memref_slice %arg5[%dma_start3A, %dma_start3A_102, %dma_start3A_109] : memref<47x2x64xi32, #tpu.memory_space<vmem>> -> memref<1x1x64xi32, #tpu.memory_space<vmem>>
        %dma_start3A_111 = tpu.memref_squeeze %dma_start3A_110 : memref<1x1x64xi32, #tpu.memory_space<vmem>> -> memref<64xi32, #tpu.memory_space<vmem>>
        %dma_start3A_112 = arith.constant 0 : i32
        %dma_start3A_113 = arith.constant 0 : i32
        %dma_start3A_114 = tpu.memref_slice %arg3[%dma_start3A_112, %dma_start3A_113] : memref<10240x128xf32, #tpu.memory_space<hbm>> -> memref<10240x128xf32, #tpu.memory_space<hbm>>
        %dma_start3A_115 = tpu.memref_slice %arg8[%dma_start3A_104] : memref<4x!tpu.dma_semaphore, #tpu.memory_space<semaphore_mem>> -> memref<1x!tpu.dma_semaphore, #tpu.memory_space<semaphore_mem>>
        %dma_start3A_116 = tpu.memref_squeeze %dma_start3A_115 : memref<1x!tpu.dma_semaphore, #tpu.memory_space<semaphore_mem>> -> memref<!tpu.dma_semaphore, #tpu.memory_space<semaphore_mem>>
        tpu.enqueue_indirect_dma source(%dma_start3A_114 : memref<10240x128xf32, #tpu.memory_space<hbm>>) target(%dma_start3A_108 : memref<64x128xf32, #tpu.memory_space<vmem>>) offsets(%dma_start3A_111 : memref<64xi32, #tpu.memory_space<vmem>>) semaphore(%dma_start3A_116 : memref<!tpu.dma_semaphore, #tpu.memory_space<semaphore_mem>>)
      } else {
      }
      %while3A = arith.constant 0 : i32
      %while3A_91 = arith.constant 0 : i32
      %while3A_92 = arith.subi %min3A_56, %while3A : i32
      %while3A_93 = arith.addi %while3A, %while3A_92 : i32
      %while3A_94 = arith.constant 1 : i32
      %while3A_95 = arith.divsi %while3A_92, %while3A_94 : i32
      %while3A_96 = arith.muli %while3A_95, %while3A_94 : i32
      %while3A_97 = arith.addi %while3A, %while3A_96 : i32
      %while3A_98 = arith.constant 1 : i32
      %while3A_99 = scf.for %while3A_102 = %while3A to %while3A_97 step %while3A_98 iter_args(%while3A_103 = %while3A_91) -> (i32)  : i32 {
        %add3A_104 = arith.constant 4 : i32
        %add3A_105 = arith.addi %while3A_102, %add3A_104 : i32
        %sub3A_106 = arith.constant 1 : i32
        %sub3A_107 = arith.subi %add3A_105, %sub3A_106 : i32
        %lt3A = arith.cmpi slt, %sub3A_107, %min3A_56 : i32
        %convert_element_type3A_108 = arith.extui %lt3A : i1 to i32
        %cond3A_109 = arith.constant 0 : i32
        %cond3A_110 = arith.cmpi ne, %convert_element_type3A_108, %cond3A_109 : i32
        scf.if %cond3A_110 {
          %jit3A_137 = arith.constant 4 : i32
          %eq3A_138 = arith.constant 0 : i32
          %eq3A_139 = arith.cmpi eq, %jit3A_137, %eq3A_138 : i32
          %jit3A_140 = arith.constant 1 : i32
          %select_n3A_141 = arith.select %eq3A_139, %jit3A_140, %jit3A_137 : i32
          %rem3A_142 = arith.remsi %sub3A_107, %select_n3A_141 : i32
          %ne3A_143 = arith.constant 0 : i32
          %ne3A_144 = arith.cmpi ne, %rem3A_142, %ne3A_143 : i32
          %lt3A_145 = arith.constant 0 : i32
          %lt3A_146 = arith.cmpi slt, %rem3A_142, %lt3A_145 : i32
          %lt3A_147 = arith.constant 0 : i32
          %lt3A_148 = arith.cmpi slt, %select_n3A_141, %lt3A_147 : i32
          %ne3A_149 = arith.xori %lt3A_146, %lt3A_148 : i1
          %and3A_150 = arith.andi %ne3A_149, %ne3A_144 : i1
          %add3A_151 = arith.addi %rem3A_142, %select_n3A_141 : i32
          %select_n3A_152 = arith.select %and3A_150, %add3A_151, %rem3A_142 : i32
          %jit3A_153 = arith.constant 4 : i32
          %eq3A_154 = arith.constant 0 : i32
          %eq3A_155 = arith.cmpi eq, %jit3A_153, %eq3A_154 : i32
          %jit3A_156 = arith.constant 1 : i32
          %select_n3A_157 = arith.select %eq3A_155, %jit3A_156, %jit3A_153 : i32
          %rem3A_158 = arith.remsi %sub3A_107, %select_n3A_157 : i32
          %ne3A_159 = arith.constant 0 : i32
          %ne3A_160 = arith.cmpi ne, %rem3A_158, %ne3A_159 : i32
          %lt3A_161 = arith.constant 0 : i32
          %lt3A_162 = arith.cmpi slt, %rem3A_158, %lt3A_161 : i32
          %lt3A_163 = arith.constant 0 : i32
          %lt3A_164 = arith.cmpi slt, %select_n3A_157, %lt3A_163 : i32
          %ne3A_165 = arith.xori %lt3A_162, %lt3A_164 : i1
          %and3A_166 = arith.andi %ne3A_165, %ne3A_160 : i1
          %add3A_167 = arith.addi %rem3A_158, %select_n3A_157 : i32
          %select_n3A_168 = arith.select %and3A_166, %add3A_167, %rem3A_158 : i32
          %dma_start3A = arith.constant 0 : i32
          %dma_start3A_169 = arith.constant 0 : i32
          %dma_start3A_170 = arith.constant 0 : i32
          %dma_start3A_171 = tpu.memref_slice %arg6[%select_n3A_152, %dma_start3A_169, %dma_start3A_170] : memref<4x64x128xf32, #tpu.memory_space<vmem>> -> memref<1x64x128xf32, #tpu.memory_space<vmem>>
          %dma_start3A_172 = tpu.memref_squeeze %dma_start3A_171 : memref<1x64x128xf32, #tpu.memory_space<vmem>> -> memref<64x128xf32, #tpu.memory_space<vmem>>
          %dma_start3A_173 = arith.constant 0 : i32
          %dma_start3A_174 = tpu.memref_slice %arg5[%sub3A_107, %dma_start3A, %dma_start3A_173] : memref<47x2x64xi32, #tpu.memory_space<vmem>> -> memref<1x1x64xi32, #tpu.memory_space<vmem>>
          %dma_start3A_175 = tpu.memref_squeeze %dma_start3A_174 : memref<1x1x64xi32, #tpu.memory_space<vmem>> -> memref<64xi32, #tpu.memory_space<vmem>>
          %dma_start3A_176 = arith.constant 0 : i32
          %dma_start3A_177 = arith.constant 0 : i32
          %dma_start3A_178 = tpu.memref_slice %arg3[%dma_start3A_176, %dma_start3A_177] : memref<10240x128xf32, #tpu.memory_space<hbm>> -> memref<10240x128xf32, #tpu.memory_space<hbm>>
          %dma_start3A_179 = tpu.memref_slice %arg8[%select_n3A_168] : memref<4x!tpu.dma_semaphore, #tpu.memory_space<semaphore_mem>> -> memref<1x!tpu.dma_semaphore, #tpu.memory_space<semaphore_mem>>
          %dma_start3A_180 = tpu.memref_squeeze %dma_start3A_179 : memref<1x!tpu.dma_semaphore, #tpu.memory_space<semaphore_mem>> -> memref<!tpu.dma_semaphore, #tpu.memory_space<semaphore_mem>>
          tpu.enqueue_indirect_dma source(%dma_start3A_178 : memref<10240x128xf32, #tpu.memory_space<hbm>>) target(%dma_start3A_172 : memref<64x128xf32, #tpu.memory_space<vmem>>) offsets(%dma_start3A_175 : memref<64xi32, #tpu.memory_space<vmem>>) semaphore(%dma_start3A_180 : memref<!tpu.dma_semaphore, #tpu.memory_space<semaphore_mem>>)
        } else {
        }
        %jit3A_111 = arith.constant 4 : i32
        %eq3A_112 = arith.constant 0 : i32
        %eq3A_113 = arith.cmpi eq, %jit3A_111, %eq3A_112 : i32
        %jit3A_114 = arith.constant 1 : i32
        %select_n3A_115 = arith.select %eq3A_113, %jit3A_114, %jit3A_111 : i32
        %rem3A = arith.remsi %while3A_102, %select_n3A_115 : i32
        %ne3A = arith.constant 0 : i32
        %ne3A_116 = arith.cmpi ne, %rem3A, %ne3A : i32
        %lt3A_117 = arith.constant 0 : i32
        %lt3A_118 = arith.cmpi slt, %rem3A, %lt3A_117 : i32
        %lt3A_119 = arith.constant 0 : i32
        %lt3A_120 = arith.cmpi slt, %select_n3A_115, %lt3A_119 : i32
        %ne3A_121 = arith.xori %lt3A_118, %lt3A_120 : i1
        %and3A = arith.andi %ne3A_121, %ne3A_116 : i1
        %add3A_122 = arith.addi %rem3A, %select_n3A_115 : i32
        %select_n3A_123 = arith.select %and3A, %add3A_122, %rem3A : i32
        %dma_wait3A = arith.constant 0 : i32
        %dma_wait3A_124 = arith.constant 0 : i32
        %dma_wait3A_125 = arith.constant 0 : i32
        %dma_wait3A_126 = tpu.memref_slice %arg6[%select_n3A_123, %dma_wait3A_124, %dma_wait3A_125] : memref<4x64x128xf32, #tpu.memory_space<vmem>> -> memref<1x64x128xf32, #tpu.memory_space<vmem>>
        %dma_wait3A_127 = tpu.memref_squeeze %dma_wait3A_126 : memref<1x64x128xf32, #tpu.memory_space<vmem>> -> memref<64x128xf32, #tpu.memory_space<vmem>>
        %dma_wait3A_128 = arith.constant 0 : i32
        %dma_wait3A_129 = tpu.memref_slice %arg5[%while3A_102, %dma_wait3A, %dma_wait3A_128] : memref<47x2x64xi32, #tpu.memory_space<vmem>> -> memref<1x1x64xi32, #tpu.memory_space<vmem>>
        %dma_wait3A_130 = tpu.memref_squeeze %dma_wait3A_129 : memref<1x1x64xi32, #tpu.memory_space<vmem>> -> memref<64xi32, #tpu.memory_space<vmem>>
        %dma_wait3A_131 = arith.constant 0 : i32
        %dma_wait3A_132 = arith.constant 0 : i32
        %dma_wait3A_133 = tpu.memref_slice %arg3[%dma_wait3A_131, %dma_wait3A_132] : memref<10240x128xf32, #tpu.memory_space<hbm>> -> memref<10240x128xf32, #tpu.memory_space<hbm>>
        %dma_wait3A_134 = tpu.memref_slice %arg8[%select_n3A_123] : memref<4x!tpu.dma_semaphore, #tpu.memory_space<semaphore_mem>> -> memref<1x!tpu.dma_semaphore, #tpu.memory_space<semaphore_mem>>
        %dma_wait3A_135 = tpu.memref_squeeze %dma_wait3A_134 : memref<1x!tpu.dma_semaphore, #tpu.memory_space<semaphore_mem>> -> memref<!tpu.dma_semaphore, #tpu.memory_space<semaphore_mem>>
        tpu.wait_indirect_dma semaphore(%dma_wait3A_135 : memref<!tpu.dma_semaphore, #tpu.memory_space<semaphore_mem>>) src(%dma_wait3A_133 : memref<10240x128xf32, #tpu.memory_space<hbm>>) dst(%dma_wait3A_127 : memref<64x128xf32, #tpu.memory_space<vmem>>)
        %run_scoped3A = arith.constant 1 : i32
        "tpu.region"() ({
          %run_scoped3A_137 = tpu.sem_alloc : memref<!tpu.dma_semaphore, #tpu.memory_space<semaphore_mem>>
          %dma_start3A = arith.constant 0 : i32
          %dma_start3A_138 = arith.constant 0 : i32
          %dma_start3A_139 = tpu.memref_slice %arg6[%select_n3A_123, %dma_start3A, %dma_start3A_138] : memref<4x64x128xf32, #tpu.memory_space<vmem>> -> memref<1x64x128xf32, #tpu.memory_space<vmem>>
          %dma_start3A_140 = tpu.memref_squeeze %dma_start3A_139 : memref<1x64x128xf32, #tpu.memory_space<vmem>> -> memref<64x128xf32, #tpu.memory_space<vmem>>
          %dma_start3A_141 = arith.constant 0 : i32
          %dma_start3A_142 = tpu.memref_slice %arg5[%while3A_102, %run_scoped3A, %dma_start3A_141] : memref<47x2x64xi32, #tpu.memory_space<vmem>> -> memref<1x1x64xi32, #tpu.memory_space<vmem>>
          %dma_start3A_143 = tpu.memref_squeeze %dma_start3A_142 : memref<1x1x64xi32, #tpu.memory_space<vmem>> -> memref<64xi32, #tpu.memory_space<vmem>>
          %dma_start3A_144 = arith.constant 0 : i32
          %dma_start3A_145 = arith.constant 0 : i32
          %dma_start3A_146 = tpu.memref_slice %arg7[%dma_start3A_144, %dma_start3A_145] : memref<10240x128xf32, #tpu.memory_space<vmem_shared>> -> memref<10240x128xf32, #tpu.memory_space<vmem_shared>>
          tpu.enqueue_indirect_dma source(%dma_start3A_140 : memref<64x128xf32, #tpu.memory_space<vmem>>) target(%dma_start3A_146 : memref<10240x128xf32, #tpu.memory_space<vmem_shared>>) offsets(%dma_start3A_143 : memref<64xi32, #tpu.memory_space<vmem>>) semaphore(%run_scoped3A_137 : memref<!tpu.dma_semaphore, #tpu.memory_space<semaphore_mem>>) {add = true}
          %dma_wait3A_147 = arith.constant 0 : i32
          %dma_wait3A_148 = arith.constant 0 : i32
          %dma_wait3A_149 = tpu.memref_slice %arg6[%select_n3A_123, %dma_wait3A_147, %dma_wait3A_148] : memref<4x64x128xf32, #tpu.memory_space<vmem>> -> memref<1x64x128xf32, #tpu.memory_space<vmem>>
          %dma_wait3A_150 = tpu.memref_squeeze %dma_wait3A_149 : memref<1x64x128xf32, #tpu.memory_space<vmem>> -> memref<64x128xf32, #tpu.memory_space<vmem>>
          %dma_wait3A_151 = arith.constant 0 : i32
          %dma_wait3A_152 = tpu.memref_slice %arg5[%while3A_102, %run_scoped3A, %dma_wait3A_151] : memref<47x2x64xi32, #tpu.memory_space<vmem>> -> memref<1x1x64xi32, #tpu.memory_space<vmem>>
          %dma_wait3A_153 = tpu.memref_squeeze %dma_wait3A_152 : memref<1x1x64xi32, #tpu.memory_space<vmem>> -> memref<64xi32, #tpu.memory_space<vmem>>
          %dma_wait3A_154 = arith.constant 0 : i32
          %dma_wait3A_155 = arith.constant 0 : i32
          %dma_wait3A_156 = tpu.memref_slice %arg7[%dma_wait3A_154, %dma_wait3A_155] : memref<10240x128xf32, #tpu.memory_space<vmem_shared>> -> memref<10240x128xf32, #tpu.memory_space<vmem_shared>>
          tpu.wait_indirect_dma semaphore(%run_scoped3A_137 : memref<!tpu.dma_semaphore, #tpu.memory_space<semaphore_mem>>) src(%dma_wait3A_150 : memref<64x128xf32, #tpu.memory_space<vmem>>) dst(%dma_wait3A_156 : memref<10240x128xf32, #tpu.memory_space<vmem_shared>>)
          tpu.yield
        }) : () -> ()
        %while3A_136 = arith.constant 0 : i32
        scf.yield %while3A_136 : i32
      }
      %while3A_100 = arith.constant 1 : i32
      %while3A_101 = scf.for %while3A_102 = %while3A_97 to %while3A_93 step %while3A_100 iter_args(%while3A_103 = %while3A_99) -> (i32)  : i32 {
        %add3A_104 = arith.constant 4 : i32
        %add3A_105 = arith.addi %while3A_102, %add3A_104 : i32
        %sub3A_106 = arith.constant 1 : i32
        %sub3A_107 = arith.subi %add3A_105, %sub3A_106 : i32
        %lt3A = arith.cmpi slt, %sub3A_107, %min3A_56 : i32
        %convert_element_type3A_108 = arith.extui %lt3A : i1 to i32
        %cond3A_109 = arith.constant 0 : i32
        %cond3A_110 = arith.cmpi ne, %convert_element_type3A_108, %cond3A_109 : i32
        scf.if %cond3A_110 {
          %jit3A_137 = arith.constant 4 : i32
          %eq3A_138 = arith.constant 0 : i32
          %eq3A_139 = arith.cmpi eq, %jit3A_137, %eq3A_138 : i32
          %jit3A_140 = arith.constant 1 : i32
          %select_n3A_141 = arith.select %eq3A_139, %jit3A_140, %jit3A_137 : i32
          %rem3A_142 = arith.remsi %sub3A_107, %select_n3A_141 : i32
          %ne3A_143 = arith.constant 0 : i32
          %ne3A_144 = arith.cmpi ne, %rem3A_142, %ne3A_143 : i32
          %lt3A_145 = arith.constant 0 : i32
          %lt3A_146 = arith.cmpi slt, %rem3A_142, %lt3A_145 : i32
          %lt3A_147 = arith.constant 0 : i32
          %lt3A_148 = arith.cmpi slt, %select_n3A_141, %lt3A_147 : i32
          %ne3A_149 = arith.xori %lt3A_146, %lt3A_148 : i1
          %and3A_150 = arith.andi %ne3A_149, %ne3A_144 : i1
          %add3A_151 = arith.addi %rem3A_142, %select_n3A_141 : i32
          %select_n3A_152 = arith.select %and3A_150, %add3A_151, %rem3A_142 : i32
          %jit3A_153 = arith.constant 4 : i32
          %eq3A_154 = arith.constant 0 : i32
          %eq3A_155 = arith.cmpi eq, %jit3A_153, %eq3A_154 : i32
          %jit3A_156 = arith.constant 1 : i32
          %select_n3A_157 = arith.select %eq3A_155, %jit3A_156, %jit3A_153 : i32
          %rem3A_158 = arith.remsi %sub3A_107, %select_n3A_157 : i32
          %ne3A_159 = arith.constant 0 : i32
          %ne3A_160 = arith.cmpi ne, %rem3A_158, %ne3A_159 : i32
          %lt3A_161 = arith.constant 0 : i32
          %lt3A_162 = arith.cmpi slt, %rem3A_158, %lt3A_161 : i32
          %lt3A_163 = arith.constant 0 : i32
          %lt3A_164 = arith.cmpi slt, %select_n3A_157, %lt3A_163 : i32
          %ne3A_165 = arith.xori %lt3A_162, %lt3A_164 : i1
          %and3A_166 = arith.andi %ne3A_165, %ne3A_160 : i1
          %add3A_167 = arith.addi %rem3A_158, %select_n3A_157 : i32
          %select_n3A_168 = arith.select %and3A_166, %add3A_167, %rem3A_158 : i32
          %dma_start3A = arith.constant 0 : i32
          %dma_start3A_169 = arith.constant 0 : i32
          %dma_start3A_170 = arith.constant 0 : i32
          %dma_start3A_171 = tpu.memref_slice %arg6[%select_n3A_152, %dma_start3A_169, %dma_start3A_170] : memref<4x64x128xf32, #tpu.memory_space<vmem>> -> memref<1x64x128xf32, #tpu.memory_space<vmem>>
          %dma_start3A_172 = tpu.memref_squeeze %dma_start3A_171 : memref<1x64x128xf32, #tpu.memory_space<vmem>> -> memref<64x128xf32, #tpu.memory_space<vmem>>
          %dma_start3A_173 = arith.constant 0 : i32
          %dma_start3A_174 = tpu.memref_slice %arg5[%sub3A_107, %dma_start3A, %dma_start3A_173] : memref<47x2x64xi32, #tpu.memory_space<vmem>> -> memref<1x1x64xi32, #tpu.memory_space<vmem>>
          %dma_start3A_175 = tpu.memref_squeeze %dma_start3A_174 : memref<1x1x64xi32, #tpu.memory_space<vmem>> -> memref<64xi32, #tpu.memory_space<vmem>>
          %dma_start3A_176 = arith.constant 0 : i32
          %dma_start3A_177 = arith.constant 0 : i32
          %dma_start3A_178 = tpu.memref_slice %arg3[%dma_start3A_176, %dma_start3A_177] : memref<10240x128xf32, #tpu.memory_space<hbm>> -> memref<10240x128xf32, #tpu.memory_space<hbm>>
          %dma_start3A_179 = tpu.memref_slice %arg8[%select_n3A_168] : memref<4x!tpu.dma_semaphore, #tpu.memory_space<semaphore_mem>> -> memref<1x!tpu.dma_semaphore, #tpu.memory_space<semaphore_mem>>
          %dma_start3A_180 = tpu.memref_squeeze %dma_start3A_179 : memref<1x!tpu.dma_semaphore, #tpu.memory_space<semaphore_mem>> -> memref<!tpu.dma_semaphore, #tpu.memory_space<semaphore_mem>>
          tpu.enqueue_indirect_dma source(%dma_start3A_178 : memref<10240x128xf32, #tpu.memory_space<hbm>>) target(%dma_start3A_172 : memref<64x128xf32, #tpu.memory_space<vmem>>) offsets(%dma_start3A_175 : memref<64xi32, #tpu.memory_space<vmem>>) semaphore(%dma_start3A_180 : memref<!tpu.dma_semaphore, #tpu.memory_space<semaphore_mem>>)
        } else {
        }
        %jit3A_111 = arith.constant 4 : i32
        %eq3A_112 = arith.constant 0 : i32
        %eq3A_113 = arith.cmpi eq, %jit3A_111, %eq3A_112 : i32
        %jit3A_114 = arith.constant 1 : i32
        %select_n3A_115 = arith.select %eq3A_113, %jit3A_114, %jit3A_111 : i32
        %rem3A = arith.remsi %while3A_102, %select_n3A_115 : i32
        %ne3A = arith.constant 0 : i32
        %ne3A_116 = arith.cmpi ne, %rem3A, %ne3A : i32
        %lt3A_117 = arith.constant 0 : i32
        %lt3A_118 = arith.cmpi slt, %rem3A, %lt3A_117 : i32
        %lt3A_119 = arith.constant 0 : i32
        %lt3A_120 = arith.cmpi slt, %select_n3A_115, %lt3A_119 : i32
        %ne3A_121 = arith.xori %lt3A_118, %lt3A_120 : i1
        %and3A = arith.andi %ne3A_121, %ne3A_116 : i1
        %add3A_122 = arith.addi %rem3A, %select_n3A_115 : i32
        %select_n3A_123 = arith.select %and3A, %add3A_122, %rem3A : i32
        %dma_wait3A = arith.constant 0 : i32
        %dma_wait3A_124 = arith.constant 0 : i32
        %dma_wait3A_125 = arith.constant 0 : i32
        %dma_wait3A_126 = tpu.memref_slice %arg6[%select_n3A_123, %dma_wait3A_124, %dma_wait3A_125] : memref<4x64x128xf32, #tpu.memory_space<vmem>> -> memref<1x64x128xf32, #tpu.memory_space<vmem>>
        %dma_wait3A_127 = tpu.memref_squeeze %dma_wait3A_126 : memref<1x64x128xf32, #tpu.memory_space<vmem>> -> memref<64x128xf32, #tpu.memory_space<vmem>>
        %dma_wait3A_128 = arith.constant 0 : i32
        %dma_wait3A_129 = tpu.memref_slice %arg5[%while3A_102, %dma_wait3A, %dma_wait3A_128] : memref<47x2x64xi32, #tpu.memory_space<vmem>> -> memref<1x1x64xi32, #tpu.memory_space<vmem>>
        %dma_wait3A_130 = tpu.memref_squeeze %dma_wait3A_129 : memref<1x1x64xi32, #tpu.memory_space<vmem>> -> memref<64xi32, #tpu.memory_space<vmem>>
        %dma_wait3A_131 = arith.constant 0 : i32
        %dma_wait3A_132 = arith.constant 0 : i32
        %dma_wait3A_133 = tpu.memref_slice %arg3[%dma_wait3A_131, %dma_wait3A_132] : memref<10240x128xf32, #tpu.memory_space<hbm>> -> memref<10240x128xf32, #tpu.memory_space<hbm>>
        %dma_wait3A_134 = tpu.memref_slice %arg8[%select_n3A_123] : memref<4x!tpu.dma_semaphore, #tpu.memory_space<semaphore_mem>> -> memref<1x!tpu.dma_semaphore, #tpu.memory_space<semaphore_mem>>
        %dma_wait3A_135 = tpu.memref_squeeze %dma_wait3A_134 : memref<1x!tpu.dma_semaphore, #tpu.memory_space<semaphore_mem>> -> memref<!tpu.dma_semaphore, #tpu.memory_space<semaphore_mem>>
        tpu.wait_indirect_dma semaphore(%dma_wait3A_135 : memref<!tpu.dma_semaphore, #tpu.memory_space<semaphore_mem>>) src(%dma_wait3A_133 : memref<10240x128xf32, #tpu.memory_space<hbm>>) dst(%dma_wait3A_127 : memref<64x128xf32, #tpu.memory_space<vmem>>)
        %run_scoped3A = arith.constant 1 : i32
        "tpu.region"() ({
          %run_scoped3A_137 = tpu.sem_alloc : memref<!tpu.dma_semaphore, #tpu.memory_space<semaphore_mem>>
          %dma_start3A = arith.constant 0 : i32
          %dma_start3A_138 = arith.constant 0 : i32
          %dma_start3A_139 = tpu.memref_slice %arg6[%select_n3A_123, %dma_start3A, %dma_start3A_138] : memref<4x64x128xf32, #tpu.memory_space<vmem>> -> memref<1x64x128xf32, #tpu.memory_space<vmem>>
          %dma_start3A_140 = tpu.memref_squeeze %dma_start3A_139 : memref<1x64x128xf32, #tpu.memory_space<vmem>> -> memref<64x128xf32, #tpu.memory_space<vmem>>
          %dma_start3A_141 = arith.constant 0 : i32
          %dma_start3A_142 = tpu.memref_slice %arg5[%while3A_102, %run_scoped3A, %dma_start3A_141] : memref<47x2x64xi32, #tpu.memory_space<vmem>> -> memref<1x1x64xi32, #tpu.memory_space<vmem>>
          %dma_start3A_143 = tpu.memref_squeeze %dma_start3A_142 : memref<1x1x64xi32, #tpu.memory_space<vmem>> -> memref<64xi32, #tpu.memory_space<vmem>>
          %dma_start3A_144 = arith.constant 0 : i32
          %dma_start3A_145 = arith.constant 0 : i32
          %dma_start3A_146 = tpu.memref_slice %arg7[%dma_start3A_144, %dma_start3A_145] : memref<10240x128xf32, #tpu.memory_space<vmem_shared>> -> memref<10240x128xf32, #tpu.memory_space<vmem_shared>>
          tpu.enqueue_indirect_dma source(%dma_start3A_140 : memref<64x128xf32, #tpu.memory_space<vmem>>) target(%dma_start3A_146 : memref<10240x128xf32, #tpu.memory_space<vmem_shared>>) offsets(%dma_start3A_143 : memref<64xi32, #tpu.memory_space<vmem>>) semaphore(%run_scoped3A_137 : memref<!tpu.dma_semaphore, #tpu.memory_space<semaphore_mem>>) {add = true}
          %dma_wait3A_147 = arith.constant 0 : i32
          %dma_wait3A_148 = arith.constant 0 : i32
          %dma_wait3A_149 = tpu.memref_slice %arg6[%select_n3A_123, %dma_wait3A_147, %dma_wait3A_148] : memref<4x64x128xf32, #tpu.memory_space<vmem>> -> memref<1x64x128xf32, #tpu.memory_space<vmem>>
          %dma_wait3A_150 = tpu.memref_squeeze %dma_wait3A_149 : memref<1x64x128xf32, #tpu.memory_space<vmem>> -> memref<64x128xf32, #tpu.memory_space<vmem>>
          %dma_wait3A_151 = arith.constant 0 : i32
          %dma_wait3A_152 = tpu.memref_slice %arg5[%while3A_102, %run_scoped3A, %dma_wait3A_151] : memref<47x2x64xi32, #tpu.memory_space<vmem>> -> memref<1x1x64xi32, #tpu.memory_space<vmem>>
          %dma_wait3A_153 = tpu.memref_squeeze %dma_wait3A_152 : memref<1x1x64xi32, #tpu.memory_space<vmem>> -> memref<64xi32, #tpu.memory_space<vmem>>
          %dma_wait3A_154 = arith.constant 0 : i32
          %dma_wait3A_155 = arith.constant 0 : i32
          %dma_wait3A_156 = tpu.memref_slice %arg7[%dma_wait3A_154, %dma_wait3A_155] : memref<10240x128xf32, #tpu.memory_space<vmem_shared>> -> memref<10240x128xf32, #tpu.memory_space<vmem_shared>>
          tpu.wait_indirect_dma semaphore(%run_scoped3A_137 : memref<!tpu.dma_semaphore, #tpu.memory_space<semaphore_mem>>) src(%dma_wait3A_150 : memref<64x128xf32, #tpu.memory_space<vmem>>) dst(%dma_wait3A_156 : memref<10240x128xf32, #tpu.memory_space<vmem_shared>>)
          tpu.yield
        }) : () -> ()
        %while3A_136 = arith.constant 0 : i32
        scf.yield %while3A_136 : i32
      }
    } else {
    }
    %sub3A_62 = arith.constant 188 : i32
    %sub3A_63 = arith.subi %select_n3A, %sub3A_62 : i32
    %jit3A_64 = arith.constant 0 : i32
    %jit3A_65 = arith.constant 47 : i32
    %max3A_66 = arith.maxsi %jit3A_64, %sub3A_63 : i32
    %min3A_67 = arith.minsi %jit3A_65, %max3A_66 : i32
    %gt3A_68 = arith.constant 0 : i32
    %gt3A_69 = arith.cmpi sgt, %min3A_67, %gt3A_68 : i32
    %convert_element_type3A_70 = arith.extui %gt3A_69 : i1 to i32
    %cond3A_71 = arith.constant 0 : i32
    %cond3A_72 = arith.cmpi ne, %convert_element_type3A_70, %cond3A_71 : i32
    scf.if %cond3A_72 {
      %add3A_74 = arith.constant 188 : i32
      %add3A_75 = arith.addi %select_n3A_8, %add3A_74 : i32
      "tpu.region"() ({
        %run_scoped3A = tpu.sem_alloc : memref<!tpu.dma_semaphore, #tpu.memory_space<semaphore_mem>>
        %dma_start3A = arith.constant 0 : i32
        %dma_start3A_102 = arith.constant 0 : i32
        %dma_start3A_103 = tpu.memref_slice %arg2[%add3A_75, %dma_start3A, %dma_start3A_102] : memref<5103x2x64xi32, #tpu.memory_space<hbm>> -> memref<47x2x64xi32, #tpu.memory_space<hbm>>
        %dma_start3A_104 = arith.constant 0 : i32
        %dma_start3A_105 = arith.constant 0 : i32
        %dma_start3A_106 = tpu.memref_slice %arg2[%add3A_75, %dma_start3A_104, %dma_start3A_105] : memref<5103x2x64xi32, #tpu.memory_space<hbm>> -> memref<47x2x64xi32, #tpu.memory_space<hbm>>
        tpu.enqueue_dma source(%dma_start3A_106 : memref<47x2x64xi32, #tpu.memory_space<hbm>>) target(%arg5 : memref<47x2x64xi32, #tpu.memory_space<vmem>>) target_semaphore(%run_scoped3A : memref<!tpu.dma_semaphore, #tpu.memory_space<semaphore_mem>>)
        %dma_wait3A = arith.constant 0 : i32
        %dma_wait3A_107 = arith.constant 0 : i32
        %dma_wait3A_108 = tpu.memref_slice %arg2[%add3A_75, %dma_wait3A, %dma_wait3A_107] : memref<5103x2x64xi32, #tpu.memory_space<hbm>> -> memref<47x2x64xi32, #tpu.memory_space<hbm>>
        %dma_wait3A_109 = arith.constant 0 : i32
        %dma_wait3A_110 = arith.constant 0 : i32
        %dma_wait3A_111 = tpu.memref_slice %arg2[%add3A_75, %dma_wait3A_109, %dma_wait3A_110] : memref<5103x2x64xi32, #tpu.memory_space<hbm>> -> memref<47x2x64xi32, #tpu.memory_space<hbm>>
        tpu.wait_dma2 semaphore(%run_scoped3A : memref<!tpu.dma_semaphore, #tpu.memory_space<semaphore_mem>>) src(%dma_wait3A_111 : memref<47x2x64xi32, #tpu.memory_space<hbm>>) dst(%arg5 : memref<47x2x64xi32, #tpu.memory_space<vmem>>)
        tpu.yield
      }) : () -> ()
      %gt3A_76 = arith.constant 0 : i32
      %gt3A_77 = arith.cmpi sgt, %min3A_67, %gt3A_76 : i32
      %convert_element_type3A_78 = arith.extui %gt3A_77 : i1 to i32
      %cond3A_79 = arith.constant 0 : i32
      %cond3A_80 = arith.cmpi ne, %convert_element_type3A_78, %cond3A_79 : i32
      scf.if %cond3A_80 {
        %dma_start3A = arith.constant 0 : i32
        %dma_start3A_102 = arith.constant 0 : i32
        %dma_start3A_103 = arith.constant 0 : i32
        %dma_start3A_104 = arith.constant 0 : i32
        %dma_start3A_105 = arith.constant 0 : i32
        %dma_start3A_106 = arith.constant 0 : i32
        %dma_start3A_107 = tpu.memref_slice %arg6[%dma_start3A_103, %dma_start3A_105, %dma_start3A_106] : memref<4x64x128xf32, #tpu.memory_space<vmem>> -> memref<1x64x128xf32, #tpu.memory_space<vmem>>
        %dma_start3A_108 = tpu.memref_squeeze %dma_start3A_107 : memref<1x64x128xf32, #tpu.memory_space<vmem>> -> memref<64x128xf32, #tpu.memory_space<vmem>>
        %dma_start3A_109 = arith.constant 0 : i32
        %dma_start3A_110 = tpu.memref_slice %arg5[%dma_start3A, %dma_start3A_102, %dma_start3A_109] : memref<47x2x64xi32, #tpu.memory_space<vmem>> -> memref<1x1x64xi32, #tpu.memory_space<vmem>>
        %dma_start3A_111 = tpu.memref_squeeze %dma_start3A_110 : memref<1x1x64xi32, #tpu.memory_space<vmem>> -> memref<64xi32, #tpu.memory_space<vmem>>
        %dma_start3A_112 = arith.constant 0 : i32
        %dma_start3A_113 = arith.constant 0 : i32
        %dma_start3A_114 = tpu.memref_slice %arg3[%dma_start3A_112, %dma_start3A_113] : memref<10240x128xf32, #tpu.memory_space<hbm>> -> memref<10240x128xf32, #tpu.memory_space<hbm>>
        %dma_start3A_115 = tpu.memref_slice %arg8[%dma_start3A_104] : memref<4x!tpu.dma_semaphore, #tpu.memory_space<semaphore_mem>> -> memref<1x!tpu.dma_semaphore, #tpu.memory_space<semaphore_mem>>
        %dma_start3A_116 = tpu.memref_squeeze %dma_start3A_115 : memref<1x!tpu.dma_semaphore, #tpu.memory_space<semaphore_mem>> -> memref<!tpu.dma_semaphore, #tpu.memory_space<semaphore_mem>>
        tpu.enqueue_indirect_dma source(%dma_start3A_114 : memref<10240x128xf32, #tpu.memory_space<hbm>>) target(%dma_start3A_108 : memref<64x128xf32, #tpu.memory_space<vmem>>) offsets(%dma_start3A_111 : memref<64xi32, #tpu.memory_space<vmem>>) semaphore(%dma_start3A_116 : memref<!tpu.dma_semaphore, #tpu.memory_space<semaphore_mem>>)
      } else {
      }
      %gt3A_81 = arith.constant 1 : i32
      %gt3A_82 = arith.cmpi sgt, %min3A_67, %gt3A_81 : i32
      %convert_element_type3A_83 = arith.extui %gt3A_82 : i1 to i32
      %cond3A_84 = arith.constant 0 : i32
      %cond3A_85 = arith.cmpi ne, %convert_element_type3A_83, %cond3A_84 : i32
      scf.if %cond3A_85 {
        %dma_start3A = arith.constant 1 : i32
        %dma_start3A_102 = arith.constant 0 : i32
        %dma_start3A_103 = arith.constant 1 : i32
        %dma_start3A_104 = arith.constant 1 : i32
        %dma_start3A_105 = arith.constant 0 : i32
        %dma_start3A_106 = arith.constant 0 : i32
        %dma_start3A_107 = tpu.memref_slice %arg6[%dma_start3A_103, %dma_start3A_105, %dma_start3A_106] : memref<4x64x128xf32, #tpu.memory_space<vmem>> -> memref<1x64x128xf32, #tpu.memory_space<vmem>>
        %dma_start3A_108 = tpu.memref_squeeze %dma_start3A_107 : memref<1x64x128xf32, #tpu.memory_space<vmem>> -> memref<64x128xf32, #tpu.memory_space<vmem>>
        %dma_start3A_109 = arith.constant 0 : i32
        %dma_start3A_110 = tpu.memref_slice %arg5[%dma_start3A, %dma_start3A_102, %dma_start3A_109] : memref<47x2x64xi32, #tpu.memory_space<vmem>> -> memref<1x1x64xi32, #tpu.memory_space<vmem>>
        %dma_start3A_111 = tpu.memref_squeeze %dma_start3A_110 : memref<1x1x64xi32, #tpu.memory_space<vmem>> -> memref<64xi32, #tpu.memory_space<vmem>>
        %dma_start3A_112 = arith.constant 0 : i32
        %dma_start3A_113 = arith.constant 0 : i32
        %dma_start3A_114 = tpu.memref_slice %arg3[%dma_start3A_112, %dma_start3A_113] : memref<10240x128xf32, #tpu.memory_space<hbm>> -> memref<10240x128xf32, #tpu.memory_space<hbm>>
        %dma_start3A_115 = tpu.memref_slice %arg8[%dma_start3A_104] : memref<4x!tpu.dma_semaphore, #tpu.memory_space<semaphore_mem>> -> memref<1x!tpu.dma_semaphore, #tpu.memory_space<semaphore_mem>>
        %dma_start3A_116 = tpu.memref_squeeze %dma_start3A_115 : memref<1x!tpu.dma_semaphore, #tpu.memory_space<semaphore_mem>> -> memref<!tpu.dma_semaphore, #tpu.memory_space<semaphore_mem>>
        tpu.enqueue_indirect_dma source(%dma_start3A_114 : memref<10240x128xf32, #tpu.memory_space<hbm>>) target(%dma_start3A_108 : memref<64x128xf32, #tpu.memory_space<vmem>>) offsets(%dma_start3A_111 : memref<64xi32, #tpu.memory_space<vmem>>) semaphore(%dma_start3A_116 : memref<!tpu.dma_semaphore, #tpu.memory_space<semaphore_mem>>)
      } else {
      }
      %gt3A_86 = arith.constant 2 : i32
      %gt3A_87 = arith.cmpi sgt, %min3A_67, %gt3A_86 : i32
      %convert_element_type3A_88 = arith.extui %gt3A_87 : i1 to i32
      %cond3A_89 = arith.constant 0 : i32
      %cond3A_90 = arith.cmpi ne, %convert_element_type3A_88, %cond3A_89 : i32
      scf.if %cond3A_90 {
        %dma_start3A = arith.constant 2 : i32
        %dma_start3A_102 = arith.constant 0 : i32
        %dma_start3A_103 = arith.constant 2 : i32
        %dma_start3A_104 = arith.constant 2 : i32
        %dma_start3A_105 = arith.constant 0 : i32
        %dma_start3A_106 = arith.constant 0 : i32
        %dma_start3A_107 = tpu.memref_slice %arg6[%dma_start3A_103, %dma_start3A_105, %dma_start3A_106] : memref<4x64x128xf32, #tpu.memory_space<vmem>> -> memref<1x64x128xf32, #tpu.memory_space<vmem>>
        %dma_start3A_108 = tpu.memref_squeeze %dma_start3A_107 : memref<1x64x128xf32, #tpu.memory_space<vmem>> -> memref<64x128xf32, #tpu.memory_space<vmem>>
        %dma_start3A_109 = arith.constant 0 : i32
        %dma_start3A_110 = tpu.memref_slice %arg5[%dma_start3A, %dma_start3A_102, %dma_start3A_109] : memref<47x2x64xi32, #tpu.memory_space<vmem>> -> memref<1x1x64xi32, #tpu.memory_space<vmem>>
        %dma_start3A_111 = tpu.memref_squeeze %dma_start3A_110 : memref<1x1x64xi32, #tpu.memory_space<vmem>> -> memref<64xi32, #tpu.memory_space<vmem>>
        %dma_start3A_112 = arith.constant 0 : i32
        %dma_start3A_113 = arith.constant 0 : i32
        %dma_start3A_114 = tpu.memref_slice %arg3[%dma_start3A_112, %dma_start3A_113] : memref<10240x128xf32, #tpu.memory_space<hbm>> -> memref<10240x128xf32, #tpu.memory_space<hbm>>
        %dma_start3A_115 = tpu.memref_slice %arg8[%dma_start3A_104] : memref<4x!tpu.dma_semaphore, #tpu.memory_space<semaphore_mem>> -> memref<1x!tpu.dma_semaphore, #tpu.memory_space<semaphore_mem>>
        %dma_start3A_116 = tpu.memref_squeeze %dma_start3A_115 : memref<1x!tpu.dma_semaphore, #tpu.memory_space<semaphore_mem>> -> memref<!tpu.dma_semaphore, #tpu.memory_space<semaphore_mem>>
        tpu.enqueue_indirect_dma source(%dma_start3A_114 : memref<10240x128xf32, #tpu.memory_space<hbm>>) target(%dma_start3A_108 : memref<64x128xf32, #tpu.memory_space<vmem>>) offsets(%dma_start3A_111 : memref<64xi32, #tpu.memory_space<vmem>>) semaphore(%dma_start3A_116 : memref<!tpu.dma_semaphore, #tpu.memory_space<semaphore_mem>>)
      } else {
      }
      %while3A = arith.constant 0 : i32
      %while3A_91 = arith.constant 0 : i32
      %while3A_92 = arith.subi %min3A_67, %while3A : i32
      %while3A_93 = arith.addi %while3A, %while3A_92 : i32
      %while3A_94 = arith.constant 1 : i32
      %while3A_95 = arith.divsi %while3A_92, %while3A_94 : i32
      %while3A_96 = arith.muli %while3A_95, %while3A_94 : i32
      %while3A_97 = arith.addi %while3A, %while3A_96 : i32
      %while3A_98 = arith.constant 1 : i32
      %while3A_99 = scf.for %while3A_102 = %while3A to %while3A_97 step %while3A_98 iter_args(%while3A_103 = %while3A_91) -> (i32)  : i32 {
        %add3A_104 = arith.constant 4 : i32
        %add3A_105 = arith.addi %while3A_102, %add3A_104 : i32
        %sub3A_106 = arith.constant 1 : i32
        %sub3A_107 = arith.subi %add3A_105, %sub3A_106 : i32
        %lt3A = arith.cmpi slt, %sub3A_107, %min3A_67 : i32
        %convert_element_type3A_108 = arith.extui %lt3A : i1 to i32
        %cond3A_109 = arith.constant 0 : i32
        %cond3A_110 = arith.cmpi ne, %convert_element_type3A_108, %cond3A_109 : i32
        scf.if %cond3A_110 {
          %jit3A_137 = arith.constant 4 : i32
          %eq3A_138 = arith.constant 0 : i32
          %eq3A_139 = arith.cmpi eq, %jit3A_137, %eq3A_138 : i32
          %jit3A_140 = arith.constant 1 : i32
          %select_n3A_141 = arith.select %eq3A_139, %jit3A_140, %jit3A_137 : i32
          %rem3A_142 = arith.remsi %sub3A_107, %select_n3A_141 : i32
          %ne3A_143 = arith.constant 0 : i32
          %ne3A_144 = arith.cmpi ne, %rem3A_142, %ne3A_143 : i32
          %lt3A_145 = arith.constant 0 : i32
          %lt3A_146 = arith.cmpi slt, %rem3A_142, %lt3A_145 : i32
          %lt3A_147 = arith.constant 0 : i32
          %lt3A_148 = arith.cmpi slt, %select_n3A_141, %lt3A_147 : i32
          %ne3A_149 = arith.xori %lt3A_146, %lt3A_148 : i1
          %and3A_150 = arith.andi %ne3A_149, %ne3A_144 : i1
          %add3A_151 = arith.addi %rem3A_142, %select_n3A_141 : i32
          %select_n3A_152 = arith.select %and3A_150, %add3A_151, %rem3A_142 : i32
          %jit3A_153 = arith.constant 4 : i32
          %eq3A_154 = arith.constant 0 : i32
          %eq3A_155 = arith.cmpi eq, %jit3A_153, %eq3A_154 : i32
          %jit3A_156 = arith.constant 1 : i32
          %select_n3A_157 = arith.select %eq3A_155, %jit3A_156, %jit3A_153 : i32
          %rem3A_158 = arith.remsi %sub3A_107, %select_n3A_157 : i32
          %ne3A_159 = arith.constant 0 : i32
          %ne3A_160 = arith.cmpi ne, %rem3A_158, %ne3A_159 : i32
          %lt3A_161 = arith.constant 0 : i32
          %lt3A_162 = arith.cmpi slt, %rem3A_158, %lt3A_161 : i32
          %lt3A_163 = arith.constant 0 : i32
          %lt3A_164 = arith.cmpi slt, %select_n3A_157, %lt3A_163 : i32
          %ne3A_165 = arith.xori %lt3A_162, %lt3A_164 : i1
          %and3A_166 = arith.andi %ne3A_165, %ne3A_160 : i1
          %add3A_167 = arith.addi %rem3A_158, %select_n3A_157 : i32
          %select_n3A_168 = arith.select %and3A_166, %add3A_167, %rem3A_158 : i32
          %dma_start3A = arith.constant 0 : i32
          %dma_start3A_169 = arith.constant 0 : i32
          %dma_start3A_170 = arith.constant 0 : i32
          %dma_start3A_171 = tpu.memref_slice %arg6[%select_n3A_152, %dma_start3A_169, %dma_start3A_170] : memref<4x64x128xf32, #tpu.memory_space<vmem>> -> memref<1x64x128xf32, #tpu.memory_space<vmem>>
          %dma_start3A_172 = tpu.memref_squeeze %dma_start3A_171 : memref<1x64x128xf32, #tpu.memory_space<vmem>> -> memref<64x128xf32, #tpu.memory_space<vmem>>
          %dma_start3A_173 = arith.constant 0 : i32
          %dma_start3A_174 = tpu.memref_slice %arg5[%sub3A_107, %dma_start3A, %dma_start3A_173] : memref<47x2x64xi32, #tpu.memory_space<vmem>> -> memref<1x1x64xi32, #tpu.memory_space<vmem>>
          %dma_start3A_175 = tpu.memref_squeeze %dma_start3A_174 : memref<1x1x64xi32, #tpu.memory_space<vmem>> -> memref<64xi32, #tpu.memory_space<vmem>>
          %dma_start3A_176 = arith.constant 0 : i32
          %dma_start3A_177 = arith.constant 0 : i32
          %dma_start3A_178 = tpu.memref_slice %arg3[%dma_start3A_176, %dma_start3A_177] : memref<10240x128xf32, #tpu.memory_space<hbm>> -> memref<10240x128xf32, #tpu.memory_space<hbm>>
          %dma_start3A_179 = tpu.memref_slice %arg8[%select_n3A_168] : memref<4x!tpu.dma_semaphore, #tpu.memory_space<semaphore_mem>> -> memref<1x!tpu.dma_semaphore, #tpu.memory_space<semaphore_mem>>
          %dma_start3A_180 = tpu.memref_squeeze %dma_start3A_179 : memref<1x!tpu.dma_semaphore, #tpu.memory_space<semaphore_mem>> -> memref<!tpu.dma_semaphore, #tpu.memory_space<semaphore_mem>>
          tpu.enqueue_indirect_dma source(%dma_start3A_178 : memref<10240x128xf32, #tpu.memory_space<hbm>>) target(%dma_start3A_172 : memref<64x128xf32, #tpu.memory_space<vmem>>) offsets(%dma_start3A_175 : memref<64xi32, #tpu.memory_space<vmem>>) semaphore(%dma_start3A_180 : memref<!tpu.dma_semaphore, #tpu.memory_space<semaphore_mem>>)
        } else {
        }
        %jit3A_111 = arith.constant 4 : i32
        %eq3A_112 = arith.constant 0 : i32
        %eq3A_113 = arith.cmpi eq, %jit3A_111, %eq3A_112 : i32
        %jit3A_114 = arith.constant 1 : i32
        %select_n3A_115 = arith.select %eq3A_113, %jit3A_114, %jit3A_111 : i32
        %rem3A = arith.remsi %while3A_102, %select_n3A_115 : i32
        %ne3A = arith.constant 0 : i32
        %ne3A_116 = arith.cmpi ne, %rem3A, %ne3A : i32
        %lt3A_117 = arith.constant 0 : i32
        %lt3A_118 = arith.cmpi slt, %rem3A, %lt3A_117 : i32
        %lt3A_119 = arith.constant 0 : i32
        %lt3A_120 = arith.cmpi slt, %select_n3A_115, %lt3A_119 : i32
        %ne3A_121 = arith.xori %lt3A_118, %lt3A_120 : i1
        %and3A = arith.andi %ne3A_121, %ne3A_116 : i1
        %add3A_122 = arith.addi %rem3A, %select_n3A_115 : i32
        %select_n3A_123 = arith.select %and3A, %add3A_122, %rem3A : i32
        %dma_wait3A = arith.constant 0 : i32
        %dma_wait3A_124 = arith.constant 0 : i32
        %dma_wait3A_125 = arith.constant 0 : i32
        %dma_wait3A_126 = tpu.memref_slice %arg6[%select_n3A_123, %dma_wait3A_124, %dma_wait3A_125] : memref<4x64x128xf32, #tpu.memory_space<vmem>> -> memref<1x64x128xf32, #tpu.memory_space<vmem>>
        %dma_wait3A_127 = tpu.memref_squeeze %dma_wait3A_126 : memref<1x64x128xf32, #tpu.memory_space<vmem>> -> memref<64x128xf32, #tpu.memory_space<vmem>>
        %dma_wait3A_128 = arith.constant 0 : i32
        %dma_wait3A_129 = tpu.memref_slice %arg5[%while3A_102, %dma_wait3A, %dma_wait3A_128] : memref<47x2x64xi32, #tpu.memory_space<vmem>> -> memref<1x1x64xi32, #tpu.memory_space<vmem>>
        %dma_wait3A_130 = tpu.memref_squeeze %dma_wait3A_129 : memref<1x1x64xi32, #tpu.memory_space<vmem>> -> memref<64xi32, #tpu.memory_space<vmem>>
        %dma_wait3A_131 = arith.constant 0 : i32
        %dma_wait3A_132 = arith.constant 0 : i32
        %dma_wait3A_133 = tpu.memref_slice %arg3[%dma_wait3A_131, %dma_wait3A_132] : memref<10240x128xf32, #tpu.memory_space<hbm>> -> memref<10240x128xf32, #tpu.memory_space<hbm>>
        %dma_wait3A_134 = tpu.memref_slice %arg8[%select_n3A_123] : memref<4x!tpu.dma_semaphore, #tpu.memory_space<semaphore_mem>> -> memref<1x!tpu.dma_semaphore, #tpu.memory_space<semaphore_mem>>
        %dma_wait3A_135 = tpu.memref_squeeze %dma_wait3A_134 : memref<1x!tpu.dma_semaphore, #tpu.memory_space<semaphore_mem>> -> memref<!tpu.dma_semaphore, #tpu.memory_space<semaphore_mem>>
        tpu.wait_indirect_dma semaphore(%dma_wait3A_135 : memref<!tpu.dma_semaphore, #tpu.memory_space<semaphore_mem>>) src(%dma_wait3A_133 : memref<10240x128xf32, #tpu.memory_space<hbm>>) dst(%dma_wait3A_127 : memref<64x128xf32, #tpu.memory_space<vmem>>)
        %run_scoped3A = arith.constant 1 : i32
        "tpu.region"() ({
          %run_scoped3A_137 = tpu.sem_alloc : memref<!tpu.dma_semaphore, #tpu.memory_space<semaphore_mem>>
          %dma_start3A = arith.constant 0 : i32
          %dma_start3A_138 = arith.constant 0 : i32
          %dma_start3A_139 = tpu.memref_slice %arg6[%select_n3A_123, %dma_start3A, %dma_start3A_138] : memref<4x64x128xf32, #tpu.memory_space<vmem>> -> memref<1x64x128xf32, #tpu.memory_space<vmem>>
          %dma_start3A_140 = tpu.memref_squeeze %dma_start3A_139 : memref<1x64x128xf32, #tpu.memory_space<vmem>> -> memref<64x128xf32, #tpu.memory_space<vmem>>
          %dma_start3A_141 = arith.constant 0 : i32
          %dma_start3A_142 = tpu.memref_slice %arg5[%while3A_102, %run_scoped3A, %dma_start3A_141] : memref<47x2x64xi32, #tpu.memory_space<vmem>> -> memref<1x1x64xi32, #tpu.memory_space<vmem>>
          %dma_start3A_143 = tpu.memref_squeeze %dma_start3A_142 : memref<1x1x64xi32, #tpu.memory_space<vmem>> -> memref<64xi32, #tpu.memory_space<vmem>>
          %dma_start3A_144 = arith.constant 0 : i32
          %dma_start3A_145 = arith.constant 0 : i32
          %dma_start3A_146 = tpu.memref_slice %arg7[%dma_start3A_144, %dma_start3A_145] : memref<10240x128xf32, #tpu.memory_space<vmem_shared>> -> memref<10240x128xf32, #tpu.memory_space<vmem_shared>>
          tpu.enqueue_indirect_dma source(%dma_start3A_140 : memref<64x128xf32, #tpu.memory_space<vmem>>) target(%dma_start3A_146 : memref<10240x128xf32, #tpu.memory_space<vmem_shared>>) offsets(%dma_start3A_143 : memref<64xi32, #tpu.memory_space<vmem>>) semaphore(%run_scoped3A_137 : memref<!tpu.dma_semaphore, #tpu.memory_space<semaphore_mem>>) {add = true}
          %dma_wait3A_147 = arith.constant 0 : i32
          %dma_wait3A_148 = arith.constant 0 : i32
          %dma_wait3A_149 = tpu.memref_slice %arg6[%select_n3A_123, %dma_wait3A_147, %dma_wait3A_148] : memref<4x64x128xf32, #tpu.memory_space<vmem>> -> memref<1x64x128xf32, #tpu.memory_space<vmem>>
          %dma_wait3A_150 = tpu.memref_squeeze %dma_wait3A_149 : memref<1x64x128xf32, #tpu.memory_space<vmem>> -> memref<64x128xf32, #tpu.memory_space<vmem>>
          %dma_wait3A_151 = arith.constant 0 : i32
          %dma_wait3A_152 = tpu.memref_slice %arg5[%while3A_102, %run_scoped3A, %dma_wait3A_151] : memref<47x2x64xi32, #tpu.memory_space<vmem>> -> memref<1x1x64xi32, #tpu.memory_space<vmem>>
          %dma_wait3A_153 = tpu.memref_squeeze %dma_wait3A_152 : memref<1x1x64xi32, #tpu.memory_space<vmem>> -> memref<64xi32, #tpu.memory_space<vmem>>
          %dma_wait3A_154 = arith.constant 0 : i32
          %dma_wait3A_155 = arith.constant 0 : i32
          %dma_wait3A_156 = tpu.memref_slice %arg7[%dma_wait3A_154, %dma_wait3A_155] : memref<10240x128xf32, #tpu.memory_space<vmem_shared>> -> memref<10240x128xf32, #tpu.memory_space<vmem_shared>>
          tpu.wait_indirect_dma semaphore(%run_scoped3A_137 : memref<!tpu.dma_semaphore, #tpu.memory_space<semaphore_mem>>) src(%dma_wait3A_150 : memref<64x128xf32, #tpu.memory_space<vmem>>) dst(%dma_wait3A_156 : memref<10240x128xf32, #tpu.memory_space<vmem_shared>>)
          tpu.yield
        }) : () -> ()
        %while3A_136 = arith.constant 0 : i32
        scf.yield %while3A_136 : i32
      }
      %while3A_100 = arith.constant 1 : i32
      %while3A_101 = scf.for %while3A_102 = %while3A_97 to %while3A_93 step %while3A_100 iter_args(%while3A_103 = %while3A_99) -> (i32)  : i32 {
        %add3A_104 = arith.constant 4 : i32
        %add3A_105 = arith.addi %while3A_102, %add3A_104 : i32
        %sub3A_106 = arith.constant 1 : i32
        %sub3A_107 = arith.subi %add3A_105, %sub3A_106 : i32
        %lt3A = arith.cmpi slt, %sub3A_107, %min3A_67 : i32
        %convert_element_type3A_108 = arith.extui %lt3A : i1 to i32
        %cond3A_109 = arith.constant 0 : i32
        %cond3A_110 = arith.cmpi ne, %convert_element_type3A_108, %cond3A_109 : i32
        scf.if %cond3A_110 {
          %jit3A_137 = arith.constant 4 : i32
          %eq3A_138 = arith.constant 0 : i32
          %eq3A_139 = arith.cmpi eq, %jit3A_137, %eq3A_138 : i32
          %jit3A_140 = arith.constant 1 : i32
          %select_n3A_141 = arith.select %eq3A_139, %jit3A_140, %jit3A_137 : i32
          %rem3A_142 = arith.remsi %sub3A_107, %select_n3A_141 : i32
          %ne3A_143 = arith.constant 0 : i32
          %ne3A_144 = arith.cmpi ne, %rem3A_142, %ne3A_143 : i32
          %lt3A_145 = arith.constant 0 : i32
          %lt3A_146 = arith.cmpi slt, %rem3A_142, %lt3A_145 : i32
          %lt3A_147 = arith.constant 0 : i32
          %lt3A_148 = arith.cmpi slt, %select_n3A_141, %lt3A_147 : i32
          %ne3A_149 = arith.xori %lt3A_146, %lt3A_148 : i1
          %and3A_150 = arith.andi %ne3A_149, %ne3A_144 : i1
          %add3A_151 = arith.addi %rem3A_142, %select_n3A_141 : i32
          %select_n3A_152 = arith.select %and3A_150, %add3A_151, %rem3A_142 : i32
          %jit3A_153 = arith.constant 4 : i32
          %eq3A_154 = arith.constant 0 : i32
          %eq3A_155 = arith.cmpi eq, %jit3A_153, %eq3A_154 : i32
          %jit3A_156 = arith.constant 1 : i32
          %select_n3A_157 = arith.select %eq3A_155, %jit3A_156, %jit3A_153 : i32
          %rem3A_158 = arith.remsi %sub3A_107, %select_n3A_157 : i32
          %ne3A_159 = arith.constant 0 : i32
          %ne3A_160 = arith.cmpi ne, %rem3A_158, %ne3A_159 : i32
          %lt3A_161 = arith.constant 0 : i32
          %lt3A_162 = arith.cmpi slt, %rem3A_158, %lt3A_161 : i32
          %lt3A_163 = arith.constant 0 : i32
          %lt3A_164 = arith.cmpi slt, %select_n3A_157, %lt3A_163 : i32
          %ne3A_165 = arith.xori %lt3A_162, %lt3A_164 : i1
          %and3A_166 = arith.andi %ne3A_165, %ne3A_160 : i1
          %add3A_167 = arith.addi %rem3A_158, %select_n3A_157 : i32
          %select_n3A_168 = arith.select %and3A_166, %add3A_167, %rem3A_158 : i32
          %dma_start3A = arith.constant 0 : i32
          %dma_start3A_169 = arith.constant 0 : i32
          %dma_start3A_170 = arith.constant 0 : i32
          %dma_start3A_171 = tpu.memref_slice %arg6[%select_n3A_152, %dma_start3A_169, %dma_start3A_170] : memref<4x64x128xf32, #tpu.memory_space<vmem>> -> memref<1x64x128xf32, #tpu.memory_space<vmem>>
          %dma_start3A_172 = tpu.memref_squeeze %dma_start3A_171 : memref<1x64x128xf32, #tpu.memory_space<vmem>> -> memref<64x128xf32, #tpu.memory_space<vmem>>
          %dma_start3A_173 = arith.constant 0 : i32
          %dma_start3A_174 = tpu.memref_slice %arg5[%sub3A_107, %dma_start3A, %dma_start3A_173] : memref<47x2x64xi32, #tpu.memory_space<vmem>> -> memref<1x1x64xi32, #tpu.memory_space<vmem>>
          %dma_start3A_175 = tpu.memref_squeeze %dma_start3A_174 : memref<1x1x64xi32, #tpu.memory_space<vmem>> -> memref<64xi32, #tpu.memory_space<vmem>>
          %dma_start3A_176 = arith.constant 0 : i32
          %dma_start3A_177 = arith.constant 0 : i32
          %dma_start3A_178 = tpu.memref_slice %arg3[%dma_start3A_176, %dma_start3A_177] : memref<10240x128xf32, #tpu.memory_space<hbm>> -> memref<10240x128xf32, #tpu.memory_space<hbm>>
          %dma_start3A_179 = tpu.memref_slice %arg8[%select_n3A_168] : memref<4x!tpu.dma_semaphore, #tpu.memory_space<semaphore_mem>> -> memref<1x!tpu.dma_semaphore, #tpu.memory_space<semaphore_mem>>
          %dma_start3A_180 = tpu.memref_squeeze %dma_start3A_179 : memref<1x!tpu.dma_semaphore, #tpu.memory_space<semaphore_mem>> -> memref<!tpu.dma_semaphore, #tpu.memory_space<semaphore_mem>>
          tpu.enqueue_indirect_dma source(%dma_start3A_178 : memref<10240x128xf32, #tpu.memory_space<hbm>>) target(%dma_start3A_172 : memref<64x128xf32, #tpu.memory_space<vmem>>) offsets(%dma_start3A_175 : memref<64xi32, #tpu.memory_space<vmem>>) semaphore(%dma_start3A_180 : memref<!tpu.dma_semaphore, #tpu.memory_space<semaphore_mem>>)
        } else {
        }
        %jit3A_111 = arith.constant 4 : i32
        %eq3A_112 = arith.constant 0 : i32
        %eq3A_113 = arith.cmpi eq, %jit3A_111, %eq3A_112 : i32
        %jit3A_114 = arith.constant 1 : i32
        %select_n3A_115 = arith.select %eq3A_113, %jit3A_114, %jit3A_111 : i32
        %rem3A = arith.remsi %while3A_102, %select_n3A_115 : i32
        %ne3A = arith.constant 0 : i32
        %ne3A_116 = arith.cmpi ne, %rem3A, %ne3A : i32
        %lt3A_117 = arith.constant 0 : i32
        %lt3A_118 = arith.cmpi slt, %rem3A, %lt3A_117 : i32
        %lt3A_119 = arith.constant 0 : i32
        %lt3A_120 = arith.cmpi slt, %select_n3A_115, %lt3A_119 : i32
        %ne3A_121 = arith.xori %lt3A_118, %lt3A_120 : i1
        %and3A = arith.andi %ne3A_121, %ne3A_116 : i1
        %add3A_122 = arith.addi %rem3A, %select_n3A_115 : i32
        %select_n3A_123 = arith.select %and3A, %add3A_122, %rem3A : i32
        %dma_wait3A = arith.constant 0 : i32
        %dma_wait3A_124 = arith.constant 0 : i32
        %dma_wait3A_125 = arith.constant 0 : i32
        %dma_wait3A_126 = tpu.memref_slice %arg6[%select_n3A_123, %dma_wait3A_124, %dma_wait3A_125] : memref<4x64x128xf32, #tpu.memory_space<vmem>> -> memref<1x64x128xf32, #tpu.memory_space<vmem>>
        %dma_wait3A_127 = tpu.memref_squeeze %dma_wait3A_126 : memref<1x64x128xf32, #tpu.memory_space<vmem>> -> memref<64x128xf32, #tpu.memory_space<vmem>>
        %dma_wait3A_128 = arith.constant 0 : i32
        %dma_wait3A_129 = tpu.memref_slice %arg5[%while3A_102, %dma_wait3A, %dma_wait3A_128] : memref<47x2x64xi32, #tpu.memory_space<vmem>> -> memref<1x1x64xi32, #tpu.memory_space<vmem>>
        %dma_wait3A_130 = tpu.memref_squeeze %dma_wait3A_129 : memref<1x1x64xi32, #tpu.memory_space<vmem>> -> memref<64xi32, #tpu.memory_space<vmem>>
        %dma_wait3A_131 = arith.constant 0 : i32
        %dma_wait3A_132 = arith.constant 0 : i32
        %dma_wait3A_133 = tpu.memref_slice %arg3[%dma_wait3A_131, %dma_wait3A_132] : memref<10240x128xf32, #tpu.memory_space<hbm>> -> memref<10240x128xf32, #tpu.memory_space<hbm>>
        %dma_wait3A_134 = tpu.memref_slice %arg8[%select_n3A_123] : memref<4x!tpu.dma_semaphore, #tpu.memory_space<semaphore_mem>> -> memref<1x!tpu.dma_semaphore, #tpu.memory_space<semaphore_mem>>
        %dma_wait3A_135 = tpu.memref_squeeze %dma_wait3A_134 : memref<1x!tpu.dma_semaphore, #tpu.memory_space<semaphore_mem>> -> memref<!tpu.dma_semaphore, #tpu.memory_space<semaphore_mem>>
        tpu.wait_indirect_dma semaphore(%dma_wait3A_135 : memref<!tpu.dma_semaphore, #tpu.memory_space<semaphore_mem>>) src(%dma_wait3A_133 : memref<10240x128xf32, #tpu.memory_space<hbm>>) dst(%dma_wait3A_127 : memref<64x128xf32, #tpu.memory_space<vmem>>)
        %run_scoped3A = arith.constant 1 : i32
        "tpu.region"() ({
          %run_scoped3A_137 = tpu.sem_alloc : memref<!tpu.dma_semaphore, #tpu.memory_space<semaphore_mem>>
          %dma_start3A = arith.constant 0 : i32
          %dma_start3A_138 = arith.constant 0 : i32
          %dma_start3A_139 = tpu.memref_slice %arg6[%select_n3A_123, %dma_start3A, %dma_start3A_138] : memref<4x64x128xf32, #tpu.memory_space<vmem>> -> memref<1x64x128xf32, #tpu.memory_space<vmem>>
          %dma_start3A_140 = tpu.memref_squeeze %dma_start3A_139 : memref<1x64x128xf32, #tpu.memory_space<vmem>> -> memref<64x128xf32, #tpu.memory_space<vmem>>
          %dma_start3A_141 = arith.constant 0 : i32
          %dma_start3A_142 = tpu.memref_slice %arg5[%while3A_102, %run_scoped3A, %dma_start3A_141] : memref<47x2x64xi32, #tpu.memory_space<vmem>> -> memref<1x1x64xi32, #tpu.memory_space<vmem>>
          %dma_start3A_143 = tpu.memref_squeeze %dma_start3A_142 : memref<1x1x64xi32, #tpu.memory_space<vmem>> -> memref<64xi32, #tpu.memory_space<vmem>>
          %dma_start3A_144 = arith.constant 0 : i32
          %dma_start3A_145 = arith.constant 0 : i32
          %dma_start3A_146 = tpu.memref_slice %arg7[%dma_start3A_144, %dma_start3A_145] : memref<10240x128xf32, #tpu.memory_space<vmem_shared>> -> memref<10240x128xf32, #tpu.memory_space<vmem_shared>>
          tpu.enqueue_indirect_dma source(%dma_start3A_140 : memref<64x128xf32, #tpu.memory_space<vmem>>) target(%dma_start3A_146 : memref<10240x128xf32, #tpu.memory_space<vmem_shared>>) offsets(%dma_start3A_143 : memref<64xi32, #tpu.memory_space<vmem>>) semaphore(%run_scoped3A_137 : memref<!tpu.dma_semaphore, #tpu.memory_space<semaphore_mem>>) {add = true}
          %dma_wait3A_147 = arith.constant 0 : i32
          %dma_wait3A_148 = arith.constant 0 : i32
          %dma_wait3A_149 = tpu.memref_slice %arg6[%select_n3A_123, %dma_wait3A_147, %dma_wait3A_148] : memref<4x64x128xf32, #tpu.memory_space<vmem>> -> memref<1x64x128xf32, #tpu.memory_space<vmem>>
          %dma_wait3A_150 = tpu.memref_squeeze %dma_wait3A_149 : memref<1x64x128xf32, #tpu.memory_space<vmem>> -> memref<64x128xf32, #tpu.memory_space<vmem>>
          %dma_wait3A_151 = arith.constant 0 : i32
          %dma_wait3A_152 = tpu.memref_slice %arg5[%while3A_102, %run_scoped3A, %dma_wait3A_151] : memref<47x2x64xi32, #tpu.memory_space<vmem>> -> memref<1x1x64xi32, #tpu.memory_space<vmem>>
          %dma_wait3A_153 = tpu.memref_squeeze %dma_wait3A_152 : memref<1x1x64xi32, #tpu.memory_space<vmem>> -> memref<64xi32, #tpu.memory_space<vmem>>
          %dma_wait3A_154 = arith.constant 0 : i32
          %dma_wait3A_155 = arith.constant 0 : i32
          %dma_wait3A_156 = tpu.memref_slice %arg7[%dma_wait3A_154, %dma_wait3A_155] : memref<10240x128xf32, #tpu.memory_space<vmem_shared>> -> memref<10240x128xf32, #tpu.memory_space<vmem_shared>>
          tpu.wait_indirect_dma semaphore(%run_scoped3A_137 : memref<!tpu.dma_semaphore, #tpu.memory_space<semaphore_mem>>) src(%dma_wait3A_150 : memref<64x128xf32, #tpu.memory_space<vmem>>) dst(%dma_wait3A_156 : memref<10240x128xf32, #tpu.memory_space<vmem_shared>>)
          tpu.yield
        }) : () -> ()
        %while3A_136 = arith.constant 0 : i32
        scf.yield %while3A_136 : i32
      }
    } else {
    }
    %barrier3A_73 = arith.constant 0 : index
    tpu.barrier barrier_id(%barrier3A_73)
    "tpu.region"() ({
      %run_scoped3A = tpu.sem_alloc : memref<!tpu.dma_semaphore, #tpu.memory_space<semaphore_mem>>
      %dma_start3A = arith.constant 0 : i32
      %dma_start3A_74 = tpu.memref_slice %arg4[%arg0, %mul3A_10, %dma_start3A] : memref<2x10240x128xf32, #tpu.memory_space<hbm>> -> memref<1x640x128xf32, #tpu.memory_space<hbm>>
      %dma_start3A_75 = tpu.memref_squeeze %dma_start3A_74 : memref<1x640x128xf32, #tpu.memory_space<hbm>> -> memref<640x128xf32, #tpu.memory_space<hbm>>
      %dma_start3A_76 = arith.constant 0 : i32
      %dma_start3A_77 = tpu.memref_slice %arg7[%mul3A_10, %dma_start3A_76] : memref<10240x128xf32, #tpu.memory_space<vmem_shared>> -> memref<640x128xf32, #tpu.memory_space<vmem_shared>>
      tpu.enqueue_dma source(%dma_start3A_77 : memref<640x128xf32, #tpu.memory_space<vmem_shared>>) target(%dma_start3A_75 : memref<640x128xf32, #tpu.memory_space<hbm>>) target_semaphore(%run_scoped3A : memref<!tpu.dma_semaphore, #tpu.memory_space<semaphore_mem>>)
      %dma_wait3A = arith.constant 0 : i32
      %dma_wait3A_78 = tpu.memref_slice %arg4[%arg0, %mul3A_10, %dma_wait3A] : memref<2x10240x128xf32, #tpu.memory_space<hbm>> -> memref<1x640x128xf32, #tpu.memory_space<hbm>>
      %dma_wait3A_79 = tpu.memref_squeeze %dma_wait3A_78 : memref<1x640x128xf32, #tpu.memory_space<hbm>> -> memref<640x128xf32, #tpu.memory_space<hbm>>
      %dma_wait3A_80 = arith.constant 0 : i32
      %dma_wait3A_81 = tpu.memref_slice %arg7[%mul3A_10, %dma_wait3A_80] : memref<10240x128xf32, #tpu.memory_space<vmem_shared>> -> memref<640x128xf32, #tpu.memory_space<vmem_shared>>
      tpu.wait_dma2 semaphore(%run_scoped3A : memref<!tpu.dma_semaphore, #tpu.memory_space<semaphore_mem>>) src(%dma_wait3A_81 : memref<640x128xf32, #tpu.memory_space<vmem_shared>>) dst(%dma_wait3A_79 : memref<640x128xf32, #tpu.memory_space<hbm>>)
      tpu.yield
    }) : () -> ()
    return
  }
}

#map = affine_map<(d0, d1) -> (0, 0, 0)>
#map1 = affine_map<(d0, d1) -> (0, 0)>
module attributes {stable_mosaic.version = 14 : i64} {
  func.func @agg(%arg0: i32, %arg1: i32, %arg2: memref<5103x2x64xi32, #tpu.memory_space<hbm>>, %arg3: memref<10240x128xf32, #tpu.memory_space<hbm>>, %arg4: memref<2x10240x128xf32, #tpu.memory_space<hbm>>, %arg5: memref<47x2x64xi32, #tpu.memory_space<vmem>>, %arg6: memref<4x64x128xf32, #tpu.memory_space<vmem>>, %arg7: memref<10240x128xf32, #tpu.memory_space<vmem_shared>>, %arg8: memref<4x!tpu.dma_semaphore, #tpu.memory_space<semaphore_mem>>) attributes {dimension_semantics = [#tpu.dimension_semantics<core_parallel>, #tpu.dimension_semantics<subcore_parallel>], iteration_bounds = array<i64: 2, 16>, scalar_prefetch = 0 : i64, scratch_operands = 4 : i64, tpu.core_type = #tpu.core_type<sc_vector_subcore>, window_params = [{transform_indices = #map}, {transform_indices = #map1}, {transform_indices = #map}]} {
    %eq3A = arith.constant 0 : i32
    %eq3A_0 = arith.cmpi eq, %arg0, %eq3A : i32
    %jit3A = arith.constant 231 : i32
    %jit3A_1 = arith.constant 85 : i32
    %select_n3A = arith.select %eq3A_0, %jit3A, %jit3A_1 : i32
    %eq3A_2 = arith.constant 0 : i32
    %eq3A_3 = arith.cmpi eq, %arg0, %eq3A_2 : i32
    %mul3A = arith.constant 231 : i32
    %mul3A_4 = arith.muli %arg1, %mul3A : i32
    %mul3A_5 = arith.constant 85 : i32
    %mul3A_6 = arith.muli %arg1, %mul3A_5 : i32
    %add3A = arith.constant 3696 : i32
    %add3A_7 = arith.addi %add3A, %mul3A_6 : i32
    %select_n3A_8 = arith.select %eq3A_3, %mul3A_4, %add3A_7 : i32
    %mul3A_9 = arith.constant 640 : i32
    %mul3A_10 = arith.muli %arg1, %mul3A_9 : i32
    %scan3A = arith.constant 0 : i32
    %scan3A_11 = arith.constant 0 : i32
    %scan3A_12 = arith.constant 512 : i32
    %scan3A_13 = arith.addi %scan3A_11, %scan3A_12 : i32
    %scan3A_14 = arith.constant 1 : i32
    %scan3A_15 = scf.for %scan3A_74 = %scan3A_11 to %scan3A_13 step %scan3A_14 iter_args(%scan3A_75 = %scan3A) -> (i32)  : i32 {
      %broadcast_in_dim3A = arith.constant 0.000000e+00 : f32
      %broadcast_in_dim3A_76 = vector.broadcast %broadcast_in_dim3A : f32 to vector<16xf32>
      %jit3A_77 = arith.constant 8 : i32
      %div3A = arith.divsi %scan3A_74, %jit3A_77 : i32
      %sign3A = arith.constant 0 : i32
      %sign3A_78 = arith.cmpi sgt, %scan3A_74, %sign3A : i32
      %sign3A_79 = arith.extui %sign3A_78 : i1 to i32
      %sign3A_80 = arith.constant 0 : i32
      %sign3A_81 = arith.cmpi slt, %scan3A_74, %sign3A_80 : i32
      %sign3A_82 = arith.extui %sign3A_81 : i1 to i32
      %sign3A_83 = arith.subi %sign3A_79, %sign3A_82 : i32
      %sign3A_84 = arith.constant 0 : i32
      %sign3A_85 = arith.cmpi sgt, %jit3A_77, %sign3A_84 : i32
      %sign3A_86 = arith.extui %sign3A_85 : i1 to i32
      %sign3A_87 = arith.constant 0 : i32
      %sign3A_88 = arith.cmpi slt, %jit3A_77, %sign3A_87 : i32
      %sign3A_89 = arith.extui %sign3A_88 : i1 to i32
      %sign3A_90 = arith.subi %sign3A_86, %sign3A_89 : i32
      %ne3A = arith.cmpi ne, %sign3A_83, %sign3A_90 : i32
      %rem3A = arith.remsi %scan3A_74, %jit3A_77 : i32
      %ne3A_91 = arith.constant 0 : i32
      %ne3A_92 = arith.cmpi ne, %rem3A, %ne3A_91 : i32
      %and3A = arith.andi %ne3A, %ne3A_92 : i1
      %sub3A_93 = arith.constant 1 : i32
      %sub3A_94 = arith.subi %div3A, %sub3A_93 : i32
      %select_n3A_95 = arith.select %and3A, %sub3A_94, %div3A : i32
      %jit3A_96 = arith.constant 8 : i32
      %eq3A_97 = arith.constant 0 : i32
      %eq3A_98 = arith.cmpi eq, %jit3A_96, %eq3A_97 : i32
      %jit3A_99 = arith.constant 1 : i32
      %select_n3A_100 = arith.select %eq3A_98, %jit3A_99, %jit3A_96 : i32
      %rem3A_101 = arith.remsi %scan3A_74, %select_n3A_100 : i32
      %ne3A_102 = arith.constant 0 : i32
      %ne3A_103 = arith.cmpi ne, %rem3A_101, %ne3A_102 : i32
      %lt3A = arith.constant 0 : i32
      %lt3A_104 = arith.cmpi slt, %rem3A_101, %lt3A : i32
      %lt3A_105 = arith.constant 0 : i32
      %lt3A_106 = arith.cmpi slt, %select_n3A_100, %lt3A_105 : i32
      %ne3A_107 = arith.xori %lt3A_104, %lt3A_106 : i1
      %and3A_108 = arith.andi %ne3A_107, %ne3A_103 : i1
      %add3A_109 = arith.addi %rem3A_101, %select_n3A_100 : i32
      %select_n3A_110 = arith.select %and3A_108, %add3A_109, %rem3A_101 : i32
      %mul3A_111 = arith.constant 16 : i32
      %mul3A_112 = arith.muli %select_n3A_110, %mul3A_111 : i32
      %swap3A = arith.constant 0 : i32
      %swap3A_113 = arith.index_cast %swap3A : i32 to index
      %swap3A_114 = arith.index_cast %select_n3A_95 : i32 to index
      %swap3A_115 = arith.index_cast %mul3A_112 : i32 to index
      %swap3A_116 = tpu.vector_load %arg6[%swap3A_113, %swap3A_114, %swap3A_115] {strides = array<i32>} : memref<4x64x128xf32, #tpu.memory_space<vmem>>, vector<1x1x16xf32>,
      %swap3A_117 = vector.shape_cast %swap3A_116 : vector<1x1x16xf32> to vector<16xf32>
      %swap3A_118 = vector.shape_cast %broadcast_in_dim3A_76 : vector<16xf32> to vector<1x1x16xf32>
      tpu.vector_store %arg6[%swap3A_113, %swap3A_114, %swap3A_115], %swap3A_118 {strides = array<i32>} : memref<4x64x128xf32, #tpu.memory_space<vmem>>, vector<1x1x16xf32>,
      %scan3A_119 = arith.constant 0 : i32
      scf.yield %scan3A_119 : i32
    }
    %scan3A_16 = arith.constant 512 : i32
    %scan3A_17 = arith.constant 0 : i32
    %scan3A_18 = arith.constant 0 : i32
    %scan3A_19 = arith.constant 10 : i32
    %scan3A_20 = arith.addi %scan3A_18, %scan3A_19 : i32
    %scan3A_21 = arith.constant 1 : i32
    %scan3A_22 = scf.for %scan3A_74 = %scan3A_18 to %scan3A_20 step %scan3A_21 iter_args(%scan3A_75 = %scan3A_17) -> (i32)  : i32 {
      %mul3A_76 = arith.constant 64 : i32
      %mul3A_77 = arith.muli %scan3A_74, %mul3A_76 : i32
      %add3A_78 = arith.addi %mul3A_10, %mul3A_77 : i32
      %run_scoped3A = arith.constant 0 : i32
      "tpu.region"() ({
        %run_scoped3A_80 = tpu.sem_alloc : memref<!tpu.dma_semaphore, #tpu.memory_space<semaphore_mem>>
        %dma_start3A = arith.constant 0 : i32
        %dma_start3A_81 = arith.constant 0 : i32
        %dma_start3A_82 = tpu.memref_slice %arg6[%run_scoped3A, %dma_start3A, %dma_start3A_81] : memref<4x64x128xf32, #tpu.memory_space<vmem>> -> memref<1x64x128xf32, #tpu.memory_space<vmem>>
        %dma_start3A_83 = tpu.memref_squeeze %dma_start3A_82 : memref<1x64x128xf32, #tpu.memory_space<vmem>> -> memref<64x128xf32, #tpu.memory_space<vmem>>
        %dma_start3A_84 = arith.constant 0 : i32
        %dma_start3A_85 = tpu.memref_slice %arg7[%add3A_78, %dma_start3A_84] : memref<10240x128xf32, #tpu.memory_space<vmem_shared>> -> memref<64x128xf32, #tpu.memory_space<vmem_shared>>
        %dma_start3A_86 = arith.constant 0 : i32
        %dma_start3A_87 = tpu.memref_slice %arg7[%add3A_78, %dma_start3A_86] : memref<10240x128xf32, #tpu.memory_space<vmem_shared>> -> memref<64x128xf32, #tpu.memory_space<vmem_shared>>
        %dma_start3A_88 = arith.constant 0 : i32
        %dma_start3A_89 = arith.constant 0 : i32
        %dma_start3A_90 = tpu.memref_slice %arg6[%run_scoped3A, %dma_start3A_88, %dma_start3A_89] : memref<4x64x128xf32, #tpu.memory_space<vmem>> -> memref<1x64x128xf32, #tpu.memory_space<vmem>>
        %dma_start3A_91 = tpu.memref_squeeze %dma_start3A_90 : memref<1x64x128xf32, #tpu.memory_space<vmem>> -> memref<64x128xf32, #tpu.memory_space<vmem>>
        tpu.enqueue_dma source(%dma_start3A_91 : memref<64x128xf32, #tpu.memory_space<vmem>>) target(%dma_start3A_87 : memref<64x128xf32, #tpu.memory_space<vmem_shared>>) target_semaphore(%run_scoped3A_80 : memref<!tpu.dma_semaphore, #tpu.memory_space<semaphore_mem>>)
        %dma_wait3A = arith.constant 0 : i32
        %dma_wait3A_92 = arith.constant 0 : i32
        %dma_wait3A_93 = tpu.memref_slice %arg6[%run_scoped3A, %dma_wait3A, %dma_wait3A_92] : memref<4x64x128xf32, #tpu.memory_space<vmem>> -> memref<1x64x128xf32, #tpu.memory_space<vmem>>
        %dma_wait3A_94 = tpu.memref_squeeze %dma_wait3A_93 : memref<1x64x128xf32, #tpu.memory_space<vmem>> -> memref<64x128xf32, #tpu.memory_space<vmem>>
        %dma_wait3A_95 = arith.constant 0 : i32
        %dma_wait3A_96 = tpu.memref_slice %arg7[%add3A_78, %dma_wait3A_95] : memref<10240x128xf32, #tpu.memory_space<vmem_shared>> -> memref<64x128xf32, #tpu.memory_space<vmem_shared>>
        %dma_wait3A_97 = arith.constant 0 : i32
        %dma_wait3A_98 = tpu.memref_slice %arg7[%add3A_78, %dma_wait3A_97] : memref<10240x128xf32, #tpu.memory_space<vmem_shared>> -> memref<64x128xf32, #tpu.memory_space<vmem_shared>>
        %dma_wait3A_99 = arith.constant 0 : i32
        %dma_wait3A_100 = arith.constant 0 : i32
        %dma_wait3A_101 = tpu.memref_slice %arg6[%run_scoped3A, %dma_wait3A_99, %dma_wait3A_100] : memref<4x64x128xf32, #tpu.memory_space<vmem>> -> memref<1x64x128xf32, #tpu.memory_space<vmem>>
        %dma_wait3A_102 = tpu.memref_squeeze %dma_wait3A_101 : memref<1x64x128xf32, #tpu.memory_space<vmem>> -> memref<64x128xf32, #tpu.memory_space<vmem>>
        tpu.wait_dma2 semaphore(%run_scoped3A_80 : memref<!tpu.dma_semaphore, #tpu.memory_space<semaphore_mem>>) src(%dma_wait3A_102 : memref<64x128xf32, #tpu.memory_space<vmem>>) dst(%dma_wait3A_98 : memref<64x128xf32, #tpu.memory_space<vmem_shared>>)
        tpu.yield
      }) : () -> ()
      %scan3A_79 = arith.constant 0 : i32
      scf.yield %scan3A_79 : i32
    }
    %scan3A_23 = arith.constant 10 : i32
    %barrier3A = arith.constant 0 : index
    tpu.barrier barrier_id(%barrier3A)
    %sub3A = arith.constant 0 : i32
    %sub3A_24 = arith.subi %select_n3A, %sub3A : i32
    %jit3A_25 = arith.constant 0 : i32
    %jit3A_26 = arith.constant 47 : i32
    %max3A = arith.maxsi %jit3A_25, %sub3A_24 : i32
    %min3A = arith.minsi %jit3A_26, %max3A : i32
    %gt3A = arith.constant 0 : i32
    %gt3A_27 = arith.cmpi sgt, %min3A, %gt3A : i32
    %convert_element_type3A = arith.extui %gt3A_27 : i1 to i32
    %cond3A = arith.constant 0 : i32
    %cond3A_28 = arith.cmpi ne, %convert_element_type3A, %cond3A : i32
    scf.if %cond3A_28 {
      %add3A_74 = arith.constant 0 : i32
      %add3A_75 = arith.addi %select_n3A_8, %add3A_74 : i32
      "tpu.region"() ({
        %run_scoped3A = tpu.sem_alloc : memref<!tpu.dma_semaphore, #tpu.memory_space<semaphore_mem>>
        %dma_start3A = arith.constant 0 : i32
        %dma_start3A_102 = arith.constant 0 : i32
        %dma_start3A_103 = tpu.memref_slice %arg2[%add3A_75, %dma_start3A, %dma_start3A_102] : memref<5103x2x64xi32, #tpu.memory_space<hbm>> -> memref<47x2x64xi32, #tpu.memory_space<hbm>>
        %dma_start3A_104 = arith.constant 0 : i32
        %dma_start3A_105 = arith.constant 0 : i32
        %dma_start3A_106 = tpu.memref_slice %arg2[%add3A_75, %dma_start3A_104, %dma_start3A_105] : memref<5103x2x64xi32, #tpu.memory_space<hbm>> -> memref<47x2x64xi32, #tpu.memory_space<hbm>>
        tpu.enqueue_dma source(%dma_start3A_106 : memref<47x2x64xi32, #tpu.memory_space<hbm>>) target(%arg5 : memref<47x2x64xi32, #tpu.memory_space<vmem>>) target_semaphore(%run_scoped3A : memref<!tpu.dma_semaphore, #tpu.memory_space<semaphore_mem>>)
        %dma_wait3A = arith.constant 0 : i32
        %dma_wait3A_107 = arith.constant 0 : i32
        %dma_wait3A_108 = tpu.memref_slice %arg2[%add3A_75, %dma_wait3A, %dma_wait3A_107] : memref<5103x2x64xi32, #tpu.memory_space<hbm>> -> memref<47x2x64xi32, #tpu.memory_space<hbm>>
        %dma_wait3A_109 = arith.constant 0 : i32
        %dma_wait3A_110 = arith.constant 0 : i32
        %dma_wait3A_111 = tpu.memref_slice %arg2[%add3A_75, %dma_wait3A_109, %dma_wait3A_110] : memref<5103x2x64xi32, #tpu.memory_space<hbm>> -> memref<47x2x64xi32, #tpu.memory_space<hbm>>
        tpu.wait_dma2 semaphore(%run_scoped3A : memref<!tpu.dma_semaphore, #tpu.memory_space<semaphore_mem>>) src(%dma_wait3A_111 : memref<47x2x64xi32, #tpu.memory_space<hbm>>) dst(%arg5 : memref<47x2x64xi32, #tpu.memory_space<vmem>>)
        tpu.yield
      }) : () -> ()
      %gt3A_76 = arith.constant 0 : i32
      %gt3A_77 = arith.cmpi sgt, %min3A, %gt3A_76 : i32
      %convert_element_type3A_78 = arith.extui %gt3A_77 : i1 to i32
      %cond3A_79 = arith.constant 0 : i32
      %cond3A_80 = arith.cmpi ne, %convert_element_type3A_78, %cond3A_79 : i32
      scf.if %cond3A_80 {
        %dma_start3A = arith.constant 0 : i32
        %dma_start3A_102 = arith.constant 0 : i32
        %dma_start3A_103 = arith.constant 0 : i32
        %dma_start3A_104 = arith.constant 0 : i32
        %dma_start3A_105 = arith.constant 0 : i32
        %dma_start3A_106 = arith.constant 0 : i32
        %dma_start3A_107 = tpu.memref_slice %arg6[%dma_start3A_103, %dma_start3A_105, %dma_start3A_106] : memref<4x64x128xf32, #tpu.memory_space<vmem>> -> memref<1x64x128xf32, #tpu.memory_space<vmem>>
        %dma_start3A_108 = tpu.memref_squeeze %dma_start3A_107 : memref<1x64x128xf32, #tpu.memory_space<vmem>> -> memref<64x128xf32, #tpu.memory_space<vmem>>
        %dma_start3A_109 = arith.constant 0 : i32
        %dma_start3A_110 = tpu.memref_slice %arg5[%dma_start3A, %dma_start3A_102, %dma_start3A_109] : memref<47x2x64xi32, #tpu.memory_space<vmem>> -> memref<1x1x64xi32, #tpu.memory_space<vmem>>
        %dma_start3A_111 = tpu.memref_squeeze %dma_start3A_110 : memref<1x1x64xi32, #tpu.memory_space<vmem>> -> memref<64xi32, #tpu.memory_space<vmem>>
        %dma_start3A_112 = arith.constant 0 : i32
        %dma_start3A_113 = arith.constant 0 : i32
        %dma_start3A_114 = tpu.memref_slice %arg3[%dma_start3A_112, %dma_start3A_113] : memref<10240x128xf32, #tpu.memory_space<hbm>> -> memref<10240x128xf32, #tpu.memory_space<hbm>>
        %dma_start3A_115 = tpu.memref_slice %arg8[%dma_start3A_104] : memref<4x!tpu.dma_semaphore, #tpu.memory_space<semaphore_mem>> -> memref<1x!tpu.dma_semaphore, #tpu.memory_space<semaphore_mem>>
        %dma_start3A_116 = tpu.memref_squeeze %dma_start3A_115 : memref<1x!tpu.dma_semaphore, #tpu.memory_space<semaphore_mem>> -> memref<!tpu.dma_semaphore, #tpu.memory_space<semaphore_mem>>
        tpu.enqueue_indirect_dma source(%dma_start3A_114 : memref<10240x128xf32, #tpu.memory_space<hbm>>) target(%dma_start3A_108 : memref<64x128xf32, #tpu.memory_space<vmem>>) offsets(%dma_start3A_111 : memref<64xi32, #tpu.memory_space<vmem>>) semaphore(%dma_start3A_116 : memref<!tpu.dma_semaphore, #tpu.memory_space<semaphore_mem>>)
      } else {
      }
      %gt3A_81 = arith.constant 1 : i32
      %gt3A_82 = arith.cmpi sgt, %min3A, %gt3A_81 : i32
      %convert_element_type3A_83 = arith.extui %gt3A_82 : i1 to i32
      %cond3A_84 = arith.constant 0 : i32
      %cond3A_85 = arith.cmpi ne, %convert_element_type3A_83, %cond3A_84 : i32
      scf.if %cond3A_85 {
        %dma_start3A = arith.constant 1 : i32
        %dma_start3A_102 = arith.constant 0 : i32
        %dma_start3A_103 = arith.constant 1 : i32
        %dma_start3A_104 = arith.constant 1 : i32
        %dma_start3A_105 = arith.constant 0 : i32
        %dma_start3A_106 = arith.constant 0 : i32
        %dma_start3A_107 = tpu.memref_slice %arg6[%dma_start3A_103, %dma_start3A_105, %dma_start3A_106] : memref<4x64x128xf32, #tpu.memory_space<vmem>> -> memref<1x64x128xf32, #tpu.memory_space<vmem>>
        %dma_start3A_108 = tpu.memref_squeeze %dma_start3A_107 : memref<1x64x128xf32, #tpu.memory_space<vmem>> -> memref<64x128xf32, #tpu.memory_space<vmem>>
        %dma_start3A_109 = arith.constant 0 : i32
        %dma_start3A_110 = tpu.memref_slice %arg5[%dma_start3A, %dma_start3A_102, %dma_start3A_109] : memref<47x2x64xi32, #tpu.memory_space<vmem>> -> memref<1x1x64xi32, #tpu.memory_space<vmem>>
        %dma_start3A_111 = tpu.memref_squeeze %dma_start3A_110 : memref<1x1x64xi32, #tpu.memory_space<vmem>> -> memref<64xi32, #tpu.memory_space<vmem>>
        %dma_start3A_112 = arith.constant 0 : i32
        %dma_start3A_113 = arith.constant 0 : i32
        %dma_start3A_114 = tpu.memref_slice %arg3[%dma_start3A_112, %dma_start3A_113] : memref<10240x128xf32, #tpu.memory_space<hbm>> -> memref<10240x128xf32, #tpu.memory_space<hbm>>
        %dma_start3A_115 = tpu.memref_slice %arg8[%dma_start3A_104] : memref<4x!tpu.dma_semaphore, #tpu.memory_space<semaphore_mem>> -> memref<1x!tpu.dma_semaphore, #tpu.memory_space<semaphore_mem>>
        %dma_start3A_116 = tpu.memref_squeeze %dma_start3A_115 : memref<1x!tpu.dma_semaphore, #tpu.memory_space<semaphore_mem>> -> memref<!tpu.dma_semaphore, #tpu.memory_space<semaphore_mem>>
        tpu.enqueue_indirect_dma source(%dma_start3A_114 : memref<10240x128xf32, #tpu.memory_space<hbm>>) target(%dma_start3A_108 : memref<64x128xf32, #tpu.memory_space<vmem>>) offsets(%dma_start3A_111 : memref<64xi32, #tpu.memory_space<vmem>>) semaphore(%dma_start3A_116 : memref<!tpu.dma_semaphore, #tpu.memory_space<semaphore_mem>>)
      } else {
      }
      %gt3A_86 = arith.constant 2 : i32
      %gt3A_87 = arith.cmpi sgt, %min3A, %gt3A_86 : i32
      %convert_element_type3A_88 = arith.extui %gt3A_87 : i1 to i32
      %cond3A_89 = arith.constant 0 : i32
      %cond3A_90 = arith.cmpi ne, %convert_element_type3A_88, %cond3A_89 : i32
      scf.if %cond3A_90 {
        %dma_start3A = arith.constant 2 : i32
        %dma_start3A_102 = arith.constant 0 : i32
        %dma_start3A_103 = arith.constant 2 : i32
        %dma_start3A_104 = arith.constant 2 : i32
        %dma_start3A_105 = arith.constant 0 : i32
        %dma_start3A_106 = arith.constant 0 : i32
        %dma_start3A_107 = tpu.memref_slice %arg6[%dma_start3A_103, %dma_start3A_105, %dma_start3A_106] : memref<4x64x128xf32, #tpu.memory_space<vmem>> -> memref<1x64x128xf32, #tpu.memory_space<vmem>>
        %dma_start3A_108 = tpu.memref_squeeze %dma_start3A_107 : memref<1x64x128xf32, #tpu.memory_space<vmem>> -> memref<64x128xf32, #tpu.memory_space<vmem>>
        %dma_start3A_109 = arith.constant 0 : i32
        %dma_start3A_110 = tpu.memref_slice %arg5[%dma_start3A, %dma_start3A_102, %dma_start3A_109] : memref<47x2x64xi32, #tpu.memory_space<vmem>> -> memref<1x1x64xi32, #tpu.memory_space<vmem>>
        %dma_start3A_111 = tpu.memref_squeeze %dma_start3A_110 : memref<1x1x64xi32, #tpu.memory_space<vmem>> -> memref<64xi32, #tpu.memory_space<vmem>>
        %dma_start3A_112 = arith.constant 0 : i32
        %dma_start3A_113 = arith.constant 0 : i32
        %dma_start3A_114 = tpu.memref_slice %arg3[%dma_start3A_112, %dma_start3A_113] : memref<10240x128xf32, #tpu.memory_space<hbm>> -> memref<10240x128xf32, #tpu.memory_space<hbm>>
        %dma_start3A_115 = tpu.memref_slice %arg8[%dma_start3A_104] : memref<4x!tpu.dma_semaphore, #tpu.memory_space<semaphore_mem>> -> memref<1x!tpu.dma_semaphore, #tpu.memory_space<semaphore_mem>>
        %dma_start3A_116 = tpu.memref_squeeze %dma_start3A_115 : memref<1x!tpu.dma_semaphore, #tpu.memory_space<semaphore_mem>> -> memref<!tpu.dma_semaphore, #tpu.memory_space<semaphore_mem>>
        tpu.enqueue_indirect_dma source(%dma_start3A_114 : memref<10240x128xf32, #tpu.memory_space<hbm>>) target(%dma_start3A_108 : memref<64x128xf32, #tpu.memory_space<vmem>>) offsets(%dma_start3A_111 : memref<64xi32, #tpu.memory_space<vmem>>) semaphore(%dma_start3A_116 : memref<!tpu.dma_semaphore, #tpu.memory_space<semaphore_mem>>)
      } else {
      }
      %while3A = arith.constant 0 : i32
      %while3A_91 = arith.constant 0 : i32
      %while3A_92 = arith.subi %min3A, %while3A : i32
      %while3A_93 = arith.addi %while3A, %while3A_92 : i32
      %while3A_94 = arith.constant 1 : i32
      %while3A_95 = arith.divsi %while3A_92, %while3A_94 : i32
      %while3A_96 = arith.muli %while3A_95, %while3A_94 : i32
      %while3A_97 = arith.addi %while3A, %while3A_96 : i32
      %while3A_98 = arith.constant 1 : i32
      %while3A_99 = scf.for %while3A_102 = %while3A to %while3A_97 step %while3A_98 iter_args(%while3A_103 = %while3A_91) -> (i32)  : i32 {
        %add3A_104 = arith.constant 4 : i32
        %add3A_105 = arith.addi %while3A_102, %add3A_104 : i32
        %sub3A_106 = arith.constant 1 : i32
        %sub3A_107 = arith.subi %add3A_105, %sub3A_106 : i32
        %lt3A = arith.cmpi slt, %sub3A_107, %min3A : i32
        %convert_element_type3A_108 = arith.extui %lt3A : i1 to i32
        %cond3A_109 = arith.constant 0 : i32
        %cond3A_110 = arith.cmpi ne, %convert_element_type3A_108, %cond3A_109 : i32
        scf.if %cond3A_110 {
          %jit3A_137 = arith.constant 4 : i32
          %eq3A_138 = arith.constant 0 : i32
          %eq3A_139 = arith.cmpi eq, %jit3A_137, %eq3A_138 : i32
          %jit3A_140 = arith.constant 1 : i32
          %select_n3A_141 = arith.select %eq3A_139, %jit3A_140, %jit3A_137 : i32
          %rem3A_142 = arith.remsi %sub3A_107, %select_n3A_141 : i32
          %ne3A_143 = arith.constant 0 : i32
          %ne3A_144 = arith.cmpi ne, %rem3A_142, %ne3A_143 : i32
          %lt3A_145 = arith.constant 0 : i32
          %lt3A_146 = arith.cmpi slt, %rem3A_142, %lt3A_145 : i32
          %lt3A_147 = arith.constant 0 : i32
          %lt3A_148 = arith.cmpi slt, %select_n3A_141, %lt3A_147 : i32
          %ne3A_149 = arith.xori %lt3A_146, %lt3A_148 : i1
          %and3A_150 = arith.andi %ne3A_149, %ne3A_144 : i1
          %add3A_151 = arith.addi %rem3A_142, %select_n3A_141 : i32
          %select_n3A_152 = arith.select %and3A_150, %add3A_151, %rem3A_142 : i32
          %jit3A_153 = arith.constant 4 : i32
          %eq3A_154 = arith.constant 0 : i32
          %eq3A_155 = arith.cmpi eq, %jit3A_153, %eq3A_154 : i32
          %jit3A_156 = arith.constant 1 : i32
          %select_n3A_157 = arith.select %eq3A_155, %jit3A_156, %jit3A_153 : i32
          %rem3A_158 = arith.remsi %sub3A_107, %select_n3A_157 : i32
          %ne3A_159 = arith.constant 0 : i32
          %ne3A_160 = arith.cmpi ne, %rem3A_158, %ne3A_159 : i32
          %lt3A_161 = arith.constant 0 : i32
          %lt3A_162 = arith.cmpi slt, %rem3A_158, %lt3A_161 : i32
          %lt3A_163 = arith.constant 0 : i32
          %lt3A_164 = arith.cmpi slt, %select_n3A_157, %lt3A_163 : i32
          %ne3A_165 = arith.xori %lt3A_162, %lt3A_164 : i1
          %and3A_166 = arith.andi %ne3A_165, %ne3A_160 : i1
          %add3A_167 = arith.addi %rem3A_158, %select_n3A_157 : i32
          %select_n3A_168 = arith.select %and3A_166, %add3A_167, %rem3A_158 : i32
          %dma_start3A = arith.constant 0 : i32
          %dma_start3A_169 = arith.constant 0 : i32
          %dma_start3A_170 = arith.constant 0 : i32
          %dma_start3A_171 = tpu.memref_slice %arg6[%select_n3A_152, %dma_start3A_169, %dma_start3A_170] : memref<4x64x128xf32, #tpu.memory_space<vmem>> -> memref<1x64x128xf32, #tpu.memory_space<vmem>>
          %dma_start3A_172 = tpu.memref_squeeze %dma_start3A_171 : memref<1x64x128xf32, #tpu.memory_space<vmem>> -> memref<64x128xf32, #tpu.memory_space<vmem>>
          %dma_start3A_173 = arith.constant 0 : i32
          %dma_start3A_174 = tpu.memref_slice %arg5[%sub3A_107, %dma_start3A, %dma_start3A_173] : memref<47x2x64xi32, #tpu.memory_space<vmem>> -> memref<1x1x64xi32, #tpu.memory_space<vmem>>
          %dma_start3A_175 = tpu.memref_squeeze %dma_start3A_174 : memref<1x1x64xi32, #tpu.memory_space<vmem>> -> memref<64xi32, #tpu.memory_space<vmem>>
          %dma_start3A_176 = arith.constant 0 : i32
          %dma_start3A_177 = arith.constant 0 : i32
          %dma_start3A_178 = tpu.memref_slice %arg3[%dma_start3A_176, %dma_start3A_177] : memref<10240x128xf32, #tpu.memory_space<hbm>> -> memref<10240x128xf32, #tpu.memory_space<hbm>>
          %dma_start3A_179 = tpu.memref_slice %arg8[%select_n3A_168] : memref<4x!tpu.dma_semaphore, #tpu.memory_space<semaphore_mem>> -> memref<1x!tpu.dma_semaphore, #tpu.memory_space<semaphore_mem>>
          %dma_start3A_180 = tpu.memref_squeeze %dma_start3A_179 : memref<1x!tpu.dma_semaphore, #tpu.memory_space<semaphore_mem>> -> memref<!tpu.dma_semaphore, #tpu.memory_space<semaphore_mem>>
          tpu.enqueue_indirect_dma source(%dma_start3A_178 : memref<10240x128xf32, #tpu.memory_space<hbm>>) target(%dma_start3A_172 : memref<64x128xf32, #tpu.memory_space<vmem>>) offsets(%dma_start3A_175 : memref<64xi32, #tpu.memory_space<vmem>>) semaphore(%dma_start3A_180 : memref<!tpu.dma_semaphore, #tpu.memory_space<semaphore_mem>>)
        } else {
        }
        %jit3A_111 = arith.constant 4 : i32
        %eq3A_112 = arith.constant 0 : i32
        %eq3A_113 = arith.cmpi eq, %jit3A_111, %eq3A_112 : i32
        %jit3A_114 = arith.constant 1 : i32
        %select_n3A_115 = arith.select %eq3A_113, %jit3A_114, %jit3A_111 : i32
        %rem3A = arith.remsi %while3A_102, %select_n3A_115 : i32
        %ne3A = arith.constant 0 : i32
        %ne3A_116 = arith.cmpi ne, %rem3A, %ne3A : i32
        %lt3A_117 = arith.constant 0 : i32
        %lt3A_118 = arith.cmpi slt, %rem3A, %lt3A_117 : i32
        %lt3A_119 = arith.constant 0 : i32
        %lt3A_120 = arith.cmpi slt, %select_n3A_115, %lt3A_119 : i32
        %ne3A_121 = arith.xori %lt3A_118, %lt3A_120 : i1
        %and3A = arith.andi %ne3A_121, %ne3A_116 : i1
        %add3A_122 = arith.addi %rem3A, %select_n3A_115 : i32
        %select_n3A_123 = arith.select %and3A, %add3A_122, %rem3A : i32
        %dma_wait3A = arith.constant 0 : i32
        %dma_wait3A_124 = arith.constant 0 : i32
        %dma_wait3A_125 = arith.constant 0 : i32
        %dma_wait3A_126 = tpu.memref_slice %arg6[%select_n3A_123, %dma_wait3A_124, %dma_wait3A_125] : memref<4x64x128xf32, #tpu.memory_space<vmem>> -> memref<1x64x128xf32, #tpu.memory_space<vmem>>
        %dma_wait3A_127 = tpu.memref_squeeze %dma_wait3A_126 : memref<1x64x128xf32, #tpu.memory_space<vmem>> -> memref<64x128xf32, #tpu.memory_space<vmem>>
        %dma_wait3A_128 = arith.constant 0 : i32
        %dma_wait3A_129 = tpu.memref_slice %arg5[%while3A_102, %dma_wait3A, %dma_wait3A_128] : memref<47x2x64xi32, #tpu.memory_space<vmem>> -> memref<1x1x64xi32, #tpu.memory_space<vmem>>
        %dma_wait3A_130 = tpu.memref_squeeze %dma_wait3A_129 : memref<1x1x64xi32, #tpu.memory_space<vmem>> -> memref<64xi32, #tpu.memory_space<vmem>>
        %dma_wait3A_131 = arith.constant 0 : i32
        %dma_wait3A_132 = arith.constant 0 : i32
        %dma_wait3A_133 = tpu.memref_slice %arg3[%dma_wait3A_131, %dma_wait3A_132] : memref<10240x128xf32, #tpu.memory_space<hbm>> -> memref<10240x128xf32, #tpu.memory_space<hbm>>
        %dma_wait3A_134 = tpu.memref_slice %arg8[%select_n3A_123] : memref<4x!tpu.dma_semaphore, #tpu.memory_space<semaphore_mem>> -> memref<1x!tpu.dma_semaphore, #tpu.memory_space<semaphore_mem>>
        %dma_wait3A_135 = tpu.memref_squeeze %dma_wait3A_134 : memref<1x!tpu.dma_semaphore, #tpu.memory_space<semaphore_mem>> -> memref<!tpu.dma_semaphore, #tpu.memory_space<semaphore_mem>>
        tpu.wait_indirect_dma semaphore(%dma_wait3A_135 : memref<!tpu.dma_semaphore, #tpu.memory_space<semaphore_mem>>) src(%dma_wait3A_133 : memref<10240x128xf32, #tpu.memory_space<hbm>>) dst(%dma_wait3A_127 : memref<64x128xf32, #tpu.memory_space<vmem>>)
        %run_scoped3A = arith.constant 1 : i32
        "tpu.region"() ({
          %run_scoped3A_137 = tpu.sem_alloc : memref<!tpu.dma_semaphore, #tpu.memory_space<semaphore_mem>>
          %dma_start3A = arith.constant 0 : i32
          %dma_start3A_138 = arith.constant 0 : i32
          %dma_start3A_139 = tpu.memref_slice %arg6[%select_n3A_123, %dma_start3A, %dma_start3A_138] : memref<4x64x128xf32, #tpu.memory_space<vmem>> -> memref<1x64x128xf32, #tpu.memory_space<vmem>>
          %dma_start3A_140 = tpu.memref_squeeze %dma_start3A_139 : memref<1x64x128xf32, #tpu.memory_space<vmem>> -> memref<64x128xf32, #tpu.memory_space<vmem>>
          %dma_start3A_141 = arith.constant 0 : i32
          %dma_start3A_142 = tpu.memref_slice %arg5[%while3A_102, %run_scoped3A, %dma_start3A_141] : memref<47x2x64xi32, #tpu.memory_space<vmem>> -> memref<1x1x64xi32, #tpu.memory_space<vmem>>
          %dma_start3A_143 = tpu.memref_squeeze %dma_start3A_142 : memref<1x1x64xi32, #tpu.memory_space<vmem>> -> memref<64xi32, #tpu.memory_space<vmem>>
          %dma_start3A_144 = arith.constant 0 : i32
          %dma_start3A_145 = arith.constant 0 : i32
          %dma_start3A_146 = tpu.memref_slice %arg7[%dma_start3A_144, %dma_start3A_145] : memref<10240x128xf32, #tpu.memory_space<vmem_shared>> -> memref<10240x128xf32, #tpu.memory_space<vmem_shared>>
          tpu.enqueue_indirect_dma source(%dma_start3A_140 : memref<64x128xf32, #tpu.memory_space<vmem>>) target(%dma_start3A_146 : memref<10240x128xf32, #tpu.memory_space<vmem_shared>>) offsets(%dma_start3A_143 : memref<64xi32, #tpu.memory_space<vmem>>) semaphore(%run_scoped3A_137 : memref<!tpu.dma_semaphore, #tpu.memory_space<semaphore_mem>>) {add = true}
          %dma_wait3A_147 = arith.constant 0 : i32
          %dma_wait3A_148 = arith.constant 0 : i32
          %dma_wait3A_149 = tpu.memref_slice %arg6[%select_n3A_123, %dma_wait3A_147, %dma_wait3A_148] : memref<4x64x128xf32, #tpu.memory_space<vmem>> -> memref<1x64x128xf32, #tpu.memory_space<vmem>>
          %dma_wait3A_150 = tpu.memref_squeeze %dma_wait3A_149 : memref<1x64x128xf32, #tpu.memory_space<vmem>> -> memref<64x128xf32, #tpu.memory_space<vmem>>
          %dma_wait3A_151 = arith.constant 0 : i32
          %dma_wait3A_152 = tpu.memref_slice %arg5[%while3A_102, %run_scoped3A, %dma_wait3A_151] : memref<47x2x64xi32, #tpu.memory_space<vmem>> -> memref<1x1x64xi32, #tpu.memory_space<vmem>>
          %dma_wait3A_153 = tpu.memref_squeeze %dma_wait3A_152 : memref<1x1x64xi32, #tpu.memory_space<vmem>> -> memref<64xi32, #tpu.memory_space<vmem>>
          %dma_wait3A_154 = arith.constant 0 : i32
          %dma_wait3A_155 = arith.constant 0 : i32
          %dma_wait3A_156 = tpu.memref_slice %arg7[%dma_wait3A_154, %dma_wait3A_155] : memref<10240x128xf32, #tpu.memory_space<vmem_shared>> -> memref<10240x128xf32, #tpu.memory_space<vmem_shared>>
          tpu.wait_indirect_dma semaphore(%run_scoped3A_137 : memref<!tpu.dma_semaphore, #tpu.memory_space<semaphore_mem>>) src(%dma_wait3A_150 : memref<64x128xf32, #tpu.memory_space<vmem>>) dst(%dma_wait3A_156 : memref<10240x128xf32, #tpu.memory_space<vmem_shared>>)
          tpu.yield
        }) : () -> ()
        %while3A_136 = arith.constant 0 : i32
        scf.yield %while3A_136 : i32
      }
      %while3A_100 = arith.constant 1 : i32
      %while3A_101 = scf.for %while3A_102 = %while3A_97 to %while3A_93 step %while3A_100 iter_args(%while3A_103 = %while3A_99) -> (i32)  : i32 {
        %add3A_104 = arith.constant 4 : i32
        %add3A_105 = arith.addi %while3A_102, %add3A_104 : i32
        %sub3A_106 = arith.constant 1 : i32
        %sub3A_107 = arith.subi %add3A_105, %sub3A_106 : i32
        %lt3A = arith.cmpi slt, %sub3A_107, %min3A : i32
        %convert_element_type3A_108 = arith.extui %lt3A : i1 to i32
        %cond3A_109 = arith.constant 0 : i32
        %cond3A_110 = arith.cmpi ne, %convert_element_type3A_108, %cond3A_109 : i32
        scf.if %cond3A_110 {
          %jit3A_137 = arith.constant 4 : i32
          %eq3A_138 = arith.constant 0 : i32
          %eq3A_139 = arith.cmpi eq, %jit3A_137, %eq3A_138 : i32
          %jit3A_140 = arith.constant 1 : i32
          %select_n3A_141 = arith.select %eq3A_139, %jit3A_140, %jit3A_137 : i32
          %rem3A_142 = arith.remsi %sub3A_107, %select_n3A_141 : i32
          %ne3A_143 = arith.constant 0 : i32
          %ne3A_144 = arith.cmpi ne, %rem3A_142, %ne3A_143 : i32
          %lt3A_145 = arith.constant 0 : i32
          %lt3A_146 = arith.cmpi slt, %rem3A_142, %lt3A_145 : i32
          %lt3A_147 = arith.constant 0 : i32
          %lt3A_148 = arith.cmpi slt, %select_n3A_141, %lt3A_147 : i32
          %ne3A_149 = arith.xori %lt3A_146, %lt3A_148 : i1
          %and3A_150 = arith.andi %ne3A_149, %ne3A_144 : i1
          %add3A_151 = arith.addi %rem3A_142, %select_n3A_141 : i32
          %select_n3A_152 = arith.select %and3A_150, %add3A_151, %rem3A_142 : i32
          %jit3A_153 = arith.constant 4 : i32
          %eq3A_154 = arith.constant 0 : i32
          %eq3A_155 = arith.cmpi eq, %jit3A_153, %eq3A_154 : i32
          %jit3A_156 = arith.constant 1 : i32
          %select_n3A_157 = arith.select %eq3A_155, %jit3A_156, %jit3A_153 : i32
          %rem3A_158 = arith.remsi %sub3A_107, %select_n3A_157 : i32
          %ne3A_159 = arith.constant 0 : i32
          %ne3A_160 = arith.cmpi ne, %rem3A_158, %ne3A_159 : i32
          %lt3A_161 = arith.constant 0 : i32
          %lt3A_162 = arith.cmpi slt, %rem3A_158, %lt3A_161 : i32
          %lt3A_163 = arith.constant 0 : i32
          %lt3A_164 = arith.cmpi slt, %select_n3A_157, %lt3A_163 : i32
          %ne3A_165 = arith.xori %lt3A_162, %lt3A_164 : i1
          %and3A_166 = arith.andi %ne3A_165, %ne3A_160 : i1
          %add3A_167 = arith.addi %rem3A_158, %select_n3A_157 : i32
          %select_n3A_168 = arith.select %and3A_166, %add3A_167, %rem3A_158 : i32
          %dma_start3A = arith.constant 0 : i32
          %dma_start3A_169 = arith.constant 0 : i32
          %dma_start3A_170 = arith.constant 0 : i32
          %dma_start3A_171 = tpu.memref_slice %arg6[%select_n3A_152, %dma_start3A_169, %dma_start3A_170] : memref<4x64x128xf32, #tpu.memory_space<vmem>> -> memref<1x64x128xf32, #tpu.memory_space<vmem>>
          %dma_start3A_172 = tpu.memref_squeeze %dma_start3A_171 : memref<1x64x128xf32, #tpu.memory_space<vmem>> -> memref<64x128xf32, #tpu.memory_space<vmem>>
          %dma_start3A_173 = arith.constant 0 : i32
          %dma_start3A_174 = tpu.memref_slice %arg5[%sub3A_107, %dma_start3A, %dma_start3A_173] : memref<47x2x64xi32, #tpu.memory_space<vmem>> -> memref<1x1x64xi32, #tpu.memory_space<vmem>>
          %dma_start3A_175 = tpu.memref_squeeze %dma_start3A_174 : memref<1x1x64xi32, #tpu.memory_space<vmem>> -> memref<64xi32, #tpu.memory_space<vmem>>
          %dma_start3A_176 = arith.constant 0 : i32
          %dma_start3A_177 = arith.constant 0 : i32
          %dma_start3A_178 = tpu.memref_slice %arg3[%dma_start3A_176, %dma_start3A_177] : memref<10240x128xf32, #tpu.memory_space<hbm>> -> memref<10240x128xf32, #tpu.memory_space<hbm>>
          %dma_start3A_179 = tpu.memref_slice %arg8[%select_n3A_168] : memref<4x!tpu.dma_semaphore, #tpu.memory_space<semaphore_mem>> -> memref<1x!tpu.dma_semaphore, #tpu.memory_space<semaphore_mem>>
          %dma_start3A_180 = tpu.memref_squeeze %dma_start3A_179 : memref<1x!tpu.dma_semaphore, #tpu.memory_space<semaphore_mem>> -> memref<!tpu.dma_semaphore, #tpu.memory_space<semaphore_mem>>
          tpu.enqueue_indirect_dma source(%dma_start3A_178 : memref<10240x128xf32, #tpu.memory_space<hbm>>) target(%dma_start3A_172 : memref<64x128xf32, #tpu.memory_space<vmem>>) offsets(%dma_start3A_175 : memref<64xi32, #tpu.memory_space<vmem>>) semaphore(%dma_start3A_180 : memref<!tpu.dma_semaphore, #tpu.memory_space<semaphore_mem>>)
        } else {
        }
        %jit3A_111 = arith.constant 4 : i32
        %eq3A_112 = arith.constant 0 : i32
        %eq3A_113 = arith.cmpi eq, %jit3A_111, %eq3A_112 : i32
        %jit3A_114 = arith.constant 1 : i32
        %select_n3A_115 = arith.select %eq3A_113, %jit3A_114, %jit3A_111 : i32
        %rem3A = arith.remsi %while3A_102, %select_n3A_115 : i32
        %ne3A = arith.constant 0 : i32
        %ne3A_116 = arith.cmpi ne, %rem3A, %ne3A : i32
        %lt3A_117 = arith.constant 0 : i32
        %lt3A_118 = arith.cmpi slt, %rem3A, %lt3A_117 : i32
        %lt3A_119 = arith.constant 0 : i32
        %lt3A_120 = arith.cmpi slt, %select_n3A_115, %lt3A_119 : i32
        %ne3A_121 = arith.xori %lt3A_118, %lt3A_120 : i1
        %and3A = arith.andi %ne3A_121, %ne3A_116 : i1
        %add3A_122 = arith.addi %rem3A, %select_n3A_115 : i32
        %select_n3A_123 = arith.select %and3A, %add3A_122, %rem3A : i32
        %dma_wait3A = arith.constant 0 : i32
        %dma_wait3A_124 = arith.constant 0 : i32
        %dma_wait3A_125 = arith.constant 0 : i32
        %dma_wait3A_126 = tpu.memref_slice %arg6[%select_n3A_123, %dma_wait3A_124, %dma_wait3A_125] : memref<4x64x128xf32, #tpu.memory_space<vmem>> -> memref<1x64x128xf32, #tpu.memory_space<vmem>>
        %dma_wait3A_127 = tpu.memref_squeeze %dma_wait3A_126 : memref<1x64x128xf32, #tpu.memory_space<vmem>> -> memref<64x128xf32, #tpu.memory_space<vmem>>
        %dma_wait3A_128 = arith.constant 0 : i32
        %dma_wait3A_129 = tpu.memref_slice %arg5[%while3A_102, %dma_wait3A, %dma_wait3A_128] : memref<47x2x64xi32, #tpu.memory_space<vmem>> -> memref<1x1x64xi32, #tpu.memory_space<vmem>>
        %dma_wait3A_130 = tpu.memref_squeeze %dma_wait3A_129 : memref<1x1x64xi32, #tpu.memory_space<vmem>> -> memref<64xi32, #tpu.memory_space<vmem>>
        %dma_wait3A_131 = arith.constant 0 : i32
        %dma_wait3A_132 = arith.constant 0 : i32
        %dma_wait3A_133 = tpu.memref_slice %arg3[%dma_wait3A_131, %dma_wait3A_132] : memref<10240x128xf32, #tpu.memory_space<hbm>> -> memref<10240x128xf32, #tpu.memory_space<hbm>>
        %dma_wait3A_134 = tpu.memref_slice %arg8[%select_n3A_123] : memref<4x!tpu.dma_semaphore, #tpu.memory_space<semaphore_mem>> -> memref<1x!tpu.dma_semaphore, #tpu.memory_space<semaphore_mem>>
        %dma_wait3A_135 = tpu.memref_squeeze %dma_wait3A_134 : memref<1x!tpu.dma_semaphore, #tpu.memory_space<semaphore_mem>> -> memref<!tpu.dma_semaphore, #tpu.memory_space<semaphore_mem>>
        tpu.wait_indirect_dma semaphore(%dma_wait3A_135 : memref<!tpu.dma_semaphore, #tpu.memory_space<semaphore_mem>>) src(%dma_wait3A_133 : memref<10240x128xf32, #tpu.memory_space<hbm>>) dst(%dma_wait3A_127 : memref<64x128xf32, #tpu.memory_space<vmem>>)
        %run_scoped3A = arith.constant 1 : i32
        "tpu.region"() ({
          %run_scoped3A_137 = tpu.sem_alloc : memref<!tpu.dma_semaphore, #tpu.memory_space<semaphore_mem>>
          %dma_start3A = arith.constant 0 : i32
          %dma_start3A_138 = arith.constant 0 : i32
          %dma_start3A_139 = tpu.memref_slice %arg6[%select_n3A_123, %dma_start3A, %dma_start3A_138] : memref<4x64x128xf32, #tpu.memory_space<vmem>> -> memref<1x64x128xf32, #tpu.memory_space<vmem>>
          %dma_start3A_140 = tpu.memref_squeeze %dma_start3A_139 : memref<1x64x128xf32, #tpu.memory_space<vmem>> -> memref<64x128xf32, #tpu.memory_space<vmem>>
          %dma_start3A_141 = arith.constant 0 : i32
          %dma_start3A_142 = tpu.memref_slice %arg5[%while3A_102, %run_scoped3A, %dma_start3A_141] : memref<47x2x64xi32, #tpu.memory_space<vmem>> -> memref<1x1x64xi32, #tpu.memory_space<vmem>>
          %dma_start3A_143 = tpu.memref_squeeze %dma_start3A_142 : memref<1x1x64xi32, #tpu.memory_space<vmem>> -> memref<64xi32, #tpu.memory_space<vmem>>
          %dma_start3A_144 = arith.constant 0 : i32
          %dma_start3A_145 = arith.constant 0 : i32
          %dma_start3A_146 = tpu.memref_slice %arg7[%dma_start3A_144, %dma_start3A_145] : memref<10240x128xf32, #tpu.memory_space<vmem_shared>> -> memref<10240x128xf32, #tpu.memory_space<vmem_shared>>
          tpu.enqueue_indirect_dma source(%dma_start3A_140 : memref<64x128xf32, #tpu.memory_space<vmem>>) target(%dma_start3A_146 : memref<10240x128xf32, #tpu.memory_space<vmem_shared>>) offsets(%dma_start3A_143 : memref<64xi32, #tpu.memory_space<vmem>>) semaphore(%run_scoped3A_137 : memref<!tpu.dma_semaphore, #tpu.memory_space<semaphore_mem>>) {add = true}
          %dma_wait3A_147 = arith.constant 0 : i32
          %dma_wait3A_148 = arith.constant 0 : i32
          %dma_wait3A_149 = tpu.memref_slice %arg6[%select_n3A_123, %dma_wait3A_147, %dma_wait3A_148] : memref<4x64x128xf32, #tpu.memory_space<vmem>> -> memref<1x64x128xf32, #tpu.memory_space<vmem>>
          %dma_wait3A_150 = tpu.memref_squeeze %dma_wait3A_149 : memref<1x64x128xf32, #tpu.memory_space<vmem>> -> memref<64x128xf32, #tpu.memory_space<vmem>>
          %dma_wait3A_151 = arith.constant 0 : i32
          %dma_wait3A_152 = tpu.memref_slice %arg5[%while3A_102, %run_scoped3A, %dma_wait3A_151] : memref<47x2x64xi32, #tpu.memory_space<vmem>> -> memref<1x1x64xi32, #tpu.memory_space<vmem>>
          %dma_wait3A_153 = tpu.memref_squeeze %dma_wait3A_152 : memref<1x1x64xi32, #tpu.memory_space<vmem>> -> memref<64xi32, #tpu.memory_space<vmem>>
          %dma_wait3A_154 = arith.constant 0 : i32
          %dma_wait3A_155 = arith.constant 0 : i32
          %dma_wait3A_156 = tpu.memref_slice %arg7[%dma_wait3A_154, %dma_wait3A_155] : memref<10240x128xf32, #tpu.memory_space<vmem_shared>> -> memref<10240x128xf32, #tpu.memory_space<vmem_shared>>
          tpu.wait_indirect_dma semaphore(%run_scoped3A_137 : memref<!tpu.dma_semaphore, #tpu.memory_space<semaphore_mem>>) src(%dma_wait3A_150 : memref<64x128xf32, #tpu.memory_space<vmem>>) dst(%dma_wait3A_156 : memref<10240x128xf32, #tpu.memory_space<vmem_shared>>)
          tpu.yield
        }) : () -> ()
        %while3A_136 = arith.constant 0 : i32
        scf.yield %while3A_136 : i32
      }
    } else {
    }
    %sub3A_29 = arith.constant 47 : i32
    %sub3A_30 = arith.subi %select_n3A, %sub3A_29 : i32
    %jit3A_31 = arith.constant 0 : i32
    %jit3A_32 = arith.constant 47 : i32
    %max3A_33 = arith.maxsi %jit3A_31, %sub3A_30 : i32
    %min3A_34 = arith.minsi %jit3A_32, %max3A_33 : i32
    %gt3A_35 = arith.constant 0 : i32
    %gt3A_36 = arith.cmpi sgt, %min3A_34, %gt3A_35 : i32
    %convert_element_type3A_37 = arith.extui %gt3A_36 : i1 to i32
    %cond3A_38 = arith.constant 0 : i32
    %cond3A_39 = arith.cmpi ne, %convert_element_type3A_37, %cond3A_38 : i32
    scf.if %cond3A_39 {
      %add3A_74 = arith.constant 47 : i32
      %add3A_75 = arith.addi %select_n3A_8, %add3A_74 : i32
      "tpu.region"() ({
        %run_scoped3A = tpu.sem_alloc : memref<!tpu.dma_semaphore, #tpu.memory_space<semaphore_mem>>
        %dma_start3A = arith.constant 0 : i32
        %dma_start3A_102 = arith.constant 0 : i32
        %dma_start3A_103 = tpu.memref_slice %arg2[%add3A_75, %dma_start3A, %dma_start3A_102] : memref<5103x2x64xi32, #tpu.memory_space<hbm>> -> memref<47x2x64xi32, #tpu.memory_space<hbm>>
        %dma_start3A_104 = arith.constant 0 : i32
        %dma_start3A_105 = arith.constant 0 : i32
        %dma_start3A_106 = tpu.memref_slice %arg2[%add3A_75, %dma_start3A_104, %dma_start3A_105] : memref<5103x2x64xi32, #tpu.memory_space<hbm>> -> memref<47x2x64xi32, #tpu.memory_space<hbm>>
        tpu.enqueue_dma source(%dma_start3A_106 : memref<47x2x64xi32, #tpu.memory_space<hbm>>) target(%arg5 : memref<47x2x64xi32, #tpu.memory_space<vmem>>) target_semaphore(%run_scoped3A : memref<!tpu.dma_semaphore, #tpu.memory_space<semaphore_mem>>)
        %dma_wait3A = arith.constant 0 : i32
        %dma_wait3A_107 = arith.constant 0 : i32
        %dma_wait3A_108 = tpu.memref_slice %arg2[%add3A_75, %dma_wait3A, %dma_wait3A_107] : memref<5103x2x64xi32, #tpu.memory_space<hbm>> -> memref<47x2x64xi32, #tpu.memory_space<hbm>>
        %dma_wait3A_109 = arith.constant 0 : i32
        %dma_wait3A_110 = arith.constant 0 : i32
        %dma_wait3A_111 = tpu.memref_slice %arg2[%add3A_75, %dma_wait3A_109, %dma_wait3A_110] : memref<5103x2x64xi32, #tpu.memory_space<hbm>> -> memref<47x2x64xi32, #tpu.memory_space<hbm>>
        tpu.wait_dma2 semaphore(%run_scoped3A : memref<!tpu.dma_semaphore, #tpu.memory_space<semaphore_mem>>) src(%dma_wait3A_111 : memref<47x2x64xi32, #tpu.memory_space<hbm>>) dst(%arg5 : memref<47x2x64xi32, #tpu.memory_space<vmem>>)
        tpu.yield
      }) : () -> ()
      %gt3A_76 = arith.constant 0 : i32
      %gt3A_77 = arith.cmpi sgt, %min3A_34, %gt3A_76 : i32
      %convert_element_type3A_78 = arith.extui %gt3A_77 : i1 to i32
      %cond3A_79 = arith.constant 0 : i32
      %cond3A_80 = arith.cmpi ne, %convert_element_type3A_78, %cond3A_79 : i32
      scf.if %cond3A_80 {
        %dma_start3A = arith.constant 0 : i32
        %dma_start3A_102 = arith.constant 0 : i32
        %dma_start3A_103 = arith.constant 0 : i32
        %dma_start3A_104 = arith.constant 0 : i32
        %dma_start3A_105 = arith.constant 0 : i32
        %dma_start3A_106 = arith.constant 0 : i32
        %dma_start3A_107 = tpu.memref_slice %arg6[%dma_start3A_103, %dma_start3A_105, %dma_start3A_106] : memref<4x64x128xf32, #tpu.memory_space<vmem>> -> memref<1x64x128xf32, #tpu.memory_space<vmem>>
        %dma_start3A_108 = tpu.memref_squeeze %dma_start3A_107 : memref<1x64x128xf32, #tpu.memory_space<vmem>> -> memref<64x128xf32, #tpu.memory_space<vmem>>
        %dma_start3A_109 = arith.constant 0 : i32
        %dma_start3A_110 = tpu.memref_slice %arg5[%dma_start3A, %dma_start3A_102, %dma_start3A_109] : memref<47x2x64xi32, #tpu.memory_space<vmem>> -> memref<1x1x64xi32, #tpu.memory_space<vmem>>
        %dma_start3A_111 = tpu.memref_squeeze %dma_start3A_110 : memref<1x1x64xi32, #tpu.memory_space<vmem>> -> memref<64xi32, #tpu.memory_space<vmem>>
        %dma_start3A_112 = arith.constant 0 : i32
        %dma_start3A_113 = arith.constant 0 : i32
        %dma_start3A_114 = tpu.memref_slice %arg3[%dma_start3A_112, %dma_start3A_113] : memref<10240x128xf32, #tpu.memory_space<hbm>> -> memref<10240x128xf32, #tpu.memory_space<hbm>>
        %dma_start3A_115 = tpu.memref_slice %arg8[%dma_start3A_104] : memref<4x!tpu.dma_semaphore, #tpu.memory_space<semaphore_mem>> -> memref<1x!tpu.dma_semaphore, #tpu.memory_space<semaphore_mem>>
        %dma_start3A_116 = tpu.memref_squeeze %dma_start3A_115 : memref<1x!tpu.dma_semaphore, #tpu.memory_space<semaphore_mem>> -> memref<!tpu.dma_semaphore, #tpu.memory_space<semaphore_mem>>
        tpu.enqueue_indirect_dma source(%dma_start3A_114 : memref<10240x128xf32, #tpu.memory_space<hbm>>) target(%dma_start3A_108 : memref<64x128xf32, #tpu.memory_space<vmem>>) offsets(%dma_start3A_111 : memref<64xi32, #tpu.memory_space<vmem>>) semaphore(%dma_start3A_116 : memref<!tpu.dma_semaphore, #tpu.memory_space<semaphore_mem>>)
      } else {
      }
      %gt3A_81 = arith.constant 1 : i32
      %gt3A_82 = arith.cmpi sgt, %min3A_34, %gt3A_81 : i32
      %convert_element_type3A_83 = arith.extui %gt3A_82 : i1 to i32
      %cond3A_84 = arith.constant 0 : i32
      %cond3A_85 = arith.cmpi ne, %convert_element_type3A_83, %cond3A_84 : i32
      scf.if %cond3A_85 {
        %dma_start3A = arith.constant 1 : i32
        %dma_start3A_102 = arith.constant 0 : i32
        %dma_start3A_103 = arith.constant 1 : i32
        %dma_start3A_104 = arith.constant 1 : i32
        %dma_start3A_105 = arith.constant 0 : i32
        %dma_start3A_106 = arith.constant 0 : i32
        %dma_start3A_107 = tpu.memref_slice %arg6[%dma_start3A_103, %dma_start3A_105, %dma_start3A_106] : memref<4x64x128xf32, #tpu.memory_space<vmem>> -> memref<1x64x128xf32, #tpu.memory_space<vmem>>
        %dma_start3A_108 = tpu.memref_squeeze %dma_start3A_107 : memref<1x64x128xf32, #tpu.memory_space<vmem>> -> memref<64x128xf32, #tpu.memory_space<vmem>>
        %dma_start3A_109 = arith.constant 0 : i32
        %dma_start3A_110 = tpu.memref_slice %arg5[%dma_start3A, %dma_start3A_102, %dma_start3A_109] : memref<47x2x64xi32, #tpu.memory_space<vmem>> -> memref<1x1x64xi32, #tpu.memory_space<vmem>>
        %dma_start3A_111 = tpu.memref_squeeze %dma_start3A_110 : memref<1x1x64xi32, #tpu.memory_space<vmem>> -> memref<64xi32, #tpu.memory_space<vmem>>
        %dma_start3A_112 = arith.constant 0 : i32
        %dma_start3A_113 = arith.constant 0 : i32
        %dma_start3A_114 = tpu.memref_slice %arg3[%dma_start3A_112, %dma_start3A_113] : memref<10240x128xf32, #tpu.memory_space<hbm>> -> memref<10240x128xf32, #tpu.memory_space<hbm>>
        %dma_start3A_115 = tpu.memref_slice %arg8[%dma_start3A_104] : memref<4x!tpu.dma_semaphore, #tpu.memory_space<semaphore_mem>> -> memref<1x!tpu.dma_semaphore, #tpu.memory_space<semaphore_mem>>
        %dma_start3A_116 = tpu.memref_squeeze %dma_start3A_115 : memref<1x!tpu.dma_semaphore, #tpu.memory_space<semaphore_mem>> -> memref<!tpu.dma_semaphore, #tpu.memory_space<semaphore_mem>>
        tpu.enqueue_indirect_dma source(%dma_start3A_114 : memref<10240x128xf32, #tpu.memory_space<hbm>>) target(%dma_start3A_108 : memref<64x128xf32, #tpu.memory_space<vmem>>) offsets(%dma_start3A_111 : memref<64xi32, #tpu.memory_space<vmem>>) semaphore(%dma_start3A_116 : memref<!tpu.dma_semaphore, #tpu.memory_space<semaphore_mem>>)
      } else {
      }
      %gt3A_86 = arith.constant 2 : i32
      %gt3A_87 = arith.cmpi sgt, %min3A_34, %gt3A_86 : i32
      %convert_element_type3A_88 = arith.extui %gt3A_87 : i1 to i32
      %cond3A_89 = arith.constant 0 : i32
      %cond3A_90 = arith.cmpi ne, %convert_element_type3A_88, %cond3A_89 : i32
      scf.if %cond3A_90 {
        %dma_start3A = arith.constant 2 : i32
        %dma_start3A_102 = arith.constant 0 : i32
        %dma_start3A_103 = arith.constant 2 : i32
        %dma_start3A_104 = arith.constant 2 : i32
        %dma_start3A_105 = arith.constant 0 : i32
        %dma_start3A_106 = arith.constant 0 : i32
        %dma_start3A_107 = tpu.memref_slice %arg6[%dma_start3A_103, %dma_start3A_105, %dma_start3A_106] : memref<4x64x128xf32, #tpu.memory_space<vmem>> -> memref<1x64x128xf32, #tpu.memory_space<vmem>>
        %dma_start3A_108 = tpu.memref_squeeze %dma_start3A_107 : memref<1x64x128xf32, #tpu.memory_space<vmem>> -> memref<64x128xf32, #tpu.memory_space<vmem>>
        %dma_start3A_109 = arith.constant 0 : i32
        %dma_start3A_110 = tpu.memref_slice %arg5[%dma_start3A, %dma_start3A_102, %dma_start3A_109] : memref<47x2x64xi32, #tpu.memory_space<vmem>> -> memref<1x1x64xi32, #tpu.memory_space<vmem>>
        %dma_start3A_111 = tpu.memref_squeeze %dma_start3A_110 : memref<1x1x64xi32, #tpu.memory_space<vmem>> -> memref<64xi32, #tpu.memory_space<vmem>>
        %dma_start3A_112 = arith.constant 0 : i32
        %dma_start3A_113 = arith.constant 0 : i32
        %dma_start3A_114 = tpu.memref_slice %arg3[%dma_start3A_112, %dma_start3A_113] : memref<10240x128xf32, #tpu.memory_space<hbm>> -> memref<10240x128xf32, #tpu.memory_space<hbm>>
        %dma_start3A_115 = tpu.memref_slice %arg8[%dma_start3A_104] : memref<4x!tpu.dma_semaphore, #tpu.memory_space<semaphore_mem>> -> memref<1x!tpu.dma_semaphore, #tpu.memory_space<semaphore_mem>>
        %dma_start3A_116 = tpu.memref_squeeze %dma_start3A_115 : memref<1x!tpu.dma_semaphore, #tpu.memory_space<semaphore_mem>> -> memref<!tpu.dma_semaphore, #tpu.memory_space<semaphore_mem>>
        tpu.enqueue_indirect_dma source(%dma_start3A_114 : memref<10240x128xf32, #tpu.memory_space<hbm>>) target(%dma_start3A_108 : memref<64x128xf32, #tpu.memory_space<vmem>>) offsets(%dma_start3A_111 : memref<64xi32, #tpu.memory_space<vmem>>) semaphore(%dma_start3A_116 : memref<!tpu.dma_semaphore, #tpu.memory_space<semaphore_mem>>)
      } else {
      }
      %while3A = arith.constant 0 : i32
      %while3A_91 = arith.constant 0 : i32
      %while3A_92 = arith.subi %min3A_34, %while3A : i32
      %while3A_93 = arith.addi %while3A, %while3A_92 : i32
      %while3A_94 = arith.constant 1 : i32
      %while3A_95 = arith.divsi %while3A_92, %while3A_94 : i32
      %while3A_96 = arith.muli %while3A_95, %while3A_94 : i32
      %while3A_97 = arith.addi %while3A, %while3A_96 : i32
      %while3A_98 = arith.constant 1 : i32
      %while3A_99 = scf.for %while3A_102 = %while3A to %while3A_97 step %while3A_98 iter_args(%while3A_103 = %while3A_91) -> (i32)  : i32 {
        %add3A_104 = arith.constant 4 : i32
        %add3A_105 = arith.addi %while3A_102, %add3A_104 : i32
        %sub3A_106 = arith.constant 1 : i32
        %sub3A_107 = arith.subi %add3A_105, %sub3A_106 : i32
        %lt3A = arith.cmpi slt, %sub3A_107, %min3A_34 : i32
        %convert_element_type3A_108 = arith.extui %lt3A : i1 to i32
        %cond3A_109 = arith.constant 0 : i32
        %cond3A_110 = arith.cmpi ne, %convert_element_type3A_108, %cond3A_109 : i32
        scf.if %cond3A_110 {
          %jit3A_137 = arith.constant 4 : i32
          %eq3A_138 = arith.constant 0 : i32
          %eq3A_139 = arith.cmpi eq, %jit3A_137, %eq3A_138 : i32
          %jit3A_140 = arith.constant 1 : i32
          %select_n3A_141 = arith.select %eq3A_139, %jit3A_140, %jit3A_137 : i32
          %rem3A_142 = arith.remsi %sub3A_107, %select_n3A_141 : i32
          %ne3A_143 = arith.constant 0 : i32
          %ne3A_144 = arith.cmpi ne, %rem3A_142, %ne3A_143 : i32
          %lt3A_145 = arith.constant 0 : i32
          %lt3A_146 = arith.cmpi slt, %rem3A_142, %lt3A_145 : i32
          %lt3A_147 = arith.constant 0 : i32
          %lt3A_148 = arith.cmpi slt, %select_n3A_141, %lt3A_147 : i32
          %ne3A_149 = arith.xori %lt3A_146, %lt3A_148 : i1
          %and3A_150 = arith.andi %ne3A_149, %ne3A_144 : i1
          %add3A_151 = arith.addi %rem3A_142, %select_n3A_141 : i32
          %select_n3A_152 = arith.select %and3A_150, %add3A_151, %rem3A_142 : i32
          %jit3A_153 = arith.constant 4 : i32
          %eq3A_154 = arith.constant 0 : i32
          %eq3A_155 = arith.cmpi eq, %jit3A_153, %eq3A_154 : i32
          %jit3A_156 = arith.constant 1 : i32
          %select_n3A_157 = arith.select %eq3A_155, %jit3A_156, %jit3A_153 : i32
          %rem3A_158 = arith.remsi %sub3A_107, %select_n3A_157 : i32
          %ne3A_159 = arith.constant 0 : i32
          %ne3A_160 = arith.cmpi ne, %rem3A_158, %ne3A_159 : i32
          %lt3A_161 = arith.constant 0 : i32
          %lt3A_162 = arith.cmpi slt, %rem3A_158, %lt3A_161 : i32
          %lt3A_163 = arith.constant 0 : i32
          %lt3A_164 = arith.cmpi slt, %select_n3A_157, %lt3A_163 : i32
          %ne3A_165 = arith.xori %lt3A_162, %lt3A_164 : i1
          %and3A_166 = arith.andi %ne3A_165, %ne3A_160 : i1
          %add3A_167 = arith.addi %rem3A_158, %select_n3A_157 : i32
          %select_n3A_168 = arith.select %and3A_166, %add3A_167, %rem3A_158 : i32
          %dma_start3A = arith.constant 0 : i32
          %dma_start3A_169 = arith.constant 0 : i32
          %dma_start3A_170 = arith.constant 0 : i32
          %dma_start3A_171 = tpu.memref_slice %arg6[%select_n3A_152, %dma_start3A_169, %dma_start3A_170] : memref<4x64x128xf32, #tpu.memory_space<vmem>> -> memref<1x64x128xf32, #tpu.memory_space<vmem>>
          %dma_start3A_172 = tpu.memref_squeeze %dma_start3A_171 : memref<1x64x128xf32, #tpu.memory_space<vmem>> -> memref<64x128xf32, #tpu.memory_space<vmem>>
          %dma_start3A_173 = arith.constant 0 : i32
          %dma_start3A_174 = tpu.memref_slice %arg5[%sub3A_107, %dma_start3A, %dma_start3A_173] : memref<47x2x64xi32, #tpu.memory_space<vmem>> -> memref<1x1x64xi32, #tpu.memory_space<vmem>>
          %dma_start3A_175 = tpu.memref_squeeze %dma_start3A_174 : memref<1x1x64xi32, #tpu.memory_space<vmem>> -> memref<64xi32, #tpu.memory_space<vmem>>
          %dma_start3A_176 = arith.constant 0 : i32
          %dma_start3A_177 = arith.constant 0 : i32
          %dma_start3A_178 = tpu.memref_slice %arg3[%dma_start3A_176, %dma_start3A_177] : memref<10240x128xf32, #tpu.memory_space<hbm>> -> memref<10240x128xf32, #tpu.memory_space<hbm>>
          %dma_start3A_179 = tpu.memref_slice %arg8[%select_n3A_168] : memref<4x!tpu.dma_semaphore, #tpu.memory_space<semaphore_mem>> -> memref<1x!tpu.dma_semaphore, #tpu.memory_space<semaphore_mem>>
          %dma_start3A_180 = tpu.memref_squeeze %dma_start3A_179 : memref<1x!tpu.dma_semaphore, #tpu.memory_space<semaphore_mem>> -> memref<!tpu.dma_semaphore, #tpu.memory_space<semaphore_mem>>
          tpu.enqueue_indirect_dma source(%dma_start3A_178 : memref<10240x128xf32, #tpu.memory_space<hbm>>) target(%dma_start3A_172 : memref<64x128xf32, #tpu.memory_space<vmem>>) offsets(%dma_start3A_175 : memref<64xi32, #tpu.memory_space<vmem>>) semaphore(%dma_start3A_180 : memref<!tpu.dma_semaphore, #tpu.memory_space<semaphore_mem>>)
        } else {
        }
        %jit3A_111 = arith.constant 4 : i32
        %eq3A_112 = arith.constant 0 : i32
        %eq3A_113 = arith.cmpi eq, %jit3A_111, %eq3A_112 : i32
        %jit3A_114 = arith.constant 1 : i32
        %select_n3A_115 = arith.select %eq3A_113, %jit3A_114, %jit3A_111 : i32
        %rem3A = arith.remsi %while3A_102, %select_n3A_115 : i32
        %ne3A = arith.constant 0 : i32
        %ne3A_116 = arith.cmpi ne, %rem3A, %ne3A : i32
        %lt3A_117 = arith.constant 0 : i32
        %lt3A_118 = arith.cmpi slt, %rem3A, %lt3A_117 : i32
        %lt3A_119 = arith.constant 0 : i32
        %lt3A_120 = arith.cmpi slt, %select_n3A_115, %lt3A_119 : i32
        %ne3A_121 = arith.xori %lt3A_118, %lt3A_120 : i1
        %and3A = arith.andi %ne3A_121, %ne3A_116 : i1
        %add3A_122 = arith.addi %rem3A, %select_n3A_115 : i32
        %select_n3A_123 = arith.select %and3A, %add3A_122, %rem3A : i32
        %dma_wait3A = arith.constant 0 : i32
        %dma_wait3A_124 = arith.constant 0 : i32
        %dma_wait3A_125 = arith.constant 0 : i32
        %dma_wait3A_126 = tpu.memref_slice %arg6[%select_n3A_123, %dma_wait3A_124, %dma_wait3A_125] : memref<4x64x128xf32, #tpu.memory_space<vmem>> -> memref<1x64x128xf32, #tpu.memory_space<vmem>>
        %dma_wait3A_127 = tpu.memref_squeeze %dma_wait3A_126 : memref<1x64x128xf32, #tpu.memory_space<vmem>> -> memref<64x128xf32, #tpu.memory_space<vmem>>
        %dma_wait3A_128 = arith.constant 0 : i32
        %dma_wait3A_129 = tpu.memref_slice %arg5[%while3A_102, %dma_wait3A, %dma_wait3A_128] : memref<47x2x64xi32, #tpu.memory_space<vmem>> -> memref<1x1x64xi32, #tpu.memory_space<vmem>>
        %dma_wait3A_130 = tpu.memref_squeeze %dma_wait3A_129 : memref<1x1x64xi32, #tpu.memory_space<vmem>> -> memref<64xi32, #tpu.memory_space<vmem>>
        %dma_wait3A_131 = arith.constant 0 : i32
        %dma_wait3A_132 = arith.constant 0 : i32
        %dma_wait3A_133 = tpu.memref_slice %arg3[%dma_wait3A_131, %dma_wait3A_132] : memref<10240x128xf32, #tpu.memory_space<hbm>> -> memref<10240x128xf32, #tpu.memory_space<hbm>>
        %dma_wait3A_134 = tpu.memref_slice %arg8[%select_n3A_123] : memref<4x!tpu.dma_semaphore, #tpu.memory_space<semaphore_mem>> -> memref<1x!tpu.dma_semaphore, #tpu.memory_space<semaphore_mem>>
        %dma_wait3A_135 = tpu.memref_squeeze %dma_wait3A_134 : memref<1x!tpu.dma_semaphore, #tpu.memory_space<semaphore_mem>> -> memref<!tpu.dma_semaphore, #tpu.memory_space<semaphore_mem>>
        tpu.wait_indirect_dma semaphore(%dma_wait3A_135 : memref<!tpu.dma_semaphore, #tpu.memory_space<semaphore_mem>>) src(%dma_wait3A_133 : memref<10240x128xf32, #tpu.memory_space<hbm>>) dst(%dma_wait3A_127 : memref<64x128xf32, #tpu.memory_space<vmem>>)
        %run_scoped3A = arith.constant 1 : i32
        "tpu.region"() ({
          %run_scoped3A_137 = tpu.sem_alloc : memref<!tpu.dma_semaphore, #tpu.memory_space<semaphore_mem>>
          %dma_start3A = arith.constant 0 : i32
          %dma_start3A_138 = arith.constant 0 : i32
          %dma_start3A_139 = tpu.memref_slice %arg6[%select_n3A_123, %dma_start3A, %dma_start3A_138] : memref<4x64x128xf32, #tpu.memory_space<vmem>> -> memref<1x64x128xf32, #tpu.memory_space<vmem>>
          %dma_start3A_140 = tpu.memref_squeeze %dma_start3A_139 : memref<1x64x128xf32, #tpu.memory_space<vmem>> -> memref<64x128xf32, #tpu.memory_space<vmem>>
          %dma_start3A_141 = arith.constant 0 : i32
          %dma_start3A_142 = tpu.memref_slice %arg5[%while3A_102, %run_scoped3A, %dma_start3A_141] : memref<47x2x64xi32, #tpu.memory_space<vmem>> -> memref<1x1x64xi32, #tpu.memory_space<vmem>>
          %dma_start3A_143 = tpu.memref_squeeze %dma_start3A_142 : memref<1x1x64xi32, #tpu.memory_space<vmem>> -> memref<64xi32, #tpu.memory_space<vmem>>
          %dma_start3A_144 = arith.constant 0 : i32
          %dma_start3A_145 = arith.constant 0 : i32
          %dma_start3A_146 = tpu.memref_slice %arg7[%dma_start3A_144, %dma_start3A_145] : memref<10240x128xf32, #tpu.memory_space<vmem_shared>> -> memref<10240x128xf32, #tpu.memory_space<vmem_shared>>
          tpu.enqueue_indirect_dma source(%dma_start3A_140 : memref<64x128xf32, #tpu.memory_space<vmem>>) target(%dma_start3A_146 : memref<10240x128xf32, #tpu.memory_space<vmem_shared>>) offsets(%dma_start3A_143 : memref<64xi32, #tpu.memory_space<vmem>>) semaphore(%run_scoped3A_137 : memref<!tpu.dma_semaphore, #tpu.memory_space<semaphore_mem>>) {add = true}
          %dma_wait3A_147 = arith.constant 0 : i32
          %dma_wait3A_148 = arith.constant 0 : i32
          %dma_wait3A_149 = tpu.memref_slice %arg6[%select_n3A_123, %dma_wait3A_147, %dma_wait3A_148] : memref<4x64x128xf32, #tpu.memory_space<vmem>> -> memref<1x64x128xf32, #tpu.memory_space<vmem>>
          %dma_wait3A_150 = tpu.memref_squeeze %dma_wait3A_149 : memref<1x64x128xf32, #tpu.memory_space<vmem>> -> memref<64x128xf32, #tpu.memory_space<vmem>>
          %dma_wait3A_151 = arith.constant 0 : i32
          %dma_wait3A_152 = tpu.memref_slice %arg5[%while3A_102, %run_scoped3A, %dma_wait3A_151] : memref<47x2x64xi32, #tpu.memory_space<vmem>> -> memref<1x1x64xi32, #tpu.memory_space<vmem>>
          %dma_wait3A_153 = tpu.memref_squeeze %dma_wait3A_152 : memref<1x1x64xi32, #tpu.memory_space<vmem>> -> memref<64xi32, #tpu.memory_space<vmem>>
          %dma_wait3A_154 = arith.constant 0 : i32
          %dma_wait3A_155 = arith.constant 0 : i32
          %dma_wait3A_156 = tpu.memref_slice %arg7[%dma_wait3A_154, %dma_wait3A_155] : memref<10240x128xf32, #tpu.memory_space<vmem_shared>> -> memref<10240x128xf32, #tpu.memory_space<vmem_shared>>
          tpu.wait_indirect_dma semaphore(%run_scoped3A_137 : memref<!tpu.dma_semaphore, #tpu.memory_space<semaphore_mem>>) src(%dma_wait3A_150 : memref<64x128xf32, #tpu.memory_space<vmem>>) dst(%dma_wait3A_156 : memref<10240x128xf32, #tpu.memory_space<vmem_shared>>)
          tpu.yield
        }) : () -> ()
        %while3A_136 = arith.constant 0 : i32
        scf.yield %while3A_136 : i32
      }
      %while3A_100 = arith.constant 1 : i32
      %while3A_101 = scf.for %while3A_102 = %while3A_97 to %while3A_93 step %while3A_100 iter_args(%while3A_103 = %while3A_99) -> (i32)  : i32 {
        %add3A_104 = arith.constant 4 : i32
        %add3A_105 = arith.addi %while3A_102, %add3A_104 : i32
        %sub3A_106 = arith.constant 1 : i32
        %sub3A_107 = arith.subi %add3A_105, %sub3A_106 : i32
        %lt3A = arith.cmpi slt, %sub3A_107, %min3A_34 : i32
        %convert_element_type3A_108 = arith.extui %lt3A : i1 to i32
        %cond3A_109 = arith.constant 0 : i32
        %cond3A_110 = arith.cmpi ne, %convert_element_type3A_108, %cond3A_109 : i32
        scf.if %cond3A_110 {
          %jit3A_137 = arith.constant 4 : i32
          %eq3A_138 = arith.constant 0 : i32
          %eq3A_139 = arith.cmpi eq, %jit3A_137, %eq3A_138 : i32
          %jit3A_140 = arith.constant 1 : i32
          %select_n3A_141 = arith.select %eq3A_139, %jit3A_140, %jit3A_137 : i32
          %rem3A_142 = arith.remsi %sub3A_107, %select_n3A_141 : i32
          %ne3A_143 = arith.constant 0 : i32
          %ne3A_144 = arith.cmpi ne, %rem3A_142, %ne3A_143 : i32
          %lt3A_145 = arith.constant 0 : i32
          %lt3A_146 = arith.cmpi slt, %rem3A_142, %lt3A_145 : i32
          %lt3A_147 = arith.constant 0 : i32
          %lt3A_148 = arith.cmpi slt, %select_n3A_141, %lt3A_147 : i32
          %ne3A_149 = arith.xori %lt3A_146, %lt3A_148 : i1
          %and3A_150 = arith.andi %ne3A_149, %ne3A_144 : i1
          %add3A_151 = arith.addi %rem3A_142, %select_n3A_141 : i32
          %select_n3A_152 = arith.select %and3A_150, %add3A_151, %rem3A_142 : i32
          %jit3A_153 = arith.constant 4 : i32
          %eq3A_154 = arith.constant 0 : i32
          %eq3A_155 = arith.cmpi eq, %jit3A_153, %eq3A_154 : i32
          %jit3A_156 = arith.constant 1 : i32
          %select_n3A_157 = arith.select %eq3A_155, %jit3A_156, %jit3A_153 : i32
          %rem3A_158 = arith.remsi %sub3A_107, %select_n3A_157 : i32
          %ne3A_159 = arith.constant 0 : i32
          %ne3A_160 = arith.cmpi ne, %rem3A_158, %ne3A_159 : i32
          %lt3A_161 = arith.constant 0 : i32
          %lt3A_162 = arith.cmpi slt, %rem3A_158, %lt3A_161 : i32
          %lt3A_163 = arith.constant 0 : i32
          %lt3A_164 = arith.cmpi slt, %select_n3A_157, %lt3A_163 : i32
          %ne3A_165 = arith.xori %lt3A_162, %lt3A_164 : i1
          %and3A_166 = arith.andi %ne3A_165, %ne3A_160 : i1
          %add3A_167 = arith.addi %rem3A_158, %select_n3A_157 : i32
          %select_n3A_168 = arith.select %and3A_166, %add3A_167, %rem3A_158 : i32
          %dma_start3A = arith.constant 0 : i32
          %dma_start3A_169 = arith.constant 0 : i32
          %dma_start3A_170 = arith.constant 0 : i32
          %dma_start3A_171 = tpu.memref_slice %arg6[%select_n3A_152, %dma_start3A_169, %dma_start3A_170] : memref<4x64x128xf32, #tpu.memory_space<vmem>> -> memref<1x64x128xf32, #tpu.memory_space<vmem>>
          %dma_start3A_172 = tpu.memref_squeeze %dma_start3A_171 : memref<1x64x128xf32, #tpu.memory_space<vmem>> -> memref<64x128xf32, #tpu.memory_space<vmem>>
          %dma_start3A_173 = arith.constant 0 : i32
          %dma_start3A_174 = tpu.memref_slice %arg5[%sub3A_107, %dma_start3A, %dma_start3A_173] : memref<47x2x64xi32, #tpu.memory_space<vmem>> -> memref<1x1x64xi32, #tpu.memory_space<vmem>>
          %dma_start3A_175 = tpu.memref_squeeze %dma_start3A_174 : memref<1x1x64xi32, #tpu.memory_space<vmem>> -> memref<64xi32, #tpu.memory_space<vmem>>
          %dma_start3A_176 = arith.constant 0 : i32
          %dma_start3A_177 = arith.constant 0 : i32
          %dma_start3A_178 = tpu.memref_slice %arg3[%dma_start3A_176, %dma_start3A_177] : memref<10240x128xf32, #tpu.memory_space<hbm>> -> memref<10240x128xf32, #tpu.memory_space<hbm>>
          %dma_start3A_179 = tpu.memref_slice %arg8[%select_n3A_168] : memref<4x!tpu.dma_semaphore, #tpu.memory_space<semaphore_mem>> -> memref<1x!tpu.dma_semaphore, #tpu.memory_space<semaphore_mem>>
          %dma_start3A_180 = tpu.memref_squeeze %dma_start3A_179 : memref<1x!tpu.dma_semaphore, #tpu.memory_space<semaphore_mem>> -> memref<!tpu.dma_semaphore, #tpu.memory_space<semaphore_mem>>
          tpu.enqueue_indirect_dma source(%dma_start3A_178 : memref<10240x128xf32, #tpu.memory_space<hbm>>) target(%dma_start3A_172 : memref<64x128xf32, #tpu.memory_space<vmem>>) offsets(%dma_start3A_175 : memref<64xi32, #tpu.memory_space<vmem>>) semaphore(%dma_start3A_180 : memref<!tpu.dma_semaphore, #tpu.memory_space<semaphore_mem>>)
        } else {
        }
        %jit3A_111 = arith.constant 4 : i32
        %eq3A_112 = arith.constant 0 : i32
        %eq3A_113 = arith.cmpi eq, %jit3A_111, %eq3A_112 : i32
        %jit3A_114 = arith.constant 1 : i32
        %select_n3A_115 = arith.select %eq3A_113, %jit3A_114, %jit3A_111 : i32
        %rem3A = arith.remsi %while3A_102, %select_n3A_115 : i32
        %ne3A = arith.constant 0 : i32
        %ne3A_116 = arith.cmpi ne, %rem3A, %ne3A : i32
        %lt3A_117 = arith.constant 0 : i32
        %lt3A_118 = arith.cmpi slt, %rem3A, %lt3A_117 : i32
        %lt3A_119 = arith.constant 0 : i32
        %lt3A_120 = arith.cmpi slt, %select_n3A_115, %lt3A_119 : i32
        %ne3A_121 = arith.xori %lt3A_118, %lt3A_120 : i1
        %and3A = arith.andi %ne3A_121, %ne3A_116 : i1
        %add3A_122 = arith.addi %rem3A, %select_n3A_115 : i32
        %select_n3A_123 = arith.select %and3A, %add3A_122, %rem3A : i32
        %dma_wait3A = arith.constant 0 : i32
        %dma_wait3A_124 = arith.constant 0 : i32
        %dma_wait3A_125 = arith.constant 0 : i32
        %dma_wait3A_126 = tpu.memref_slice %arg6[%select_n3A_123, %dma_wait3A_124, %dma_wait3A_125] : memref<4x64x128xf32, #tpu.memory_space<vmem>> -> memref<1x64x128xf32, #tpu.memory_space<vmem>>
        %dma_wait3A_127 = tpu.memref_squeeze %dma_wait3A_126 : memref<1x64x128xf32, #tpu.memory_space<vmem>> -> memref<64x128xf32, #tpu.memory_space<vmem>>
        %dma_wait3A_128 = arith.constant 0 : i32
        %dma_wait3A_129 = tpu.memref_slice %arg5[%while3A_102, %dma_wait3A, %dma_wait3A_128] : memref<47x2x64xi32, #tpu.memory_space<vmem>> -> memref<1x1x64xi32, #tpu.memory_space<vmem>>
        %dma_wait3A_130 = tpu.memref_squeeze %dma_wait3A_129 : memref<1x1x64xi32, #tpu.memory_space<vmem>> -> memref<64xi32, #tpu.memory_space<vmem>>
        %dma_wait3A_131 = arith.constant 0 : i32
        %dma_wait3A_132 = arith.constant 0 : i32
        %dma_wait3A_133 = tpu.memref_slice %arg3[%dma_wait3A_131, %dma_wait3A_132] : memref<10240x128xf32, #tpu.memory_space<hbm>> -> memref<10240x128xf32, #tpu.memory_space<hbm>>
        %dma_wait3A_134 = tpu.memref_slice %arg8[%select_n3A_123] : memref<4x!tpu.dma_semaphore, #tpu.memory_space<semaphore_mem>> -> memref<1x!tpu.dma_semaphore, #tpu.memory_space<semaphore_mem>>
        %dma_wait3A_135 = tpu.memref_squeeze %dma_wait3A_134 : memref<1x!tpu.dma_semaphore, #tpu.memory_space<semaphore_mem>> -> memref<!tpu.dma_semaphore, #tpu.memory_space<semaphore_mem>>
        tpu.wait_indirect_dma semaphore(%dma_wait3A_135 : memref<!tpu.dma_semaphore, #tpu.memory_space<semaphore_mem>>) src(%dma_wait3A_133 : memref<10240x128xf32, #tpu.memory_space<hbm>>) dst(%dma_wait3A_127 : memref<64x128xf32, #tpu.memory_space<vmem>>)
        %run_scoped3A = arith.constant 1 : i32
        "tpu.region"() ({
          %run_scoped3A_137 = tpu.sem_alloc : memref<!tpu.dma_semaphore, #tpu.memory_space<semaphore_mem>>
          %dma_start3A = arith.constant 0 : i32
          %dma_start3A_138 = arith.constant 0 : i32
          %dma_start3A_139 = tpu.memref_slice %arg6[%select_n3A_123, %dma_start3A, %dma_start3A_138] : memref<4x64x128xf32, #tpu.memory_space<vmem>> -> memref<1x64x128xf32, #tpu.memory_space<vmem>>
          %dma_start3A_140 = tpu.memref_squeeze %dma_start3A_139 : memref<1x64x128xf32, #tpu.memory_space<vmem>> -> memref<64x128xf32, #tpu.memory_space<vmem>>
          %dma_start3A_141 = arith.constant 0 : i32
          %dma_start3A_142 = tpu.memref_slice %arg5[%while3A_102, %run_scoped3A, %dma_start3A_141] : memref<47x2x64xi32, #tpu.memory_space<vmem>> -> memref<1x1x64xi32, #tpu.memory_space<vmem>>
          %dma_start3A_143 = tpu.memref_squeeze %dma_start3A_142 : memref<1x1x64xi32, #tpu.memory_space<vmem>> -> memref<64xi32, #tpu.memory_space<vmem>>
          %dma_start3A_144 = arith.constant 0 : i32
          %dma_start3A_145 = arith.constant 0 : i32
          %dma_start3A_146 = tpu.memref_slice %arg7[%dma_start3A_144, %dma_start3A_145] : memref<10240x128xf32, #tpu.memory_space<vmem_shared>> -> memref<10240x128xf32, #tpu.memory_space<vmem_shared>>
          tpu.enqueue_indirect_dma source(%dma_start3A_140 : memref<64x128xf32, #tpu.memory_space<vmem>>) target(%dma_start3A_146 : memref<10240x128xf32, #tpu.memory_space<vmem_shared>>) offsets(%dma_start3A_143 : memref<64xi32, #tpu.memory_space<vmem>>) semaphore(%run_scoped3A_137 : memref<!tpu.dma_semaphore, #tpu.memory_space<semaphore_mem>>) {add = true}
          %dma_wait3A_147 = arith.constant 0 : i32
          %dma_wait3A_148 = arith.constant 0 : i32
          %dma_wait3A_149 = tpu.memref_slice %arg6[%select_n3A_123, %dma_wait3A_147, %dma_wait3A_148] : memref<4x64x128xf32, #tpu.memory_space<vmem>> -> memref<1x64x128xf32, #tpu.memory_space<vmem>>
          %dma_wait3A_150 = tpu.memref_squeeze %dma_wait3A_149 : memref<1x64x128xf32, #tpu.memory_space<vmem>> -> memref<64x128xf32, #tpu.memory_space<vmem>>
          %dma_wait3A_151 = arith.constant 0 : i32
          %dma_wait3A_152 = tpu.memref_slice %arg5[%while3A_102, %run_scoped3A, %dma_wait3A_151] : memref<47x2x64xi32, #tpu.memory_space<vmem>> -> memref<1x1x64xi32, #tpu.memory_space<vmem>>
          %dma_wait3A_153 = tpu.memref_squeeze %dma_wait3A_152 : memref<1x1x64xi32, #tpu.memory_space<vmem>> -> memref<64xi32, #tpu.memory_space<vmem>>
          %dma_wait3A_154 = arith.constant 0 : i32
          %dma_wait3A_155 = arith.constant 0 : i32
          %dma_wait3A_156 = tpu.memref_slice %arg7[%dma_wait3A_154, %dma_wait3A_155] : memref<10240x128xf32, #tpu.memory_space<vmem_shared>> -> memref<10240x128xf32, #tpu.memory_space<vmem_shared>>
          tpu.wait_indirect_dma semaphore(%run_scoped3A_137 : memref<!tpu.dma_semaphore, #tpu.memory_space<semaphore_mem>>) src(%dma_wait3A_150 : memref<64x128xf32, #tpu.memory_space<vmem>>) dst(%dma_wait3A_156 : memref<10240x128xf32, #tpu.memory_space<vmem_shared>>)
          tpu.yield
        }) : () -> ()
        %while3A_136 = arith.constant 0 : i32
        scf.yield %while3A_136 : i32
      }
    } else {
    }
    %sub3A_40 = arith.constant 94 : i32
    %sub3A_41 = arith.subi %select_n3A, %sub3A_40 : i32
    %jit3A_42 = arith.constant 0 : i32
    %jit3A_43 = arith.constant 47 : i32
    %max3A_44 = arith.maxsi %jit3A_42, %sub3A_41 : i32
    %min3A_45 = arith.minsi %jit3A_43, %max3A_44 : i32
    %gt3A_46 = arith.constant 0 : i32
    %gt3A_47 = arith.cmpi sgt, %min3A_45, %gt3A_46 : i32
    %convert_element_type3A_48 = arith.extui %gt3A_47 : i1 to i32
    %cond3A_49 = arith.constant 0 : i32
    %cond3A_50 = arith.cmpi ne, %convert_element_type3A_48, %cond3A_49 : i32
    scf.if %cond3A_50 {
      %add3A_74 = arith.constant 94 : i32
      %add3A_75 = arith.addi %select_n3A_8, %add3A_74 : i32
      "tpu.region"() ({
        %run_scoped3A = tpu.sem_alloc : memref<!tpu.dma_semaphore, #tpu.memory_space<semaphore_mem>>
        %dma_start3A = arith.constant 0 : i32
        %dma_start3A_102 = arith.constant 0 : i32
        %dma_start3A_103 = tpu.memref_slice %arg2[%add3A_75, %dma_start3A, %dma_start3A_102] : memref<5103x2x64xi32, #tpu.memory_space<hbm>> -> memref<47x2x64xi32, #tpu.memory_space<hbm>>
        %dma_start3A_104 = arith.constant 0 : i32
        %dma_start3A_105 = arith.constant 0 : i32
        %dma_start3A_106 = tpu.memref_slice %arg2[%add3A_75, %dma_start3A_104, %dma_start3A_105] : memref<5103x2x64xi32, #tpu.memory_space<hbm>> -> memref<47x2x64xi32, #tpu.memory_space<hbm>>
        tpu.enqueue_dma source(%dma_start3A_106 : memref<47x2x64xi32, #tpu.memory_space<hbm>>) target(%arg5 : memref<47x2x64xi32, #tpu.memory_space<vmem>>) target_semaphore(%run_scoped3A : memref<!tpu.dma_semaphore, #tpu.memory_space<semaphore_mem>>)
        %dma_wait3A = arith.constant 0 : i32
        %dma_wait3A_107 = arith.constant 0 : i32
        %dma_wait3A_108 = tpu.memref_slice %arg2[%add3A_75, %dma_wait3A, %dma_wait3A_107] : memref<5103x2x64xi32, #tpu.memory_space<hbm>> -> memref<47x2x64xi32, #tpu.memory_space<hbm>>
        %dma_wait3A_109 = arith.constant 0 : i32
        %dma_wait3A_110 = arith.constant 0 : i32
        %dma_wait3A_111 = tpu.memref_slice %arg2[%add3A_75, %dma_wait3A_109, %dma_wait3A_110] : memref<5103x2x64xi32, #tpu.memory_space<hbm>> -> memref<47x2x64xi32, #tpu.memory_space<hbm>>
        tpu.wait_dma2 semaphore(%run_scoped3A : memref<!tpu.dma_semaphore, #tpu.memory_space<semaphore_mem>>) src(%dma_wait3A_111 : memref<47x2x64xi32, #tpu.memory_space<hbm>>) dst(%arg5 : memref<47x2x64xi32, #tpu.memory_space<vmem>>)
        tpu.yield
      }) : () -> ()
      %gt3A_76 = arith.constant 0 : i32
      %gt3A_77 = arith.cmpi sgt, %min3A_45, %gt3A_76 : i32
      %convert_element_type3A_78 = arith.extui %gt3A_77 : i1 to i32
      %cond3A_79 = arith.constant 0 : i32
      %cond3A_80 = arith.cmpi ne, %convert_element_type3A_78, %cond3A_79 : i32
      scf.if %cond3A_80 {
        %dma_start3A = arith.constant 0 : i32
        %dma_start3A_102 = arith.constant 0 : i32
        %dma_start3A_103 = arith.constant 0 : i32
        %dma_start3A_104 = arith.constant 0 : i32
        %dma_start3A_105 = arith.constant 0 : i32
        %dma_start3A_106 = arith.constant 0 : i32
        %dma_start3A_107 = tpu.memref_slice %arg6[%dma_start3A_103, %dma_start3A_105, %dma_start3A_106] : memref<4x64x128xf32, #tpu.memory_space<vmem>> -> memref<1x64x128xf32, #tpu.memory_space<vmem>>
        %dma_start3A_108 = tpu.memref_squeeze %dma_start3A_107 : memref<1x64x128xf32, #tpu.memory_space<vmem>> -> memref<64x128xf32, #tpu.memory_space<vmem>>
        %dma_start3A_109 = arith.constant 0 : i32
        %dma_start3A_110 = tpu.memref_slice %arg5[%dma_start3A, %dma_start3A_102, %dma_start3A_109] : memref<47x2x64xi32, #tpu.memory_space<vmem>> -> memref<1x1x64xi32, #tpu.memory_space<vmem>>
        %dma_start3A_111 = tpu.memref_squeeze %dma_start3A_110 : memref<1x1x64xi32, #tpu.memory_space<vmem>> -> memref<64xi32, #tpu.memory_space<vmem>>
        %dma_start3A_112 = arith.constant 0 : i32
        %dma_start3A_113 = arith.constant 0 : i32
        %dma_start3A_114 = tpu.memref_slice %arg3[%dma_start3A_112, %dma_start3A_113] : memref<10240x128xf32, #tpu.memory_space<hbm>> -> memref<10240x128xf32, #tpu.memory_space<hbm>>
        %dma_start3A_115 = tpu.memref_slice %arg8[%dma_start3A_104] : memref<4x!tpu.dma_semaphore, #tpu.memory_space<semaphore_mem>> -> memref<1x!tpu.dma_semaphore, #tpu.memory_space<semaphore_mem>>
        %dma_start3A_116 = tpu.memref_squeeze %dma_start3A_115 : memref<1x!tpu.dma_semaphore, #tpu.memory_space<semaphore_mem>> -> memref<!tpu.dma_semaphore, #tpu.memory_space<semaphore_mem>>
        tpu.enqueue_indirect_dma source(%dma_start3A_114 : memref<10240x128xf32, #tpu.memory_space<hbm>>) target(%dma_start3A_108 : memref<64x128xf32, #tpu.memory_space<vmem>>) offsets(%dma_start3A_111 : memref<64xi32, #tpu.memory_space<vmem>>) semaphore(%dma_start3A_116 : memref<!tpu.dma_semaphore, #tpu.memory_space<semaphore_mem>>)
      } else {
      }
      %gt3A_81 = arith.constant 1 : i32
      %gt3A_82 = arith.cmpi sgt, %min3A_45, %gt3A_81 : i32
      %convert_element_type3A_83 = arith.extui %gt3A_82 : i1 to i32
      %cond3A_84 = arith.constant 0 : i32
      %cond3A_85 = arith.cmpi ne, %convert_element_type3A_83, %cond3A_84 : i32
      scf.if %cond3A_85 {
        %dma_start3A = arith.constant 1 : i32
        %dma_start3A_102 = arith.constant 0 : i32
        %dma_start3A_103 = arith.constant 1 : i32
        %dma_start3A_104 = arith.constant 1 : i32
        %dma_start3A_105 = arith.constant 0 : i32
        %dma_start3A_106 = arith.constant 0 : i32
        %dma_start3A_107 = tpu.memref_slice %arg6[%dma_start3A_103, %dma_start3A_105, %dma_start3A_106] : memref<4x64x128xf32, #tpu.memory_space<vmem>> -> memref<1x64x128xf32, #tpu.memory_space<vmem>>
        %dma_start3A_108 = tpu.memref_squeeze %dma_start3A_107 : memref<1x64x128xf32, #tpu.memory_space<vmem>> -> memref<64x128xf32, #tpu.memory_space<vmem>>
        %dma_start3A_109 = arith.constant 0 : i32
        %dma_start3A_110 = tpu.memref_slice %arg5[%dma_start3A, %dma_start3A_102, %dma_start3A_109] : memref<47x2x64xi32, #tpu.memory_space<vmem>> -> memref<1x1x64xi32, #tpu.memory_space<vmem>>
        %dma_start3A_111 = tpu.memref_squeeze %dma_start3A_110 : memref<1x1x64xi32, #tpu.memory_space<vmem>> -> memref<64xi32, #tpu.memory_space<vmem>>
        %dma_start3A_112 = arith.constant 0 : i32
        %dma_start3A_113 = arith.constant 0 : i32
        %dma_start3A_114 = tpu.memref_slice %arg3[%dma_start3A_112, %dma_start3A_113] : memref<10240x128xf32, #tpu.memory_space<hbm>> -> memref<10240x128xf32, #tpu.memory_space<hbm>>
        %dma_start3A_115 = tpu.memref_slice %arg8[%dma_start3A_104] : memref<4x!tpu.dma_semaphore, #tpu.memory_space<semaphore_mem>> -> memref<1x!tpu.dma_semaphore, #tpu.memory_space<semaphore_mem>>
        %dma_start3A_116 = tpu.memref_squeeze %dma_start3A_115 : memref<1x!tpu.dma_semaphore, #tpu.memory_space<semaphore_mem>> -> memref<!tpu.dma_semaphore, #tpu.memory_space<semaphore_mem>>
        tpu.enqueue_indirect_dma source(%dma_start3A_114 : memref<10240x128xf32, #tpu.memory_space<hbm>>) target(%dma_start3A_108 : memref<64x128xf32, #tpu.memory_space<vmem>>) offsets(%dma_start3A_111 : memref<64xi32, #tpu.memory_space<vmem>>) semaphore(%dma_start3A_116 : memref<!tpu.dma_semaphore, #tpu.memory_space<semaphore_mem>>)
      } else {
      }
      %gt3A_86 = arith.constant 2 : i32
      %gt3A_87 = arith.cmpi sgt, %min3A_45, %gt3A_86 : i32
      %convert_element_type3A_88 = arith.extui %gt3A_87 : i1 to i32
      %cond3A_89 = arith.constant 0 : i32
      %cond3A_90 = arith.cmpi ne, %convert_element_type3A_88, %cond3A_89 : i32
      scf.if %cond3A_90 {
        %dma_start3A = arith.constant 2 : i32
        %dma_start3A_102 = arith.constant 0 : i32
        %dma_start3A_103 = arith.constant 2 : i32
        %dma_start3A_104 = arith.constant 2 : i32
        %dma_start3A_105 = arith.constant 0 : i32
        %dma_start3A_106 = arith.constant 0 : i32
        %dma_start3A_107 = tpu.memref_slice %arg6[%dma_start3A_103, %dma_start3A_105, %dma_start3A_106] : memref<4x64x128xf32, #tpu.memory_space<vmem>> -> memref<1x64x128xf32, #tpu.memory_space<vmem>>
        %dma_start3A_108 = tpu.memref_squeeze %dma_start3A_107 : memref<1x64x128xf32, #tpu.memory_space<vmem>> -> memref<64x128xf32, #tpu.memory_space<vmem>>
        %dma_start3A_109 = arith.constant 0 : i32
        %dma_start3A_110 = tpu.memref_slice %arg5[%dma_start3A, %dma_start3A_102, %dma_start3A_109] : memref<47x2x64xi32, #tpu.memory_space<vmem>> -> memref<1x1x64xi32, #tpu.memory_space<vmem>>
        %dma_start3A_111 = tpu.memref_squeeze %dma_start3A_110 : memref<1x1x64xi32, #tpu.memory_space<vmem>> -> memref<64xi32, #tpu.memory_space<vmem>>
        %dma_start3A_112 = arith.constant 0 : i32
        %dma_start3A_113 = arith.constant 0 : i32
        %dma_start3A_114 = tpu.memref_slice %arg3[%dma_start3A_112, %dma_start3A_113] : memref<10240x128xf32, #tpu.memory_space<hbm>> -> memref<10240x128xf32, #tpu.memory_space<hbm>>
        %dma_start3A_115 = tpu.memref_slice %arg8[%dma_start3A_104] : memref<4x!tpu.dma_semaphore, #tpu.memory_space<semaphore_mem>> -> memref<1x!tpu.dma_semaphore, #tpu.memory_space<semaphore_mem>>
        %dma_start3A_116 = tpu.memref_squeeze %dma_start3A_115 : memref<1x!tpu.dma_semaphore, #tpu.memory_space<semaphore_mem>> -> memref<!tpu.dma_semaphore, #tpu.memory_space<semaphore_mem>>
        tpu.enqueue_indirect_dma source(%dma_start3A_114 : memref<10240x128xf32, #tpu.memory_space<hbm>>) target(%dma_start3A_108 : memref<64x128xf32, #tpu.memory_space<vmem>>) offsets(%dma_start3A_111 : memref<64xi32, #tpu.memory_space<vmem>>) semaphore(%dma_start3A_116 : memref<!tpu.dma_semaphore, #tpu.memory_space<semaphore_mem>>)
      } else {
      }
      %while3A = arith.constant 0 : i32
      %while3A_91 = arith.constant 0 : i32
      %while3A_92 = arith.subi %min3A_45, %while3A : i32
      %while3A_93 = arith.addi %while3A, %while3A_92 : i32
      %while3A_94 = arith.constant 1 : i32
      %while3A_95 = arith.divsi %while3A_92, %while3A_94 : i32
      %while3A_96 = arith.muli %while3A_95, %while3A_94 : i32
      %while3A_97 = arith.addi %while3A, %while3A_96 : i32
      %while3A_98 = arith.constant 1 : i32
      %while3A_99 = scf.for %while3A_102 = %while3A to %while3A_97 step %while3A_98 iter_args(%while3A_103 = %while3A_91) -> (i32)  : i32 {
        %add3A_104 = arith.constant 4 : i32
        %add3A_105 = arith.addi %while3A_102, %add3A_104 : i32
        %sub3A_106 = arith.constant 1 : i32
        %sub3A_107 = arith.subi %add3A_105, %sub3A_106 : i32
        %lt3A = arith.cmpi slt, %sub3A_107, %min3A_45 : i32
        %convert_element_type3A_108 = arith.extui %lt3A : i1 to i32
        %cond3A_109 = arith.constant 0 : i32
        %cond3A_110 = arith.cmpi ne, %convert_element_type3A_108, %cond3A_109 : i32
        scf.if %cond3A_110 {
          %jit3A_137 = arith.constant 4 : i32
          %eq3A_138 = arith.constant 0 : i32
          %eq3A_139 = arith.cmpi eq, %jit3A_137, %eq3A_138 : i32
          %jit3A_140 = arith.constant 1 : i32
          %select_n3A_141 = arith.select %eq3A_139, %jit3A_140, %jit3A_137 : i32
          %rem3A_142 = arith.remsi %sub3A_107, %select_n3A_141 : i32
          %ne3A_143 = arith.constant 0 : i32
          %ne3A_144 = arith.cmpi ne, %rem3A_142, %ne3A_143 : i32
          %lt3A_145 = arith.constant 0 : i32
          %lt3A_146 = arith.cmpi slt, %rem3A_142, %lt3A_145 : i32
          %lt3A_147 = arith.constant 0 : i32
          %lt3A_148 = arith.cmpi slt, %select_n3A_141, %lt3A_147 : i32
          %ne3A_149 = arith.xori %lt3A_146, %lt3A_148 : i1
          %and3A_150 = arith.andi %ne3A_149, %ne3A_144 : i1
          %add3A_151 = arith.addi %rem3A_142, %select_n3A_141 : i32
          %select_n3A_152 = arith.select %and3A_150, %add3A_151, %rem3A_142 : i32
          %jit3A_153 = arith.constant 4 : i32
          %eq3A_154 = arith.constant 0 : i32
          %eq3A_155 = arith.cmpi eq, %jit3A_153, %eq3A_154 : i32
          %jit3A_156 = arith.constant 1 : i32
          %select_n3A_157 = arith.select %eq3A_155, %jit3A_156, %jit3A_153 : i32
          %rem3A_158 = arith.remsi %sub3A_107, %select_n3A_157 : i32
          %ne3A_159 = arith.constant 0 : i32
          %ne3A_160 = arith.cmpi ne, %rem3A_158, %ne3A_159 : i32
          %lt3A_161 = arith.constant 0 : i32
          %lt3A_162 = arith.cmpi slt, %rem3A_158, %lt3A_161 : i32
          %lt3A_163 = arith.constant 0 : i32
          %lt3A_164 = arith.cmpi slt, %select_n3A_157, %lt3A_163 : i32
          %ne3A_165 = arith.xori %lt3A_162, %lt3A_164 : i1
          %and3A_166 = arith.andi %ne3A_165, %ne3A_160 : i1
          %add3A_167 = arith.addi %rem3A_158, %select_n3A_157 : i32
          %select_n3A_168 = arith.select %and3A_166, %add3A_167, %rem3A_158 : i32
          %dma_start3A = arith.constant 0 : i32
          %dma_start3A_169 = arith.constant 0 : i32
          %dma_start3A_170 = arith.constant 0 : i32
          %dma_start3A_171 = tpu.memref_slice %arg6[%select_n3A_152, %dma_start3A_169, %dma_start3A_170] : memref<4x64x128xf32, #tpu.memory_space<vmem>> -> memref<1x64x128xf32, #tpu.memory_space<vmem>>
          %dma_start3A_172 = tpu.memref_squeeze %dma_start3A_171 : memref<1x64x128xf32, #tpu.memory_space<vmem>> -> memref<64x128xf32, #tpu.memory_space<vmem>>
          %dma_start3A_173 = arith.constant 0 : i32
          %dma_start3A_174 = tpu.memref_slice %arg5[%sub3A_107, %dma_start3A, %dma_start3A_173] : memref<47x2x64xi32, #tpu.memory_space<vmem>> -> memref<1x1x64xi32, #tpu.memory_space<vmem>>
          %dma_start3A_175 = tpu.memref_squeeze %dma_start3A_174 : memref<1x1x64xi32, #tpu.memory_space<vmem>> -> memref<64xi32, #tpu.memory_space<vmem>>
          %dma_start3A_176 = arith.constant 0 : i32
          %dma_start3A_177 = arith.constant 0 : i32
          %dma_start3A_178 = tpu.memref_slice %arg3[%dma_start3A_176, %dma_start3A_177] : memref<10240x128xf32, #tpu.memory_space<hbm>> -> memref<10240x128xf32, #tpu.memory_space<hbm>>
          %dma_start3A_179 = tpu.memref_slice %arg8[%select_n3A_168] : memref<4x!tpu.dma_semaphore, #tpu.memory_space<semaphore_mem>> -> memref<1x!tpu.dma_semaphore, #tpu.memory_space<semaphore_mem>>
          %dma_start3A_180 = tpu.memref_squeeze %dma_start3A_179 : memref<1x!tpu.dma_semaphore, #tpu.memory_space<semaphore_mem>> -> memref<!tpu.dma_semaphore, #tpu.memory_space<semaphore_mem>>
          tpu.enqueue_indirect_dma source(%dma_start3A_178 : memref<10240x128xf32, #tpu.memory_space<hbm>>) target(%dma_start3A_172 : memref<64x128xf32, #tpu.memory_space<vmem>>) offsets(%dma_start3A_175 : memref<64xi32, #tpu.memory_space<vmem>>) semaphore(%dma_start3A_180 : memref<!tpu.dma_semaphore, #tpu.memory_space<semaphore_mem>>)
        } else {
        }
        %jit3A_111 = arith.constant 4 : i32
        %eq3A_112 = arith.constant 0 : i32
        %eq3A_113 = arith.cmpi eq, %jit3A_111, %eq3A_112 : i32
        %jit3A_114 = arith.constant 1 : i32
        %select_n3A_115 = arith.select %eq3A_113, %jit3A_114, %jit3A_111 : i32
        %rem3A = arith.remsi %while3A_102, %select_n3A_115 : i32
        %ne3A = arith.constant 0 : i32
        %ne3A_116 = arith.cmpi ne, %rem3A, %ne3A : i32
        %lt3A_117 = arith.constant 0 : i32
        %lt3A_118 = arith.cmpi slt, %rem3A, %lt3A_117 : i32
        %lt3A_119 = arith.constant 0 : i32
        %lt3A_120 = arith.cmpi slt, %select_n3A_115, %lt3A_119 : i32
        %ne3A_121 = arith.xori %lt3A_118, %lt3A_120 : i1
        %and3A = arith.andi %ne3A_121, %ne3A_116 : i1
        %add3A_122 = arith.addi %rem3A, %select_n3A_115 : i32
        %select_n3A_123 = arith.select %and3A, %add3A_122, %rem3A : i32
        %dma_wait3A = arith.constant 0 : i32
        %dma_wait3A_124 = arith.constant 0 : i32
        %dma_wait3A_125 = arith.constant 0 : i32
        %dma_wait3A_126 = tpu.memref_slice %arg6[%select_n3A_123, %dma_wait3A_124, %dma_wait3A_125] : memref<4x64x128xf32, #tpu.memory_space<vmem>> -> memref<1x64x128xf32, #tpu.memory_space<vmem>>
        %dma_wait3A_127 = tpu.memref_squeeze %dma_wait3A_126 : memref<1x64x128xf32, #tpu.memory_space<vmem>> -> memref<64x128xf32, #tpu.memory_space<vmem>>
        %dma_wait3A_128 = arith.constant 0 : i32
        %dma_wait3A_129 = tpu.memref_slice %arg5[%while3A_102, %dma_wait3A, %dma_wait3A_128] : memref<47x2x64xi32, #tpu.memory_space<vmem>> -> memref<1x1x64xi32, #tpu.memory_space<vmem>>
        %dma_wait3A_130 = tpu.memref_squeeze %dma_wait3A_129 : memref<1x1x64xi32, #tpu.memory_space<vmem>> -> memref<64xi32, #tpu.memory_space<vmem>>
        %dma_wait3A_131 = arith.constant 0 : i32
        %dma_wait3A_132 = arith.constant 0 : i32
        %dma_wait3A_133 = tpu.memref_slice %arg3[%dma_wait3A_131, %dma_wait3A_132] : memref<10240x128xf32, #tpu.memory_space<hbm>> -> memref<10240x128xf32, #tpu.memory_space<hbm>>
        %dma_wait3A_134 = tpu.memref_slice %arg8[%select_n3A_123] : memref<4x!tpu.dma_semaphore, #tpu.memory_space<semaphore_mem>> -> memref<1x!tpu.dma_semaphore, #tpu.memory_space<semaphore_mem>>
        %dma_wait3A_135 = tpu.memref_squeeze %dma_wait3A_134 : memref<1x!tpu.dma_semaphore, #tpu.memory_space<semaphore_mem>> -> memref<!tpu.dma_semaphore, #tpu.memory_space<semaphore_mem>>
        tpu.wait_indirect_dma semaphore(%dma_wait3A_135 : memref<!tpu.dma_semaphore, #tpu.memory_space<semaphore_mem>>) src(%dma_wait3A_133 : memref<10240x128xf32, #tpu.memory_space<hbm>>) dst(%dma_wait3A_127 : memref<64x128xf32, #tpu.memory_space<vmem>>)
        %run_scoped3A = arith.constant 1 : i32
        "tpu.region"() ({
          %run_scoped3A_137 = tpu.sem_alloc : memref<!tpu.dma_semaphore, #tpu.memory_space<semaphore_mem>>
          %dma_start3A = arith.constant 0 : i32
          %dma_start3A_138 = arith.constant 0 : i32
          %dma_start3A_139 = tpu.memref_slice %arg6[%select_n3A_123, %dma_start3A, %dma_start3A_138] : memref<4x64x128xf32, #tpu.memory_space<vmem>> -> memref<1x64x128xf32, #tpu.memory_space<vmem>>
          %dma_start3A_140 = tpu.memref_squeeze %dma_start3A_139 : memref<1x64x128xf32, #tpu.memory_space<vmem>> -> memref<64x128xf32, #tpu.memory_space<vmem>>
          %dma_start3A_141 = arith.constant 0 : i32
          %dma_start3A_142 = tpu.memref_slice %arg5[%while3A_102, %run_scoped3A, %dma_start3A_141] : memref<47x2x64xi32, #tpu.memory_space<vmem>> -> memref<1x1x64xi32, #tpu.memory_space<vmem>>
          %dma_start3A_143 = tpu.memref_squeeze %dma_start3A_142 : memref<1x1x64xi32, #tpu.memory_space<vmem>> -> memref<64xi32, #tpu.memory_space<vmem>>
          %dma_start3A_144 = arith.constant 0 : i32
          %dma_start3A_145 = arith.constant 0 : i32
          %dma_start3A_146 = tpu.memref_slice %arg7[%dma_start3A_144, %dma_start3A_145] : memref<10240x128xf32, #tpu.memory_space<vmem_shared>> -> memref<10240x128xf32, #tpu.memory_space<vmem_shared>>
          tpu.enqueue_indirect_dma source(%dma_start3A_140 : memref<64x128xf32, #tpu.memory_space<vmem>>) target(%dma_start3A_146 : memref<10240x128xf32, #tpu.memory_space<vmem_shared>>) offsets(%dma_start3A_143 : memref<64xi32, #tpu.memory_space<vmem>>) semaphore(%run_scoped3A_137 : memref<!tpu.dma_semaphore, #tpu.memory_space<semaphore_mem>>) {add = true}
          %dma_wait3A_147 = arith.constant 0 : i32
          %dma_wait3A_148 = arith.constant 0 : i32
          %dma_wait3A_149 = tpu.memref_slice %arg6[%select_n3A_123, %dma_wait3A_147, %dma_wait3A_148] : memref<4x64x128xf32, #tpu.memory_space<vmem>> -> memref<1x64x128xf32, #tpu.memory_space<vmem>>
          %dma_wait3A_150 = tpu.memref_squeeze %dma_wait3A_149 : memref<1x64x128xf32, #tpu.memory_space<vmem>> -> memref<64x128xf32, #tpu.memory_space<vmem>>
          %dma_wait3A_151 = arith.constant 0 : i32
          %dma_wait3A_152 = tpu.memref_slice %arg5[%while3A_102, %run_scoped3A, %dma_wait3A_151] : memref<47x2x64xi32, #tpu.memory_space<vmem>> -> memref<1x1x64xi32, #tpu.memory_space<vmem>>
          %dma_wait3A_153 = tpu.memref_squeeze %dma_wait3A_152 : memref<1x1x64xi32, #tpu.memory_space<vmem>> -> memref<64xi32, #tpu.memory_space<vmem>>
          %dma_wait3A_154 = arith.constant 0 : i32
          %dma_wait3A_155 = arith.constant 0 : i32
          %dma_wait3A_156 = tpu.memref_slice %arg7[%dma_wait3A_154, %dma_wait3A_155] : memref<10240x128xf32, #tpu.memory_space<vmem_shared>> -> memref<10240x128xf32, #tpu.memory_space<vmem_shared>>
          tpu.wait_indirect_dma semaphore(%run_scoped3A_137 : memref<!tpu.dma_semaphore, #tpu.memory_space<semaphore_mem>>) src(%dma_wait3A_150 : memref<64x128xf32, #tpu.memory_space<vmem>>) dst(%dma_wait3A_156 : memref<10240x128xf32, #tpu.memory_space<vmem_shared>>)
          tpu.yield
        }) : () -> ()
        %while3A_136 = arith.constant 0 : i32
        scf.yield %while3A_136 : i32
      }
      %while3A_100 = arith.constant 1 : i32
      %while3A_101 = scf.for %while3A_102 = %while3A_97 to %while3A_93 step %while3A_100 iter_args(%while3A_103 = %while3A_99) -> (i32)  : i32 {
        %add3A_104 = arith.constant 4 : i32
        %add3A_105 = arith.addi %while3A_102, %add3A_104 : i32
        %sub3A_106 = arith.constant 1 : i32
        %sub3A_107 = arith.subi %add3A_105, %sub3A_106 : i32
        %lt3A = arith.cmpi slt, %sub3A_107, %min3A_45 : i32
        %convert_element_type3A_108 = arith.extui %lt3A : i1 to i32
        %cond3A_109 = arith.constant 0 : i32
        %cond3A_110 = arith.cmpi ne, %convert_element_type3A_108, %cond3A_109 : i32
        scf.if %cond3A_110 {
          %jit3A_137 = arith.constant 4 : i32
          %eq3A_138 = arith.constant 0 : i32
          %eq3A_139 = arith.cmpi eq, %jit3A_137, %eq3A_138 : i32
          %jit3A_140 = arith.constant 1 : i32
          %select_n3A_141 = arith.select %eq3A_139, %jit3A_140, %jit3A_137 : i32
          %rem3A_142 = arith.remsi %sub3A_107, %select_n3A_141 : i32
          %ne3A_143 = arith.constant 0 : i32
          %ne3A_144 = arith.cmpi ne, %rem3A_142, %ne3A_143 : i32
          %lt3A_145 = arith.constant 0 : i32
          %lt3A_146 = arith.cmpi slt, %rem3A_142, %lt3A_145 : i32
          %lt3A_147 = arith.constant 0 : i32
          %lt3A_148 = arith.cmpi slt, %select_n3A_141, %lt3A_147 : i32
          %ne3A_149 = arith.xori %lt3A_146, %lt3A_148 : i1
          %and3A_150 = arith.andi %ne3A_149, %ne3A_144 : i1
          %add3A_151 = arith.addi %rem3A_142, %select_n3A_141 : i32
          %select_n3A_152 = arith.select %and3A_150, %add3A_151, %rem3A_142 : i32
          %jit3A_153 = arith.constant 4 : i32
          %eq3A_154 = arith.constant 0 : i32
          %eq3A_155 = arith.cmpi eq, %jit3A_153, %eq3A_154 : i32
          %jit3A_156 = arith.constant 1 : i32
          %select_n3A_157 = arith.select %eq3A_155, %jit3A_156, %jit3A_153 : i32
          %rem3A_158 = arith.remsi %sub3A_107, %select_n3A_157 : i32
          %ne3A_159 = arith.constant 0 : i32
          %ne3A_160 = arith.cmpi ne, %rem3A_158, %ne3A_159 : i32
          %lt3A_161 = arith.constant 0 : i32
          %lt3A_162 = arith.cmpi slt, %rem3A_158, %lt3A_161 : i32
          %lt3A_163 = arith.constant 0 : i32
          %lt3A_164 = arith.cmpi slt, %select_n3A_157, %lt3A_163 : i32
          %ne3A_165 = arith.xori %lt3A_162, %lt3A_164 : i1
          %and3A_166 = arith.andi %ne3A_165, %ne3A_160 : i1
          %add3A_167 = arith.addi %rem3A_158, %select_n3A_157 : i32
          %select_n3A_168 = arith.select %and3A_166, %add3A_167, %rem3A_158 : i32
          %dma_start3A = arith.constant 0 : i32
          %dma_start3A_169 = arith.constant 0 : i32
          %dma_start3A_170 = arith.constant 0 : i32
          %dma_start3A_171 = tpu.memref_slice %arg6[%select_n3A_152, %dma_start3A_169, %dma_start3A_170] : memref<4x64x128xf32, #tpu.memory_space<vmem>> -> memref<1x64x128xf32, #tpu.memory_space<vmem>>
          %dma_start3A_172 = tpu.memref_squeeze %dma_start3A_171 : memref<1x64x128xf32, #tpu.memory_space<vmem>> -> memref<64x128xf32, #tpu.memory_space<vmem>>
          %dma_start3A_173 = arith.constant 0 : i32
          %dma_start3A_174 = tpu.memref_slice %arg5[%sub3A_107, %dma_start3A, %dma_start3A_173] : memref<47x2x64xi32, #tpu.memory_space<vmem>> -> memref<1x1x64xi32, #tpu.memory_space<vmem>>
          %dma_start3A_175 = tpu.memref_squeeze %dma_start3A_174 : memref<1x1x64xi32, #tpu.memory_space<vmem>> -> memref<64xi32, #tpu.memory_space<vmem>>
          %dma_start3A_176 = arith.constant 0 : i32
          %dma_start3A_177 = arith.constant 0 : i32
          %dma_start3A_178 = tpu.memref_slice %arg3[%dma_start3A_176, %dma_start3A_177] : memref<10240x128xf32, #tpu.memory_space<hbm>> -> memref<10240x128xf32, #tpu.memory_space<hbm>>
          %dma_start3A_179 = tpu.memref_slice %arg8[%select_n3A_168] : memref<4x!tpu.dma_semaphore, #tpu.memory_space<semaphore_mem>> -> memref<1x!tpu.dma_semaphore, #tpu.memory_space<semaphore_mem>>
          %dma_start3A_180 = tpu.memref_squeeze %dma_start3A_179 : memref<1x!tpu.dma_semaphore, #tpu.memory_space<semaphore_mem>> -> memref<!tpu.dma_semaphore, #tpu.memory_space<semaphore_mem>>
          tpu.enqueue_indirect_dma source(%dma_start3A_178 : memref<10240x128xf32, #tpu.memory_space<hbm>>) target(%dma_start3A_172 : memref<64x128xf32, #tpu.memory_space<vmem>>) offsets(%dma_start3A_175 : memref<64xi32, #tpu.memory_space<vmem>>) semaphore(%dma_start3A_180 : memref<!tpu.dma_semaphore, #tpu.memory_space<semaphore_mem>>)
        } else {
        }
        %jit3A_111 = arith.constant 4 : i32
        %eq3A_112 = arith.constant 0 : i32
        %eq3A_113 = arith.cmpi eq, %jit3A_111, %eq3A_112 : i32
        %jit3A_114 = arith.constant 1 : i32
        %select_n3A_115 = arith.select %eq3A_113, %jit3A_114, %jit3A_111 : i32
        %rem3A = arith.remsi %while3A_102, %select_n3A_115 : i32
        %ne3A = arith.constant 0 : i32
        %ne3A_116 = arith.cmpi ne, %rem3A, %ne3A : i32
        %lt3A_117 = arith.constant 0 : i32
        %lt3A_118 = arith.cmpi slt, %rem3A, %lt3A_117 : i32
        %lt3A_119 = arith.constant 0 : i32
        %lt3A_120 = arith.cmpi slt, %select_n3A_115, %lt3A_119 : i32
        %ne3A_121 = arith.xori %lt3A_118, %lt3A_120 : i1
        %and3A = arith.andi %ne3A_121, %ne3A_116 : i1
        %add3A_122 = arith.addi %rem3A, %select_n3A_115 : i32
        %select_n3A_123 = arith.select %and3A, %add3A_122, %rem3A : i32
        %dma_wait3A = arith.constant 0 : i32
        %dma_wait3A_124 = arith.constant 0 : i32
        %dma_wait3A_125 = arith.constant 0 : i32
        %dma_wait3A_126 = tpu.memref_slice %arg6[%select_n3A_123, %dma_wait3A_124, %dma_wait3A_125] : memref<4x64x128xf32, #tpu.memory_space<vmem>> -> memref<1x64x128xf32, #tpu.memory_space<vmem>>
        %dma_wait3A_127 = tpu.memref_squeeze %dma_wait3A_126 : memref<1x64x128xf32, #tpu.memory_space<vmem>> -> memref<64x128xf32, #tpu.memory_space<vmem>>
        %dma_wait3A_128 = arith.constant 0 : i32
        %dma_wait3A_129 = tpu.memref_slice %arg5[%while3A_102, %dma_wait3A, %dma_wait3A_128] : memref<47x2x64xi32, #tpu.memory_space<vmem>> -> memref<1x1x64xi32, #tpu.memory_space<vmem>>
        %dma_wait3A_130 = tpu.memref_squeeze %dma_wait3A_129 : memref<1x1x64xi32, #tpu.memory_space<vmem>> -> memref<64xi32, #tpu.memory_space<vmem>>
        %dma_wait3A_131 = arith.constant 0 : i32
        %dma_wait3A_132 = arith.constant 0 : i32
        %dma_wait3A_133 = tpu.memref_slice %arg3[%dma_wait3A_131, %dma_wait3A_132] : memref<10240x128xf32, #tpu.memory_space<hbm>> -> memref<10240x128xf32, #tpu.memory_space<hbm>>
        %dma_wait3A_134 = tpu.memref_slice %arg8[%select_n3A_123] : memref<4x!tpu.dma_semaphore, #tpu.memory_space<semaphore_mem>> -> memref<1x!tpu.dma_semaphore, #tpu.memory_space<semaphore_mem>>
        %dma_wait3A_135 = tpu.memref_squeeze %dma_wait3A_134 : memref<1x!tpu.dma_semaphore, #tpu.memory_space<semaphore_mem>> -> memref<!tpu.dma_semaphore, #tpu.memory_space<semaphore_mem>>
        tpu.wait_indirect_dma semaphore(%dma_wait3A_135 : memref<!tpu.dma_semaphore, #tpu.memory_space<semaphore_mem>>) src(%dma_wait3A_133 : memref<10240x128xf32, #tpu.memory_space<hbm>>) dst(%dma_wait3A_127 : memref<64x128xf32, #tpu.memory_space<vmem>>)
        %run_scoped3A = arith.constant 1 : i32
        "tpu.region"() ({
          %run_scoped3A_137 = tpu.sem_alloc : memref<!tpu.dma_semaphore, #tpu.memory_space<semaphore_mem>>
          %dma_start3A = arith.constant 0 : i32
          %dma_start3A_138 = arith.constant 0 : i32
          %dma_start3A_139 = tpu.memref_slice %arg6[%select_n3A_123, %dma_start3A, %dma_start3A_138] : memref<4x64x128xf32, #tpu.memory_space<vmem>> -> memref<1x64x128xf32, #tpu.memory_space<vmem>>
          %dma_start3A_140 = tpu.memref_squeeze %dma_start3A_139 : memref<1x64x128xf32, #tpu.memory_space<vmem>> -> memref<64x128xf32, #tpu.memory_space<vmem>>
          %dma_start3A_141 = arith.constant 0 : i32
          %dma_start3A_142 = tpu.memref_slice %arg5[%while3A_102, %run_scoped3A, %dma_start3A_141] : memref<47x2x64xi32, #tpu.memory_space<vmem>> -> memref<1x1x64xi32, #tpu.memory_space<vmem>>
          %dma_start3A_143 = tpu.memref_squeeze %dma_start3A_142 : memref<1x1x64xi32, #tpu.memory_space<vmem>> -> memref<64xi32, #tpu.memory_space<vmem>>
          %dma_start3A_144 = arith.constant 0 : i32
          %dma_start3A_145 = arith.constant 0 : i32
          %dma_start3A_146 = tpu.memref_slice %arg7[%dma_start3A_144, %dma_start3A_145] : memref<10240x128xf32, #tpu.memory_space<vmem_shared>> -> memref<10240x128xf32, #tpu.memory_space<vmem_shared>>
          tpu.enqueue_indirect_dma source(%dma_start3A_140 : memref<64x128xf32, #tpu.memory_space<vmem>>) target(%dma_start3A_146 : memref<10240x128xf32, #tpu.memory_space<vmem_shared>>) offsets(%dma_start3A_143 : memref<64xi32, #tpu.memory_space<vmem>>) semaphore(%run_scoped3A_137 : memref<!tpu.dma_semaphore, #tpu.memory_space<semaphore_mem>>) {add = true}
          %dma_wait3A_147 = arith.constant 0 : i32
          %dma_wait3A_148 = arith.constant 0 : i32
          %dma_wait3A_149 = tpu.memref_slice %arg6[%select_n3A_123, %dma_wait3A_147, %dma_wait3A_148] : memref<4x64x128xf32, #tpu.memory_space<vmem>> -> memref<1x64x128xf32, #tpu.memory_space<vmem>>
          %dma_wait3A_150 = tpu.memref_squeeze %dma_wait3A_149 : memref<1x64x128xf32, #tpu.memory_space<vmem>> -> memref<64x128xf32, #tpu.memory_space<vmem>>
          %dma_wait3A_151 = arith.constant 0 : i32
          %dma_wait3A_152 = tpu.memref_slice %arg5[%while3A_102, %run_scoped3A, %dma_wait3A_151] : memref<47x2x64xi32, #tpu.memory_space<vmem>> -> memref<1x1x64xi32, #tpu.memory_space<vmem>>
          %dma_wait3A_153 = tpu.memref_squeeze %dma_wait3A_152 : memref<1x1x64xi32, #tpu.memory_space<vmem>> -> memref<64xi32, #tpu.memory_space<vmem>>
          %dma_wait3A_154 = arith.constant 0 : i32
          %dma_wait3A_155 = arith.constant 0 : i32
          %dma_wait3A_156 = tpu.memref_slice %arg7[%dma_wait3A_154, %dma_wait3A_155] : memref<10240x128xf32, #tpu.memory_space<vmem_shared>> -> memref<10240x128xf32, #tpu.memory_space<vmem_shared>>
          tpu.wait_indirect_dma semaphore(%run_scoped3A_137 : memref<!tpu.dma_semaphore, #tpu.memory_space<semaphore_mem>>) src(%dma_wait3A_150 : memref<64x128xf32, #tpu.memory_space<vmem>>) dst(%dma_wait3A_156 : memref<10240x128xf32, #tpu.memory_space<vmem_shared>>)
          tpu.yield
        }) : () -> ()
        %while3A_136 = arith.constant 0 : i32
        scf.yield %while3A_136 : i32
      }
    } else {
    }
    %sub3A_51 = arith.constant 141 : i32
    %sub3A_52 = arith.subi %select_n3A, %sub3A_51 : i32
    %jit3A_53 = arith.constant 0 : i32
    %jit3A_54 = arith.constant 47 : i32
    %max3A_55 = arith.maxsi %jit3A_53, %sub3A_52 : i32
    %min3A_56 = arith.minsi %jit3A_54, %max3A_55 : i32
    %gt3A_57 = arith.constant 0 : i32
    %gt3A_58 = arith.cmpi sgt, %min3A_56, %gt3A_57 : i32
    %convert_element_type3A_59 = arith.extui %gt3A_58 : i1 to i32
    %cond3A_60 = arith.constant 0 : i32
    %cond3A_61 = arith.cmpi ne, %convert_element_type3A_59, %cond3A_60 : i32
    scf.if %cond3A_61 {
      %add3A_74 = arith.constant 141 : i32
      %add3A_75 = arith.addi %select_n3A_8, %add3A_74 : i32
      "tpu.region"() ({
        %run_scoped3A = tpu.sem_alloc : memref<!tpu.dma_semaphore, #tpu.memory_space<semaphore_mem>>
        %dma_start3A = arith.constant 0 : i32
        %dma_start3A_102 = arith.constant 0 : i32
        %dma_start3A_103 = tpu.memref_slice %arg2[%add3A_75, %dma_start3A, %dma_start3A_102] : memref<5103x2x64xi32, #tpu.memory_space<hbm>> -> memref<47x2x64xi32, #tpu.memory_space<hbm>>
        %dma_start3A_104 = arith.constant 0 : i32
        %dma_start3A_105 = arith.constant 0 : i32
        %dma_start3A_106 = tpu.memref_slice %arg2[%add3A_75, %dma_start3A_104, %dma_start3A_105] : memref<5103x2x64xi32, #tpu.memory_space<hbm>> -> memref<47x2x64xi32, #tpu.memory_space<hbm>>
        tpu.enqueue_dma source(%dma_start3A_106 : memref<47x2x64xi32, #tpu.memory_space<hbm>>) target(%arg5 : memref<47x2x64xi32, #tpu.memory_space<vmem>>) target_semaphore(%run_scoped3A : memref<!tpu.dma_semaphore, #tpu.memory_space<semaphore_mem>>)
        %dma_wait3A = arith.constant 0 : i32
        %dma_wait3A_107 = arith.constant 0 : i32
        %dma_wait3A_108 = tpu.memref_slice %arg2[%add3A_75, %dma_wait3A, %dma_wait3A_107] : memref<5103x2x64xi32, #tpu.memory_space<hbm>> -> memref<47x2x64xi32, #tpu.memory_space<hbm>>
        %dma_wait3A_109 = arith.constant 0 : i32
        %dma_wait3A_110 = arith.constant 0 : i32
        %dma_wait3A_111 = tpu.memref_slice %arg2[%add3A_75, %dma_wait3A_109, %dma_wait3A_110] : memref<5103x2x64xi32, #tpu.memory_space<hbm>> -> memref<47x2x64xi32, #tpu.memory_space<hbm>>
        tpu.wait_dma2 semaphore(%run_scoped3A : memref<!tpu.dma_semaphore, #tpu.memory_space<semaphore_mem>>) src(%dma_wait3A_111 : memref<47x2x64xi32, #tpu.memory_space<hbm>>) dst(%arg5 : memref<47x2x64xi32, #tpu.memory_space<vmem>>)
        tpu.yield
      }) : () -> ()
      %gt3A_76 = arith.constant 0 : i32
      %gt3A_77 = arith.cmpi sgt, %min3A_56, %gt3A_76 : i32
      %convert_element_type3A_78 = arith.extui %gt3A_77 : i1 to i32
      %cond3A_79 = arith.constant 0 : i32
      %cond3A_80 = arith.cmpi ne, %convert_element_type3A_78, %cond3A_79 : i32
      scf.if %cond3A_80 {
        %dma_start3A = arith.constant 0 : i32
        %dma_start3A_102 = arith.constant 0 : i32
        %dma_start3A_103 = arith.constant 0 : i32
        %dma_start3A_104 = arith.constant 0 : i32
        %dma_start3A_105 = arith.constant 0 : i32
        %dma_start3A_106 = arith.constant 0 : i32
        %dma_start3A_107 = tpu.memref_slice %arg6[%dma_start3A_103, %dma_start3A_105, %dma_start3A_106] : memref<4x64x128xf32, #tpu.memory_space<vmem>> -> memref<1x64x128xf32, #tpu.memory_space<vmem>>
        %dma_start3A_108 = tpu.memref_squeeze %dma_start3A_107 : memref<1x64x128xf32, #tpu.memory_space<vmem>> -> memref<64x128xf32, #tpu.memory_space<vmem>>
        %dma_start3A_109 = arith.constant 0 : i32
        %dma_start3A_110 = tpu.memref_slice %arg5[%dma_start3A, %dma_start3A_102, %dma_start3A_109] : memref<47x2x64xi32, #tpu.memory_space<vmem>> -> memref<1x1x64xi32, #tpu.memory_space<vmem>>
        %dma_start3A_111 = tpu.memref_squeeze %dma_start3A_110 : memref<1x1x64xi32, #tpu.memory_space<vmem>> -> memref<64xi32, #tpu.memory_space<vmem>>
        %dma_start3A_112 = arith.constant 0 : i32
        %dma_start3A_113 = arith.constant 0 : i32
        %dma_start3A_114 = tpu.memref_slice %arg3[%dma_start3A_112, %dma_start3A_113] : memref<10240x128xf32, #tpu.memory_space<hbm>> -> memref<10240x128xf32, #tpu.memory_space<hbm>>
        %dma_start3A_115 = tpu.memref_slice %arg8[%dma_start3A_104] : memref<4x!tpu.dma_semaphore, #tpu.memory_space<semaphore_mem>> -> memref<1x!tpu.dma_semaphore, #tpu.memory_space<semaphore_mem>>
        %dma_start3A_116 = tpu.memref_squeeze %dma_start3A_115 : memref<1x!tpu.dma_semaphore, #tpu.memory_space<semaphore_mem>> -> memref<!tpu.dma_semaphore, #tpu.memory_space<semaphore_mem>>
        tpu.enqueue_indirect_dma source(%dma_start3A_114 : memref<10240x128xf32, #tpu.memory_space<hbm>>) target(%dma_start3A_108 : memref<64x128xf32, #tpu.memory_space<vmem>>) offsets(%dma_start3A_111 : memref<64xi32, #tpu.memory_space<vmem>>) semaphore(%dma_start3A_116 : memref<!tpu.dma_semaphore, #tpu.memory_space<semaphore_mem>>)
      } else {
      }
      %gt3A_81 = arith.constant 1 : i32
      %gt3A_82 = arith.cmpi sgt, %min3A_56, %gt3A_81 : i32
      %convert_element_type3A_83 = arith.extui %gt3A_82 : i1 to i32
      %cond3A_84 = arith.constant 0 : i32
      %cond3A_85 = arith.cmpi ne, %convert_element_type3A_83, %cond3A_84 : i32
      scf.if %cond3A_85 {
        %dma_start3A = arith.constant 1 : i32
        %dma_start3A_102 = arith.constant 0 : i32
        %dma_start3A_103 = arith.constant 1 : i32
        %dma_start3A_104 = arith.constant 1 : i32
        %dma_start3A_105 = arith.constant 0 : i32
        %dma_start3A_106 = arith.constant 0 : i32
        %dma_start3A_107 = tpu.memref_slice %arg6[%dma_start3A_103, %dma_start3A_105, %dma_start3A_106] : memref<4x64x128xf32, #tpu.memory_space<vmem>> -> memref<1x64x128xf32, #tpu.memory_space<vmem>>
        %dma_start3A_108 = tpu.memref_squeeze %dma_start3A_107 : memref<1x64x128xf32, #tpu.memory_space<vmem>> -> memref<64x128xf32, #tpu.memory_space<vmem>>
        %dma_start3A_109 = arith.constant 0 : i32
        %dma_start3A_110 = tpu.memref_slice %arg5[%dma_start3A, %dma_start3A_102, %dma_start3A_109] : memref<47x2x64xi32, #tpu.memory_space<vmem>> -> memref<1x1x64xi32, #tpu.memory_space<vmem>>
        %dma_start3A_111 = tpu.memref_squeeze %dma_start3A_110 : memref<1x1x64xi32, #tpu.memory_space<vmem>> -> memref<64xi32, #tpu.memory_space<vmem>>
        %dma_start3A_112 = arith.constant 0 : i32
        %dma_start3A_113 = arith.constant 0 : i32
        %dma_start3A_114 = tpu.memref_slice %arg3[%dma_start3A_112, %dma_start3A_113] : memref<10240x128xf32, #tpu.memory_space<hbm>> -> memref<10240x128xf32, #tpu.memory_space<hbm>>
        %dma_start3A_115 = tpu.memref_slice %arg8[%dma_start3A_104] : memref<4x!tpu.dma_semaphore, #tpu.memory_space<semaphore_mem>> -> memref<1x!tpu.dma_semaphore, #tpu.memory_space<semaphore_mem>>
        %dma_start3A_116 = tpu.memref_squeeze %dma_start3A_115 : memref<1x!tpu.dma_semaphore, #tpu.memory_space<semaphore_mem>> -> memref<!tpu.dma_semaphore, #tpu.memory_space<semaphore_mem>>
        tpu.enqueue_indirect_dma source(%dma_start3A_114 : memref<10240x128xf32, #tpu.memory_space<hbm>>) target(%dma_start3A_108 : memref<64x128xf32, #tpu.memory_space<vmem>>) offsets(%dma_start3A_111 : memref<64xi32, #tpu.memory_space<vmem>>) semaphore(%dma_start3A_116 : memref<!tpu.dma_semaphore, #tpu.memory_space<semaphore_mem>>)
      } else {
      }
      %gt3A_86 = arith.constant 2 : i32
      %gt3A_87 = arith.cmpi sgt, %min3A_56, %gt3A_86 : i32
      %convert_element_type3A_88 = arith.extui %gt3A_87 : i1 to i32
      %cond3A_89 = arith.constant 0 : i32
      %cond3A_90 = arith.cmpi ne, %convert_element_type3A_88, %cond3A_89 : i32
      scf.if %cond3A_90 {
        %dma_start3A = arith.constant 2 : i32
        %dma_start3A_102 = arith.constant 0 : i32
        %dma_start3A_103 = arith.constant 2 : i32
        %dma_start3A_104 = arith.constant 2 : i32
        %dma_start3A_105 = arith.constant 0 : i32
        %dma_start3A_106 = arith.constant 0 : i32
        %dma_start3A_107 = tpu.memref_slice %arg6[%dma_start3A_103, %dma_start3A_105, %dma_start3A_106] : memref<4x64x128xf32, #tpu.memory_space<vmem>> -> memref<1x64x128xf32, #tpu.memory_space<vmem>>
        %dma_start3A_108 = tpu.memref_squeeze %dma_start3A_107 : memref<1x64x128xf32, #tpu.memory_space<vmem>> -> memref<64x128xf32, #tpu.memory_space<vmem>>
        %dma_start3A_109 = arith.constant 0 : i32
        %dma_start3A_110 = tpu.memref_slice %arg5[%dma_start3A, %dma_start3A_102, %dma_start3A_109] : memref<47x2x64xi32, #tpu.memory_space<vmem>> -> memref<1x1x64xi32, #tpu.memory_space<vmem>>
        %dma_start3A_111 = tpu.memref_squeeze %dma_start3A_110 : memref<1x1x64xi32, #tpu.memory_space<vmem>> -> memref<64xi32, #tpu.memory_space<vmem>>
        %dma_start3A_112 = arith.constant 0 : i32
        %dma_start3A_113 = arith.constant 0 : i32
        %dma_start3A_114 = tpu.memref_slice %arg3[%dma_start3A_112, %dma_start3A_113] : memref<10240x128xf32, #tpu.memory_space<hbm>> -> memref<10240x128xf32, #tpu.memory_space<hbm>>
        %dma_start3A_115 = tpu.memref_slice %arg8[%dma_start3A_104] : memref<4x!tpu.dma_semaphore, #tpu.memory_space<semaphore_mem>> -> memref<1x!tpu.dma_semaphore, #tpu.memory_space<semaphore_mem>>
        %dma_start3A_116 = tpu.memref_squeeze %dma_start3A_115 : memref<1x!tpu.dma_semaphore, #tpu.memory_space<semaphore_mem>> -> memref<!tpu.dma_semaphore, #tpu.memory_space<semaphore_mem>>
        tpu.enqueue_indirect_dma source(%dma_start3A_114 : memref<10240x128xf32, #tpu.memory_space<hbm>>) target(%dma_start3A_108 : memref<64x128xf32, #tpu.memory_space<vmem>>) offsets(%dma_start3A_111 : memref<64xi32, #tpu.memory_space<vmem>>) semaphore(%dma_start3A_116 : memref<!tpu.dma_semaphore, #tpu.memory_space<semaphore_mem>>)
      } else {
      }
      %while3A = arith.constant 0 : i32
      %while3A_91 = arith.constant 0 : i32
      %while3A_92 = arith.subi %min3A_56, %while3A : i32
      %while3A_93 = arith.addi %while3A, %while3A_92 : i32
      %while3A_94 = arith.constant 1 : i32
      %while3A_95 = arith.divsi %while3A_92, %while3A_94 : i32
      %while3A_96 = arith.muli %while3A_95, %while3A_94 : i32
      %while3A_97 = arith.addi %while3A, %while3A_96 : i32
      %while3A_98 = arith.constant 1 : i32
      %while3A_99 = scf.for %while3A_102 = %while3A to %while3A_97 step %while3A_98 iter_args(%while3A_103 = %while3A_91) -> (i32)  : i32 {
        %add3A_104 = arith.constant 4 : i32
        %add3A_105 = arith.addi %while3A_102, %add3A_104 : i32
        %sub3A_106 = arith.constant 1 : i32
        %sub3A_107 = arith.subi %add3A_105, %sub3A_106 : i32
        %lt3A = arith.cmpi slt, %sub3A_107, %min3A_56 : i32
        %convert_element_type3A_108 = arith.extui %lt3A : i1 to i32
        %cond3A_109 = arith.constant 0 : i32
        %cond3A_110 = arith.cmpi ne, %convert_element_type3A_108, %cond3A_109 : i32
        scf.if %cond3A_110 {
          %jit3A_137 = arith.constant 4 : i32
          %eq3A_138 = arith.constant 0 : i32
          %eq3A_139 = arith.cmpi eq, %jit3A_137, %eq3A_138 : i32
          %jit3A_140 = arith.constant 1 : i32
          %select_n3A_141 = arith.select %eq3A_139, %jit3A_140, %jit3A_137 : i32
          %rem3A_142 = arith.remsi %sub3A_107, %select_n3A_141 : i32
          %ne3A_143 = arith.constant 0 : i32
          %ne3A_144 = arith.cmpi ne, %rem3A_142, %ne3A_143 : i32
          %lt3A_145 = arith.constant 0 : i32
          %lt3A_146 = arith.cmpi slt, %rem3A_142, %lt3A_145 : i32
          %lt3A_147 = arith.constant 0 : i32
          %lt3A_148 = arith.cmpi slt, %select_n3A_141, %lt3A_147 : i32
          %ne3A_149 = arith.xori %lt3A_146, %lt3A_148 : i1
          %and3A_150 = arith.andi %ne3A_149, %ne3A_144 : i1
          %add3A_151 = arith.addi %rem3A_142, %select_n3A_141 : i32
          %select_n3A_152 = arith.select %and3A_150, %add3A_151, %rem3A_142 : i32
          %jit3A_153 = arith.constant 4 : i32
          %eq3A_154 = arith.constant 0 : i32
          %eq3A_155 = arith.cmpi eq, %jit3A_153, %eq3A_154 : i32
          %jit3A_156 = arith.constant 1 : i32
          %select_n3A_157 = arith.select %eq3A_155, %jit3A_156, %jit3A_153 : i32
          %rem3A_158 = arith.remsi %sub3A_107, %select_n3A_157 : i32
          %ne3A_159 = arith.constant 0 : i32
          %ne3A_160 = arith.cmpi ne, %rem3A_158, %ne3A_159 : i32
          %lt3A_161 = arith.constant 0 : i32
          %lt3A_162 = arith.cmpi slt, %rem3A_158, %lt3A_161 : i32
          %lt3A_163 = arith.constant 0 : i32
          %lt3A_164 = arith.cmpi slt, %select_n3A_157, %lt3A_163 : i32
          %ne3A_165 = arith.xori %lt3A_162, %lt3A_164 : i1
          %and3A_166 = arith.andi %ne3A_165, %ne3A_160 : i1
          %add3A_167 = arith.addi %rem3A_158, %select_n3A_157 : i32
          %select_n3A_168 = arith.select %and3A_166, %add3A_167, %rem3A_158 : i32
          %dma_start3A = arith.constant 0 : i32
          %dma_start3A_169 = arith.constant 0 : i32
          %dma_start3A_170 = arith.constant 0 : i32
          %dma_start3A_171 = tpu.memref_slice %arg6[%select_n3A_152, %dma_start3A_169, %dma_start3A_170] : memref<4x64x128xf32, #tpu.memory_space<vmem>> -> memref<1x64x128xf32, #tpu.memory_space<vmem>>
          %dma_start3A_172 = tpu.memref_squeeze %dma_start3A_171 : memref<1x64x128xf32, #tpu.memory_space<vmem>> -> memref<64x128xf32, #tpu.memory_space<vmem>>
          %dma_start3A_173 = arith.constant 0 : i32
          %dma_start3A_174 = tpu.memref_slice %arg5[%sub3A_107, %dma_start3A, %dma_start3A_173] : memref<47x2x64xi32, #tpu.memory_space<vmem>> -> memref<1x1x64xi32, #tpu.memory_space<vmem>>
          %dma_start3A_175 = tpu.memref_squeeze %dma_start3A_174 : memref<1x1x64xi32, #tpu.memory_space<vmem>> -> memref<64xi32, #tpu.memory_space<vmem>>
          %dma_start3A_176 = arith.constant 0 : i32
          %dma_start3A_177 = arith.constant 0 : i32
          %dma_start3A_178 = tpu.memref_slice %arg3[%dma_start3A_176, %dma_start3A_177] : memref<10240x128xf32, #tpu.memory_space<hbm>> -> memref<10240x128xf32, #tpu.memory_space<hbm>>
          %dma_start3A_179 = tpu.memref_slice %arg8[%select_n3A_168] : memref<4x!tpu.dma_semaphore, #tpu.memory_space<semaphore_mem>> -> memref<1x!tpu.dma_semaphore, #tpu.memory_space<semaphore_mem>>
          %dma_start3A_180 = tpu.memref_squeeze %dma_start3A_179 : memref<1x!tpu.dma_semaphore, #tpu.memory_space<semaphore_mem>> -> memref<!tpu.dma_semaphore, #tpu.memory_space<semaphore_mem>>
          tpu.enqueue_indirect_dma source(%dma_start3A_178 : memref<10240x128xf32, #tpu.memory_space<hbm>>) target(%dma_start3A_172 : memref<64x128xf32, #tpu.memory_space<vmem>>) offsets(%dma_start3A_175 : memref<64xi32, #tpu.memory_space<vmem>>) semaphore(%dma_start3A_180 : memref<!tpu.dma_semaphore, #tpu.memory_space<semaphore_mem>>)
        } else {
        }
        %jit3A_111 = arith.constant 4 : i32
        %eq3A_112 = arith.constant 0 : i32
        %eq3A_113 = arith.cmpi eq, %jit3A_111, %eq3A_112 : i32
        %jit3A_114 = arith.constant 1 : i32
        %select_n3A_115 = arith.select %eq3A_113, %jit3A_114, %jit3A_111 : i32
        %rem3A = arith.remsi %while3A_102, %select_n3A_115 : i32
        %ne3A = arith.constant 0 : i32
        %ne3A_116 = arith.cmpi ne, %rem3A, %ne3A : i32
        %lt3A_117 = arith.constant 0 : i32
        %lt3A_118 = arith.cmpi slt, %rem3A, %lt3A_117 : i32
        %lt3A_119 = arith.constant 0 : i32
        %lt3A_120 = arith.cmpi slt, %select_n3A_115, %lt3A_119 : i32
        %ne3A_121 = arith.xori %lt3A_118, %lt3A_120 : i1
        %and3A = arith.andi %ne3A_121, %ne3A_116 : i1
        %add3A_122 = arith.addi %rem3A, %select_n3A_115 : i32
        %select_n3A_123 = arith.select %and3A, %add3A_122, %rem3A : i32
        %dma_wait3A = arith.constant 0 : i32
        %dma_wait3A_124 = arith.constant 0 : i32
        %dma_wait3A_125 = arith.constant 0 : i32
        %dma_wait3A_126 = tpu.memref_slice %arg6[%select_n3A_123, %dma_wait3A_124, %dma_wait3A_125] : memref<4x64x128xf32, #tpu.memory_space<vmem>> -> memref<1x64x128xf32, #tpu.memory_space<vmem>>
        %dma_wait3A_127 = tpu.memref_squeeze %dma_wait3A_126 : memref<1x64x128xf32, #tpu.memory_space<vmem>> -> memref<64x128xf32, #tpu.memory_space<vmem>>
        %dma_wait3A_128 = arith.constant 0 : i32
        %dma_wait3A_129 = tpu.memref_slice %arg5[%while3A_102, %dma_wait3A, %dma_wait3A_128] : memref<47x2x64xi32, #tpu.memory_space<vmem>> -> memref<1x1x64xi32, #tpu.memory_space<vmem>>
        %dma_wait3A_130 = tpu.memref_squeeze %dma_wait3A_129 : memref<1x1x64xi32, #tpu.memory_space<vmem>> -> memref<64xi32, #tpu.memory_space<vmem>>
        %dma_wait3A_131 = arith.constant 0 : i32
        %dma_wait3A_132 = arith.constant 0 : i32
        %dma_wait3A_133 = tpu.memref_slice %arg3[%dma_wait3A_131, %dma_wait3A_132] : memref<10240x128xf32, #tpu.memory_space<hbm>> -> memref<10240x128xf32, #tpu.memory_space<hbm>>
        %dma_wait3A_134 = tpu.memref_slice %arg8[%select_n3A_123] : memref<4x!tpu.dma_semaphore, #tpu.memory_space<semaphore_mem>> -> memref<1x!tpu.dma_semaphore, #tpu.memory_space<semaphore_mem>>
        %dma_wait3A_135 = tpu.memref_squeeze %dma_wait3A_134 : memref<1x!tpu.dma_semaphore, #tpu.memory_space<semaphore_mem>> -> memref<!tpu.dma_semaphore, #tpu.memory_space<semaphore_mem>>
        tpu.wait_indirect_dma semaphore(%dma_wait3A_135 : memref<!tpu.dma_semaphore, #tpu.memory_space<semaphore_mem>>) src(%dma_wait3A_133 : memref<10240x128xf32, #tpu.memory_space<hbm>>) dst(%dma_wait3A_127 : memref<64x128xf32, #tpu.memory_space<vmem>>)
        %run_scoped3A = arith.constant 1 : i32
        "tpu.region"() ({
          %run_scoped3A_137 = tpu.sem_alloc : memref<!tpu.dma_semaphore, #tpu.memory_space<semaphore_mem>>
          %dma_start3A = arith.constant 0 : i32
          %dma_start3A_138 = arith.constant 0 : i32
          %dma_start3A_139 = tpu.memref_slice %arg6[%select_n3A_123, %dma_start3A, %dma_start3A_138] : memref<4x64x128xf32, #tpu.memory_space<vmem>> -> memref<1x64x128xf32, #tpu.memory_space<vmem>>
          %dma_start3A_140 = tpu.memref_squeeze %dma_start3A_139 : memref<1x64x128xf32, #tpu.memory_space<vmem>> -> memref<64x128xf32, #tpu.memory_space<vmem>>
          %dma_start3A_141 = arith.constant 0 : i32
          %dma_start3A_142 = tpu.memref_slice %arg5[%while3A_102, %run_scoped3A, %dma_start3A_141] : memref<47x2x64xi32, #tpu.memory_space<vmem>> -> memref<1x1x64xi32, #tpu.memory_space<vmem>>
          %dma_start3A_143 = tpu.memref_squeeze %dma_start3A_142 : memref<1x1x64xi32, #tpu.memory_space<vmem>> -> memref<64xi32, #tpu.memory_space<vmem>>
          %dma_start3A_144 = arith.constant 0 : i32
          %dma_start3A_145 = arith.constant 0 : i32
          %dma_start3A_146 = tpu.memref_slice %arg7[%dma_start3A_144, %dma_start3A_145] : memref<10240x128xf32, #tpu.memory_space<vmem_shared>> -> memref<10240x128xf32, #tpu.memory_space<vmem_shared>>
          tpu.enqueue_indirect_dma source(%dma_start3A_140 : memref<64x128xf32, #tpu.memory_space<vmem>>) target(%dma_start3A_146 : memref<10240x128xf32, #tpu.memory_space<vmem_shared>>) offsets(%dma_start3A_143 : memref<64xi32, #tpu.memory_space<vmem>>) semaphore(%run_scoped3A_137 : memref<!tpu.dma_semaphore, #tpu.memory_space<semaphore_mem>>) {add = true}
          %dma_wait3A_147 = arith.constant 0 : i32
          %dma_wait3A_148 = arith.constant 0 : i32
          %dma_wait3A_149 = tpu.memref_slice %arg6[%select_n3A_123, %dma_wait3A_147, %dma_wait3A_148] : memref<4x64x128xf32, #tpu.memory_space<vmem>> -> memref<1x64x128xf32, #tpu.memory_space<vmem>>
          %dma_wait3A_150 = tpu.memref_squeeze %dma_wait3A_149 : memref<1x64x128xf32, #tpu.memory_space<vmem>> -> memref<64x128xf32, #tpu.memory_space<vmem>>
          %dma_wait3A_151 = arith.constant 0 : i32
          %dma_wait3A_152 = tpu.memref_slice %arg5[%while3A_102, %run_scoped3A, %dma_wait3A_151] : memref<47x2x64xi32, #tpu.memory_space<vmem>> -> memref<1x1x64xi32, #tpu.memory_space<vmem>>
          %dma_wait3A_153 = tpu.memref_squeeze %dma_wait3A_152 : memref<1x1x64xi32, #tpu.memory_space<vmem>> -> memref<64xi32, #tpu.memory_space<vmem>>
          %dma_wait3A_154 = arith.constant 0 : i32
          %dma_wait3A_155 = arith.constant 0 : i32
          %dma_wait3A_156 = tpu.memref_slice %arg7[%dma_wait3A_154, %dma_wait3A_155] : memref<10240x128xf32, #tpu.memory_space<vmem_shared>> -> memref<10240x128xf32, #tpu.memory_space<vmem_shared>>
          tpu.wait_indirect_dma semaphore(%run_scoped3A_137 : memref<!tpu.dma_semaphore, #tpu.memory_space<semaphore_mem>>) src(%dma_wait3A_150 : memref<64x128xf32, #tpu.memory_space<vmem>>) dst(%dma_wait3A_156 : memref<10240x128xf32, #tpu.memory_space<vmem_shared>>)
          tpu.yield
        }) : () -> ()
        %while3A_136 = arith.constant 0 : i32
        scf.yield %while3A_136 : i32
      }
      %while3A_100 = arith.constant 1 : i32
      %while3A_101 = scf.for %while3A_102 = %while3A_97 to %while3A_93 step %while3A_100 iter_args(%while3A_103 = %while3A_99) -> (i32)  : i32 {
        %add3A_104 = arith.constant 4 : i32
        %add3A_105 = arith.addi %while3A_102, %add3A_104 : i32
        %sub3A_106 = arith.constant 1 : i32
        %sub3A_107 = arith.subi %add3A_105, %sub3A_106 : i32
        %lt3A = arith.cmpi slt, %sub3A_107, %min3A_56 : i32
        %convert_element_type3A_108 = arith.extui %lt3A : i1 to i32
        %cond3A_109 = arith.constant 0 : i32
        %cond3A_110 = arith.cmpi ne, %convert_element_type3A_108, %cond3A_109 : i32
        scf.if %cond3A_110 {
          %jit3A_137 = arith.constant 4 : i32
          %eq3A_138 = arith.constant 0 : i32
          %eq3A_139 = arith.cmpi eq, %jit3A_137, %eq3A_138 : i32
          %jit3A_140 = arith.constant 1 : i32
          %select_n3A_141 = arith.select %eq3A_139, %jit3A_140, %jit3A_137 : i32
          %rem3A_142 = arith.remsi %sub3A_107, %select_n3A_141 : i32
          %ne3A_143 = arith.constant 0 : i32
          %ne3A_144 = arith.cmpi ne, %rem3A_142, %ne3A_143 : i32
          %lt3A_145 = arith.constant 0 : i32
          %lt3A_146 = arith.cmpi slt, %rem3A_142, %lt3A_145 : i32
          %lt3A_147 = arith.constant 0 : i32
          %lt3A_148 = arith.cmpi slt, %select_n3A_141, %lt3A_147 : i32
          %ne3A_149 = arith.xori %lt3A_146, %lt3A_148 : i1
          %and3A_150 = arith.andi %ne3A_149, %ne3A_144 : i1
          %add3A_151 = arith.addi %rem3A_142, %select_n3A_141 : i32
          %select_n3A_152 = arith.select %and3A_150, %add3A_151, %rem3A_142 : i32
          %jit3A_153 = arith.constant 4 : i32
          %eq3A_154 = arith.constant 0 : i32
          %eq3A_155 = arith.cmpi eq, %jit3A_153, %eq3A_154 : i32
          %jit3A_156 = arith.constant 1 : i32
          %select_n3A_157 = arith.select %eq3A_155, %jit3A_156, %jit3A_153 : i32
          %rem3A_158 = arith.remsi %sub3A_107, %select_n3A_157 : i32
          %ne3A_159 = arith.constant 0 : i32
          %ne3A_160 = arith.cmpi ne, %rem3A_158, %ne3A_159 : i32
          %lt3A_161 = arith.constant 0 : i32
          %lt3A_162 = arith.cmpi slt, %rem3A_158, %lt3A_161 : i32
          %lt3A_163 = arith.constant 0 : i32
          %lt3A_164 = arith.cmpi slt, %select_n3A_157, %lt3A_163 : i32
          %ne3A_165 = arith.xori %lt3A_162, %lt3A_164 : i1
          %and3A_166 = arith.andi %ne3A_165, %ne3A_160 : i1
          %add3A_167 = arith.addi %rem3A_158, %select_n3A_157 : i32
          %select_n3A_168 = arith.select %and3A_166, %add3A_167, %rem3A_158 : i32
          %dma_start3A = arith.constant 0 : i32
          %dma_start3A_169 = arith.constant 0 : i32
          %dma_start3A_170 = arith.constant 0 : i32
          %dma_start3A_171 = tpu.memref_slice %arg6[%select_n3A_152, %dma_start3A_169, %dma_start3A_170] : memref<4x64x128xf32, #tpu.memory_space<vmem>> -> memref<1x64x128xf32, #tpu.memory_space<vmem>>
          %dma_start3A_172 = tpu.memref_squeeze %dma_start3A_171 : memref<1x64x128xf32, #tpu.memory_space<vmem>> -> memref<64x128xf32, #tpu.memory_space<vmem>>
          %dma_start3A_173 = arith.constant 0 : i32
          %dma_start3A_174 = tpu.memref_slice %arg5[%sub3A_107, %dma_start3A, %dma_start3A_173] : memref<47x2x64xi32, #tpu.memory_space<vmem>> -> memref<1x1x64xi32, #tpu.memory_space<vmem>>
          %dma_start3A_175 = tpu.memref_squeeze %dma_start3A_174 : memref<1x1x64xi32, #tpu.memory_space<vmem>> -> memref<64xi32, #tpu.memory_space<vmem>>
          %dma_start3A_176 = arith.constant 0 : i32
          %dma_start3A_177 = arith.constant 0 : i32
          %dma_start3A_178 = tpu.memref_slice %arg3[%dma_start3A_176, %dma_start3A_177] : memref<10240x128xf32, #tpu.memory_space<hbm>> -> memref<10240x128xf32, #tpu.memory_space<hbm>>
          %dma_start3A_179 = tpu.memref_slice %arg8[%select_n3A_168] : memref<4x!tpu.dma_semaphore, #tpu.memory_space<semaphore_mem>> -> memref<1x!tpu.dma_semaphore, #tpu.memory_space<semaphore_mem>>
          %dma_start3A_180 = tpu.memref_squeeze %dma_start3A_179 : memref<1x!tpu.dma_semaphore, #tpu.memory_space<semaphore_mem>> -> memref<!tpu.dma_semaphore, #tpu.memory_space<semaphore_mem>>
          tpu.enqueue_indirect_dma source(%dma_start3A_178 : memref<10240x128xf32, #tpu.memory_space<hbm>>) target(%dma_start3A_172 : memref<64x128xf32, #tpu.memory_space<vmem>>) offsets(%dma_start3A_175 : memref<64xi32, #tpu.memory_space<vmem>>) semaphore(%dma_start3A_180 : memref<!tpu.dma_semaphore, #tpu.memory_space<semaphore_mem>>)
        } else {
        }
        %jit3A_111 = arith.constant 4 : i32
        %eq3A_112 = arith.constant 0 : i32
        %eq3A_113 = arith.cmpi eq, %jit3A_111, %eq3A_112 : i32
        %jit3A_114 = arith.constant 1 : i32
        %select_n3A_115 = arith.select %eq3A_113, %jit3A_114, %jit3A_111 : i32
        %rem3A = arith.remsi %while3A_102, %select_n3A_115 : i32
        %ne3A = arith.constant 0 : i32
        %ne3A_116 = arith.cmpi ne, %rem3A, %ne3A : i32
        %lt3A_117 = arith.constant 0 : i32
        %lt3A_118 = arith.cmpi slt, %rem3A, %lt3A_117 : i32
        %lt3A_119 = arith.constant 0 : i32
        %lt3A_120 = arith.cmpi slt, %select_n3A_115, %lt3A_119 : i32
        %ne3A_121 = arith.xori %lt3A_118, %lt3A_120 : i1
        %and3A = arith.andi %ne3A_121, %ne3A_116 : i1
        %add3A_122 = arith.addi %rem3A, %select_n3A_115 : i32
        %select_n3A_123 = arith.select %and3A, %add3A_122, %rem3A : i32
        %dma_wait3A = arith.constant 0 : i32
        %dma_wait3A_124 = arith.constant 0 : i32
        %dma_wait3A_125 = arith.constant 0 : i32
        %dma_wait3A_126 = tpu.memref_slice %arg6[%select_n3A_123, %dma_wait3A_124, %dma_wait3A_125] : memref<4x64x128xf32, #tpu.memory_space<vmem>> -> memref<1x64x128xf32, #tpu.memory_space<vmem>>
        %dma_wait3A_127 = tpu.memref_squeeze %dma_wait3A_126 : memref<1x64x128xf32, #tpu.memory_space<vmem>> -> memref<64x128xf32, #tpu.memory_space<vmem>>
        %dma_wait3A_128 = arith.constant 0 : i32
        %dma_wait3A_129 = tpu.memref_slice %arg5[%while3A_102, %dma_wait3A, %dma_wait3A_128] : memref<47x2x64xi32, #tpu.memory_space<vmem>> -> memref<1x1x64xi32, #tpu.memory_space<vmem>>
        %dma_wait3A_130 = tpu.memref_squeeze %dma_wait3A_129 : memref<1x1x64xi32, #tpu.memory_space<vmem>> -> memref<64xi32, #tpu.memory_space<vmem>>
        %dma_wait3A_131 = arith.constant 0 : i32
        %dma_wait3A_132 = arith.constant 0 : i32
        %dma_wait3A_133 = tpu.memref_slice %arg3[%dma_wait3A_131, %dma_wait3A_132] : memref<10240x128xf32, #tpu.memory_space<hbm>> -> memref<10240x128xf32, #tpu.memory_space<hbm>>
        %dma_wait3A_134 = tpu.memref_slice %arg8[%select_n3A_123] : memref<4x!tpu.dma_semaphore, #tpu.memory_space<semaphore_mem>> -> memref<1x!tpu.dma_semaphore, #tpu.memory_space<semaphore_mem>>
        %dma_wait3A_135 = tpu.memref_squeeze %dma_wait3A_134 : memref<1x!tpu.dma_semaphore, #tpu.memory_space<semaphore_mem>> -> memref<!tpu.dma_semaphore, #tpu.memory_space<semaphore_mem>>
        tpu.wait_indirect_dma semaphore(%dma_wait3A_135 : memref<!tpu.dma_semaphore, #tpu.memory_space<semaphore_mem>>) src(%dma_wait3A_133 : memref<10240x128xf32, #tpu.memory_space<hbm>>) dst(%dma_wait3A_127 : memref<64x128xf32, #tpu.memory_space<vmem>>)
        %run_scoped3A = arith.constant 1 : i32
        "tpu.region"() ({
          %run_scoped3A_137 = tpu.sem_alloc : memref<!tpu.dma_semaphore, #tpu.memory_space<semaphore_mem>>
          %dma_start3A = arith.constant 0 : i32
          %dma_start3A_138 = arith.constant 0 : i32
          %dma_start3A_139 = tpu.memref_slice %arg6[%select_n3A_123, %dma_start3A, %dma_start3A_138] : memref<4x64x128xf32, #tpu.memory_space<vmem>> -> memref<1x64x128xf32, #tpu.memory_space<vmem>>
          %dma_start3A_140 = tpu.memref_squeeze %dma_start3A_139 : memref<1x64x128xf32, #tpu.memory_space<vmem>> -> memref<64x128xf32, #tpu.memory_space<vmem>>
          %dma_start3A_141 = arith.constant 0 : i32
          %dma_start3A_142 = tpu.memref_slice %arg5[%while3A_102, %run_scoped3A, %dma_start3A_141] : memref<47x2x64xi32, #tpu.memory_space<vmem>> -> memref<1x1x64xi32, #tpu.memory_space<vmem>>
          %dma_start3A_143 = tpu.memref_squeeze %dma_start3A_142 : memref<1x1x64xi32, #tpu.memory_space<vmem>> -> memref<64xi32, #tpu.memory_space<vmem>>
          %dma_start3A_144 = arith.constant 0 : i32
          %dma_start3A_145 = arith.constant 0 : i32
          %dma_start3A_146 = tpu.memref_slice %arg7[%dma_start3A_144, %dma_start3A_145] : memref<10240x128xf32, #tpu.memory_space<vmem_shared>> -> memref<10240x128xf32, #tpu.memory_space<vmem_shared>>
          tpu.enqueue_indirect_dma source(%dma_start3A_140 : memref<64x128xf32, #tpu.memory_space<vmem>>) target(%dma_start3A_146 : memref<10240x128xf32, #tpu.memory_space<vmem_shared>>) offsets(%dma_start3A_143 : memref<64xi32, #tpu.memory_space<vmem>>) semaphore(%run_scoped3A_137 : memref<!tpu.dma_semaphore, #tpu.memory_space<semaphore_mem>>) {add = true}
          %dma_wait3A_147 = arith.constant 0 : i32
          %dma_wait3A_148 = arith.constant 0 : i32
          %dma_wait3A_149 = tpu.memref_slice %arg6[%select_n3A_123, %dma_wait3A_147, %dma_wait3A_148] : memref<4x64x128xf32, #tpu.memory_space<vmem>> -> memref<1x64x128xf32, #tpu.memory_space<vmem>>
          %dma_wait3A_150 = tpu.memref_squeeze %dma_wait3A_149 : memref<1x64x128xf32, #tpu.memory_space<vmem>> -> memref<64x128xf32, #tpu.memory_space<vmem>>
          %dma_wait3A_151 = arith.constant 0 : i32
          %dma_wait3A_152 = tpu.memref_slice %arg5[%while3A_102, %run_scoped3A, %dma_wait3A_151] : memref<47x2x64xi32, #tpu.memory_space<vmem>> -> memref<1x1x64xi32, #tpu.memory_space<vmem>>
          %dma_wait3A_153 = tpu.memref_squeeze %dma_wait3A_152 : memref<1x1x64xi32, #tpu.memory_space<vmem>> -> memref<64xi32, #tpu.memory_space<vmem>>
          %dma_wait3A_154 = arith.constant 0 : i32
          %dma_wait3A_155 = arith.constant 0 : i32
          %dma_wait3A_156 = tpu.memref_slice %arg7[%dma_wait3A_154, %dma_wait3A_155] : memref<10240x128xf32, #tpu.memory_space<vmem_shared>> -> memref<10240x128xf32, #tpu.memory_space<vmem_shared>>
          tpu.wait_indirect_dma semaphore(%run_scoped3A_137 : memref<!tpu.dma_semaphore, #tpu.memory_space<semaphore_mem>>) src(%dma_wait3A_150 : memref<64x128xf32, #tpu.memory_space<vmem>>) dst(%dma_wait3A_156 : memref<10240x128xf32, #tpu.memory_space<vmem_shared>>)
          tpu.yield
        }) : () -> ()
        %while3A_136 = arith.constant 0 : i32
        scf.yield %while3A_136 : i32
      }
    } else {
    }
    %sub3A_62 = arith.constant 188 : i32
    %sub3A_63 = arith.subi %select_n3A, %sub3A_62 : i32
    %jit3A_64 = arith.constant 0 : i32
    %jit3A_65 = arith.constant 47 : i32
    %max3A_66 = arith.maxsi %jit3A_64, %sub3A_63 : i32
    %min3A_67 = arith.minsi %jit3A_65, %max3A_66 : i32
    %gt3A_68 = arith.constant 0 : i32
    %gt3A_69 = arith.cmpi sgt, %min3A_67, %gt3A_68 : i32
    %convert_element_type3A_70 = arith.extui %gt3A_69 : i1 to i32
    %cond3A_71 = arith.constant 0 : i32
    %cond3A_72 = arith.cmpi ne, %convert_element_type3A_70, %cond3A_71 : i32
    scf.if %cond3A_72 {
      %add3A_74 = arith.constant 188 : i32
      %add3A_75 = arith.addi %select_n3A_8, %add3A_74 : i32
      "tpu.region"() ({
        %run_scoped3A = tpu.sem_alloc : memref<!tpu.dma_semaphore, #tpu.memory_space<semaphore_mem>>
        %dma_start3A = arith.constant 0 : i32
        %dma_start3A_102 = arith.constant 0 : i32
        %dma_start3A_103 = tpu.memref_slice %arg2[%add3A_75, %dma_start3A, %dma_start3A_102] : memref<5103x2x64xi32, #tpu.memory_space<hbm>> -> memref<47x2x64xi32, #tpu.memory_space<hbm>>
        %dma_start3A_104 = arith.constant 0 : i32
        %dma_start3A_105 = arith.constant 0 : i32
        %dma_start3A_106 = tpu.memref_slice %arg2[%add3A_75, %dma_start3A_104, %dma_start3A_105] : memref<5103x2x64xi32, #tpu.memory_space<hbm>> -> memref<47x2x64xi32, #tpu.memory_space<hbm>>
        tpu.enqueue_dma source(%dma_start3A_106 : memref<47x2x64xi32, #tpu.memory_space<hbm>>) target(%arg5 : memref<47x2x64xi32, #tpu.memory_space<vmem>>) target_semaphore(%run_scoped3A : memref<!tpu.dma_semaphore, #tpu.memory_space<semaphore_mem>>)
        %dma_wait3A = arith.constant 0 : i32
        %dma_wait3A_107 = arith.constant 0 : i32
        %dma_wait3A_108 = tpu.memref_slice %arg2[%add3A_75, %dma_wait3A, %dma_wait3A_107] : memref<5103x2x64xi32, #tpu.memory_space<hbm>> -> memref<47x2x64xi32, #tpu.memory_space<hbm>>
        %dma_wait3A_109 = arith.constant 0 : i32
        %dma_wait3A_110 = arith.constant 0 : i32
        %dma_wait3A_111 = tpu.memref_slice %arg2[%add3A_75, %dma_wait3A_109, %dma_wait3A_110] : memref<5103x2x64xi32, #tpu.memory_space<hbm>> -> memref<47x2x64xi32, #tpu.memory_space<hbm>>
        tpu.wait_dma2 semaphore(%run_scoped3A : memref<!tpu.dma_semaphore, #tpu.memory_space<semaphore_mem>>) src(%dma_wait3A_111 : memref<47x2x64xi32, #tpu.memory_space<hbm>>) dst(%arg5 : memref<47x2x64xi32, #tpu.memory_space<vmem>>)
        tpu.yield
      }) : () -> ()
      %gt3A_76 = arith.constant 0 : i32
      %gt3A_77 = arith.cmpi sgt, %min3A_67, %gt3A_76 : i32
      %convert_element_type3A_78 = arith.extui %gt3A_77 : i1 to i32
      %cond3A_79 = arith.constant 0 : i32
      %cond3A_80 = arith.cmpi ne, %convert_element_type3A_78, %cond3A_79 : i32
      scf.if %cond3A_80 {
        %dma_start3A = arith.constant 0 : i32
        %dma_start3A_102 = arith.constant 0 : i32
        %dma_start3A_103 = arith.constant 0 : i32
        %dma_start3A_104 = arith.constant 0 : i32
        %dma_start3A_105 = arith.constant 0 : i32
        %dma_start3A_106 = arith.constant 0 : i32
        %dma_start3A_107 = tpu.memref_slice %arg6[%dma_start3A_103, %dma_start3A_105, %dma_start3A_106] : memref<4x64x128xf32, #tpu.memory_space<vmem>> -> memref<1x64x128xf32, #tpu.memory_space<vmem>>
        %dma_start3A_108 = tpu.memref_squeeze %dma_start3A_107 : memref<1x64x128xf32, #tpu.memory_space<vmem>> -> memref<64x128xf32, #tpu.memory_space<vmem>>
        %dma_start3A_109 = arith.constant 0 : i32
        %dma_start3A_110 = tpu.memref_slice %arg5[%dma_start3A, %dma_start3A_102, %dma_start3A_109] : memref<47x2x64xi32, #tpu.memory_space<vmem>> -> memref<1x1x64xi32, #tpu.memory_space<vmem>>
        %dma_start3A_111 = tpu.memref_squeeze %dma_start3A_110 : memref<1x1x64xi32, #tpu.memory_space<vmem>> -> memref<64xi32, #tpu.memory_space<vmem>>
        %dma_start3A_112 = arith.constant 0 : i32
        %dma_start3A_113 = arith.constant 0 : i32
        %dma_start3A_114 = tpu.memref_slice %arg3[%dma_start3A_112, %dma_start3A_113] : memref<10240x128xf32, #tpu.memory_space<hbm>> -> memref<10240x128xf32, #tpu.memory_space<hbm>>
        %dma_start3A_115 = tpu.memref_slice %arg8[%dma_start3A_104] : memref<4x!tpu.dma_semaphore, #tpu.memory_space<semaphore_mem>> -> memref<1x!tpu.dma_semaphore, #tpu.memory_space<semaphore_mem>>
        %dma_start3A_116 = tpu.memref_squeeze %dma_start3A_115 : memref<1x!tpu.dma_semaphore, #tpu.memory_space<semaphore_mem>> -> memref<!tpu.dma_semaphore, #tpu.memory_space<semaphore_mem>>
        tpu.enqueue_indirect_dma source(%dma_start3A_114 : memref<10240x128xf32, #tpu.memory_space<hbm>>) target(%dma_start3A_108 : memref<64x128xf32, #tpu.memory_space<vmem>>) offsets(%dma_start3A_111 : memref<64xi32, #tpu.memory_space<vmem>>) semaphore(%dma_start3A_116 : memref<!tpu.dma_semaphore, #tpu.memory_space<semaphore_mem>>)
      } else {
      }
      %gt3A_81 = arith.constant 1 : i32
      %gt3A_82 = arith.cmpi sgt, %min3A_67, %gt3A_81 : i32
      %convert_element_type3A_83 = arith.extui %gt3A_82 : i1 to i32
      %cond3A_84 = arith.constant 0 : i32
      %cond3A_85 = arith.cmpi ne, %convert_element_type3A_83, %cond3A_84 : i32
      scf.if %cond3A_85 {
        %dma_start3A = arith.constant 1 : i32
        %dma_start3A_102 = arith.constant 0 : i32
        %dma_start3A_103 = arith.constant 1 : i32
        %dma_start3A_104 = arith.constant 1 : i32
        %dma_start3A_105 = arith.constant 0 : i32
        %dma_start3A_106 = arith.constant 0 : i32
        %dma_start3A_107 = tpu.memref_slice %arg6[%dma_start3A_103, %dma_start3A_105, %dma_start3A_106] : memref<4x64x128xf32, #tpu.memory_space<vmem>> -> memref<1x64x128xf32, #tpu.memory_space<vmem>>
        %dma_start3A_108 = tpu.memref_squeeze %dma_start3A_107 : memref<1x64x128xf32, #tpu.memory_space<vmem>> -> memref<64x128xf32, #tpu.memory_space<vmem>>
        %dma_start3A_109 = arith.constant 0 : i32
        %dma_start3A_110 = tpu.memref_slice %arg5[%dma_start3A, %dma_start3A_102, %dma_start3A_109] : memref<47x2x64xi32, #tpu.memory_space<vmem>> -> memref<1x1x64xi32, #tpu.memory_space<vmem>>
        %dma_start3A_111 = tpu.memref_squeeze %dma_start3A_110 : memref<1x1x64xi32, #tpu.memory_space<vmem>> -> memref<64xi32, #tpu.memory_space<vmem>>
        %dma_start3A_112 = arith.constant 0 : i32
        %dma_start3A_113 = arith.constant 0 : i32
        %dma_start3A_114 = tpu.memref_slice %arg3[%dma_start3A_112, %dma_start3A_113] : memref<10240x128xf32, #tpu.memory_space<hbm>> -> memref<10240x128xf32, #tpu.memory_space<hbm>>
        %dma_start3A_115 = tpu.memref_slice %arg8[%dma_start3A_104] : memref<4x!tpu.dma_semaphore, #tpu.memory_space<semaphore_mem>> -> memref<1x!tpu.dma_semaphore, #tpu.memory_space<semaphore_mem>>
        %dma_start3A_116 = tpu.memref_squeeze %dma_start3A_115 : memref<1x!tpu.dma_semaphore, #tpu.memory_space<semaphore_mem>> -> memref<!tpu.dma_semaphore, #tpu.memory_space<semaphore_mem>>
        tpu.enqueue_indirect_dma source(%dma_start3A_114 : memref<10240x128xf32, #tpu.memory_space<hbm>>) target(%dma_start3A_108 : memref<64x128xf32, #tpu.memory_space<vmem>>) offsets(%dma_start3A_111 : memref<64xi32, #tpu.memory_space<vmem>>) semaphore(%dma_start3A_116 : memref<!tpu.dma_semaphore, #tpu.memory_space<semaphore_mem>>)
      } else {
      }
      %gt3A_86 = arith.constant 2 : i32
      %gt3A_87 = arith.cmpi sgt, %min3A_67, %gt3A_86 : i32
      %convert_element_type3A_88 = arith.extui %gt3A_87 : i1 to i32
      %cond3A_89 = arith.constant 0 : i32
      %cond3A_90 = arith.cmpi ne, %convert_element_type3A_88, %cond3A_89 : i32
      scf.if %cond3A_90 {
        %dma_start3A = arith.constant 2 : i32
        %dma_start3A_102 = arith.constant 0 : i32
        %dma_start3A_103 = arith.constant 2 : i32
        %dma_start3A_104 = arith.constant 2 : i32
        %dma_start3A_105 = arith.constant 0 : i32
        %dma_start3A_106 = arith.constant 0 : i32
        %dma_start3A_107 = tpu.memref_slice %arg6[%dma_start3A_103, %dma_start3A_105, %dma_start3A_106] : memref<4x64x128xf32, #tpu.memory_space<vmem>> -> memref<1x64x128xf32, #tpu.memory_space<vmem>>
        %dma_start3A_108 = tpu.memref_squeeze %dma_start3A_107 : memref<1x64x128xf32, #tpu.memory_space<vmem>> -> memref<64x128xf32, #tpu.memory_space<vmem>>
        %dma_start3A_109 = arith.constant 0 : i32
        %dma_start3A_110 = tpu.memref_slice %arg5[%dma_start3A, %dma_start3A_102, %dma_start3A_109] : memref<47x2x64xi32, #tpu.memory_space<vmem>> -> memref<1x1x64xi32, #tpu.memory_space<vmem>>
        %dma_start3A_111 = tpu.memref_squeeze %dma_start3A_110 : memref<1x1x64xi32, #tpu.memory_space<vmem>> -> memref<64xi32, #tpu.memory_space<vmem>>
        %dma_start3A_112 = arith.constant 0 : i32
        %dma_start3A_113 = arith.constant 0 : i32
        %dma_start3A_114 = tpu.memref_slice %arg3[%dma_start3A_112, %dma_start3A_113] : memref<10240x128xf32, #tpu.memory_space<hbm>> -> memref<10240x128xf32, #tpu.memory_space<hbm>>
        %dma_start3A_115 = tpu.memref_slice %arg8[%dma_start3A_104] : memref<4x!tpu.dma_semaphore, #tpu.memory_space<semaphore_mem>> -> memref<1x!tpu.dma_semaphore, #tpu.memory_space<semaphore_mem>>
        %dma_start3A_116 = tpu.memref_squeeze %dma_start3A_115 : memref<1x!tpu.dma_semaphore, #tpu.memory_space<semaphore_mem>> -> memref<!tpu.dma_semaphore, #tpu.memory_space<semaphore_mem>>
        tpu.enqueue_indirect_dma source(%dma_start3A_114 : memref<10240x128xf32, #tpu.memory_space<hbm>>) target(%dma_start3A_108 : memref<64x128xf32, #tpu.memory_space<vmem>>) offsets(%dma_start3A_111 : memref<64xi32, #tpu.memory_space<vmem>>) semaphore(%dma_start3A_116 : memref<!tpu.dma_semaphore, #tpu.memory_space<semaphore_mem>>)
      } else {
      }
      %while3A = arith.constant 0 : i32
      %while3A_91 = arith.constant 0 : i32
      %while3A_92 = arith.subi %min3A_67, %while3A : i32
      %while3A_93 = arith.addi %while3A, %while3A_92 : i32
      %while3A_94 = arith.constant 1 : i32
      %while3A_95 = arith.divsi %while3A_92, %while3A_94 : i32
      %while3A_96 = arith.muli %while3A_95, %while3A_94 : i32
      %while3A_97 = arith.addi %while3A, %while3A_96 : i32
      %while3A_98 = arith.constant 1 : i32
      %while3A_99 = scf.for %while3A_102 = %while3A to %while3A_97 step %while3A_98 iter_args(%while3A_103 = %while3A_91) -> (i32)  : i32 {
        %add3A_104 = arith.constant 4 : i32
        %add3A_105 = arith.addi %while3A_102, %add3A_104 : i32
        %sub3A_106 = arith.constant 1 : i32
        %sub3A_107 = arith.subi %add3A_105, %sub3A_106 : i32
        %lt3A = arith.cmpi slt, %sub3A_107, %min3A_67 : i32
        %convert_element_type3A_108 = arith.extui %lt3A : i1 to i32
        %cond3A_109 = arith.constant 0 : i32
        %cond3A_110 = arith.cmpi ne, %convert_element_type3A_108, %cond3A_109 : i32
        scf.if %cond3A_110 {
          %jit3A_137 = arith.constant 4 : i32
          %eq3A_138 = arith.constant 0 : i32
          %eq3A_139 = arith.cmpi eq, %jit3A_137, %eq3A_138 : i32
          %jit3A_140 = arith.constant 1 : i32
          %select_n3A_141 = arith.select %eq3A_139, %jit3A_140, %jit3A_137 : i32
          %rem3A_142 = arith.remsi %sub3A_107, %select_n3A_141 : i32
          %ne3A_143 = arith.constant 0 : i32
          %ne3A_144 = arith.cmpi ne, %rem3A_142, %ne3A_143 : i32
          %lt3A_145 = arith.constant 0 : i32
          %lt3A_146 = arith.cmpi slt, %rem3A_142, %lt3A_145 : i32
          %lt3A_147 = arith.constant 0 : i32
          %lt3A_148 = arith.cmpi slt, %select_n3A_141, %lt3A_147 : i32
          %ne3A_149 = arith.xori %lt3A_146, %lt3A_148 : i1
          %and3A_150 = arith.andi %ne3A_149, %ne3A_144 : i1
          %add3A_151 = arith.addi %rem3A_142, %select_n3A_141 : i32
          %select_n3A_152 = arith.select %and3A_150, %add3A_151, %rem3A_142 : i32
          %jit3A_153 = arith.constant 4 : i32
          %eq3A_154 = arith.constant 0 : i32
          %eq3A_155 = arith.cmpi eq, %jit3A_153, %eq3A_154 : i32
          %jit3A_156 = arith.constant 1 : i32
          %select_n3A_157 = arith.select %eq3A_155, %jit3A_156, %jit3A_153 : i32
          %rem3A_158 = arith.remsi %sub3A_107, %select_n3A_157 : i32
          %ne3A_159 = arith.constant 0 : i32
          %ne3A_160 = arith.cmpi ne, %rem3A_158, %ne3A_159 : i32
          %lt3A_161 = arith.constant 0 : i32
          %lt3A_162 = arith.cmpi slt, %rem3A_158, %lt3A_161 : i32
          %lt3A_163 = arith.constant 0 : i32
          %lt3A_164 = arith.cmpi slt, %select_n3A_157, %lt3A_163 : i32
          %ne3A_165 = arith.xori %lt3A_162, %lt3A_164 : i1
          %and3A_166 = arith.andi %ne3A_165, %ne3A_160 : i1
          %add3A_167 = arith.addi %rem3A_158, %select_n3A_157 : i32
          %select_n3A_168 = arith.select %and3A_166, %add3A_167, %rem3A_158 : i32
          %dma_start3A = arith.constant 0 : i32
          %dma_start3A_169 = arith.constant 0 : i32
          %dma_start3A_170 = arith.constant 0 : i32
          %dma_start3A_171 = tpu.memref_slice %arg6[%select_n3A_152, %dma_start3A_169, %dma_start3A_170] : memref<4x64x128xf32, #tpu.memory_space<vmem>> -> memref<1x64x128xf32, #tpu.memory_space<vmem>>
          %dma_start3A_172 = tpu.memref_squeeze %dma_start3A_171 : memref<1x64x128xf32, #tpu.memory_space<vmem>> -> memref<64x128xf32, #tpu.memory_space<vmem>>
          %dma_start3A_173 = arith.constant 0 : i32
          %dma_start3A_174 = tpu.memref_slice %arg5[%sub3A_107, %dma_start3A, %dma_start3A_173] : memref<47x2x64xi32, #tpu.memory_space<vmem>> -> memref<1x1x64xi32, #tpu.memory_space<vmem>>
          %dma_start3A_175 = tpu.memref_squeeze %dma_start3A_174 : memref<1x1x64xi32, #tpu.memory_space<vmem>> -> memref<64xi32, #tpu.memory_space<vmem>>
          %dma_start3A_176 = arith.constant 0 : i32
          %dma_start3A_177 = arith.constant 0 : i32
          %dma_start3A_178 = tpu.memref_slice %arg3[%dma_start3A_176, %dma_start3A_177] : memref<10240x128xf32, #tpu.memory_space<hbm>> -> memref<10240x128xf32, #tpu.memory_space<hbm>>
          %dma_start3A_179 = tpu.memref_slice %arg8[%select_n3A_168] : memref<4x!tpu.dma_semaphore, #tpu.memory_space<semaphore_mem>> -> memref<1x!tpu.dma_semaphore, #tpu.memory_space<semaphore_mem>>
          %dma_start3A_180 = tpu.memref_squeeze %dma_start3A_179 : memref<1x!tpu.dma_semaphore, #tpu.memory_space<semaphore_mem>> -> memref<!tpu.dma_semaphore, #tpu.memory_space<semaphore_mem>>
          tpu.enqueue_indirect_dma source(%dma_start3A_178 : memref<10240x128xf32, #tpu.memory_space<hbm>>) target(%dma_start3A_172 : memref<64x128xf32, #tpu.memory_space<vmem>>) offsets(%dma_start3A_175 : memref<64xi32, #tpu.memory_space<vmem>>) semaphore(%dma_start3A_180 : memref<!tpu.dma_semaphore, #tpu.memory_space<semaphore_mem>>)
        } else {
        }
        %jit3A_111 = arith.constant 4 : i32
        %eq3A_112 = arith.constant 0 : i32
        %eq3A_113 = arith.cmpi eq, %jit3A_111, %eq3A_112 : i32
        %jit3A_114 = arith.constant 1 : i32
        %select_n3A_115 = arith.select %eq3A_113, %jit3A_114, %jit3A_111 : i32
        %rem3A = arith.remsi %while3A_102, %select_n3A_115 : i32
        %ne3A = arith.constant 0 : i32
        %ne3A_116 = arith.cmpi ne, %rem3A, %ne3A : i32
        %lt3A_117 = arith.constant 0 : i32
        %lt3A_118 = arith.cmpi slt, %rem3A, %lt3A_117 : i32
        %lt3A_119 = arith.constant 0 : i32
        %lt3A_120 = arith.cmpi slt, %select_n3A_115, %lt3A_119 : i32
        %ne3A_121 = arith.xori %lt3A_118, %lt3A_120 : i1
        %and3A = arith.andi %ne3A_121, %ne3A_116 : i1
        %add3A_122 = arith.addi %rem3A, %select_n3A_115 : i32
        %select_n3A_123 = arith.select %and3A, %add3A_122, %rem3A : i32
        %dma_wait3A = arith.constant 0 : i32
        %dma_wait3A_124 = arith.constant 0 : i32
        %dma_wait3A_125 = arith.constant 0 : i32
        %dma_wait3A_126 = tpu.memref_slice %arg6[%select_n3A_123, %dma_wait3A_124, %dma_wait3A_125] : memref<4x64x128xf32, #tpu.memory_space<vmem>> -> memref<1x64x128xf32, #tpu.memory_space<vmem>>
        %dma_wait3A_127 = tpu.memref_squeeze %dma_wait3A_126 : memref<1x64x128xf32, #tpu.memory_space<vmem>> -> memref<64x128xf32, #tpu.memory_space<vmem>>
        %dma_wait3A_128 = arith.constant 0 : i32
        %dma_wait3A_129 = tpu.memref_slice %arg5[%while3A_102, %dma_wait3A, %dma_wait3A_128] : memref<47x2x64xi32, #tpu.memory_space<vmem>> -> memref<1x1x64xi32, #tpu.memory_space<vmem>>
        %dma_wait3A_130 = tpu.memref_squeeze %dma_wait3A_129 : memref<1x1x64xi32, #tpu.memory_space<vmem>> -> memref<64xi32, #tpu.memory_space<vmem>>
        %dma_wait3A_131 = arith.constant 0 : i32
        %dma_wait3A_132 = arith.constant 0 : i32
        %dma_wait3A_133 = tpu.memref_slice %arg3[%dma_wait3A_131, %dma_wait3A_132] : memref<10240x128xf32, #tpu.memory_space<hbm>> -> memref<10240x128xf32, #tpu.memory_space<hbm>>
        %dma_wait3A_134 = tpu.memref_slice %arg8[%select_n3A_123] : memref<4x!tpu.dma_semaphore, #tpu.memory_space<semaphore_mem>> -> memref<1x!tpu.dma_semaphore, #tpu.memory_space<semaphore_mem>>
        %dma_wait3A_135 = tpu.memref_squeeze %dma_wait3A_134 : memref<1x!tpu.dma_semaphore, #tpu.memory_space<semaphore_mem>> -> memref<!tpu.dma_semaphore, #tpu.memory_space<semaphore_mem>>
        tpu.wait_indirect_dma semaphore(%dma_wait3A_135 : memref<!tpu.dma_semaphore, #tpu.memory_space<semaphore_mem>>) src(%dma_wait3A_133 : memref<10240x128xf32, #tpu.memory_space<hbm>>) dst(%dma_wait3A_127 : memref<64x128xf32, #tpu.memory_space<vmem>>)
        %run_scoped3A = arith.constant 1 : i32
        "tpu.region"() ({
          %run_scoped3A_137 = tpu.sem_alloc : memref<!tpu.dma_semaphore, #tpu.memory_space<semaphore_mem>>
          %dma_start3A = arith.constant 0 : i32
          %dma_start3A_138 = arith.constant 0 : i32
          %dma_start3A_139 = tpu.memref_slice %arg6[%select_n3A_123, %dma_start3A, %dma_start3A_138] : memref<4x64x128xf32, #tpu.memory_space<vmem>> -> memref<1x64x128xf32, #tpu.memory_space<vmem>>
          %dma_start3A_140 = tpu.memref_squeeze %dma_start3A_139 : memref<1x64x128xf32, #tpu.memory_space<vmem>> -> memref<64x128xf32, #tpu.memory_space<vmem>>
          %dma_start3A_141 = arith.constant 0 : i32
          %dma_start3A_142 = tpu.memref_slice %arg5[%while3A_102, %run_scoped3A, %dma_start3A_141] : memref<47x2x64xi32, #tpu.memory_space<vmem>> -> memref<1x1x64xi32, #tpu.memory_space<vmem>>
          %dma_start3A_143 = tpu.memref_squeeze %dma_start3A_142 : memref<1x1x64xi32, #tpu.memory_space<vmem>> -> memref<64xi32, #tpu.memory_space<vmem>>
          %dma_start3A_144 = arith.constant 0 : i32
          %dma_start3A_145 = arith.constant 0 : i32
          %dma_start3A_146 = tpu.memref_slice %arg7[%dma_start3A_144, %dma_start3A_145] : memref<10240x128xf32, #tpu.memory_space<vmem_shared>> -> memref<10240x128xf32, #tpu.memory_space<vmem_shared>>
          tpu.enqueue_indirect_dma source(%dma_start3A_140 : memref<64x128xf32, #tpu.memory_space<vmem>>) target(%dma_start3A_146 : memref<10240x128xf32, #tpu.memory_space<vmem_shared>>) offsets(%dma_start3A_143 : memref<64xi32, #tpu.memory_space<vmem>>) semaphore(%run_scoped3A_137 : memref<!tpu.dma_semaphore, #tpu.memory_space<semaphore_mem>>) {add = true}
          %dma_wait3A_147 = arith.constant 0 : i32
          %dma_wait3A_148 = arith.constant 0 : i32
          %dma_wait3A_149 = tpu.memref_slice %arg6[%select_n3A_123, %dma_wait3A_147, %dma_wait3A_148] : memref<4x64x128xf32, #tpu.memory_space<vmem>> -> memref<1x64x128xf32, #tpu.memory_space<vmem>>
          %dma_wait3A_150 = tpu.memref_squeeze %dma_wait3A_149 : memref<1x64x128xf32, #tpu.memory_space<vmem>> -> memref<64x128xf32, #tpu.memory_space<vmem>>
          %dma_wait3A_151 = arith.constant 0 : i32
          %dma_wait3A_152 = tpu.memref_slice %arg5[%while3A_102, %run_scoped3A, %dma_wait3A_151] : memref<47x2x64xi32, #tpu.memory_space<vmem>> -> memref<1x1x64xi32, #tpu.memory_space<vmem>>
          %dma_wait3A_153 = tpu.memref_squeeze %dma_wait3A_152 : memref<1x1x64xi32, #tpu.memory_space<vmem>> -> memref<64xi32, #tpu.memory_space<vmem>>
          %dma_wait3A_154 = arith.constant 0 : i32
          %dma_wait3A_155 = arith.constant 0 : i32
          %dma_wait3A_156 = tpu.memref_slice %arg7[%dma_wait3A_154, %dma_wait3A_155] : memref<10240x128xf32, #tpu.memory_space<vmem_shared>> -> memref<10240x128xf32, #tpu.memory_space<vmem_shared>>
          tpu.wait_indirect_dma semaphore(%run_scoped3A_137 : memref<!tpu.dma_semaphore, #tpu.memory_space<semaphore_mem>>) src(%dma_wait3A_150 : memref<64x128xf32, #tpu.memory_space<vmem>>) dst(%dma_wait3A_156 : memref<10240x128xf32, #tpu.memory_space<vmem_shared>>)
          tpu.yield
        }) : () -> ()
        %while3A_136 = arith.constant 0 : i32
        scf.yield %while3A_136 : i32
      }
      %while3A_100 = arith.constant 1 : i32
      %while3A_101 = scf.for %while3A_102 = %while3A_97 to %while3A_93 step %while3A_100 iter_args(%while3A_103 = %while3A_99) -> (i32)  : i32 {
        %add3A_104 = arith.constant 4 : i32
        %add3A_105 = arith.addi %while3A_102, %add3A_104 : i32
        %sub3A_106 = arith.constant 1 : i32
        %sub3A_107 = arith.subi %add3A_105, %sub3A_106 : i32
        %lt3A = arith.cmpi slt, %sub3A_107, %min3A_67 : i32
        %convert_element_type3A_108 = arith.extui %lt3A : i1 to i32
        %cond3A_109 = arith.constant 0 : i32
        %cond3A_110 = arith.cmpi ne, %convert_element_type3A_108, %cond3A_109 : i32
        scf.if %cond3A_110 {
          %jit3A_137 = arith.constant 4 : i32
          %eq3A_138 = arith.constant 0 : i32
          %eq3A_139 = arith.cmpi eq, %jit3A_137, %eq3A_138 : i32
          %jit3A_140 = arith.constant 1 : i32
          %select_n3A_141 = arith.select %eq3A_139, %jit3A_140, %jit3A_137 : i32
          %rem3A_142 = arith.remsi %sub3A_107, %select_n3A_141 : i32
          %ne3A_143 = arith.constant 0 : i32
          %ne3A_144 = arith.cmpi ne, %rem3A_142, %ne3A_143 : i32
          %lt3A_145 = arith.constant 0 : i32
          %lt3A_146 = arith.cmpi slt, %rem3A_142, %lt3A_145 : i32
          %lt3A_147 = arith.constant 0 : i32
          %lt3A_148 = arith.cmpi slt, %select_n3A_141, %lt3A_147 : i32
          %ne3A_149 = arith.xori %lt3A_146, %lt3A_148 : i1
          %and3A_150 = arith.andi %ne3A_149, %ne3A_144 : i1
          %add3A_151 = arith.addi %rem3A_142, %select_n3A_141 : i32
          %select_n3A_152 = arith.select %and3A_150, %add3A_151, %rem3A_142 : i32
          %jit3A_153 = arith.constant 4 : i32
          %eq3A_154 = arith.constant 0 : i32
          %eq3A_155 = arith.cmpi eq, %jit3A_153, %eq3A_154 : i32
          %jit3A_156 = arith.constant 1 : i32
          %select_n3A_157 = arith.select %eq3A_155, %jit3A_156, %jit3A_153 : i32
          %rem3A_158 = arith.remsi %sub3A_107, %select_n3A_157 : i32
          %ne3A_159 = arith.constant 0 : i32
          %ne3A_160 = arith.cmpi ne, %rem3A_158, %ne3A_159 : i32
          %lt3A_161 = arith.constant 0 : i32
          %lt3A_162 = arith.cmpi slt, %rem3A_158, %lt3A_161 : i32
          %lt3A_163 = arith.constant 0 : i32
          %lt3A_164 = arith.cmpi slt, %select_n3A_157, %lt3A_163 : i32
          %ne3A_165 = arith.xori %lt3A_162, %lt3A_164 : i1
          %and3A_166 = arith.andi %ne3A_165, %ne3A_160 : i1
          %add3A_167 = arith.addi %rem3A_158, %select_n3A_157 : i32
          %select_n3A_168 = arith.select %and3A_166, %add3A_167, %rem3A_158 : i32
          %dma_start3A = arith.constant 0 : i32
          %dma_start3A_169 = arith.constant 0 : i32
          %dma_start3A_170 = arith.constant 0 : i32
          %dma_start3A_171 = tpu.memref_slice %arg6[%select_n3A_152, %dma_start3A_169, %dma_start3A_170] : memref<4x64x128xf32, #tpu.memory_space<vmem>> -> memref<1x64x128xf32, #tpu.memory_space<vmem>>
          %dma_start3A_172 = tpu.memref_squeeze %dma_start3A_171 : memref<1x64x128xf32, #tpu.memory_space<vmem>> -> memref<64x128xf32, #tpu.memory_space<vmem>>
          %dma_start3A_173 = arith.constant 0 : i32
          %dma_start3A_174 = tpu.memref_slice %arg5[%sub3A_107, %dma_start3A, %dma_start3A_173] : memref<47x2x64xi32, #tpu.memory_space<vmem>> -> memref<1x1x64xi32, #tpu.memory_space<vmem>>
          %dma_start3A_175 = tpu.memref_squeeze %dma_start3A_174 : memref<1x1x64xi32, #tpu.memory_space<vmem>> -> memref<64xi32, #tpu.memory_space<vmem>>
          %dma_start3A_176 = arith.constant 0 : i32
          %dma_start3A_177 = arith.constant 0 : i32
          %dma_start3A_178 = tpu.memref_slice %arg3[%dma_start3A_176, %dma_start3A_177] : memref<10240x128xf32, #tpu.memory_space<hbm>> -> memref<10240x128xf32, #tpu.memory_space<hbm>>
          %dma_start3A_179 = tpu.memref_slice %arg8[%select_n3A_168] : memref<4x!tpu.dma_semaphore, #tpu.memory_space<semaphore_mem>> -> memref<1x!tpu.dma_semaphore, #tpu.memory_space<semaphore_mem>>
          %dma_start3A_180 = tpu.memref_squeeze %dma_start3A_179 : memref<1x!tpu.dma_semaphore, #tpu.memory_space<semaphore_mem>> -> memref<!tpu.dma_semaphore, #tpu.memory_space<semaphore_mem>>
          tpu.enqueue_indirect_dma source(%dma_start3A_178 : memref<10240x128xf32, #tpu.memory_space<hbm>>) target(%dma_start3A_172 : memref<64x128xf32, #tpu.memory_space<vmem>>) offsets(%dma_start3A_175 : memref<64xi32, #tpu.memory_space<vmem>>) semaphore(%dma_start3A_180 : memref<!tpu.dma_semaphore, #tpu.memory_space<semaphore_mem>>)
        } else {
        }
        %jit3A_111 = arith.constant 4 : i32
        %eq3A_112 = arith.constant 0 : i32
        %eq3A_113 = arith.cmpi eq, %jit3A_111, %eq3A_112 : i32
        %jit3A_114 = arith.constant 1 : i32
        %select_n3A_115 = arith.select %eq3A_113, %jit3A_114, %jit3A_111 : i32
        %rem3A = arith.remsi %while3A_102, %select_n3A_115 : i32
        %ne3A = arith.constant 0 : i32
        %ne3A_116 = arith.cmpi ne, %rem3A, %ne3A : i32
        %lt3A_117 = arith.constant 0 : i32
        %lt3A_118 = arith.cmpi slt, %rem3A, %lt3A_117 : i32
        %lt3A_119 = arith.constant 0 : i32
        %lt3A_120 = arith.cmpi slt, %select_n3A_115, %lt3A_119 : i32
        %ne3A_121 = arith.xori %lt3A_118, %lt3A_120 : i1
        %and3A = arith.andi %ne3A_121, %ne3A_116 : i1
        %add3A_122 = arith.addi %rem3A, %select_n3A_115 : i32
        %select_n3A_123 = arith.select %and3A, %add3A_122, %rem3A : i32
        %dma_wait3A = arith.constant 0 : i32
        %dma_wait3A_124 = arith.constant 0 : i32
        %dma_wait3A_125 = arith.constant 0 : i32
        %dma_wait3A_126 = tpu.memref_slice %arg6[%select_n3A_123, %dma_wait3A_124, %dma_wait3A_125] : memref<4x64x128xf32, #tpu.memory_space<vmem>> -> memref<1x64x128xf32, #tpu.memory_space<vmem>>
        %dma_wait3A_127 = tpu.memref_squeeze %dma_wait3A_126 : memref<1x64x128xf32, #tpu.memory_space<vmem>> -> memref<64x128xf32, #tpu.memory_space<vmem>>
        %dma_wait3A_128 = arith.constant 0 : i32
        %dma_wait3A_129 = tpu.memref_slice %arg5[%while3A_102, %dma_wait3A, %dma_wait3A_128] : memref<47x2x64xi32, #tpu.memory_space<vmem>> -> memref<1x1x64xi32, #tpu.memory_space<vmem>>
        %dma_wait3A_130 = tpu.memref_squeeze %dma_wait3A_129 : memref<1x1x64xi32, #tpu.memory_space<vmem>> -> memref<64xi32, #tpu.memory_space<vmem>>
        %dma_wait3A_131 = arith.constant 0 : i32
        %dma_wait3A_132 = arith.constant 0 : i32
        %dma_wait3A_133 = tpu.memref_slice %arg3[%dma_wait3A_131, %dma_wait3A_132] : memref<10240x128xf32, #tpu.memory_space<hbm>> -> memref<10240x128xf32, #tpu.memory_space<hbm>>
        %dma_wait3A_134 = tpu.memref_slice %arg8[%select_n3A_123] : memref<4x!tpu.dma_semaphore, #tpu.memory_space<semaphore_mem>> -> memref<1x!tpu.dma_semaphore, #tpu.memory_space<semaphore_mem>>
        %dma_wait3A_135 = tpu.memref_squeeze %dma_wait3A_134 : memref<1x!tpu.dma_semaphore, #tpu.memory_space<semaphore_mem>> -> memref<!tpu.dma_semaphore, #tpu.memory_space<semaphore_mem>>
        tpu.wait_indirect_dma semaphore(%dma_wait3A_135 : memref<!tpu.dma_semaphore, #tpu.memory_space<semaphore_mem>>) src(%dma_wait3A_133 : memref<10240x128xf32, #tpu.memory_space<hbm>>) dst(%dma_wait3A_127 : memref<64x128xf32, #tpu.memory_space<vmem>>)
        %run_scoped3A = arith.constant 1 : i32
        "tpu.region"() ({
          %run_scoped3A_137 = tpu.sem_alloc : memref<!tpu.dma_semaphore, #tpu.memory_space<semaphore_mem>>
          %dma_start3A = arith.constant 0 : i32
          %dma_start3A_138 = arith.constant 0 : i32
          %dma_start3A_139 = tpu.memref_slice %arg6[%select_n3A_123, %dma_start3A, %dma_start3A_138] : memref<4x64x128xf32, #tpu.memory_space<vmem>> -> memref<1x64x128xf32, #tpu.memory_space<vmem>>
          %dma_start3A_140 = tpu.memref_squeeze %dma_start3A_139 : memref<1x64x128xf32, #tpu.memory_space<vmem>> -> memref<64x128xf32, #tpu.memory_space<vmem>>
          %dma_start3A_141 = arith.constant 0 : i32
          %dma_start3A_142 = tpu.memref_slice %arg5[%while3A_102, %run_scoped3A, %dma_start3A_141] : memref<47x2x64xi32, #tpu.memory_space<vmem>> -> memref<1x1x64xi32, #tpu.memory_space<vmem>>
          %dma_start3A_143 = tpu.memref_squeeze %dma_start3A_142 : memref<1x1x64xi32, #tpu.memory_space<vmem>> -> memref<64xi32, #tpu.memory_space<vmem>>
          %dma_start3A_144 = arith.constant 0 : i32
          %dma_start3A_145 = arith.constant 0 : i32
          %dma_start3A_146 = tpu.memref_slice %arg7[%dma_start3A_144, %dma_start3A_145] : memref<10240x128xf32, #tpu.memory_space<vmem_shared>> -> memref<10240x128xf32, #tpu.memory_space<vmem_shared>>
          tpu.enqueue_indirect_dma source(%dma_start3A_140 : memref<64x128xf32, #tpu.memory_space<vmem>>) target(%dma_start3A_146 : memref<10240x128xf32, #tpu.memory_space<vmem_shared>>) offsets(%dma_start3A_143 : memref<64xi32, #tpu.memory_space<vmem>>) semaphore(%run_scoped3A_137 : memref<!tpu.dma_semaphore, #tpu.memory_space<semaphore_mem>>) {add = true}
          %dma_wait3A_147 = arith.constant 0 : i32
          %dma_wait3A_148 = arith.constant 0 : i32
          %dma_wait3A_149 = tpu.memref_slice %arg6[%select_n3A_123, %dma_wait3A_147, %dma_wait3A_148] : memref<4x64x128xf32, #tpu.memory_space<vmem>> -> memref<1x64x128xf32, #tpu.memory_space<vmem>>
          %dma_wait3A_150 = tpu.memref_squeeze %dma_wait3A_149 : memref<1x64x128xf32, #tpu.memory_space<vmem>> -> memref<64x128xf32, #tpu.memory_space<vmem>>
          %dma_wait3A_151 = arith.constant 0 : i32
          %dma_wait3A_152 = tpu.memref_slice %arg5[%while3A_102, %run_scoped3A, %dma_wait3A_151] : memref<47x2x64xi32, #tpu.memory_space<vmem>> -> memref<1x1x64xi32, #tpu.memory_space<vmem>>
          %dma_wait3A_153 = tpu.memref_squeeze %dma_wait3A_152 : memref<1x1x64xi32, #tpu.memory_space<vmem>> -> memref<64xi32, #tpu.memory_space<vmem>>
          %dma_wait3A_154 = arith.constant 0 : i32
          %dma_wait3A_155 = arith.constant 0 : i32
          %dma_wait3A_156 = tpu.memref_slice %arg7[%dma_wait3A_154, %dma_wait3A_155] : memref<10240x128xf32, #tpu.memory_space<vmem_shared>> -> memref<10240x128xf32, #tpu.memory_space<vmem_shared>>
          tpu.wait_indirect_dma semaphore(%run_scoped3A_137 : memref<!tpu.dma_semaphore, #tpu.memory_space<semaphore_mem>>) src(%dma_wait3A_150 : memref<64x128xf32, #tpu.memory_space<vmem>>) dst(%dma_wait3A_156 : memref<10240x128xf32, #tpu.memory_space<vmem_shared>>)
          tpu.yield
        }) : () -> ()
        %while3A_136 = arith.constant 0 : i32
        scf.yield %while3A_136 : i32
      }
    } else {
    }
    %barrier3A_73 = arith.constant 0 : index
    tpu.barrier barrier_id(%barrier3A_73)
    "tpu.region"() ({
      %run_scoped3A = tpu.sem_alloc : memref<!tpu.dma_semaphore, #tpu.memory_space<semaphore_mem>>
      %dma_start3A = arith.constant 0 : i32
      %dma_start3A_74 = tpu.memref_slice %arg4[%arg0, %mul3A_10, %dma_start3A] : memref<2x10240x128xf32, #tpu.memory_space<hbm>> -> memref<1x640x128xf32, #tpu.memory_space<hbm>>
      %dma_start3A_75 = tpu.memref_squeeze %dma_start3A_74 : memref<1x640x128xf32, #tpu.memory_space<hbm>> -> memref<640x128xf32, #tpu.memory_space<hbm>>
      %dma_start3A_76 = arith.constant 0 : i32
      %dma_start3A_77 = tpu.memref_slice %arg7[%mul3A_10, %dma_start3A_76] : memref<10240x128xf32, #tpu.memory_space<vmem_shared>> -> memref<640x128xf32, #tpu.memory_space<vmem_shared>>
      tpu.enqueue_dma source(%dma_start3A_77 : memref<640x128xf32, #tpu.memory_space<vmem_shared>>) target(%dma_start3A_75 : memref<640x128xf32, #tpu.memory_space<hbm>>) target_semaphore(%run_scoped3A : memref<!tpu.dma_semaphore, #tpu.memory_space<semaphore_mem>>)
      %dma_wait3A = arith.constant 0 : i32
      %dma_wait3A_78 = tpu.memref_slice %arg4[%arg0, %mul3A_10, %dma_wait3A] : memref<2x10240x128xf32, #tpu.memory_space<hbm>> -> memref<1x640x128xf32, #tpu.memory_space<hbm>>
      %dma_wait3A_79 = tpu.memref_squeeze %dma_wait3A_78 : memref<1x640x128xf32, #tpu.memory_space<hbm>> -> memref<640x128xf32, #tpu.memory_space<hbm>>
      %dma_wait3A_80 = arith.constant 0 : i32
      %dma_wait3A_81 = tpu.memref_slice %arg7[%mul3A_10, %dma_wait3A_80] : memref<10240x128xf32, #tpu.memory_space<vmem_shared>> -> memref<640x128xf32, #tpu.memory_space<vmem_shared>>
      tpu.wait_dma2 semaphore(%run_scoped3A : memref<!tpu.dma_semaphore, #tpu.memory_space<semaphore_mem>>) src(%dma_wait3A_81 : memref<640x128xf32, #tpu.memory_space<vmem_shared>>) dst(%dma_wait3A_79 : memref<640x128xf32, #tpu.memory_space<hbm>>)
      tpu.yield
    }) : () -> ()
    return
  }
}

#map = affine_map<(d0, d1) -> (0, 0, 0)>
module attributes {stable_mosaic.version = 14 : i64} {
  func.func @hist(%arg0: i32, %arg1: i32, %arg2: memref<2528x2x128xi32, #tpu.memory_space<hbm>>, %arg3: memref<2x10240x128xf32, #tpu.memory_space<hbm>>, %arg4: memref<79x2x128xi32, #tpu.memory_space<vmem>>, %arg5: memref<128x128xf32, #tpu.memory_space<vmem>>, %arg6: memref<10240x128xf32, #tpu.memory_space<vmem_shared>>) attributes {dimension_semantics = [#tpu.dimension_semantics<core_parallel>, #tpu.dimension_semantics<subcore_parallel>], iteration_bounds = array<i64: 2, 16>, scalar_prefetch = 0 : i64, scratch_operands = 3 : i64, tpu.core_type = #tpu.core_type<sc_vector_subcore>, window_params = [{transform_indices = #map}, {transform_indices = #map}]} {
    %mul3A = arith.constant 16 : i32
    %mul3A_0 = arith.muli %arg0, %mul3A : i32
    %add3A = arith.addi %mul3A_0, %arg1 : i32
    %mul3A_1 = arith.constant 640 : i32
    %mul3A_2 = arith.muli %arg1, %mul3A_1 : i32
    %scan3A = arith.constant 0 : i32
    %scan3A_3 = arith.constant 0 : i32
    %scan3A_4 = arith.constant 1024 : i32
    %scan3A_5 = arith.addi %scan3A_3, %scan3A_4 : i32
    %scan3A_6 = arith.constant 1 : i32
    %scan3A_7 = scf.for %scan3A_33 = %scan3A_3 to %scan3A_5 step %scan3A_6 iter_args(%scan3A_34 = %scan3A) -> (i32)  : i32 {
      %broadcast_in_dim3A = arith.constant 0.000000e+00 : f32
      %broadcast_in_dim3A_35 = vector.broadcast %broadcast_in_dim3A : f32 to vector<16xf32>
      %jit3A = arith.constant 8 : i32
      %div3A = arith.divsi %scan3A_33, %jit3A : i32
      %sign3A = arith.constant 0 : i32
      %sign3A_36 = arith.cmpi sgt, %scan3A_33, %sign3A : i32
      %sign3A_37 = arith.extui %sign3A_36 : i1 to i32
      %sign3A_38 = arith.constant 0 : i32
      %sign3A_39 = arith.cmpi slt, %scan3A_33, %sign3A_38 : i32
      %sign3A_40 = arith.extui %sign3A_39 : i1 to i32
      %sign3A_41 = arith.subi %sign3A_37, %sign3A_40 : i32
      %sign3A_42 = arith.constant 0 : i32
      %sign3A_43 = arith.cmpi sgt, %jit3A, %sign3A_42 : i32
      %sign3A_44 = arith.extui %sign3A_43 : i1 to i32
      %sign3A_45 = arith.constant 0 : i32
      %sign3A_46 = arith.cmpi slt, %jit3A, %sign3A_45 : i32
      %sign3A_47 = arith.extui %sign3A_46 : i1 to i32
      %sign3A_48 = arith.subi %sign3A_44, %sign3A_47 : i32
      %ne3A = arith.cmpi ne, %sign3A_41, %sign3A_48 : i32
      %rem3A = arith.remsi %scan3A_33, %jit3A : i32
      %ne3A_49 = arith.constant 0 : i32
      %ne3A_50 = arith.cmpi ne, %rem3A, %ne3A_49 : i32
      %and3A = arith.andi %ne3A, %ne3A_50 : i1
      %sub3A = arith.constant 1 : i32
      %sub3A_51 = arith.subi %div3A, %sub3A : i32
      %select_n3A = arith.select %and3A, %sub3A_51, %div3A : i32
      %jit3A_52 = arith.constant 8 : i32
      %eq3A = arith.constant 0 : i32
      %eq3A_53 = arith.cmpi eq, %jit3A_52, %eq3A : i32
      %jit3A_54 = arith.constant 1 : i32
      %select_n3A_55 = arith.select %eq3A_53, %jit3A_54, %jit3A_52 : i32
      %rem3A_56 = arith.remsi %scan3A_33, %select_n3A_55 : i32
      %ne3A_57 = arith.constant 0 : i32
      %ne3A_58 = arith.cmpi ne, %rem3A_56, %ne3A_57 : i32
      %lt3A = arith.constant 0 : i32
      %lt3A_59 = arith.cmpi slt, %rem3A_56, %lt3A : i32
      %lt3A_60 = arith.constant 0 : i32
      %lt3A_61 = arith.cmpi slt, %select_n3A_55, %lt3A_60 : i32
      %ne3A_62 = arith.xori %lt3A_59, %lt3A_61 : i1
      %and3A_63 = arith.andi %ne3A_62, %ne3A_58 : i1
      %add3A_64 = arith.addi %rem3A_56, %select_n3A_55 : i32
      %select_n3A_65 = arith.select %and3A_63, %add3A_64, %rem3A_56 : i32
      %mul3A_66 = arith.constant 16 : i32
      %mul3A_67 = arith.muli %select_n3A_65, %mul3A_66 : i32
      %swap3A = arith.index_cast %select_n3A : i32 to index
      %swap3A_68 = arith.index_cast %mul3A_67 : i32 to index
      %swap3A_69 = tpu.vector_load %arg5[%swap3A, %swap3A_68] {strides = array<i32>} : memref<128x128xf32, #tpu.memory_space<vmem>>, vector<1x16xf32>,
      %swap3A_70 = vector.shape_cast %swap3A_69 : vector<1x16xf32> to vector<16xf32>
      %swap3A_71 = vector.shape_cast %broadcast_in_dim3A_35 : vector<16xf32> to vector<1x16xf32>
      tpu.vector_store %arg5[%swap3A, %swap3A_68], %swap3A_71 {strides = array<i32>} : memref<128x128xf32, #tpu.memory_space<vmem>>, vector<1x16xf32>,
      %scan3A_72 = arith.constant 0 : i32
      scf.yield %scan3A_72 : i32
    }
    %scan3A_8 = arith.constant 1024 : i32
    %scan3A_9 = arith.constant 0 : i32
    %scan3A_10 = arith.constant 0 : i32
    %scan3A_11 = arith.constant 5 : i32
    %scan3A_12 = arith.addi %scan3A_10, %scan3A_11 : i32
    %scan3A_13 = arith.constant 1 : i32
    %scan3A_14 = scf.for %scan3A_33 = %scan3A_10 to %scan3A_12 step %scan3A_13 iter_args(%scan3A_34 = %scan3A_9) -> (i32)  : i32 {
      %mul3A_35 = arith.constant 128 : i32
      %mul3A_36 = arith.muli %scan3A_33, %mul3A_35 : i32
      %add3A_37 = arith.addi %mul3A_2, %mul3A_36 : i32
      "tpu.region"() ({
        %run_scoped3A = tpu.sem_alloc : memref<!tpu.dma_semaphore, #tpu.memory_space<semaphore_mem>>
        %dma_start3A = arith.constant 0 : i32
        %dma_start3A_39 = tpu.memref_slice %arg6[%add3A_37, %dma_start3A] : memref<10240x128xf32, #tpu.memory_space<vmem_shared>> -> memref<128x128xf32, #tpu.memory_space<vmem_shared>>
        %dma_start3A_40 = arith.constant 0 : i32
        %dma_start3A_41 = tpu.memref_slice %arg6[%add3A_37, %dma_start3A_40] : memref<10240x128xf32, #tpu.memory_space<vmem_shared>> -> memref<128x128xf32, #tpu.memory_space<vmem_shared>>
        tpu.enqueue_dma source(%arg5 : memref<128x128xf32, #tpu.memory_space<vmem>>) target(%dma_start3A_41 : memref<128x128xf32, #tpu.memory_space<vmem_shared>>) target_semaphore(%run_scoped3A : memref<!tpu.dma_semaphore, #tpu.memory_space<semaphore_mem>>)
        %dma_wait3A = arith.constant 0 : i32
        %dma_wait3A_42 = tpu.memref_slice %arg6[%add3A_37, %dma_wait3A] : memref<10240x128xf32, #tpu.memory_space<vmem_shared>> -> memref<128x128xf32, #tpu.memory_space<vmem_shared>>
        %dma_wait3A_43 = arith.constant 0 : i32
        %dma_wait3A_44 = tpu.memref_slice %arg6[%add3A_37, %dma_wait3A_43] : memref<10240x128xf32, #tpu.memory_space<vmem_shared>> -> memref<128x128xf32, #tpu.memory_space<vmem_shared>>
        tpu.wait_dma2 semaphore(%run_scoped3A : memref<!tpu.dma_semaphore, #tpu.memory_space<semaphore_mem>>) src(%arg5 : memref<128x128xf32, #tpu.memory_space<vmem>>) dst(%dma_wait3A_44 : memref<128x128xf32, #tpu.memory_space<vmem_shared>>)
        tpu.yield
      }) : () -> ()
      %scan3A_38 = arith.constant 0 : i32
      scf.yield %scan3A_38 : i32
    }
    %scan3A_15 = arith.constant 5 : i32
    %scan3A_16 = arith.constant 0 : i32
    %scan3A_17 = arith.constant 0 : i32
    %scan3A_18 = arith.constant 1024 : i32
    %scan3A_19 = arith.addi %scan3A_17, %scan3A_18 : i32
    %scan3A_20 = arith.constant 1 : i32
    %scan3A_21 = scf.for %scan3A_33 = %scan3A_17 to %scan3A_19 step %scan3A_20 iter_args(%scan3A_34 = %scan3A_16) -> (i32)  : i32 {
      %broadcast_in_dim3A = arith.constant 1.000000e+00 : f32
      %broadcast_in_dim3A_35 = vector.broadcast %broadcast_in_dim3A : f32 to vector<16xf32>
      %jit3A = arith.constant 8 : i32
      %div3A = arith.divsi %scan3A_33, %jit3A : i32
      %sign3A = arith.constant 0 : i32
      %sign3A_36 = arith.cmpi sgt, %scan3A_33, %sign3A : i32
      %sign3A_37 = arith.extui %sign3A_36 : i1 to i32
      %sign3A_38 = arith.constant 0 : i32
      %sign3A_39 = arith.cmpi slt, %scan3A_33, %sign3A_38 : i32
      %sign3A_40 = arith.extui %sign3A_39 : i1 to i32
      %sign3A_41 = arith.subi %sign3A_37, %sign3A_40 : i32
      %sign3A_42 = arith.constant 0 : i32
      %sign3A_43 = arith.cmpi sgt, %jit3A, %sign3A_42 : i32
      %sign3A_44 = arith.extui %sign3A_43 : i1 to i32
      %sign3A_45 = arith.constant 0 : i32
      %sign3A_46 = arith.cmpi slt, %jit3A, %sign3A_45 : i32
      %sign3A_47 = arith.extui %sign3A_46 : i1 to i32
      %sign3A_48 = arith.subi %sign3A_44, %sign3A_47 : i32
      %ne3A = arith.cmpi ne, %sign3A_41, %sign3A_48 : i32
      %rem3A = arith.remsi %scan3A_33, %jit3A : i32
      %ne3A_49 = arith.constant 0 : i32
      %ne3A_50 = arith.cmpi ne, %rem3A, %ne3A_49 : i32
      %and3A = arith.andi %ne3A, %ne3A_50 : i1
      %sub3A = arith.constant 1 : i32
      %sub3A_51 = arith.subi %div3A, %sub3A : i32
      %select_n3A = arith.select %and3A, %sub3A_51, %div3A : i32
      %jit3A_52 = arith.constant 8 : i32
      %eq3A = arith.constant 0 : i32
      %eq3A_53 = arith.cmpi eq, %jit3A_52, %eq3A : i32
      %jit3A_54 = arith.constant 1 : i32
      %select_n3A_55 = arith.select %eq3A_53, %jit3A_54, %jit3A_52 : i32
      %rem3A_56 = arith.remsi %scan3A_33, %select_n3A_55 : i32
      %ne3A_57 = arith.constant 0 : i32
      %ne3A_58 = arith.cmpi ne, %rem3A_56, %ne3A_57 : i32
      %lt3A = arith.constant 0 : i32
      %lt3A_59 = arith.cmpi slt, %rem3A_56, %lt3A : i32
      %lt3A_60 = arith.constant 0 : i32
      %lt3A_61 = arith.cmpi slt, %select_n3A_55, %lt3A_60 : i32
      %ne3A_62 = arith.xori %lt3A_59, %lt3A_61 : i1
      %and3A_63 = arith.andi %ne3A_62, %ne3A_58 : i1
      %add3A_64 = arith.addi %rem3A_56, %select_n3A_55 : i32
      %select_n3A_65 = arith.select %and3A_63, %add3A_64, %rem3A_56 : i32
      %mul3A_66 = arith.constant 16 : i32
      %mul3A_67 = arith.muli %select_n3A_65, %mul3A_66 : i32
      %swap3A = arith.index_cast %select_n3A : i32 to index
      %swap3A_68 = arith.index_cast %mul3A_67 : i32 to index
      %swap3A_69 = tpu.vector_load %arg5[%swap3A, %swap3A_68] {strides = array<i32>} : memref<128x128xf32, #tpu.memory_space<vmem>>, vector<1x16xf32>,
      %swap3A_70 = vector.shape_cast %swap3A_69 : vector<1x16xf32> to vector<16xf32>
      %swap3A_71 = vector.shape_cast %broadcast_in_dim3A_35 : vector<16xf32> to vector<1x16xf32>
      tpu.vector_store %arg5[%swap3A, %swap3A_68], %swap3A_71 {strides = array<i32>} : memref<128x128xf32, #tpu.memory_space<vmem>>, vector<1x16xf32>,
      %scan3A_72 = arith.constant 0 : i32
      scf.yield %scan3A_72 : i32
    }
    %scan3A_22 = arith.constant 1024 : i32
    %mul3A_23 = arith.constant 79 : i32
    %mul3A_24 = arith.muli %add3A, %mul3A_23 : i32
    "tpu.region"() ({
      %run_scoped3A = tpu.sem_alloc : memref<!tpu.dma_semaphore, #tpu.memory_space<semaphore_mem>>
      %dma_start3A = arith.constant 0 : i32
      %dma_start3A_33 = arith.constant 0 : i32
      %dma_start3A_34 = tpu.memref_slice %arg2[%mul3A_24, %dma_start3A, %dma_start3A_33] : memref<2528x2x128xi32, #tpu.memory_space<hbm>> -> memref<79x2x128xi32, #tpu.memory_space<hbm>>
      %dma_start3A_35 = arith.constant 0 : i32
      %dma_start3A_36 = arith.constant 0 : i32
      %dma_start3A_37 = tpu.memref_slice %arg2[%mul3A_24, %dma_start3A_35, %dma_start3A_36] : memref<2528x2x128xi32, #tpu.memory_space<hbm>> -> memref<79x2x128xi32, #tpu.memory_space<hbm>>
      tpu.enqueue_dma source(%dma_start3A_37 : memref<79x2x128xi32, #tpu.memory_space<hbm>>) target(%arg4 : memref<79x2x128xi32, #tpu.memory_space<vmem>>) target_semaphore(%run_scoped3A : memref<!tpu.dma_semaphore, #tpu.memory_space<semaphore_mem>>)
      %dma_wait3A = arith.constant 0 : i32
      %dma_wait3A_38 = arith.constant 0 : i32
      %dma_wait3A_39 = tpu.memref_slice %arg2[%mul3A_24, %dma_wait3A, %dma_wait3A_38] : memref<2528x2x128xi32, #tpu.memory_space<hbm>> -> memref<79x2x128xi32, #tpu.memory_space<hbm>>
      %dma_wait3A_40 = arith.constant 0 : i32
      %dma_wait3A_41 = arith.constant 0 : i32
      %dma_wait3A_42 = tpu.memref_slice %arg2[%mul3A_24, %dma_wait3A_40, %dma_wait3A_41] : memref<2528x2x128xi32, #tpu.memory_space<hbm>> -> memref<79x2x128xi32, #tpu.memory_space<hbm>>
      tpu.wait_dma2 semaphore(%run_scoped3A : memref<!tpu.dma_semaphore, #tpu.memory_space<semaphore_mem>>) src(%dma_wait3A_42 : memref<79x2x128xi32, #tpu.memory_space<hbm>>) dst(%arg4 : memref<79x2x128xi32, #tpu.memory_space<vmem>>)
      tpu.yield
    }) : () -> ()
    %barrier3A = arith.constant 0 : index
    tpu.barrier barrier_id(%barrier3A)
    %scan3A_25 = arith.constant 0 : i32
    %scan3A_26 = arith.constant 0 : i32
    %scan3A_27 = arith.constant 79 : i32
    %scan3A_28 = arith.addi %scan3A_26, %scan3A_27 : i32
    %scan3A_29 = arith.constant 1 : i32
    %scan3A_30 = scf.for %scan3A_33 = %scan3A_26 to %scan3A_28 step %scan3A_29 iter_args(%scan3A_34 = %scan3A_25) -> (i32)  : i32 {
      %run_scoped3A = arith.constant 1 : i32
      "tpu.region"() ({
        %run_scoped3A_36 = tpu.sem_alloc : memref<!tpu.dma_semaphore, #tpu.memory_space<semaphore_mem>>
        %dma_start3A = arith.constant 0 : i32
        %dma_start3A_37 = tpu.memref_slice %arg4[%scan3A_33, %run_scoped3A, %dma_start3A] : memref<79x2x128xi32, #tpu.memory_space<vmem>> -> memref<1x1x128xi32, #tpu.memory_space<vmem>>
        %dma_start3A_38 = tpu.memref_squeeze %dma_start3A_37 : memref<1x1x128xi32, #tpu.memory_space<vmem>> -> memref<128xi32, #tpu.memory_space<vmem>>
        %dma_start3A_39 = arith.constant 0 : i32
        %dma_start3A_40 = arith.constant 0 : i32
        %dma_start3A_41 = tpu.memref_slice %arg6[%dma_start3A_39, %dma_start3A_40] : memref<10240x128xf32, #tpu.memory_space<vmem_shared>> -> memref<10240x128xf32, #tpu.memory_space<vmem_shared>>
        tpu.enqueue_indirect_dma source(%arg5 : memref<128x128xf32, #tpu.memory_space<vmem>>) target(%dma_start3A_41 : memref<10240x128xf32, #tpu.memory_space<vmem_shared>>) offsets(%dma_start3A_38 : memref<128xi32, #tpu.memory_space<vmem>>) semaphore(%run_scoped3A_36 : memref<!tpu.dma_semaphore, #tpu.memory_space<semaphore_mem>>) {add = true}
        %dma_wait3A = arith.constant 0 : i32
        %dma_wait3A_42 = tpu.memref_slice %arg4[%scan3A_33, %run_scoped3A, %dma_wait3A] : memref<79x2x128xi32, #tpu.memory_space<vmem>> -> memref<1x1x128xi32, #tpu.memory_space<vmem>>
        %dma_wait3A_43 = tpu.memref_squeeze %dma_wait3A_42 : memref<1x1x128xi32, #tpu.memory_space<vmem>> -> memref<128xi32, #tpu.memory_space<vmem>>
        %dma_wait3A_44 = arith.constant 0 : i32
        %dma_wait3A_45 = arith.constant 0 : i32
        %dma_wait3A_46 = tpu.memref_slice %arg6[%dma_wait3A_44, %dma_wait3A_45] : memref<10240x128xf32, #tpu.memory_space<vmem_shared>> -> memref<10240x128xf32, #tpu.memory_space<vmem_shared>>
        tpu.wait_indirect_dma semaphore(%run_scoped3A_36 : memref<!tpu.dma_semaphore, #tpu.memory_space<semaphore_mem>>) src(%arg5 : memref<128x128xf32, #tpu.memory_space<vmem>>) dst(%dma_wait3A_46 : memref<10240x128xf32, #tpu.memory_space<vmem_shared>>)
        tpu.yield
      }) : () -> ()
      %scan3A_35 = arith.constant 0 : i32
      scf.yield %scan3A_35 : i32
    }
    %scan3A_31 = arith.constant 79 : i32
    %barrier3A_32 = arith.constant 0 : index
    tpu.barrier barrier_id(%barrier3A_32)
    "tpu.region"() ({
      %run_scoped3A = tpu.sem_alloc : memref<!tpu.dma_semaphore, #tpu.memory_space<semaphore_mem>>
      %dma_start3A = arith.constant 0 : i32
      %dma_start3A_33 = tpu.memref_slice %arg3[%arg0, %mul3A_2, %dma_start3A] : memref<2x10240x128xf32, #tpu.memory_space<hbm>> -> memref<1x640x128xf32, #tpu.memory_space<hbm>>
      %dma_start3A_34 = tpu.memref_squeeze %dma_start3A_33 : memref<1x640x128xf32, #tpu.memory_space<hbm>> -> memref<640x128xf32, #tpu.memory_space<hbm>>
      %dma_start3A_35 = arith.constant 0 : i32
      %dma_start3A_36 = tpu.memref_slice %arg6[%mul3A_2, %dma_start3A_35] : memref<10240x128xf32, #tpu.memory_space<vmem_shared>> -> memref<640x128xf32, #tpu.memory_space<vmem_shared>>
      tpu.enqueue_dma source(%dma_start3A_36 : memref<640x128xf32, #tpu.memory_space<vmem_shared>>) target(%dma_start3A_34 : memref<640x128xf32, #tpu.memory_space<hbm>>) target_semaphore(%run_scoped3A : memref<!tpu.dma_semaphore, #tpu.memory_space<semaphore_mem>>)
      %dma_wait3A = arith.constant 0 : i32
      %dma_wait3A_37 = tpu.memref_slice %arg3[%arg0, %mul3A_2, %dma_wait3A] : memref<2x10240x128xf32, #tpu.memory_space<hbm>> -> memref<1x640x128xf32, #tpu.memory_space<hbm>>
      %dma_wait3A_38 = tpu.memref_squeeze %dma_wait3A_37 : memref<1x640x128xf32, #tpu.memory_space<hbm>> -> memref<640x128xf32, #tpu.memory_space<hbm>>
      %dma_wait3A_39 = arith.constant 0 : i32
      %dma_wait3A_40 = tpu.memref_slice %arg6[%mul3A_2, %dma_wait3A_39] : memref<10240x128xf32, #tpu.memory_space<vmem_shared>> -> memref<640x128xf32, #tpu.memory_space<vmem_shared>>
      tpu.wait_dma2 semaphore(%run_scoped3A : memref<!tpu.dma_semaphore, #tpu.memory_space<semaphore_mem>>) src(%dma_wait3A_40 : memref<640x128xf32, #tpu.memory_space<vmem_shared>>) dst(%dma_wait3A_38 : memref<640x128xf32, #tpu.memory_space<hbm>>)
      tpu.yield
    }) : () -> ()
    return
  }
}

module attributes {stable_mosaic.version = 14 : i64} {
  func.func @body(%arg0: i32, %arg1: memref<1280x128xf32, #tpu.memory_space<vmem>>, %arg2: memref<128x128xf32, #tpu.memory_space<vmem>>, %arg3: memref<2x1280x128xf32, #tpu.memory_space<vmem>>, %arg4: memref<1280x128xf32, #tpu.memory_space<vmem>>) attributes {dimension_semantics = [#tpu.dimension_semantics<arbitrary>], iteration_bounds = array<i64: 8>, scalar_prefetch = 0 : i64, scratch_operands = 0 : i64, tpu.core_type = #tpu.core_type<tc>, window_params = [{transform_indices = @transform_0, window_bounds = array<i64: 1280, 128>}, {pipeline_mode = #tpu.pipeline_mode<synchronous>, transform_indices = @transform_1, window_bounds = array<i64: 128, 128>}, {transform_indices = @transform_2, window_bounds = array<i64: 2, 1280, 128>}, {transform_indices = @transform_3, window_bounds = array<i64: 1280, 128>}]} {
    %get3A = arith.constant 0 : index
    %get3A_0 = arith.constant 0 : index
    %get3A_1 = arith.constant 0 : index
    %get3A_2 = vector.load %arg3[%get3A, %get3A_0, %get3A_1] : memref<2x1280x128xf32, #tpu.memory_space<vmem>>, vector<1x1280x1xf32>
    %get3A_3 = vector.shape_cast %get3A_2 : vector<1x1280x1xf32> to vector<1280x1xf32>
    %get3A_4 = arith.constant 1 : index
    %get3A_5 = arith.constant 0 : index
    %get3A_6 = arith.constant 0 : index
    %get3A_7 = vector.load %arg3[%get3A_4, %get3A_5, %get3A_6] : memref<2x1280x128xf32, #tpu.memory_space<vmem>>, vector<1x1280x1xf32>
    %get3A_8 = vector.shape_cast %get3A_7 : vector<1x1280x1xf32> to vector<1280x1xf32>
    %add3A = arith.addf %get3A_3, %get3A_8 : vector<1280x1xf32>
    %add3A_9 = arith.constant 1.000000e+00 : f32
    %add3A_10 = vector.broadcast %add3A_9 : f32 to vector<1280x1xf32>
    %add3A_11 = arith.addf %add3A, %add3A_10 : vector<1280x1xf32>
    %rsqrt3A = math.rsqrt %add3A_11 : vector<1280x1xf32>
    %get3A_12 = arith.constant 0 : index
    %get3A_13 = arith.constant 0 : index
    %get3A_14 = vector.load %arg1[%get3A_12, %get3A_13] : memref<1280x128xf32, #tpu.memory_space<vmem>>, vector<1280x128xf32>
    %get3A_15 = arith.constant 0 : index
    %get3A_16 = arith.constant 0 : index
    %get3A_17 = vector.load %arg2[%get3A_15, %get3A_16] : memref<128x128xf32, #tpu.memory_space<vmem>>, vector<128x128xf32>
    %dot_general3A = arith.constant dense<0.000000e+00> : vector<1280x128xf32>
    %dot_general3A_18 = tpu.matmul %get3A_14, %get3A_17, %dot_general3A {dimension_numbers = #tpu.dot_dimension_numbers<[1], [0], [0], [1], [0, 0, 1, 1], [], []>, precision = #tpu.contract_precision<fp32>, transpose_lhs_hint = false} : vector<1280x128xf32>, vector<128x128xf32>, vector<1280x128xf32> -> vector<1280x128xf32>
    %mul3A = vector.broadcast %rsqrt3A : vector<1280x1xf32> to vector<1280x128xf32>
    %mul3A_19 = arith.mulf %dot_general3A_18, %mul3A : vector<1280x128xf32>
    %swap3A = arith.constant 0 : index
    %swap3A_20 = arith.constant 0 : index
    %swap3A_21 = vector.load %arg4[%swap3A, %swap3A_20] : memref<1280x128xf32, #tpu.memory_space<vmem>>, vector<1280x128xf32>
    tpu.vector_store %arg4[%swap3A, %swap3A_20], %mul3A_19 {strides = array<i32>} : memref<1280x128xf32, #tpu.memory_space<vmem>>, vector<1280x128xf32>,
    return
  }
  func.func @transform_0(%arg0: i32) -> (i32, i32) {
    %c0_i32 = arith.constant 0 : i32
    %c0_i32_0 = arith.constant 0 : i32
    return %arg0, %c0_i32 : i32, i32
  }
  func.func @transform_1(%arg0: i32) -> (i32, i32) {
    %c0_i32 = arith.constant 0 : i32
    %c0_i32_0 = arith.constant 0 : i32
    %c0_i32_1 = arith.constant 0 : i32
    return %c0_i32, %c0_i32_0 : i32, i32
  }
  func.func @transform_2(%arg0: i32) -> (i32, i32, i32) {
    %c0_i32 = arith.constant 0 : i32
    %c0_i32_0 = arith.constant 0 : i32
    %c0_i32_1 = arith.constant 0 : i32
    return %c0_i32, %arg0, %c0_i32_0 : i32, i32, i32
  }
  func.func @transform_3(%arg0: i32) -> (i32, i32) {
    %c0_i32 = arith.constant 0 : i32
    %c0_i32_0 = arith.constant 0 : i32
    return %arg0, %c0_i32 : i32, i32
  }
}

module attributes {stable_mosaic.version = 14 : i64} {
  func.func @body(%arg0: i32, %arg1: memref<2x1280x128xf32, #tpu.memory_space<vmem>>, %arg2: memref<1280x128xf32, #tpu.memory_space<vmem>>, %arg3: memref<1x128xf32, #tpu.memory_space<vmem>>, %arg4: memref<128x128xf32, #tpu.memory_space<vmem>>, %arg5: memref<2x1280x128xf32, #tpu.memory_space<vmem>>, %arg6: memref<1280x128xf32, #tpu.memory_space<vmem>>) attributes {dimension_semantics = [#tpu.dimension_semantics<arbitrary>], iteration_bounds = array<i64: 8>, scalar_prefetch = 0 : i64, scratch_operands = 0 : i64, tpu.core_type = #tpu.core_type<tc>, window_params = [{transform_indices = @transform_0, window_bounds = array<i64: 2, 1280, 128>}, {transform_indices = @transform_1, window_bounds = array<i64: 1280, 128>}, {pipeline_mode = #tpu.pipeline_mode<synchronous>, transform_indices = @transform_2, window_bounds = array<i64: 1, 128>}, {pipeline_mode = #tpu.pipeline_mode<synchronous>, transform_indices = @transform_3, window_bounds = array<i64: 128, 128>}, {transform_indices = @transform_4, window_bounds = array<i64: 2, 1280, 128>}, {transform_indices = @transform_5, window_bounds = array<i64: 1280, 128>}]} {
    %get3A = arith.constant 0 : index
    %get3A_0 = arith.constant 0 : index
    %get3A_1 = arith.constant 0 : index
    %get3A_2 = vector.load %arg5[%get3A, %get3A_0, %get3A_1] : memref<2x1280x128xf32, #tpu.memory_space<vmem>>, vector<1x1280x1xf32>
    %get3A_3 = vector.shape_cast %get3A_2 : vector<1x1280x1xf32> to vector<1280x1xf32>
    %get3A_4 = arith.constant 1 : index
    %get3A_5 = arith.constant 0 : index
    %get3A_6 = arith.constant 0 : index
    %get3A_7 = vector.load %arg5[%get3A_4, %get3A_5, %get3A_6] : memref<2x1280x128xf32, #tpu.memory_space<vmem>>, vector<1x1280x1xf32>
    %get3A_8 = vector.shape_cast %get3A_7 : vector<1x1280x1xf32> to vector<1280x1xf32>
    %add3A = arith.addf %get3A_3, %get3A_8 : vector<1280x1xf32>
    %add3A_9 = arith.constant 1.000000e+00 : f32
    %add3A_10 = vector.broadcast %add3A_9 : f32 to vector<1280x1xf32>
    %add3A_11 = arith.addf %add3A, %add3A_10 : vector<1280x1xf32>
    %rsqrt3A = math.rsqrt %add3A_11 : vector<1280x1xf32>
    %get3A_12 = arith.constant 0 : index
    %get3A_13 = arith.constant 0 : index
    %get3A_14 = arith.constant 0 : index
    %get3A_15 = vector.load %arg1[%get3A_12, %get3A_13, %get3A_14] : memref<2x1280x128xf32, #tpu.memory_space<vmem>>, vector<1x1280x128xf32>
    %get3A_16 = vector.shape_cast %get3A_15 : vector<1x1280x128xf32> to vector<1280x128xf32>
    %get3A_17 = arith.constant 1 : index
    %get3A_18 = arith.constant 0 : index
    %get3A_19 = arith.constant 0 : index
    %get3A_20 = vector.load %arg1[%get3A_17, %get3A_18, %get3A_19] : memref<2x1280x128xf32, #tpu.memory_space<vmem>>, vector<1x1280x128xf32>
    %get3A_21 = vector.shape_cast %get3A_20 : vector<1x1280x128xf32> to vector<1280x128xf32>
    %add3A_22 = arith.addf %get3A_16, %get3A_21 : vector<1280x128xf32>
    %get3A_23 = arith.constant 0 : index
    %get3A_24 = arith.constant 0 : index
    %get3A_25 = vector.load %arg2[%get3A_23, %get3A_24] : memref<1280x128xf32, #tpu.memory_space<vmem>>, vector<1280x128xf32>
    %add3A_26 = arith.addf %add3A_22, %get3A_25 : vector<1280x128xf32>
    %mul3A = vector.broadcast %rsqrt3A : vector<1280x1xf32> to vector<1280x128xf32>
    %mul3A_27 = arith.mulf %add3A_26, %mul3A : vector<1280x128xf32>
    %get3A_28 = arith.constant 0 : index
    %get3A_29 = arith.constant 0 : index
    %get3A_30 = vector.load %arg3[%get3A_28, %get3A_29] : memref<1x128xf32, #tpu.memory_space<vmem>>, vector<1x128xf32>
    %add3A_31 = vector.broadcast %get3A_30 : vector<1x128xf32> to vector<1280x128xf32>
    %add3A_32 = arith.addf %mul3A_27, %add3A_31 : vector<1280x128xf32>
    %get3A_33 = arith.constant 0 : index
    %get3A_34 = arith.constant 0 : index
    %get3A_35 = vector.load %arg4[%get3A_33, %get3A_34] : memref<128x128xf32, #tpu.memory_space<vmem>>, vector<128x128xf32>
    %dot_general3A = arith.constant dense<0.000000e+00> : vector<1280x128xf32>
    %dot_general3A_36 = tpu.matmul %add3A_32, %get3A_35, %dot_general3A {dimension_numbers = #tpu.dot_dimension_numbers<[1], [0], [0], [1], [0, 0, 1, 1], [], []>, precision = #tpu.contract_precision<fp32>, transpose_lhs_hint = false} : vector<1280x128xf32>, vector<128x128xf32>, vector<1280x128xf32> -> vector<1280x128xf32>
    %mul3A_37 = vector.broadcast %rsqrt3A : vector<1280x1xf32> to vector<1280x128xf32>
    %mul3A_38 = arith.mulf %dot_general3A_36, %mul3A_37 : vector<1280x128xf32>
    %swap3A = arith.constant 0 : index
    %swap3A_39 = arith.constant 0 : index
    %swap3A_40 = vector.load %arg6[%swap3A, %swap3A_39] : memref<1280x128xf32, #tpu.memory_space<vmem>>, vector<1280x128xf32>
    tpu.vector_store %arg6[%swap3A, %swap3A_39], %mul3A_38 {strides = array<i32>} : memref<1280x128xf32, #tpu.memory_space<vmem>>, vector<1280x128xf32>,
    return
  }
  func.func @transform_0(%arg0: i32) -> (i32, i32, i32) {
    %c0_i32 = arith.constant 0 : i32
    %c0_i32_0 = arith.constant 0 : i32
    %c0_i32_1 = arith.constant 0 : i32
    return %c0_i32, %arg0, %c0_i32_0 : i32, i32, i32
  }
  func.func @transform_1(%arg0: i32) -> (i32, i32) {
    %c0_i32 = arith.constant 0 : i32
    %c0_i32_0 = arith.constant 0 : i32
    return %arg0, %c0_i32 : i32, i32
  }
  func.func @transform_2(%arg0: i32) -> (i32, i32) {
    %c0_i32 = arith.constant 0 : i32
    %c0_i32_0 = arith.constant 0 : i32
    %c0_i32_1 = arith.constant 0 : i32
    return %c0_i32, %c0_i32_0 : i32, i32
  }
  func.func @transform_3(%arg0: i32) -> (i32, i32) {
    %c0_i32 = arith.constant 0 : i32
    %c0_i32_0 = arith.constant 0 : i32
    %c0_i32_1 = arith.constant 0 : i32
    return %c0_i32, %c0_i32_0 : i32, i32
  }
  func.func @transform_4(%arg0: i32) -> (i32, i32, i32) {
    %c0_i32 = arith.constant 0 : i32
    %c0_i32_0 = arith.constant 0 : i32
    %c0_i32_1 = arith.constant 0 : i32
    return %c0_i32, %arg0, %c0_i32_0 : i32, i32, i32
  }
  func.func @transform_5(%arg0: i32) -> (i32, i32) {
    %c0_i32 = arith.constant 0 : i32
    %c0_i32_0 = arith.constant 0 : i32
    return %arg0, %c0_i32 : i32, i32
  }
}

module attributes {stable_mosaic.version = 14 : i64} {
  func.func @body(%arg0: i32, %arg1: memref<2x1280x128xf32, #tpu.memory_space<vmem>>, %arg2: memref<1280x128xf32, #tpu.memory_space<vmem>>, %arg3: memref<1x128xf32, #tpu.memory_space<vmem>>, %arg4: memref<2x1280x128xf32, #tpu.memory_space<vmem>>, %arg5: memref<1280x128xf32, #tpu.memory_space<vmem>>) attributes {dimension_semantics = [#tpu.dimension_semantics<arbitrary>], iteration_bounds = array<i64: 8>, scalar_prefetch = 0 : i64, scratch_operands = 0 : i64, tpu.core_type = #tpu.core_type<tc>, window_params = [{transform_indices = @transform_0, window_bounds = array<i64: 2, 1280, 128>}, {transform_indices = @transform_1, window_bounds = array<i64: 1280, 128>}, {pipeline_mode = #tpu.pipeline_mode<synchronous>, transform_indices = @transform_2, window_bounds = array<i64: 1, 128>}, {transform_indices = @transform_3, window_bounds = array<i64: 2, 1280, 128>}, {transform_indices = @transform_4, window_bounds = array<i64: 1280, 128>}]} {
    %get3A = arith.constant 0 : index
    %get3A_0 = arith.constant 0 : index
    %get3A_1 = arith.constant 0 : index
    %get3A_2 = vector.load %arg4[%get3A, %get3A_0, %get3A_1] : memref<2x1280x128xf32, #tpu.memory_space<vmem>>, vector<1x1280x1xf32>
    %get3A_3 = vector.shape_cast %get3A_2 : vector<1x1280x1xf32> to vector<1280x1xf32>
    %get3A_4 = arith.constant 1 : index
    %get3A_5 = arith.constant 0 : index
    %get3A_6 = arith.constant 0 : index
    %get3A_7 = vector.load %arg4[%get3A_4, %get3A_5, %get3A_6] : memref<2x1280x128xf32, #tpu.memory_space<vmem>>, vector<1x1280x1xf32>
    %get3A_8 = vector.shape_cast %get3A_7 : vector<1x1280x1xf32> to vector<1280x1xf32>
    %add3A = arith.addf %get3A_3, %get3A_8 : vector<1280x1xf32>
    %add3A_9 = arith.constant 1.000000e+00 : f32
    %add3A_10 = vector.broadcast %add3A_9 : f32 to vector<1280x1xf32>
    %add3A_11 = arith.addf %add3A, %add3A_10 : vector<1280x1xf32>
    %rsqrt3A = math.rsqrt %add3A_11 : vector<1280x1xf32>
    %get3A_12 = arith.constant 0 : index
    %get3A_13 = arith.constant 0 : index
    %get3A_14 = arith.constant 0 : index
    %get3A_15 = vector.load %arg1[%get3A_12, %get3A_13, %get3A_14] : memref<2x1280x128xf32, #tpu.memory_space<vmem>>, vector<1x1280x128xf32>
    %get3A_16 = vector.shape_cast %get3A_15 : vector<1x1280x128xf32> to vector<1280x128xf32>
    %get3A_17 = arith.constant 1 : index
    %get3A_18 = arith.constant 0 : index
    %get3A_19 = arith.constant 0 : index
    %get3A_20 = vector.load %arg1[%get3A_17, %get3A_18, %get3A_19] : memref<2x1280x128xf32, #tpu.memory_space<vmem>>, vector<1x1280x128xf32>
    %get3A_21 = vector.shape_cast %get3A_20 : vector<1x1280x128xf32> to vector<1280x128xf32>
    %add3A_22 = arith.addf %get3A_16, %get3A_21 : vector<1280x128xf32>
    %get3A_23 = arith.constant 0 : index
    %get3A_24 = arith.constant 0 : index
    %get3A_25 = vector.load %arg2[%get3A_23, %get3A_24] : memref<1280x128xf32, #tpu.memory_space<vmem>>, vector<1280x128xf32>
    %add3A_26 = arith.addf %add3A_22, %get3A_25 : vector<1280x128xf32>
    %mul3A = vector.broadcast %rsqrt3A : vector<1280x1xf32> to vector<1280x128xf32>
    %mul3A_27 = arith.mulf %add3A_26, %mul3A : vector<1280x128xf32>
    %get3A_28 = arith.constant 0 : index
    %get3A_29 = arith.constant 0 : index
    %get3A_30 = vector.load %arg3[%get3A_28, %get3A_29] : memref<1x128xf32, #tpu.memory_space<vmem>>, vector<1x128xf32>
    %add3A_31 = vector.broadcast %get3A_30 : vector<1x128xf32> to vector<1280x128xf32>
    %add3A_32 = arith.addf %mul3A_27, %add3A_31 : vector<1280x128xf32>
    %swap3A = arith.constant 0 : index
    %swap3A_33 = arith.constant 0 : index
    %swap3A_34 = vector.load %arg5[%swap3A, %swap3A_33] : memref<1280x128xf32, #tpu.memory_space<vmem>>, vector<1280x128xf32>
    tpu.vector_store %arg5[%swap3A, %swap3A_33], %add3A_32 {strides = array<i32>} : memref<1280x128xf32, #tpu.memory_space<vmem>>, vector<1280x128xf32>,
    return
  }
  func.func @transform_0(%arg0: i32) -> (i32, i32, i32) {
    %c0_i32 = arith.constant 0 : i32
    %c0_i32_0 = arith.constant 0 : i32
    %c0_i32_1 = arith.constant 0 : i32
    return %c0_i32, %arg0, %c0_i32_0 : i32, i32, i32
  }
  func.func @transform_1(%arg0: i32) -> (i32, i32) {
    %c0_i32 = arith.constant 0 : i32
    %c0_i32_0 = arith.constant 0 : i32
    return %arg0, %c0_i32 : i32, i32
  }
  func.func @transform_2(%arg0: i32) -> (i32, i32) {
    %c0_i32 = arith.constant 0 : i32
    %c0_i32_0 = arith.constant 0 : i32
    %c0_i32_1 = arith.constant 0 : i32
    return %c0_i32, %c0_i32_0 : i32, i32
  }
  func.func @transform_3(%arg0: i32) -> (i32, i32, i32) {
    %c0_i32 = arith.constant 0 : i32
    %c0_i32_0 = arith.constant 0 : i32
    %c0_i32_1 = arith.constant 0 : i32
    return %c0_i32, %arg0, %c0_i32_0 : i32, i32, i32
  }
  func.func @transform_4(%arg0: i32) -> (i32, i32) {
    %c0_i32 = arith.constant 0 : i32
    %c0_i32_0 = arith.constant 0 : i32
    return %arg0, %c0_i32 : i32, i32
  }
}

</mosaic_0001>

<sc_bundles>
// kernel: kernel.11.cloned.1.call-start
scs
__scs_entry_jumppad:
0x0: {  	(pc) =	sbr.rel $0x88, $3  }
0x1: {  	(tag) =	ssettag $0x0;
	lr =	simm.s32 $0x1  }
0x2: {  	[smem:$0x3F9B] =	sst lr;
	_ =	strace $0xD0000000  }
0x3: {  	_ = 	snop  }
0x4: {  	_ = 	snop  }
0x5: {  	_ = 	snop  }
0x6: {  	_ = 	snop  }
0x7: {  	_ = 	snop  }
__scs_overlays_trampoline_lowered:
0x8: {  	[smem:$0x3FAA] =	sst s0  }
0x9: {  	[smem:$0x3FAB] =	sst s1  }
0xa: {  	[smem:$0x3FAC] =	sst s2  }
0xb: {  	[smem:$0x3FAD] =	sst s3  }
0xc: {  	[smem:$0x3FAE] =	sst s4  }
0xd: {  	[smem:$0x3FAF] =	sst s5  }
0xe: {  	[smem:$0x3FB0] =	sst s6  }
0xf: {  	[smem:$0x3FB1] =	sst s7  }
0x10: {  	[smem:$0x3FB2] =	sst s8  }
0x11: {  	[smem:$0x3FB3] =	sst s9;
	s0 =	simm.s32 @!p0 $0x0  }
0x12: {  	s1 =	sld [smem:$0x3F99];
	s0 =	simm.s32 @p0 $0x1  }
0x13: {  	[smem:$0x3FB4] =	sst s0;
	s0 =	simm.s32 @!p1 $0x0  }
0x14: {  	s2 =	sld [smem:$0x3F98];
	s0 =	simm.s32 @p1 $0x1  }
0x15: {  	[smem:$0x3FB5] =	sst s0;
	s0 =	simm.s32 @!p2 $0x0  }
0x16: {  	s3 =	sld [smem:$0x3FDB];
	s0 =	simm.s32 @p2 $0x1  }
0x17: {  	s4 =	simm.s32 $0x1BF5;
	[smem:$0x3FB7] =	sst s0  }
0x18: {  	s0 =	sld [smem:$0x3F9A];
	_ =	swait.ge [sflag:s4], $0x0  }
0x19: {  	s7 =	sld [smem:$0x3F9B]  }
0x1a: {  	s8 =	sadd.s32 $0xFFFFE003, lr  }
0x1b: {  	s9 =	sadd.s32 $0xFFFFFEF7, lr;
	s5 =	simm.s32 $0xFFFFFFFF;
	p2 =	slt.u32 s8, $0xFFFFF086  }
0x1c: {  	p1 =	slt.u32 s9, $0xF7A;
	s5 =	simm.s32 @!p2 $0x0  }
0x1d: {  	s5 =	simm.s32 @p1 $0x1;
	p0 =	seq.s32 s7, s2  }
0x1e: {  	s7 =	smul.u32 @!p0 $0xF7A, s2;
	p2 =	seq.s32 @!p0 s5, $0x0  }
0x1f: {  	s9 =	smul.u32 $0xF7A, s1;
	s8 =	simm.s32 @!p0 $0x1BF5;
	p2 =	por !p2, p0  }
0x20: {  	[sflag:s8] =	ssyncset.s32 @!p0 $0xFFFFF086;
	s6 =	sadd.s32 @!p0 s3, s7;
	s7 =	simm.s32 @!p0 $0x108  }
0x21: {  	s3 =	sadd.s32 s3, s9;
	s6 =	sadd.s32 @!p0 $0x88, s6;
	s7 =	simm.s32 @p2 $0x1082  }
0x22: {  	[simem:s7], [sflag:s8] =	dma.local @!p0 [hbm:s6], $0xF7A  }
0x23: {  	s9 =	sor.u32 $0xD0000000, s2;
	s6 =	simm.s32 $0x108;
	_ =	swait.ge @!p0 [sflag:s8], $0x0  }
0x24: {  	s3 =	sadd.s32 $0x88, s3;
	s6 =	simm.s32 @!p1 $0x1082;
	[sflag:s4] =	ssyncset.s32 $0xFFFFF086  }
0x25: {  	[simem:s6], [sflag:s4] =	dma.local [hbm:s3], $0xF7A  }
0x26: {  	[smem:$0x3F9B] =	sst s1;
	(tag) =	ssettag s2;
	_ =	strace s9  }
0x27: {  	s1 =	sld [smem:$0x3FAB]  }
0x28: {  	s2 =	sld [smem:$0x3FAC]  }
0x29: {  	s4 =	sld [smem:$0x3FAE]  }
0x2a: {  	p0 =	seq.s32 s5, $0x0;
	s5 =	sld [smem:$0x3FAF]  }
0x2b: {  	s6 =	sld [smem:$0x3FB0]  }
0x2c: {  	s7 =	sld [smem:$0x3FB1]  }
0x2d: {  	s3 =	simm.s32 $0x108;
	s8 =	sld [smem:$0x3FB2]  }
0x2e: {  	s3 =	simm.s32 @!p0 $0x1082;
	s9 =	sld [smem:$0x3FB3]  }
0x2f: {  	lr =	sadd.s32 s0, s3;
	s0 =	sld [smem:$0x3FAA]  }
0x30: {  	s3 =	sld [smem:$0x3FAD]  }
0x31: {  	[smem:$0x3FB6] =	sst s10  }
0x32: {  	s10 =	sld [smem:$0x3FB4];
	_ =	sdelay $0x3  }
0x33: {  	p0 =	seq.s32 s10, $0x1;
	s10 =	sld [smem:$0x3FB6];
	_ =	sdelay $0x3  }
0x34: {  	[smem:$0x3FB6] =	sst s10  }
0x35: {  	s10 =	sld [smem:$0x3FB5];
	_ =	sdelay $0x3  }
0x36: {  	p1 =	seq.s32 s10, $0x1;
	s10 =	sld [smem:$0x3FB6];
	_ =	sdelay $0x3  }
0x37: {  	[smem:$0x3FB6] =	sst s10  }
0x38: {  	s10 =	sld [smem:$0x3FB7]  }
0x39: {  	_ = 	snop;
	(pc) =	sbr.ind lr, $3  }
0x3a: {  	_ = 	snop  }
0x3b: {  	_ = 	snop  }
0x3c: {  	p2 =	seq.s32 s10, $0x1;
	s10 =	sld [smem:$0x3FB6]  }
0x3d: {  	_ =	shalt  }
0x3e: {  	_ =	shalt  }
0x3f: {  	_ =	shalt  }
0x40: {  	_ =	shalt  }
0x41: {  	_ =	shalt  }
0x42: {  	_ =	shalt  }
0x43: {  	_ =	shalt  }
0x44: {  	_ =	shalt  }
0x45: {  	_ =	shalt  }
0x46: {  	_ =	shalt  }
0x47: {  	_ =	shalt  }
0x48: {  	_ =	shalt  }
0x49: {  	_ =	shalt  }
0x4a: {  	_ =	shalt  }
0x4b: {  	_ =	shalt  }
0x4c: {  	_ =	shalt  }
0x4d: {  	_ =	shalt  }
0x4e: {  	_ =	shalt  }
0x4f: {  	_ =	shalt  }
0x50: {  	_ =	shalt  }
0x51: {  	_ =	shalt  }
0x52: {  	_ =	shalt  }
0x53: {  	_ =	shalt  }
0x54: {  	_ =	shalt  }
0x55: {  	_ =	shalt  }
0x56: {  	_ =	shalt  }
0x57: {  	_ =	shalt  }
0x58: {  	_ =	shalt  }
0x59: {  	_ =	shalt  }
0x5a: {  	_ =	shalt  }
0x5b: {  	_ =	shalt  }
0x5c: {  	_ =	shalt  }
0x5d: {  	_ =	shalt  }
0x5e: {  	_ =	shalt  }
0x5f: {  	_ =	shalt  }
0x60: {  	_ =	shalt  }
0x61: {  	_ =	shalt  }
0x62: {  	_ =	shalt  }
0x63: {  	_ =	shalt  }
0x64: {  	_ =	shalt  }
0x65: {  	_ =	shalt  }
0x66: {  	_ =	shalt  }
0x67: {  	_ =	shalt  }
0x68: {  	_ =	shalt  }
0x69: {  	_ =	shalt  }
0x6a: {  	_ =	shalt  }
0x6b: {  	_ =	shalt  }
0x6c: {  	_ =	shalt  }
0x6d: {  	_ =	shalt  }
0x6e: {  	_ =	shalt  }
0x6f: {  	_ =	shalt  }
0x70: {  	_ =	shalt  }
0x71: {  	_ =	shalt  }
0x72: {  	_ =	shalt  }
0x73: {  	_ =	shalt  }
0x74: {  	_ =	shalt  }
0x75: {  	_ =	shalt  }
0x76: {  	_ =	shalt  }
0x77: {  	_ =	shalt  }
0x78: {  	_ =	shalt  }
0x79: {  	_ =	shalt  }
0x7a: {  	_ =	shalt  }
0x7b: {  	_ =	shalt  }
0x7c: {  	_ =	shalt  }
0x7d: {  	_ =	shalt  }
0x7e: {  	_ =	shalt  }
0x7f: {  	_ =	shalt  }
0x80: {  	_ =	shalt  }
0x81: {  	_ =	shalt  }
0x82: {  	_ =	shalt  }
0x83: {  	_ =	shalt  }
0x84: {  	_ =	shalt  }
0x85: {  	_ =	shalt  }
0x86: {  	_ =	shalt  }
0x87: {  	_ =	shalt  }
.Lfunc_end0:
.L_simem_size_0:
called_computation.1_lowered:
.L_overlay_start_0:
0x88: {  	s2 =	sld [smem:$0x3FD9]  }
0x89: {  	s3 =	sld [smem:$0x3FFE];
	_ =	sdelay $0x1  }
0x8a: {  	s1 =	srdreg.scid  }
0x8b: {  	s0 =	sand.u32 $0x1, s1  }
0x8c: {  	s16 =	sshll.u32 s0, $0xA;
	s2 =	sadd.s32 s3, s2  }
0x8d: {  	s2 =	sadd.s32 s2, s16  }
0x8e: {  	[smem:$0x3FC2] =	sst s2  }
0x8f: {  	_ = 	snop  }
0x90: {  	(tm) =	ssettm $0x1  }
0x91: {  	s17 =	sld [smem:$0x3FFB];
	_ =	sdelay $0x3  }
0x92: {  	_ =	strace s17  }
0x93: {  	s2 =	sld [smem:$0x3FFC];
	_ =	sdelay $0x3  }
0x94: {  	_ =	strace s2  }
0x95: {  	s2 =	sld [smem:$0x3FFD];
	_ =	sdelay $0x3  }
0x96: {  	_ =	strace s2  }
0x97: {  	_ =	strace $0x8FFFFFFF  }
0x98: {  	s18 =	sld [smem:$0x3FDB];
	_ =	sdelay $0x1  }
0x99: {  	s19 =	simm.s32 $_scs_section_size  }
0x9a: {  	s4 =	simm.s32 $_size__tile_overlayer_lowered;
	s5 =	simm.s32 $_tile_overlayer_lowered  }
0x9b: {  	s22 =	simm.s32 $0x1BFF;
	s21 =	sshll.u32 s5, $0x1;
	s2 =	sadd.s32 s19, s18  }
0x9c: {  	s6 =	simm.s32 $0x0;
	s20 =	sshll.u32 s4, $0x1;
	s4 =	sadd.s32 s21, s2  }
0x9d: {  	[timem:s6], [sflag:s22] =	dma.local [hbm:s4], s20  }
0x9e: {  	_ =	swait.ge [sflag:s22], s20  }
0x9f: {  	s3 =	ssub.s32 $0x0, s20;
	[sflag:s22] =	ssyncset.done $0x0  }
0xa0: {  	[sflag:s22] =	ssyncadd.s32 s3;
	_ =	sdelay $0x1  }
0xa1: {  	s23 =	simm.s32 $0x1B8B  }
0xa2: {  	_ =	swait.ge [sflag:s23], $0x1  }
0xa3: {  	[sflag:s23] =	ssyncset.done $0x0  }
0xa4: {  	s25 =	simm.s32 $0x1B8E;
	s24 =	sld [smem:$0x3FFE];
	[sflag:s23] =	ssyncadd.s32 $0xFFFFFFFF  }
0xa5: {  	s26 =	simm.s32 $execute0_lowered;
	[smem:$0x3FD2] =	sst s25  }
0xa6: {  	s4 =	sshll.u32 s26, $0x1;
	_ =	strace $0x80000049;
	[dreg:$0x1] =	wrdreg $0xFFFFFFFF  }
0xa7: {  	s28 =	simm.s32 $_size_execute0_lowered;
	s2 =	sadd.s32 s2, s4;
	[dreg:$0x0] =	wrdreg $0x0  }
0xa8: {  	s4 =	sshll.u32 s28, $0x1;
	[dreg:$0x2] =	wrdreg s2  }
0xa9: {  	[dreg:$0x3] =	wrdreg s4  }
0xaa: {  	[dreg:$0x4] =	wrdreg $0xC0  }
0xab: {  	_ =	task [dreg:s6], $0x5FFFF  }
0xac: {  	[dreg:$0x1] =	wrdreg $0xFFFFFFFF  }
0xad: {  	[dreg:$0x0] =	wrdreg $0x60  }
0xae: {  	[dreg:$0x2] =	wrdreg s24  }
0xaf: {  	[dreg:$0x3] =	wrdreg $0xAF000  }
0xb0: {  	[dreg:$0x4] =	wrdreg $0x9  }
0xb1: {  	_ =	task.clear_ibuf [dreg:s6], $0x5FFFF;
	_ =	strace $0x90000049  }
0xb2: {  	s29 =	simm.s32 $0x9;
	_ =	strace $0x8000004B  }
0xb3: {  	_ =	swait.ge [sflag:s29], $0x1  }
0xb4: {  	[sflag:s29] =	ssyncadd.s32 $0xFFFFFFFF  }
0xb5: {  	_ =	strace $0x9000004B  }
0xb6: {  	_ =	sfence  }
0xb7: {  	s30 =	sld [smem:$0x0];
	_ =	sdelay $0x2  }
0xb8: {  	s31 =	sshll.u32 s1, $0xD;
	s1 =	sshrl.u32 s1, $0x2  }
0xb9: {  	s3 =	sand.u32 $0x4000, s31;
	s1 =	sadd.s32 s1, s30  }
0xba: {  	s0 =	sor.u32 s3, s0;
	s1 =	sshll.u32 s1, $0x11  }
0xbb: {  	s0 =	sor.u32 s1, s0  }
0xbc: {  	s0 =	sadd.s32 $0x8F2B, s0  }
0xbd: {  	[sflag:s0] =	ssyncadd.remote.s32 $0x1  }
0xbe: {  	_ =	sfence.sel $0xFFFF  }
0xbf: {  	[dreg:$0x0] =	wrdreg $0xFFFFFFFF;
	(pc) =	sbr.abs _section_cstart, $3  }
0xc0: {  	[dreg:$0x1] =	wrdreg $0xFFFFFFFF  }
0xc1: {  	_ =	task.clear_ibuf [dreg:s6], $0x2FFFF;
	_ =	strace $0x9FFFFFFF  }
0xc2: {  	(tm) =	ssettm $0x7FFFFFFF  }
0xc3: {  	_ =	shalt  }
tec
execute0_lowered:
.L_overlay_start_1:
0x0: {  	(tag) =	ssettag $0x1  }
0x1: {  	s0 =	rddreg [dreg:$0x0]  }
0x2: {  	s2 =	rddreg [dreg:$0x1];
	s26 =	stileid.u32  }
0x3: {  	s3 =	simm.s32 $0x0;
	s1 =	srdreg.scid;
	s4 =	smul.u32 $0x55, s26  }
0x4: {  	s10 =	simm.s32 $0xE7;
	s30 =	simm.s32 $0x2F00;
	s5 =	smul.u32 $0xE7, s26  }
0x5: {  	s31 =	simm.s32 $0x5;
	s1 =	sand.u32 $0x1, s1;
	s7 =	smul.u32 $0x14000, s26  }
0x6: {  	[smem:$0x7FF] =	sst s3;
	p0 =	seq.s32 s1, $0x0;
	s6 =	smul.u32 $0x140000, s1  }
0x7: {  	_ =	strace $0x8000004A;
	s9 =	ssub.s32 $0x2, s1;
	s4 =	sadd.s32 $0xE70, s4  }
0x8: {  	s11 =	sshrl.u32 s9, $0x1;
	s10 =	simm.s32 @!p0 $0x55;
	s4 =	smov.u32 @p0 s5  }
0x9: {  	s5 =	sadd.s32 s7, s6;
	s7 =	smul.u32 $0x50000, s26;
	s6 =	ssub.s32 s9, s11  }
0xa: {  	s13 =	smin.u32 s10, $0x5E;
	s9 =	smax.u32 s10, $0x5E;
	s11 =	smax.u32 s10, $0x8D  }
0xb: {  	s10 =	smax.u32 s10, $0xBC;
	p0 =	sne.s32 s1, $0x0;
	s4 =	sshll.u32 s4, $0x5  }
0xc: {  	s5 =	sshrl.u32 s5, $0x3;
	s9 =	smin.u32 s9, $0x8D;
	s11 =	smin.u32 s11, $0xBC  }
0xd: {  	s8 =	sadd.s32 s4, s0;
	s4 =	sadd.s32 $0x7A000, s0;
	s0 =	sadd.s32 s5, s0  }
0xe: {  	s12 =	sshrl.u32 s7, $0x2;
	s7 =	sadd.s32 $0xFFFFFFD1, s13;
	s9 =	sadd.s32 $0xFFFFFFA2, s9  }
0xf: {  	s11 =	sadd.s32 $0xFFFFFF73, s11;
	s13 =	sadd.s32 $0xFFFFFF44, s10;
	s5 =	sadd.s32 s12, s2  }
0x10: {  	s28 =	sadd.s32 $0x52200, s8;
	s29 =	sadd.s32 $0x527E0, s8;
	s12 =	sadd.s32 $0x52DC0, s8  }
0x11: {  	s14 =	sadd.s32 $0x533A0, s8;
	s8 =	sadd.s32 $0x53980, s8;
	[dreg:$0x3] =	wrdreg s12  }
0x12: {  	s10 =	sadd.s32 $0xA2000, s0;
	s16 =	smax.u32 s9, $0x1;
	[dreg:$0x4] =	wrdreg s14  }
0x13: {  	s17 =	smax.u32 s11, $0x1;
	[dreg:$0x5] =	wrdreg s8;
	s15 =	sadd.s32 $0x6000, s5  }
0x14: {  	s18 =	smax.u32 s13, $0x1;
	s19 =	sadd.s32 $0x8000, s5;
	[dreg:$0x6] =	wrdreg s15  }
0x15: {  	s0 =	simm.s32 $0x40;
	s20 =	sadd.s32 $0xA000, s5;
	[dreg:$0x7] =	wrdreg s19  }
.Ltmp0:
0x16: {  	s21 =	sadd.s32 $0xC000, s5;
	[dreg:$0x8] =	wrdreg s20;
	(pc) =	sbr.rel .LBB2_1-.Ltmp0, $4  }
0x17: {  	s12 =	smax.u32 s6, $0x1;
	s22 =	sadd.s32 $0xE000, s5;
	[dreg:$0x9] =	wrdreg s21  }
0x18: {  	s14 =	sadd.s32 $0x2000, s5;
	s23 =	sadd.s32 $0x10000, s5;
	[dreg:$0xa] =	wrdreg s22  }
0x19: {  	s25 =	sadd.s32 $0x4000, s5;
	s24 =	sadd.s32 $0x12000, s5;
	[dreg:$0xb] =	wrdreg s23  }
0x1a: {  	v0 =	vimm.f32 $0.0e+00;
	s6 =	simm.s32 $0x0;
	[dreg:$0xc] =	wrdreg s24;
	s24 =	simm.s32 $0x100  }
.LBB2_25:
0x1b: {  	s19 =	simm.s32 $0x1  }
.LBB2_28:
0x1c: {  	s15 =	sand.u32 @!p2 $0x3, s20;
	[sflag:s31] =	ssyncset.done @p1 $0x0;
	s21 =	simm.s32 @!p2 $0x40  }
0x1d: {  	s19 =	sand.u32 $0x3, s19;
	s20 =	sshll.u32 @!p2 s15, $0xD;
	s15 =	sadd.s32 @!p2 $0x1, s15  }
0x1e: {  	[sflag:s31] =	ssyncadd.s32 @p1 $0xFFFFE000;
	s22 =	sadd.s32 $0x1, s19;
	s20 =	sadd.s32 @!p2 $0x2F00, s20  }
0x1f: {  	[tilespmem:s20], [sflag:s15] =	stream.indirect.gather @!p2 [hbm4b:s4+s21], $0x80, s8, s21, $0xb8;
	[tilespmem:$0x1EF00] =	vst v63  }
0x20: {  	_ =	swait.ge [sflag:s22], $0x2000  }
0x21: {  	s19 =	sshll.u32 s19, $0xD;
	[sflag:s22] =	ssyncset.done $0x0  }
0x22: {  	s23 =	sadd.s32 $0xFFFFFD80, s8;
	s19 =	sadd.s32 $0x2F00, s19;
	[sflag:s22] =	ssyncadd.s32 $0xFFFFE000  }
0x23: {  	[spmem:s2] =	stream.indirect.scatter.add.f32 [tilespmem:s19], [sflag:$0x5], $0x80, s23, s0, $0xb8;
	[tilespmem:$0x1EF00] =	vst v63  }
0x24: {  	_ =	swait.ge [sflag:s31], $0x2000  }
0x25: {  	[sflag:s31] =	ssyncset.done $0x0  }
0x26: {  	[sflag:s31] =	ssyncadd.s32 $0xFFFFE000  }
.LBB2_29:
0x27: {  	s6 =	sadd.s32 $0x1, s6  }
0x28: {  	s8 =	sshll.u32 s26, $0x6;
	[bflag:$0x0] =	sbarrier.arrive $0xFFFF;
	p1 =	sne.s32 s6, s12  }
.Ltmp1:
0x29: {  	s15 =	sshrl.u32 s5, $0x3;
	s8 =	sor.u32 $0x1C05, s8;
	(pc) =	sbr.rel @!p1 .LBB2_30-.Ltmp1, $4  }
0x2a: {  	[hbm:s10], [sflag:s8] =	dma.local [spmem:s15], $0x2800  }
0x2b: {  	_ =	swait.ge [sflag:s31], $0x2800  }
0x2c: {  	[sflag:s31] =	ssyncset.done $0x0  }
0x2d: {  	[sflag:s31] =	ssyncadd.s32 $0xFFFFD800  }
.LBB2_1:
0x2e: {  	s8 =	sand.u32 $0x7E00, s3  }
0x2f: {  	s15 =	sand.u32 $0x70, s3;
	s19 =	sshrl.u32 s8, $0x2  }
0x30: {  	s8 =	simm.s32 $0x40;
	s19 =	sor.u32 s15, s19;
	s15 =	simm.s32 $0x0  }
.LBB2_2:
0x31: {  	p1 =	sne.s32 s8, $0x7FC0  }
0x32: {  	[tilespmem:s19+$0x2F00] =	vst v0;
	s15 =	sadd.s32 $0x10, s15;
	s19 =	smov.u32 s8;
	s8 =	sadd.s32 $0x40, s8  }
.Ltmp2:
0x33: {  	(pc) =	sbr.rel @p1 .LBB2_2-.Ltmp2, $4  }
0x34: {  	_ = 	snop  }
0x35: {  	s19 =	sand.u32 $0x7E00, s19  }
0x36: {  	s20 =	sand.u32 $0x70, s15;
	s19 =	sshrl.u32 s19, $0x2  }
0x37: {  	s19 =	sor.u32 s20, s19  }
0x38: {  	[tilespmem:s19+$0x2F00] =	vst v0  }
0x39: {  	[spmem:s5] =	stream.linear.scatter [tilespmem:s30], [sflag:$0x5], $0x2000, $0x38;
	[tilespmem:$0x1EF00] =	vst v63  }
0x3a: {  	_ =	swait.ge [sflag:s31], $0x2000  }
0x3b: {  	[sflag:s31] =	ssyncset.done $0x0  }
0x3c: {  	[sflag:s31] =	ssyncadd.s32 $0xFFFFE000  }
0x3d: {  	[spmem:s14] =	stream.linear.scatter [tilespmem:s30], [sflag:$0x5], $0x2000, $0x38;
	[tilespmem:$0x1EF00] =	vst v63  }
0x3e: {  	_ =	swait.ge [sflag:s31], $0x2000  }
0x3f: {  	[sflag:s31] =	ssyncset.done $0x0  }
0x40: {  	[sflag:s31] =	ssyncadd.s32 $0xFFFFE000  }
0x41: {  	[spmem:s25] =	stream.linear.scatter [tilespmem:s30], [sflag:$0x5], $0x2000, $0x38;
	[tilespmem:$0x1EF00] =	vst v63  }
0x42: {  	_ =	swait.ge [sflag:s31], $0x2000  }
0x43: {  	[sflag:s31] =	ssyncset.done $0x0  }
0x44: {  	s1 =	rddreg [dreg:$0x6];
	[sflag:s31] =	ssyncadd.s32 $0xFFFFE000  }
0x45: {  	[spmem:s1] =	stream.linear.scatter [tilespmem:s30], [sflag:$0x5], $0x2000, $0x38;
	[tilespmem:$0x1EF00] =	vst v63  }
0x46: {  	_ =	swait.ge [sflag:s31], $0x2000  }
0x47: {  	[sflag:s31] =	ssyncset.done $0x0  }
0x48: {  	s20 =	rddreg [dreg:$0x7];
	[sflag:s31] =	ssyncadd.s32 $0xFFFFE000  }
0x49: {  	[spmem:s20] =	stream.linear.scatter [tilespmem:s30], [sflag:$0x5], $0x2000, $0x38;
	[tilespmem:$0x1EF00] =	vst v63  }
0x4a: {  	_ =	swait.ge [sflag:s31], $0x2000  }
0x4b: {  	[sflag:s31] =	ssyncset.done $0x0  }
0x4c: {  	s21 =	rddreg [dreg:$0x8];
	[sflag:s31] =	ssyncadd.s32 $0xFFFFE000  }
0x4d: {  	[spmem:s21] =	stream.linear.scatter [tilespmem:s30], [sflag:$0x5], $0x2000, $0x38;
	[tilespmem:$0x1EF00] =	vst v63  }
0x4e: {  	_ =	swait.ge [sflag:s31], $0x2000  }
0x4f: {  	[sflag:s31] =	ssyncset.done $0x0  }
0x50: {  	s22 =	rddreg [dreg:$0x9];
	[sflag:s31] =	ssyncadd.s32 $0xFFFFE000  }
0x51: {  	[spmem:s22] =	stream.linear.scatter [tilespmem:s30], [sflag:$0x5], $0x2000, $0x38;
	[tilespmem:$0x1EF00] =	vst v63  }
0x52: {  	_ =	swait.ge [sflag:s31], $0x2000  }
0x53: {  	[sflag:s31] =	ssyncset.done $0x0  }
0x54: {  	s23 =	rddreg [dreg:$0xa];
	[sflag:s31] =	ssyncadd.s32 $0xFFFFE000  }
0x55: {  	[spmem:s23] =	stream.linear.scatter [tilespmem:s30], [sflag:$0x5], $0x2000, $0x38;
	[tilespmem:$0x1EF00] =	vst v63  }
0x56: {  	_ =	swait.ge [sflag:s31], $0x2000  }
0x57: {  	[sflag:s31] =	ssyncset.done $0x0  }
0x58: {  	s8 =	rddreg [dreg:$0xb];
	[sflag:s31] =	ssyncadd.s32 $0xFFFFE000  }
0x59: {  	[spmem:s8] =	stream.linear.scatter [tilespmem:s30], [sflag:$0x5], $0x2000, $0x38;
	[tilespmem:$0x1EF00] =	vst v63  }
0x5a: {  	_ =	swait.ge [sflag:s31], $0x2000  }
0x5b: {  	[sflag:s31] =	ssyncset.done $0x0  }
0x5c: {  	s15 =	rddreg [dreg:$0xc];
	[sflag:s31] =	ssyncadd.s32 $0xFFFFE000  }
0x5d: {  	[spmem:s15] =	stream.linear.scatter [tilespmem:s30], [sflag:$0x5], $0x2000, $0x38;
	[tilespmem:$0x1EF00] =	vst v63  }
0x5e: {  	_ =	swait.ge [sflag:s31], $0x2000  }
0x5f: {  	[sflag:s31] =	ssyncset.done $0x0  }
0x60: {  	[sflag:s31] =	ssyncadd.s32 $0xFFFFE000  }
0x61: {  	[bflag:$0x0] =	sbarrier.arrive $0xFFFF  }
0x62: {  	[tilespmem:s3], [sflag:$0x5] =	stream.linear.gather [hbm4b:s28+s3], $0x2F00, $0x38;
	[tilespmem:$0x1EF00] =	vst v63  }
0x63: {  	_ =	swait.ge [sflag:s31], $0x2F00  }
0x64: {  	[sflag:s31] =	ssyncset.done $0x0  }
0x65: {  	[sflag:s31] =	ssyncadd.s32 $0xFFFFD100  }
0x66: {  	[tilespmem:s30], [sflag:$0x1] =	stream.indirect.gather [hbm4b:s4+s0], $0x80, s3, s0, $0xb8;
	[tilespmem:$0x1EF00] =	vst v63  }
0x67: {  	s19 =	simm.s32 $0x4F00  }
0x68: {  	[tilespmem:s19], [sflag:$0x2] =	stream.indirect.gather [hbm4b:s4+s0], $0x80, s24, s0, $0xb8;
	[tilespmem:$0x1EF00] =	vst v63  }
0x69: {  	s20 =	simm.s32 $0x200;
	s8 =	simm.s32 $0x6F00  }
0x6a: {  	[tilespmem:s8], [sflag:$0x3] =	stream.indirect.gather [hbm4b:s4+s0], $0x80, s20, s0, $0xb8;
	[tilespmem:$0x1EF00] =	vst v63  }
0x6b: {  	p1 =	por $0x0, $0x0;
	s8 =	simm.s32 $0x3  }
0x6c: {  	s8 =	sand.u32 @!p1 $0x3, s8  }
0x6d: {  	s21 =	simm.s32 $0x0;
	s15 =	simm.s32 $0x300;
	s19 =	sshll.u32 @!p1 s8, $0xD  }
0x6e: {  	s20 =	simm.s32 @!p1 $0x40;
	s8 =	sadd.s32 @!p1 $0x1, s8;
	s19 =	sadd.s32 @!p1 $0x2F00, s19  }
0x6f: {  	[tilespmem:s19], [sflag:s8] =	stream.indirect.gather @!p1 [hbm4b:s4+s20], $0x80, s15, s20, $0xb8;
	[tilespmem:$0x1EF00] =	vst v63  }
0x70: {  	s8 =	sand.u32 $0x3, s21  }
0x71: {  	s22 =	sadd.s32 $0x1, s8  }
0x72: {  	s23 =	simm.s32 $0x80;
	_ =	swait.ge [sflag:s22], $0x2000  }
0x73: {  	s24 =	simm.s32 $0x1;
	s8 =	sshll.u32 s8, $0xD;
	[sflag:s22] =	ssyncset.done $0x0  }
0x74: {  	s15 =	simm.s32 $0x4;
	s8 =	sadd.s32 $0x2F00, s8;
	[sflag:s22] =	ssyncadd.s32 $0xFFFFE000  }
0x75: {  	[spmem:s2] =	stream.indirect.scatter.add.f32 [tilespmem:s8], [sflag:$0x5], $0x80, s23, s0, $0xb8;
	[tilespmem:$0x1EF00] =	vst v63  }
0x76: {  	s19 =	simm.s32 $0x5;
	p1 =	por $0x0, $0x0;
	_ =	swait.ge [sflag:s31], $0x2000  }
0x77: {  	s20 =	sand.u32 $0x3, s24;
	s8 =	simm.s32 $0x400;
	[sflag:s31] =	ssyncset.done $0x0  }
.LBB2_4:
0x78: {  	s21 =	sand.u32 @!p1 $0x3, s15  }
0x79: {  	[sflag:s31] =	ssyncadd.s32 $0xFFFFE000;
	s15 =	smov.u32 s19;
	s19 =	sadd.s32 $0x1, s19  }
0x7a: {  	p2 =	sne.s32 s19, $0x32;
	s22 =	sshll.u32 @!p1 s21, $0xD;
	s21 =	sadd.s32 @!p1 $0x1, s21  }
0x7b: {  	s23 =	simm.s32 @!p1 $0x40;
	s24 =	sadd.s32 $0x1, s20;
	s22 =	sadd.s32 @!p1 $0x2F00, s22  }
0x7c: {  	[tilespmem:s22], [sflag:s21] =	stream.indirect.gather @!p1 [hbm4b:s4+s23], $0x80, s8, s23, $0xb8;
	[tilespmem:$0x1EF00] =	vst v63  }
0x7d: {  	_ =	swait.ge [sflag:s24], $0x2000  }
.Ltmp3:
0x7e: {  	s20 =	sshll.u32 s20, $0xD;
	[sflag:s24] =	ssyncset.done $0x0;
	(pc) =	sbr.rel @p2 .LBB2_4-.Ltmp3, $4  }
0x7f: {  	s20 =	sadd.s32 $0x2F00, s20;
	s21 =	sadd.s32 $0xFFFFFD80, s8;
	[sflag:s24] =	ssyncadd.s32 $0xFFFFE000  }
0x80: {  	[spmem:s2] =	stream.indirect.scatter.add.f32 [tilespmem:s20], [sflag:$0x5], $0x80, s21, s0, $0xb8;
	[tilespmem:$0x1EF00] =	vst v63  }
0x81: {  	s8 =	sadd.s32 $0x100, s8;
	s20 =	sadd.s32 $0xFFFFFFFD, s15;
	_ =	swait.ge [sflag:s31], $0x2000  }
0x82: {  	p1 =	sgt.u32 s20, $0x2B;
	s20 =	sand.u32 $0x3, s20;
	[sflag:s31] =	ssyncset.done $0x0  }
0x83: {  	s15 =	sand.u32 @!p1 $0x3, s15  }
0x84: {  	[sflag:s31] =	ssyncadd.s32 $0xFFFFE000;
	s21 =	simm.s32 @!p1 $0x40;
	s19 =	sshll.u32 @!p1 s15, $0xD  }
0x85: {  	s22 =	sadd.s32 $0x1, s20;
	s15 =	sadd.s32 @!p1 $0x1, s15;
	s19 =	sadd.s32 @!p1 $0x2F00, s19  }
0x86: {  	[tilespmem:s19], [sflag:s15] =	stream.indirect.gather @!p1 [hbm4b:s4+s21], $0x80, s8, s21, $0xb8;
	[tilespmem:$0x1EF00] =	vst v63  }
0x87: {  	_ =	swait.ge [sflag:s22], $0x2000  }
0x88: {  	s20 =	sshll.u32 s20, $0xD;
	[sflag:s22] =	ssyncset.done $0x0  }
0x89: {  	s15 =	sadd.s32 $0x2F00, s20;
	s21 =	sadd.s32 $0xFFFFFD80, s8;
	[sflag:s22] =	ssyncadd.s32 $0xFFFFE000  }
0x8a: {  	[spmem:s2] =	stream.indirect.scatter.add.f32 [tilespmem:s15], [sflag:$0x5], $0x80, s21, s0, $0xb8;
	[tilespmem:$0x1EF00] =	vst v63  }
0x8b: {  	_ =	swait.ge [sflag:s31], $0x2000  }
0x8c: {  	[sflag:s31] =	ssyncset.done $0x0  }
0x8d: {  	s19 =	simm.s32 $0x0;
	[sflag:s31] =	ssyncadd.s32 $0xFFFFE000  }
0x8e: {  	[tilespmem:s19], [sflag:$0x5] =	stream.linear.gather [hbm4b:s29+s19], $0x2F00, $0x38;
	[tilespmem:$0x1EF00] =	vst v63  }
0x8f: {  	_ =	swait.ge [sflag:s31], $0x2F00  }
0x90: {  	[sflag:s31] =	ssyncset.done $0x0  }
0x91: {  	s24 =	simm.s32 $0x100;
	p3 =	sne.s32 s7, $0x1;
	[sflag:s31] =	ssyncadd.s32 $0xFFFFD100  }
0x92: {  	[tilespmem:s30], [sflag:$0x1] =	stream.indirect.gather [hbm4b:s4+s0], $0x80, s19, s0, $0xb8;
	[tilespmem:$0x1EF00] =	vst v63  }
.Ltmp4:
0x93: {  	s1 =	simm.s32 $0x4F00;
	s23 =	simm.s32 $0x6F00;
	(pc) =	sbr.rel @!p3 .LBB2_10-.Ltmp4, $4  }
0x94: {  	p2 =	sle.u32 s7, $0x3;
	s8 =	simm.s32 $0x300;
	s20 =	simm.s32 $0x3  }
0x95: {  	[tilespmem:s1], [sflag:$0x2] =	stream.indirect.gather [hbm4b:s4+s0], $0x80, s24, s0, $0xb8;
	[tilespmem:$0x1EF00] =	vst v63  }
0x96: {  	p1 =	por $0x0, $0x0;
	s22 =	simm.s32 $0x200;
	s15 =	simm.s32 $0x1  }
0x97: {  	[tilespmem:s23], [sflag:$0x3] =	stream.indirect.gather [hbm4b:s4+s0], $0x80, s22, s0, $0xb8;
	[tilespmem:$0x1EF00] =	vst v63  }
0x98: {  	s20 =	sand.u32 @!p2 $0x3, s20  }
0x99: {  	s22 =	simm.s32 @!p2 $0x40;
	s21 =	sshll.u32 @!p2 s20, $0xD  }
0x9a: {  	s23 =	sand.u32 $0x3, s19;
	s20 =	sadd.s32 @!p2 $0x1, s20;
	s21 =	sadd.s32 @!p2 $0x2F00, s21  }
0x9b: {  	[tilespmem:s21], [sflag:s20] =	stream.indirect.gather @!p2 [hbm4b:s4+s22], $0x80, s8, s22, $0xb8;
	[tilespmem:$0x1EF00] =	vst v63  }
0x9c: {  	s19 =	simm.s32 $0x2;
	p3 =	sne.s32 s7, $0x2;
	s21 =	sadd.s32 $0x1, s23  }
.Ltmp5:
0x9d: {  	p1 =	por $0x1, $0x1;
	_ =	swait.ge [sflag:s21], $0x2000;
	(pc) =	sbr.rel @!p3 .LBB2_7-.Ltmp5, $4  }
0x9e: {  	s22 =	sshll.u32 s23, $0xD;
	s23 =	simm.s32 $0x80;
	[sflag:s21] =	ssyncset.done $0x0  }
0x9f: {  	p2 =	sle.u32 s7, $0x4;
	s20 =	sadd.s32 $0x2F00, s22;
	[sflag:s21] =	ssyncadd.s32 $0xFFFFE000  }
0xa0: {  	[spmem:s2] =	stream.indirect.scatter.add.f32 [tilespmem:s20], [sflag:$0x5], $0x80, s23, s0, $0xb8;
	[tilespmem:$0x1EF00] =	vst v63  }
0xa1: {  	s8 =	simm.s32 $0x400;
	s20 =	simm.s32 $0x4;
	_ =	swait.ge [sflag:s31], $0x2000  }
.LBB2_8:
0xa2: {  	s20 =	sand.u32 @!p2 $0x3, s20  }
0xa3: {  	[sflag:s31] =	ssyncset.done $0x0;
	s21 =	smov.u32 s19;
	s19 =	sadd.s32 $0x1, s19  }
0xa4: {  	s22 =	sshll.u32 @!p2 s20, $0xD;
	s20 =	sadd.s32 @!p2 $0x1, s20;
	[sflag:s31] =	ssyncadd.s32 $0xFFFFE000  }
0xa5: {  	s23 =	simm.s32 @!p2 $0x40;
	s15 =	sand.u32 $0x3, s15;
	s22 =	sadd.s32 @!p2 $0x2F00, s22  }
0xa6: {  	[tilespmem:s22], [sflag:s20] =	stream.indirect.gather @!p2 [hbm4b:s4+s23], $0x80, s8, s23, $0xb8;
	[tilespmem:$0x1EF00] =	vst v63  }
0xa7: {  	p3 =	sne.s32 s7, s19;
	s20 =	sshll.u32 s15, $0xD;
	s22 =	sadd.s32 $0x1, s15  }
.Ltmp6:
0xa8: {  	s15 =	smov.u32 s21;
	_ =	swait.ge [sflag:s22], $0x2000;
	(pc) =	sbr.rel @p3 .LBB2_8-.Ltmp6, $4  }
0xa9: {  	s23 =	sadd.s32 $0xFFFFFD80, s8;
	s21 =	sadd.s32 $0x2F00, s20;
	[sflag:s22] =	ssyncset.done $0x0  }
0xaa: {  	s20 =	sadd.s32 $0x3, s15;
	[sflag:s22] =	ssyncadd.s32 $0xFFFFE000  }
0xab: {  	[spmem:s2] =	stream.indirect.scatter.add.f32 [tilespmem:s21], [sflag:$0x5], $0x80, s23, s0, $0xb8;
	[tilespmem:$0x1EF00] =	vst v63  }
0xac: {  	s8 =	sadd.s32 $0x100, s8;
	p2 =	sge.u32 s20, s7;
	_ =	swait.ge [sflag:s31], $0x2000  }
0xad: {  	s19 =	smov.u32 s15  }
.LBB2_10:
0xae: {  	s15 =	sand.u32 @!p2 $0x3, s20;
	[sflag:s31] =	ssyncset.done @p1 $0x0;
	s21 =	simm.s32 @!p2 $0x40  }
0xaf: {  	s19 =	sand.u32 $0x3, s19;
	s20 =	sshll.u32 @!p2 s15, $0xD;
	s15 =	sadd.s32 @!p2 $0x1, s15  }
0xb0: {  	[sflag:s31] =	ssyncadd.s32 @p1 $0xFFFFE000;
	s22 =	sadd.s32 $0x1, s19;
	s20 =	sadd.s32 @!p2 $0x2F00, s20  }
0xb1: {  	[tilespmem:s20], [sflag:s15] =	stream.indirect.gather @!p2 [hbm4b:s4+s21], $0x80, s8, s21, $0xb8;
	[tilespmem:$0x1EF00] =	vst v63  }
0xb2: {  	_ =	swait.ge [sflag:s22], $0x2000  }
0xb3: {  	s23 =	sadd.s32 $0xFFFFFD80, s8;
	s19 =	sshll.u32 s19, $0xD;
	[sflag:s22] =	ssyncset.done $0x0  }
.Ltmp7:
0xb4: {  	s19 =	sadd.s32 $0x2F00, s19;
	[sflag:s22] =	ssyncadd.s32 $0xFFFFE000;
	(pc) =	sbr.rel @p0 .LBB2_29-.Ltmp7, $4  }
0xb5: {  	[spmem:s2] =	stream.indirect.scatter.add.f32 [tilespmem:s19], [sflag:$0x5], $0x80, s23, s0, $0xb8;
	[tilespmem:$0x1EF00] =	vst v63  }
0xb6: {  	_ =	swait.ge [sflag:s31], $0x2000  }
0xb7: {  	[sflag:s31] =	ssyncset.done $0x0  }
0xb8: {  	[sflag:s31] =	ssyncadd.s32 $0xFFFFE000  }
0xb9: {  	s19 =	simm.s32 $0x0;
	s8 =	rddreg [dreg:$0x3]  }
0xba: {  	[tilespmem:s19], [sflag:$0x5] =	stream.linear.gather [hbm4b:s8+s19], $0x2F00, $0x38;
	[tilespmem:$0x1EF00] =	vst v63  }
0xbb: {  	s3 =	smov.u32 s25;
	_ =	swait.ge [sflag:s31], $0x2F00  }
0xbc: {  	s1 =	smov.u32 s14;
	s14 =	smov.u32 s12;
	[sflag:s31] =	ssyncset.done $0x0  }
0xbd: {  	s12 =	smov.u32 s10;
	p3 =	sne.s32 s16, $0x1;
	[sflag:s31] =	ssyncadd.s32 $0xFFFFD100  }
0xbe: {  	[tilespmem:s30], [sflag:$0x1] =	stream.indirect.gather [hbm4b:s4+s0], $0x80, s19, s0, $0xb8;
	[tilespmem:$0x1EF00] =	vst v63  }
.Ltmp8:
0xbf: {  	s23 =	simm.s32 $0x4F00;
	s25 =	simm.s32 $0x6F00;
	(pc) =	sbr.rel @!p3 .LBB2_12-.Ltmp8, $4  }
0xc0: {  	s15 =	simm.s32 $0x1;
	s20 =	simm.s32 $0x3;
	p2 =	sle.u32 s9, $0x3  }
0xc1: {  	[tilespmem:s23], [sflag:$0x2] =	stream.indirect.gather [hbm4b:s4+s0], $0x80, s24, s0, $0xb8;
	[tilespmem:$0x1EF00] =	vst v63  }
0xc2: {  	p1 =	por $0x0, $0x0;
	s8 =	simm.s32 $0x300;
	s24 =	simm.s32 $0x200  }
0xc3: {  	[tilespmem:s25], [sflag:$0x3] =	stream.indirect.gather [hbm4b:s4+s0], $0x80, s24, s0, $0xb8;
	[tilespmem:$0x1EF00] =	vst v63  }
0xc4: {  	s10 =	smov.u32 s29;
	s29 =	smov.u32 s28;
	s21 =	sand.u32 @!p2 $0x3, s20  }
0xc5: {  	s23 =	simm.s32 @!p2 $0x40;
	s24 =	sand.u32 $0x3, s19;
	p4 =	sne.s32 s16, $0x2  }
0xc6: {  	s28 =	simm.s32 $0x80;
	p3 =	por $0x1, $0x1;
	s22 =	sshll.u32 @!p2 s21, $0xD  }
0xc7: {  	s21 =	sadd.s32 @!p2 $0x1, s21;
	s25 =	sadd.s32 $0x1, s24;
	s22 =	sadd.s32 @!p2 $0x2F00, s22  }
0xc8: {  	[tilespmem:s22], [sflag:s21] =	stream.indirect.gather @!p2 [hbm4b:s4+s23], $0x80, s8, s23, $0xb8;
	[tilespmem:$0x1EF00] =	vst v63  }
.Ltmp9:
0xc9: {  	s26 =	sshll.u32 s24, $0xD;
	_ =	swait.ge [sflag:s25], $0x2000;
	(pc) =	sbr.rel @!p4 .LBB2_14-.Ltmp9, $4  }
0xca: {  	s24 =	simm.s32 $0x4;
	s22 =	simm.s32 $0x2;
	[sflag:s25] =	ssyncset.done $0x0  }
0xcb: {  	s23 =	sadd.s32 $0x2F00, s26;
	p2 =	sle.u32 s9, $0x4;
	[sflag:s25] =	ssyncadd.s32 $0xFFFFE000  }
0xcc: {  	[spmem:s2] =	stream.indirect.scatter.add.f32 [tilespmem:s23], [sflag:$0x5], $0x80, s28, s0, $0xb8;
	[tilespmem:$0x1EF00] =	vst v63  }
0xcd: {  	s21 =	simm.s32 $0x400;
	s23 =	simm.s32 $0x1;
	_ =	swait.ge [sflag:s31], $0x2000  }
.LBB2_15:
0xce: {  	s24 =	sand.u32 @!p2 $0x3, s24  }
0xcf: {  	[sflag:s31] =	ssyncset.done $0x0;
	s25 =	smov.u32 s22;
	s22 =	sadd.s32 $0x1, s22  }
0xd0: {  	s26 =	sshll.u32 @!p2 s24, $0xD;
	s24 =	sadd.s32 @!p2 $0x1, s24;
	[sflag:s31] =	ssyncadd.s32 $0xFFFFE000  }
0xd1: {  	s28 =	simm.s32 @!p2 $0x40;
	s23 =	sand.u32 $0x3, s23;
	s26 =	sadd.s32 @!p2 $0x2F00, s26  }
0xd2: {  	[tilespmem:s26], [sflag:s24] =	stream.indirect.gather @!p2 [hbm4b:s4+s28], $0x80, s21, s28, $0xb8;
	[tilespmem:$0x1EF00] =	vst v63  }
0xd3: {  	p4 =	sne.s32 s16, s22;
	s24 =	sshll.u32 s23, $0xD;
	s26 =	sadd.s32 $0x1, s23  }
.Ltmp10:
0xd4: {  	s23 =	smov.u32 s25;
	_ =	swait.ge [sflag:s26], $0x2000;
	(pc) =	sbr.rel @p4 .LBB2_15-.Ltmp10, $4  }
0xd5: {  	s28 =	sadd.s32 $0xFFFFFD80, s21;
	s25 =	sadd.s32 $0x2F00, s24;
	[sflag:s26] =	ssyncset.done $0x0  }
0xd6: {  	s24 =	sadd.s32 $0x3, s23;
	[sflag:s26] =	ssyncadd.s32 $0xFFFFE000  }
0xd7: {  	[spmem:s2] =	stream.indirect.scatter.add.f32 [tilespmem:s25], [sflag:$0x5], $0x80, s28, s0, $0xb8;
	[tilespmem:$0x1EF00] =	vst v63  }
0xd8: {  	s21 =	sadd.s32 $0x100, s21;
	p2 =	sge.u32 s24, s9;
	_ =	swait.ge [sflag:s31], $0x2000  }
0xd9: {  	s26 =	stileid.u32;
	s28 =	smov.u32 s29;
	s29 =	smov.u32 s10  }
.LBB2_17:
0xda: {  	s22 =	sand.u32 @!p2 $0x3, s24;
	[sflag:s31] =	ssyncset.done @p3 $0x0  }
0xdb: {  	s25 =	simm.s32 @!p2 $0x40;
	s23 =	sand.u32 $0x3, s23;
	s24 =	sshll.u32 @!p2 s22, $0xD  }
0xdc: {  	s22 =	sadd.s32 @!p2 $0x1, s22;
	[sflag:s31] =	ssyncadd.s32 @p3 $0xFFFFE000;
	s24 =	sadd.s32 @!p2 $0x2F00, s24  }
0xdd: {  	[tilespmem:s24], [sflag:s22] =	stream.indirect.gather @!p2 [hbm4b:s4+s25], $0x80, s21, s25, $0xb8;
	[tilespmem:$0x1EF00] =	vst v63  }
0xde: {  	s25 =	sadd.s32 $0x1, s23  }
0xdf: {  	_ =	swait.ge [sflag:s25], $0x2000  }
0xe0: {  	s23 =	sshll.u32 s23, $0xD;
	[sflag:s25] =	ssyncset.done $0x0  }
0xe1: {  	s10 =	sadd.s32 $0xFFFFFD80, s21;
	s23 =	sadd.s32 $0x2F00, s23;
	[sflag:s25] =	ssyncadd.s32 $0xFFFFE000  }
0xe2: {  	[spmem:s2] =	stream.indirect.scatter.add.f32 [tilespmem:s23], [sflag:$0x5], $0x80, s10, s0, $0xb8;
	[tilespmem:$0x1EF00] =	vst v63  }
0xe3: {  	_ =	swait.ge [sflag:s31], $0x2000  }
0xe4: {  	[sflag:s31] =	ssyncset.done $0x0  }
0xe5: {  	s10 =	rddreg [dreg:$0x4];
	[sflag:s31] =	ssyncadd.s32 $0xFFFFE000  }
0xe6: {  	[tilespmem:s19], [sflag:$0x5] =	stream.linear.gather [hbm4b:s10+s19], $0x2F00, $0x38;
	[tilespmem:$0x1EF00] =	vst v63  }
0xe7: {  	_ =	swait.ge [sflag:s31], $0x2F00  }
0xe8: {  	[sflag:s31] =	ssyncset.done $0x0  }
0xe9: {  	p3 =	sne.s32 s17, $0x1;
	[sflag:s31] =	ssyncadd.s32 $0xFFFFD100  }
0xea: {  	[tilespmem:s30], [sflag:$0x1] =	stream.indirect.gather [hbm4b:s4+s0], $0x80, s19, s0, $0xb8;
	[tilespmem:$0x1EF00] =	vst v63  }
.Ltmp11:
0xeb: {  	_ = 	snop;
	(pc) =	sbr.rel @!p3 .LBB2_18-.Ltmp11, $4  }
0xec: {  	s24 =	simm.s32 $0x100;
	s22 =	simm.s32 $0x4F00  }
0xed: {  	[tilespmem:s22], [sflag:$0x2] =	stream.indirect.gather [hbm4b:s4+s0], $0x80, s24, s0, $0xb8;
	[tilespmem:$0x1EF00] =	vst v63  }
0xee: {  	p2 =	sle.u32 s11, $0x3;
	s25 =	simm.s32 $0x6F00;
	s23 =	simm.s32 $0x200  }
0xef: {  	[tilespmem:s25], [sflag:$0x3] =	stream.indirect.gather [hbm4b:s4+s0], $0x80, s23, s0, $0xb8;
	[tilespmem:$0x1EF00] =	vst v63  }
0xf0: {  	s20 =	sand.u32 @!p2 $0x3, s20  }
0xf1: {  	s22 =	simm.s32 @!p2 $0x40;
	s21 =	sshll.u32 @!p2 s20, $0xD  }
0xf2: {  	s23 =	sand.u32 $0x3, s19;
	s20 =	sadd.s32 @!p2 $0x1, s20;
	s21 =	sadd.s32 @!p2 $0x2F00, s21  }
0xf3: {  	[tilespmem:s21], [sflag:s20] =	stream.indirect.gather @!p2 [hbm4b:s4+s22], $0x80, s8, s22, $0xb8;
	[tilespmem:$0x1EF00] =	vst v63  }
0xf4: {  	s19 =	simm.s32 $0x2;
	p3 =	sne.s32 s17, $0x2;
	s22 =	sadd.s32 $0x1, s23  }
.Ltmp12:
0xf5: {  	s25 =	simm.s32 $0x80;
	_ =	swait.ge [sflag:s22], $0x2000;
	(pc) =	sbr.rel @!p3 .LBB2_20-.Ltmp12, $4  }
0xf6: {  	p1 =	por $0x1, $0x1;
	s23 =	sshll.u32 s23, $0xD;
	[sflag:s22] =	ssyncset.done $0x0  }
0xf7: {  	p2 =	sle.u32 s11, $0x4;
	s20 =	sadd.s32 $0x2F00, s23;
	[sflag:s22] =	ssyncadd.s32 $0xFFFFE000  }
0xf8: {  	[spmem:s2] =	stream.indirect.scatter.add.f32 [tilespmem:s20], [sflag:$0x5], $0x80, s25, s0, $0xb8;
	[tilespmem:$0x1EF00] =	vst v63  }
0xf9: {  	s8 =	simm.s32 $0x400;
	s20 =	simm.s32 $0x4;
	_ =	swait.ge [sflag:s31], $0x2000  }
.LBB2_21:
0xfa: {  	s20 =	sand.u32 @!p2 $0x3, s20  }
0xfb: {  	[sflag:s31] =	ssyncset.done $0x0;
	s21 =	smov.u32 s19;
	s19 =	sadd.s32 $0x1, s19  }
0xfc: {  	s22 =	sshll.u32 @!p2 s20, $0xD;
	s20 =	sadd.s32 @!p2 $0x1, s20;
	[sflag:s31] =	ssyncadd.s32 $0xFFFFE000  }
0xfd: {  	s23 =	simm.s32 @!p2 $0x40;
	s15 =	sand.u32 $0x3, s15;
	s22 =	sadd.s32 @!p2 $0x2F00, s22  }
0xfe: {  	[tilespmem:s22], [sflag:s20] =	stream.indirect.gather @!p2 [hbm4b:s4+s23], $0x80, s8, s23, $0xb8;
	[tilespmem:$0x1EF00] =	vst v63  }
0xff: {  	p3 =	sne.s32 s17, s19;
	s20 =	sshll.u32 s15, $0xD;
	s22 =	sadd.s32 $0x1, s15  }
.Ltmp13:
0x100: {  	s15 =	smov.u32 s21;
	_ =	swait.ge [sflag:s22], $0x2000;
	(pc) =	sbr.rel @p3 .LBB2_21-.Ltmp13, $4  }
0x101: {  	s23 =	sadd.s32 $0xFFFFFD80, s8;
	s21 =	sadd.s32 $0x2F00, s20;
	[sflag:s22] =	ssyncset.done $0x0  }
0x102: {  	s20 =	sadd.s32 $0x3, s15;
	[sflag:s22] =	ssyncadd.s32 $0xFFFFE000  }
0x103: {  	[spmem:s2] =	stream.indirect.scatter.add.f32 [tilespmem:s21], [sflag:$0x5], $0x80, s23, s0, $0xb8;
	[tilespmem:$0x1EF00] =	vst v63  }
0x104: {  	s8 =	sadd.s32 $0x100, s8;
	p2 =	sge.u32 s20, s11;
	_ =	swait.ge [sflag:s31], $0x2000  }
0x105: {  	s19 =	smov.u32 s15;
	s10 =	smov.u32 s12  }
0x106: {  	s12 =	smov.u32 s14;
	s14 =	smov.u32 s1;
	s25 =	smov.u32 s3  }
.LBB2_23:
0x107: {  	s15 =	sand.u32 @!p2 $0x3, s20;
	[sflag:s31] =	ssyncset.done @p1 $0x0  }
0x108: {  	s21 =	simm.s32 @!p2 $0x40;
	s19 =	sand.u32 $0x3, s19;
	s20 =	sshll.u32 @!p2 s15, $0xD  }
0x109: {  	s15 =	sadd.s32 @!p2 $0x1, s15;
	[sflag:s31] =	ssyncadd.s32 @p1 $0xFFFFE000;
	s20 =	sadd.s32 @!p2 $0x2F00, s20  }
0x10a: {  	[tilespmem:s20], [sflag:s15] =	stream.indirect.gather @!p2 [hbm4b:s4+s21], $0x80, s8, s21, $0xb8;
	[tilespmem:$0x1EF00] =	vst v63  }
0x10b: {  	s20 =	sadd.s32 $0x1, s19  }
0x10c: {  	_ =	swait.ge [sflag:s20], $0x2000  }
0x10d: {  	s19 =	sshll.u32 s19, $0xD;
	[sflag:s20] =	ssyncset.done $0x0  }
0x10e: {  	s21 =	sadd.s32 $0xFFFFFD80, s8;
	s19 =	sadd.s32 $0x2F00, s19;
	[sflag:s20] =	ssyncadd.s32 $0xFFFFE000  }
0x10f: {  	[spmem:s2] =	stream.indirect.scatter.add.f32 [tilespmem:s19], [sflag:$0x5], $0x80, s21, s0, $0xb8;
	[tilespmem:$0x1EF00] =	vst v63  }
0x110: {  	_ =	swait.ge [sflag:s31], $0x2000  }
0x111: {  	[sflag:s31] =	ssyncset.done $0x0  }
0x112: {  	s19 =	simm.s32 $0x0;
	s22 =	rddreg [dreg:$0x5];
	[sflag:s31] =	ssyncadd.s32 $0xFFFFE000  }
0x113: {  	[tilespmem:s19], [sflag:$0x5] =	stream.linear.gather [hbm4b:s22+s19], $0x2F00, $0x38;
	[tilespmem:$0x1EF00] =	vst v63  }
0x114: {  	_ =	swait.ge [sflag:s31], $0x2F00  }
0x115: {  	[sflag:s31] =	ssyncset.done $0x0  }
0x116: {  	s1 =	simm.s32 $0x4F00;
	p3 =	sne.s32 s18, $0x1;
	[sflag:s31] =	ssyncadd.s32 $0xFFFFD100  }
0x117: {  	[tilespmem:s30], [sflag:$0x1] =	stream.indirect.gather [hbm4b:s4+s0], $0x80, s19, s0, $0xb8;
	[tilespmem:$0x1EF00] =	vst v63  }
.Ltmp14:
0x118: {  	s23 =	simm.s32 $0x200;
	s3 =	simm.s32 $0x6F00;
	(pc) =	sbr.rel @!p3 .LBB2_28-.Ltmp14, $4  }
0x119: {  	[tilespmem:s1], [sflag:$0x2] =	stream.indirect.gather [hbm4b:s4+s0], $0x80, s24, s0, $0xb8;
	[tilespmem:$0x1EF00] =	vst v63  }
0x11a: {  	p1 =	por $0x0, $0x0;
	s8 =	simm.s32 $0x300;
	s15 =	simm.s32 $0x1  }
0x11b: {  	[tilespmem:s3], [sflag:$0x3] =	stream.indirect.gather [hbm4b:s4+s0], $0x80, s23, s0, $0xb8;
	[tilespmem:$0x1EF00] =	vst v63  }
0x11c: {  	p2 =	sle.u32 s13, $0x3;
	s20 =	simm.s32 $0x3;
	s3 =	simm.s32 $0x0  }
0x11d: {  	s20 =	sand.u32 @!p2 $0x3, s20  }
0x11e: {  	s22 =	simm.s32 @!p2 $0x40;
	s21 =	sshll.u32 @!p2 s20, $0xD  }
0x11f: {  	s23 =	sand.u32 $0x3, s19;
	s20 =	sadd.s32 @!p2 $0x1, s20;
	s21 =	sadd.s32 @!p2 $0x2F00, s21  }
0x120: {  	[tilespmem:s21], [sflag:s20] =	stream.indirect.gather @!p2 [hbm4b:s4+s22], $0x80, s8, s22, $0xb8;
	[tilespmem:$0x1EF00] =	vst v63  }
0x121: {  	s19 =	simm.s32 $0x2;
	p3 =	sne.s32 s18, $0x2;
	s21 =	sadd.s32 $0x1, s23  }
.Ltmp15:
0x122: {  	p1 =	por $0x1, $0x1;
	_ =	swait.ge [sflag:s21], $0x2000;
	(pc) =	sbr.rel @!p3 .LBB2_25-.Ltmp15, $4  }
0x123: {  	s22 =	sshll.u32 s23, $0xD;
	s23 =	simm.s32 $0x80;
	[sflag:s21] =	ssyncset.done $0x0  }
0x124: {  	p2 =	sle.u32 s13, $0x4;
	s20 =	sadd.s32 $0x2F00, s22;
	[sflag:s21] =	ssyncadd.s32 $0xFFFFE000  }
0x125: {  	[spmem:s2] =	stream.indirect.scatter.add.f32 [tilespmem:s20], [sflag:$0x5], $0x80, s23, s0, $0xb8;
	[tilespmem:$0x1EF00] =	vst v63  }
0x126: {  	s8 =	simm.s32 $0x400;
	s20 =	simm.s32 $0x4;
	_ =	swait.ge [sflag:s31], $0x2000  }
.LBB2_26:
0x127: {  	s20 =	sand.u32 @!p2 $0x3, s20  }
0x128: {  	[sflag:s31] =	ssyncset.done $0x0;
	s21 =	smov.u32 s19;
	s19 =	sadd.s32 $0x1, s19  }
0x129: {  	s22 =	sshll.u32 @!p2 s20, $0xD;
	s20 =	sadd.s32 @!p2 $0x1, s20;
	[sflag:s31] =	ssyncadd.s32 $0xFFFFE000  }
0x12a: {  	s23 =	simm.s32 @!p2 $0x40;
	s15 =	sand.u32 $0x3, s15;
	s22 =	sadd.s32 @!p2 $0x2F00, s22  }
0x12b: {  	[tilespmem:s22], [sflag:s20] =	stream.indirect.gather @!p2 [hbm4b:s4+s23], $0x80, s8, s23, $0xb8;
	[tilespmem:$0x1EF00] =	vst v63  }
0x12c: {  	p3 =	sne.s32 s18, s19;
	s20 =	sshll.u32 s15, $0xD;
	s22 =	sadd.s32 $0x1, s15  }
.Ltmp16:
0x12d: {  	s15 =	smov.u32 s21;
	_ =	swait.ge [sflag:s22], $0x2000;
	(pc) =	sbr.rel @p3 .LBB2_26-.Ltmp16, $4  }
0x12e: {  	s23 =	sadd.s32 $0xFFFFFD80, s8;
	s21 =	sadd.s32 $0x2F00, s20;
	[sflag:s22] =	ssyncset.done $0x0  }
0x12f: {  	s20 =	sadd.s32 $0x3, s15;
	[sflag:s22] =	ssyncadd.s32 $0xFFFFE000  }
0x130: {  	[spmem:s2] =	stream.indirect.scatter.add.f32 [tilespmem:s21], [sflag:$0x5], $0x80, s23, s0, $0xb8;
	[tilespmem:$0x1EF00] =	vst v63  }
0x131: {  	s8 =	sadd.s32 $0x100, s8;
	p2 =	sge.u32 s20, s13;
	_ =	swait.ge [sflag:s31], $0x2000  }
.Ltmp17:
0x132: {  	(pc) =	sbr.rel .LBB2_28-.Ltmp17, $2  }
0x133: {  	_ =	sdelay $0x2  }
0x134: {  	s19 =	smov.u32 s15  }
.LBB2_7:
.Ltmp18:
0x135: {  	(pc) =	sbr.rel .LBB2_10-.Ltmp18, $2  }
0x136: {  	_ =	sdelay $0x2  }
0x137: {  	s19 =	simm.s32 $0x1  }
.LBB2_12:
.Ltmp19:
0x138: {  	(pc) =	sbr.rel .LBB2_17-.Ltmp19, $3  }
0x139: {  	_ =	sdelay $0x1  }
0x13a: {  	s24 =	simm.s32 $0x3  }
0x13b: {  	s23 =	simm.s32 $0x0;
	s21 =	simm.s32 $0x300;
	p3 =	por $0x0, $0x0  }
.LBB2_18:
.Ltmp20:
0x13c: {  	(pc) =	sbr.rel .LBB2_23-.Ltmp20, $3  }
0x13d: {  	_ =	sdelay $0x1  }
0x13e: {  	s10 =	smov.u32 s12  }
0x13f: {  	s12 =	smov.u32 s14;
	s14 =	smov.u32 s1;
	s25 =	smov.u32 s3  }
.LBB2_14:
.Ltmp21:
0x140: {  	(pc) =	sbr.rel .LBB2_17-.Ltmp21, $3  }
0x141: {  	_ =	sdelay $0x1  }
0x142: {  	s23 =	simm.s32 $0x1  }
0x143: {  	s26 =	stileid.u32;
	s28 =	smov.u32 s29;
	s29 =	smov.u32 s10  }
.LBB2_20:
.Ltmp22:
0x144: {  	(pc) =	sbr.rel .LBB2_23-.Ltmp22, $3  }
0x145: {  	_ =	sdelay $0x1  }
0x146: {  	s19 =	simm.s32 $0x1;
	s10 =	smov.u32 s12  }
0x147: {  	s12 =	smov.u32 s14;
	s14 =	smov.u32 s1;
	s25 =	smov.u32 s3  }
.LBB2_30:
0x148: {  	_ =	sfence.sel $0x180000  }
0x149: {  	[bflag:$0x0] =	sbarrier.arrive $0xFFFF  }
0x14a: {  	_ =	strace $0x9000004A  }
0x14b: {  	[bflag:$0x2] =	sbarrier.arrive $0xFFFF  }
0x14c: {  	p0 =	sne.s32 s26, $0x0;
	s0 =	rddreg [dreg:$0x2]  }
0x14d: {  	s0 =	sadd.s32 @!p0 $0x100000, s0  }
0x14e: {  	[sflag:s0] =	ssyncadd.tile.s32 @!p0 $0x1;
	_ =	shalt  }
.Lfunc_end2:
_tile_overlayer_lowered:
.L_overlay_start_2:
0x14f: {  	(tag) =	ssettag $0x2  }
0x150: {  	s0 =	rddreg [dreg:$0x0];
	s2 =	stileid.u32  }
0x151: {  	s1 =	rddreg [dreg:$0x1];
	p0 =	sne.s32 s2, $0x0  }
0x152: {  	s3 =	rddreg [dreg:$0x2];
	[bflag:$0x3] =	sbarrier.arrive $0xFFFF;
	s2 =	simm.s32 @!p0 $0x1C05  }
0x153: {  	[timem:s3], [sflag:s2] =	dma.local @!p0 [hbm:s0], s1  }
0x154: {  	s0 =	simm.s32 @!p0 $0x5  }
0x155: {  	_ =	swait.ge @!p0 [sflag:s0], s1  }
0x156: {  	s1 =	ssub.s32 @!p0 $0x0, s1;
	[sflag:s0] =	ssyncset.done @!p0 $0x0  }
0x157: {  	[sflag:s0] =	ssyncadd.s32 @!p0 s1  }
0x158: {  	[bflag:$0x3] =	sbarrier.arrive $0xFFFF  }
0x159: {  	_ =	shalt  }

// kernel: kernel.14.cloned.1.call-start
scs
__scs_entry_jumppad:
0x0: {  	(pc) =	sbr.rel $0x88, $3  }
0x1: {  	(tag) =	ssettag $0x0;
	lr =	simm.s32 $0x1  }
0x2: {  	[smem:$0x3F9B] =	sst lr;
	_ =	strace $0xD0000000  }
0x3: {  	_ = 	snop  }
0x4: {  	_ = 	snop  }
0x5: {  	_ = 	snop  }
0x6: {  	_ = 	snop  }
0x7: {  	_ = 	snop  }
__scs_overlays_trampoline_lowered:
0x8: {  	[smem:$0x3FAA] =	sst s0  }
0x9: {  	[smem:$0x3FAB] =	sst s1  }
0xa: {  	[smem:$0x3FAC] =	sst s2  }
0xb: {  	[smem:$0x3FAD] =	sst s3  }
0xc: {  	[smem:$0x3FAE] =	sst s4  }
0xd: {  	[smem:$0x3FAF] =	sst s5  }
0xe: {  	[smem:$0x3FB0] =	sst s6  }
0xf: {  	[smem:$0x3FB1] =	sst s7  }
0x10: {  	[smem:$0x3FB2] =	sst s8  }
0x11: {  	[smem:$0x3FB3] =	sst s9;
	s0 =	simm.s32 @!p0 $0x0  }
0x12: {  	s1 =	sld [smem:$0x3F99];
	s0 =	simm.s32 @p0 $0x1  }
0x13: {  	[smem:$0x3FB4] =	sst s0;
	s0 =	simm.s32 @!p1 $0x0  }
0x14: {  	s2 =	sld [smem:$0x3F98];
	s0 =	simm.s32 @p1 $0x1  }
0x15: {  	[smem:$0x3FB5] =	sst s0;
	s0 =	simm.s32 @!p2 $0x0  }
0x16: {  	s3 =	sld [smem:$0x3FDB];
	s0 =	simm.s32 @p2 $0x1  }
0x17: {  	s4 =	simm.s32 $0x1BF5;
	[smem:$0x3FB7] =	sst s0  }
0x18: {  	s0 =	sld [smem:$0x3F9A];
	_ =	swait.ge [sflag:s4], $0x0  }
0x19: {  	s7 =	sld [smem:$0x3F9B]  }
0x1a: {  	s8 =	sadd.s32 $0xFFFFE003, lr  }
0x1b: {  	s9 =	sadd.s32 $0xFFFFFEF7, lr;
	s5 =	simm.s32 $0xFFFFFFFF;
	p2 =	slt.u32 s8, $0xFFFFF086  }
0x1c: {  	p1 =	slt.u32 s9, $0xF7A;
	s5 =	simm.s32 @!p2 $0x0  }
0x1d: {  	s5 =	simm.s32 @p1 $0x1;
	p0 =	seq.s32 s7, s2  }
0x1e: {  	s7 =	smul.u32 @!p0 $0xF7A, s2;
	p2 =	seq.s32 @!p0 s5, $0x0  }
0x1f: {  	s9 =	smul.u32 $0xF7A, s1;
	s8 =	simm.s32 @!p0 $0x1BF5;
	p2 =	por !p2, p0  }
0x20: {  	[sflag:s8] =	ssyncset.s32 @!p0 $0xFFFFF086;
	s6 =	sadd.s32 @!p0 s3, s7;
	s7 =	simm.s32 @!p0 $0x108  }
0x21: {  	s3 =	sadd.s32 s3, s9;
	s6 =	sadd.s32 @!p0 $0x88, s6;
	s7 =	simm.s32 @p2 $0x1082  }
0x22: {  	[simem:s7], [sflag:s8] =	dma.local @!p0 [hbm:s6], $0xF7A  }
0x23: {  	s9 =	sor.u32 $0xD0000000, s2;
	s6 =	simm.s32 $0x108;
	_ =	swait.ge @!p0 [sflag:s8], $0x0  }
0x24: {  	s3 =	sadd.s32 $0x88, s3;
	s6 =	simm.s32 @!p1 $0x1082;
	[sflag:s4] =	ssyncset.s32 $0xFFFFF086  }
0x25: {  	[simem:s6], [sflag:s4] =	dma.local [hbm:s3], $0xF7A  }
0x26: {  	[smem:$0x3F9B] =	sst s1;
	(tag) =	ssettag s2;
	_ =	strace s9  }
0x27: {  	s1 =	sld [smem:$0x3FAB]  }
0x28: {  	s2 =	sld [smem:$0x3FAC]  }
0x29: {  	s4 =	sld [smem:$0x3FAE]  }
0x2a: {  	p0 =	seq.s32 s5, $0x0;
	s5 =	sld [smem:$0x3FAF]  }
0x2b: {  	s6 =	sld [smem:$0x3FB0]  }
0x2c: {  	s7 =	sld [smem:$0x3FB1]  }
0x2d: {  	s3 =	simm.s32 $0x108;
	s8 =	sld [smem:$0x3FB2]  }
0x2e: {  	s3 =	simm.s32 @!p0 $0x1082;
	s9 =	sld [smem:$0x3FB3]  }
0x2f: {  	lr =	sadd.s32 s0, s3;
	s0 =	sld [smem:$0x3FAA]  }
0x30: {  	s3 =	sld [smem:$0x3FAD]  }
0x31: {  	[smem:$0x3FB6] =	sst s10  }
0x32: {  	s10 =	sld [smem:$0x3FB4];
	_ =	sdelay $0x3  }
0x33: {  	p0 =	seq.s32 s10, $0x1;
	s10 =	sld [smem:$0x3FB6];
	_ =	sdelay $0x3  }
0x34: {  	[smem:$0x3FB6] =	sst s10  }
0x35: {  	s10 =	sld [smem:$0x3FB5];
	_ =	sdelay $0x3  }
0x36: {  	p1 =	seq.s32 s10, $0x1;
	s10 =	sld [smem:$0x3FB6];
	_ =	sdelay $0x3  }
0x37: {  	[smem:$0x3FB6] =	sst s10  }
0x38: {  	s10 =	sld [smem:$0x3FB7]  }
0x39: {  	_ = 	snop;
	(pc) =	sbr.ind lr, $3  }
0x3a: {  	_ = 	snop  }
0x3b: {  	_ = 	snop  }
0x3c: {  	p2 =	seq.s32 s10, $0x1;
	s10 =	sld [smem:$0x3FB6]  }
0x3d: {  	_ =	shalt  }
0x3e: {  	_ =	shalt  }
0x3f: {  	_ =	shalt  }
0x40: {  	_ =	shalt  }
0x41: {  	_ =	shalt  }
0x42: {  	_ =	shalt  }
0x43: {  	_ =	shalt  }
0x44: {  	_ =	shalt  }
0x45: {  	_ =	shalt  }
0x46: {  	_ =	shalt  }
0x47: {  	_ =	shalt  }
0x48: {  	_ =	shalt  }
0x49: {  	_ =	shalt  }
0x4a: {  	_ =	shalt  }
0x4b: {  	_ =	shalt  }
0x4c: {  	_ =	shalt  }
0x4d: {  	_ =	shalt  }
0x4e: {  	_ =	shalt  }
0x4f: {  	_ =	shalt  }
0x50: {  	_ =	shalt  }
0x51: {  	_ =	shalt  }
0x52: {  	_ =	shalt  }
0x53: {  	_ =	shalt  }
0x54: {  	_ =	shalt  }
0x55: {  	_ =	shalt  }
0x56: {  	_ =	shalt  }
0x57: {  	_ =	shalt  }
0x58: {  	_ =	shalt  }
0x59: {  	_ =	shalt  }
0x5a: {  	_ =	shalt  }
0x5b: {  	_ =	shalt  }
0x5c: {  	_ =	shalt  }
0x5d: {  	_ =	shalt  }
0x5e: {  	_ =	shalt  }
0x5f: {  	_ =	shalt  }
0x60: {  	_ =	shalt  }
0x61: {  	_ =	shalt  }
0x62: {  	_ =	shalt  }
0x63: {  	_ =	shalt  }
0x64: {  	_ =	shalt  }
0x65: {  	_ =	shalt  }
0x66: {  	_ =	shalt  }
0x67: {  	_ =	shalt  }
0x68: {  	_ =	shalt  }
0x69: {  	_ =	shalt  }
0x6a: {  	_ =	shalt  }
0x6b: {  	_ =	shalt  }
0x6c: {  	_ =	shalt  }
0x6d: {  	_ =	shalt  }
0x6e: {  	_ =	shalt  }
0x6f: {  	_ =	shalt  }
0x70: {  	_ =	shalt  }
0x71: {  	_ =	shalt  }
0x72: {  	_ =	shalt  }
0x73: {  	_ =	shalt  }
0x74: {  	_ =	shalt  }
0x75: {  	_ =	shalt  }
0x76: {  	_ =	shalt  }
0x77: {  	_ =	shalt  }
0x78: {  	_ =	shalt  }
0x79: {  	_ =	shalt  }
0x7a: {  	_ =	shalt  }
0x7b: {  	_ =	shalt  }
0x7c: {  	_ =	shalt  }
0x7d: {  	_ =	shalt  }
0x7e: {  	_ =	shalt  }
0x7f: {  	_ =	shalt  }
0x80: {  	_ =	shalt  }
0x81: {  	_ =	shalt  }
0x82: {  	_ =	shalt  }
0x83: {  	_ =	shalt  }
0x84: {  	_ =	shalt  }
0x85: {  	_ =	shalt  }
0x86: {  	_ =	shalt  }
0x87: {  	_ =	shalt  }
.Lfunc_end0:
.L_simem_size_0:
called_computation.2_lowered:
.L_overlay_start_0:
0x88: {  	s2 =	sld [smem:$0x3FD9]  }
0x89: {  	s3 =	sld [smem:$0x3FFE];
	_ =	sdelay $0x1  }
0x8a: {  	s1 =	srdreg.scid  }
0x8b: {  	s0 =	sand.u32 $0x1, s1  }
0x8c: {  	s16 =	sshll.u32 s0, $0xA;
	s2 =	sadd.s32 s3, s2  }
0x8d: {  	s2 =	sadd.s32 s2, s16  }
0x8e: {  	[smem:$0x3FC2] =	sst s2  }
0x8f: {  	_ = 	snop  }
0x90: {  	(tm) =	ssettm $0x1  }
0x91: {  	s17 =	sld [smem:$0x3FFB];
	_ =	sdelay $0x3  }
0x92: {  	_ =	strace s17  }
0x93: {  	s2 =	sld [smem:$0x3FFC];
	_ =	sdelay $0x3  }
0x94: {  	_ =	strace s2  }
0x95: {  	s2 =	sld [smem:$0x3FFD];
	_ =	sdelay $0x3  }
0x96: {  	_ =	strace s2  }
0x97: {  	_ =	strace $0x8FFFFFFF  }
0x98: {  	s18 =	sld [smem:$0x3FDB];
	_ =	sdelay $0x1  }
0x99: {  	s19 =	simm.s32 $_scs_section_size  }
0x9a: {  	s4 =	simm.s32 $_size__tile_overlayer_lowered;
	s5 =	simm.s32 $_tile_overlayer_lowered  }
0x9b: {  	s22 =	simm.s32 $0x1BFF;
	s21 =	sshll.u32 s5, $0x1;
	s2 =	sadd.s32 s19, s18  }
0x9c: {  	s6 =	simm.s32 $0x0;
	s20 =	sshll.u32 s4, $0x1;
	s4 =	sadd.s32 s21, s2  }
0x9d: {  	[timem:s6], [sflag:s22] =	dma.local [hbm:s4], s20  }
0x9e: {  	_ =	swait.ge [sflag:s22], s20  }
0x9f: {  	s3 =	ssub.s32 $0x0, s20;
	[sflag:s22] =	ssyncset.done $0x0  }
0xa0: {  	[sflag:s22] =	ssyncadd.s32 s3;
	_ =	sdelay $0x1  }
0xa1: {  	s23 =	simm.s32 $0x1B8B  }
0xa2: {  	_ =	swait.ge [sflag:s23], $0x1  }
0xa3: {  	[sflag:s23] =	ssyncset.done $0x0  }
0xa4: {  	s25 =	simm.s32 $0x1B8E;
	s24 =	sld [smem:$0x3FFE];
	[sflag:s23] =	ssyncadd.s32 $0xFFFFFFFF  }
0xa5: {  	s26 =	simm.s32 $execute0_lowered;
	[smem:$0x3FD2] =	sst s25  }
0xa6: {  	s4 =	sshll.u32 s26, $0x1;
	_ =	strace $0x8000004C;
	[dreg:$0x1] =	wrdreg $0xFFFFFFFF  }
0xa7: {  	s28 =	simm.s32 $_size_execute0_lowered;
	s2 =	sadd.s32 s2, s4;
	[dreg:$0x0] =	wrdreg $0x0  }
0xa8: {  	s4 =	sshll.u32 s28, $0x1;
	[dreg:$0x2] =	wrdreg s2  }
0xa9: {  	[dreg:$0x3] =	wrdreg s4  }
0xaa: {  	[dreg:$0x4] =	wrdreg $0xC0  }
0xab: {  	_ =	task [dreg:s6], $0x5FFFF  }
0xac: {  	[dreg:$0x1] =	wrdreg $0xFFFFFFFF  }
0xad: {  	[dreg:$0x0] =	wrdreg $0x60  }
0xae: {  	[dreg:$0x2] =	wrdreg s24  }
0xaf: {  	[dreg:$0x3] =	wrdreg $0xAF000  }
0xb0: {  	[dreg:$0x4] =	wrdreg $0x9  }
0xb1: {  	_ =	task.clear_ibuf [dreg:s6], $0x5FFFF;
	_ =	strace $0x9000004C  }
0xb2: {  	s29 =	simm.s32 $0x9;
	_ =	strace $0x8000004E  }
0xb3: {  	_ =	swait.ge [sflag:s29], $0x1  }
0xb4: {  	[sflag:s29] =	ssyncadd.s32 $0xFFFFFFFF  }
0xb5: {  	_ =	strace $0x9000004E  }
0xb6: {  	_ =	sfence  }
0xb7: {  	s30 =	sld [smem:$0x0];
	_ =	sdelay $0x2  }
0xb8: {  	s31 =	sshll.u32 s1, $0xD;
	s1 =	sshrl.u32 s1, $0x2  }
0xb9: {  	s3 =	sand.u32 $0x4000, s31;
	s1 =	sadd.s32 s1, s30  }
0xba: {  	s0 =	sor.u32 s3, s0;
	s1 =	sshll.u32 s1, $0x11  }
0xbb: {  	s0 =	sor.u32 s1, s0  }
0xbc: {  	s0 =	sadd.s32 $0x8F2B, s0  }
0xbd: {  	[sflag:s0] =	ssyncadd.remote.s32 $0x1  }
0xbe: {  	_ =	sfence.sel $0xFFFF  }
0xbf: {  	[dreg:$0x0] =	wrdreg $0xFFFFFFFF;
	(pc) =	sbr.abs _section_cstart, $3  }
0xc0: {  	[dreg:$0x1] =	wrdreg $0xFFFFFFFF  }
0xc1: {  	_ =	task.clear_ibuf [dreg:s6], $0x2FFFF;
	_ =	strace $0x9FFFFFFF  }
0xc2: {  	(tm) =	ssettm $0x7FFFFFFF  }
0xc3: {  	_ =	shalt  }
tec
execute0_lowered:
.L_overlay_start_1:
0x0: {  	(tag) =	ssettag $0x1  }
0x1: {  	s0 =	rddreg [dreg:$0x0]  }
0x2: {  	s2 =	rddreg [dreg:$0x1];
	s26 =	stileid.u32  }
0x3: {  	s3 =	simm.s32 $0x0;
	s1 =	srdreg.scid;
	s4 =	smul.u32 $0x55, s26  }
0x4: {  	s10 =	simm.s32 $0xE7;
	s30 =	simm.s32 $0x2F00;
	s5 =	smul.u32 $0xE7, s26  }
0x5: {  	s31 =	simm.s32 $0x5;
	s1 =	sand.u32 $0x1, s1;
	s7 =	smul.u32 $0x14000, s26  }
0x6: {  	[smem:$0x7FF] =	sst s3;
	p0 =	seq.s32 s1, $0x0;
	s6 =	smul.u32 $0x140000, s1  }
0x7: {  	_ =	strace $0x8000004D;
	s9 =	ssub.s32 $0x2, s1;
	s4 =	sadd.s32 $0xE70, s4  }
0x8: {  	s11 =	sshrl.u32 s9, $0x1;
	s10 =	simm.s32 @!p0 $0x55;
	s4 =	smov.u32 @p0 s5  }
0x9: {  	s5 =	sadd.s32 s7, s6;
	s7 =	smul.u32 $0x50000, s26;
	s6 =	ssub.s32 s9, s11  }
0xa: {  	s13 =	smin.u32 s10, $0x5E;
	s9 =	smax.u32 s10, $0x5E;
	s11 =	smax.u32 s10, $0x8D  }
0xb: {  	s10 =	smax.u32 s10, $0xBC;
	p0 =	sne.s32 s1, $0x0;
	s4 =	sshll.u32 s4, $0x5  }
0xc: {  	s5 =	sshrl.u32 s5, $0x3;
	s9 =	smin.u32 s9, $0x8D;
	s11 =	smin.u32 s11, $0xBC  }
0xd: {  	s8 =	sadd.s32 s4, s0;
	s4 =	sadd.s32 $0x7A000, s0;
	s0 =	sadd.s32 s5, s0  }
0xe: {  	s12 =	sshrl.u32 s7, $0x2;
	s7 =	sadd.s32 $0xFFFFFFD1, s13;
	s9 =	sadd.s32 $0xFFFFFFA2, s9  }
0xf: {  	s11 =	sadd.s32 $0xFFFFFF73, s11;
	s13 =	sadd.s32 $0xFFFFFF44, s10;
	s5 =	sadd.s32 s12, s2  }
0x10: {  	s28 =	sadd.s32 $0x52200, s8;
	s29 =	sadd.s32 $0x527E0, s8;
	s12 =	sadd.s32 $0x52DC0, s8  }
0x11: {  	s14 =	sadd.s32 $0x533A0, s8;
	s8 =	sadd.s32 $0x53980, s8;
	[dreg:$0x3] =	wrdreg s12  }
0x12: {  	s10 =	sadd.s32 $0xA2000, s0;
	s16 =	smax.u32 s9, $0x1;
	[dreg:$0x4] =	wrdreg s14  }
0x13: {  	s17 =	smax.u32 s11, $0x1;
	[dreg:$0x5] =	wrdreg s8;
	s15 =	sadd.s32 $0x6000, s5  }
0x14: {  	s18 =	smax.u32 s13, $0x1;
	s19 =	sadd.s32 $0x8000, s5;
	[dreg:$0x6] =	wrdreg s15  }
0x15: {  	s0 =	simm.s32 $0x40;
	s20 =	sadd.s32 $0xA000, s5;
	[dreg:$0x7] =	wrdreg s19  }
.Ltmp0:
0x16: {  	s21 =	sadd.s32 $0xC000, s5;
	[dreg:$0x8] =	wrdreg s20;
	(pc) =	sbr.rel .LBB2_1-.Ltmp0, $4  }
0x17: {  	s12 =	smax.u32 s6, $0x1;
	s22 =	sadd.s32 $0xE000, s5;
	[dreg:$0x9] =	wrdreg s21  }
0x18: {  	s14 =	sadd.s32 $0x2000, s5;
	s23 =	sadd.s32 $0x10000, s5;
	[dreg:$0xa] =	wrdreg s22  }
0x19: {  	s25 =	sadd.s32 $0x4000, s5;
	s24 =	sadd.s32 $0x12000, s5;
	[dreg:$0xb] =	wrdreg s23  }
0x1a: {  	v0 =	vimm.f32 $0.0e+00;
	s6 =	simm.s32 $0x0;
	[dreg:$0xc] =	wrdreg s24;
	s24 =	simm.s32 $0x100  }
.LBB2_25:
0x1b: {  	s19 =	simm.s32 $0x1  }
.LBB2_28:
0x1c: {  	s15 =	sand.u32 @!p2 $0x3, s20;
	[sflag:s31] =	ssyncset.done @p1 $0x0;
	s21 =	simm.s32 @!p2 $0x40  }
0x1d: {  	s19 =	sand.u32 $0x3, s19;
	s20 =	sshll.u32 @!p2 s15, $0xD;
	s15 =	sadd.s32 @!p2 $0x1, s15  }
0x1e: {  	[sflag:s31] =	ssyncadd.s32 @p1 $0xFFFFE000;
	s22 =	sadd.s32 $0x1, s19;
	s20 =	sadd.s32 @!p2 $0x2F00, s20  }
0x1f: {  	[tilespmem:s20], [sflag:s15] =	stream.indirect.gather @!p2 [hbm4b:s4+s21], $0x80, s8, s21, $0xb8;
	[tilespmem:$0x1EF00] =	vst v63  }
0x20: {  	_ =	swait.ge [sflag:s22], $0x2000  }
0x21: {  	s19 =	sshll.u32 s19, $0xD;
	[sflag:s22] =	ssyncset.done $0x0  }
0x22: {  	s23 =	sadd.s32 $0xFFFFFD80, s8;
	s19 =	sadd.s32 $0x2F00, s19;
	[sflag:s22] =	ssyncadd.s32 $0xFFFFE000  }
0x23: {  	[spmem:s2] =	stream.indirect.scatter.add.f32 [tilespmem:s19], [sflag:$0x5], $0x80, s23, s0, $0xb8;
	[tilespmem:$0x1EF00] =	vst v63  }
0x24: {  	_ =	swait.ge [sflag:s31], $0x2000  }
0x25: {  	[sflag:s31] =	ssyncset.done $0x0  }
0x26: {  	[sflag:s31] =	ssyncadd.s32 $0xFFFFE000  }
.LBB2_29:
0x27: {  	s6 =	sadd.s32 $0x1, s6  }
0x28: {  	s8 =	sshll.u32 s26, $0x6;
	[bflag:$0x0] =	sbarrier.arrive $0xFFFF;
	p1 =	sne.s32 s6, s12  }
.Ltmp1:
0x29: {  	s15 =	sshrl.u32 s5, $0x3;
	s8 =	sor.u32 $0x1C05, s8;
	(pc) =	sbr.rel @!p1 .LBB2_30-.Ltmp1, $4  }
0x2a: {  	[hbm:s10], [sflag:s8] =	dma.local [spmem:s15], $0x2800  }
0x2b: {  	_ =	swait.ge [sflag:s31], $0x2800  }
0x2c: {  	[sflag:s31] =	ssyncset.done $0x0  }
0x2d: {  	[sflag:s31] =	ssyncadd.s32 $0xFFFFD800  }
.LBB2_1:
0x2e: {  	s8 =	sand.u32 $0x7E00, s3  }
0x2f: {  	s15 =	sand.u32 $0x70, s3;
	s19 =	sshrl.u32 s8, $0x2  }
0x30: {  	s8 =	simm.s32 $0x40;
	s19 =	sor.u32 s15, s19;
	s15 =	simm.s32 $0x0  }
.LBB2_2:
0x31: {  	p1 =	sne.s32 s8, $0x7FC0  }
0x32: {  	[tilespmem:s19+$0x2F00] =	vst v0;
	s15 =	sadd.s32 $0x10, s15;
	s19 =	smov.u32 s8;
	s8 =	sadd.s32 $0x40, s8  }
.Ltmp2:
0x33: {  	(pc) =	sbr.rel @p1 .LBB2_2-.Ltmp2, $4  }
0x34: {  	_ = 	snop  }
0x35: {  	s19 =	sand.u32 $0x7E00, s19  }
0x36: {  	s20 =	sand.u32 $0x70, s15;
	s19 =	sshrl.u32 s19, $0x2  }
0x37: {  	s19 =	sor.u32 s20, s19  }
0x38: {  	[tilespmem:s19+$0x2F00] =	vst v0  }
0x39: {  	[spmem:s5] =	stream.linear.scatter [tilespmem:s30], [sflag:$0x5], $0x2000, $0x38;
	[tilespmem:$0x1EF00] =	vst v63  }
0x3a: {  	_ =	swait.ge [sflag:s31], $0x2000  }
0x3b: {  	[sflag:s31] =	ssyncset.done $0x0  }
0x3c: {  	[sflag:s31] =	ssyncadd.s32 $0xFFFFE000  }
0x3d: {  	[spmem:s14] =	stream.linear.scatter [tilespmem:s30], [sflag:$0x5], $0x2000, $0x38;
	[tilespmem:$0x1EF00] =	vst v63  }
0x3e: {  	_ =	swait.ge [sflag:s31], $0x2000  }
0x3f: {  	[sflag:s31] =	ssyncset.done $0x0  }
0x40: {  	[sflag:s31] =	ssyncadd.s32 $0xFFFFE000  }
0x41: {  	[spmem:s25] =	stream.linear.scatter [tilespmem:s30], [sflag:$0x5], $0x2000, $0x38;
	[tilespmem:$0x1EF00] =	vst v63  }
0x42: {  	_ =	swait.ge [sflag:s31], $0x2000  }
0x43: {  	[sflag:s31] =	ssyncset.done $0x0  }
0x44: {  	s1 =	rddreg [dreg:$0x6];
	[sflag:s31] =	ssyncadd.s32 $0xFFFFE000  }
0x45: {  	[spmem:s1] =	stream.linear.scatter [tilespmem:s30], [sflag:$0x5], $0x2000, $0x38;
	[tilespmem:$0x1EF00] =	vst v63  }
0x46: {  	_ =	swait.ge [sflag:s31], $0x2000  }
0x47: {  	[sflag:s31] =	ssyncset.done $0x0  }
0x48: {  	s20 =	rddreg [dreg:$0x7];
	[sflag:s31] =	ssyncadd.s32 $0xFFFFE000  }
0x49: {  	[spmem:s20] =	stream.linear.scatter [tilespmem:s30], [sflag:$0x5], $0x2000, $0x38;
	[tilespmem:$0x1EF00] =	vst v63  }
0x4a: {  	_ =	swait.ge [sflag:s31], $0x2000  }
0x4b: {  	[sflag:s31] =	ssyncset.done $0x0  }
0x4c: {  	s21 =	rddreg [dreg:$0x8];
	[sflag:s31] =	ssyncadd.s32 $0xFFFFE000  }
0x4d: {  	[spmem:s21] =	stream.linear.scatter [tilespmem:s30], [sflag:$0x5], $0x2000, $0x38;
	[tilespmem:$0x1EF00] =	vst v63  }
0x4e: {  	_ =	swait.ge [sflag:s31], $0x2000  }
0x4f: {  	[sflag:s31] =	ssyncset.done $0x0  }
0x50: {  	s22 =	rddreg [dreg:$0x9];
	[sflag:s31] =	ssyncadd.s32 $0xFFFFE000  }
0x51: {  	[spmem:s22] =	stream.linear.scatter [tilespmem:s30], [sflag:$0x5], $0x2000, $0x38;
	[tilespmem:$0x1EF00] =	vst v63  }
0x52: {  	_ =	swait.ge [sflag:s31], $0x2000  }
0x53: {  	[sflag:s31] =	ssyncset.done $0x0  }
0x54: {  	s23 =	rddreg [dreg:$0xa];
	[sflag:s31] =	ssyncadd.s32 $0xFFFFE000  }
0x55: {  	[spmem:s23] =	stream.linear.scatter [tilespmem:s30], [sflag:$0x5], $0x2000, $0x38;
	[tilespmem:$0x1EF00] =	vst v63  }
0x56: {  	_ =	swait.ge [sflag:s31], $0x2000  }
0x57: {  	[sflag:s31] =	ssyncset.done $0x0  }
0x58: {  	s8 =	rddreg [dreg:$0xb];
	[sflag:s31] =	ssyncadd.s32 $0xFFFFE000  }
0x59: {  	[spmem:s8] =	stream.linear.scatter [tilespmem:s30], [sflag:$0x5], $0x2000, $0x38;
	[tilespmem:$0x1EF00] =	vst v63  }
0x5a: {  	_ =	swait.ge [sflag:s31], $0x2000  }
0x5b: {  	[sflag:s31] =	ssyncset.done $0x0  }
0x5c: {  	s15 =	rddreg [dreg:$0xc];
	[sflag:s31] =	ssyncadd.s32 $0xFFFFE000  }
0x5d: {  	[spmem:s15] =	stream.linear.scatter [tilespmem:s30], [sflag:$0x5], $0x2000, $0x38;
	[tilespmem:$0x1EF00] =	vst v63  }
0x5e: {  	_ =	swait.ge [sflag:s31], $0x2000  }
0x5f: {  	[sflag:s31] =	ssyncset.done $0x0  }
0x60: {  	[sflag:s31] =	ssyncadd.s32 $0xFFFFE000  }
0x61: {  	[bflag:$0x0] =	sbarrier.arrive $0xFFFF  }
0x62: {  	[tilespmem:s3], [sflag:$0x5] =	stream.linear.gather [hbm4b:s28+s3], $0x2F00, $0x38;
	[tilespmem:$0x1EF00] =	vst v63  }
0x63: {  	_ =	swait.ge [sflag:s31], $0x2F00  }
0x64: {  	[sflag:s31] =	ssyncset.done $0x0  }
0x65: {  	[sflag:s31] =	ssyncadd.s32 $0xFFFFD100  }
0x66: {  	[tilespmem:s30], [sflag:$0x1] =	stream.indirect.gather [hbm4b:s4+s0], $0x80, s3, s0, $0xb8;
	[tilespmem:$0x1EF00] =	vst v63  }
0x67: {  	s19 =	simm.s32 $0x4F00  }
0x68: {  	[tilespmem:s19], [sflag:$0x2] =	stream.indirect.gather [hbm4b:s4+s0], $0x80, s24, s0, $0xb8;
	[tilespmem:$0x1EF00] =	vst v63  }
0x69: {  	s20 =	simm.s32 $0x200;
	s8 =	simm.s32 $0x6F00  }
0x6a: {  	[tilespmem:s8], [sflag:$0x3] =	stream.indirect.gather [hbm4b:s4+s0], $0x80, s20, s0, $0xb8;
	[tilespmem:$0x1EF00] =	vst v63  }
0x6b: {  	p1 =	por $0x0, $0x0;
	s8 =	simm.s32 $0x3  }
0x6c: {  	s8 =	sand.u32 @!p1 $0x3, s8  }
0x6d: {  	s21 =	simm.s32 $0x0;
	s15 =	simm.s32 $0x300;
	s19 =	sshll.u32 @!p1 s8, $0xD  }
0x6e: {  	s20 =	simm.s32 @!p1 $0x40;
	s8 =	sadd.s32 @!p1 $0x1, s8;
	s19 =	sadd.s32 @!p1 $0x2F00, s19  }
0x6f: {  	[tilespmem:s19], [sflag:s8] =	stream.indirect.gather @!p1 [hbm4b:s4+s20], $0x80, s15, s20, $0xb8;
	[tilespmem:$0x1EF00] =	vst v63  }
0x70: {  	s8 =	sand.u32 $0x3, s21  }
0x71: {  	s22 =	sadd.s32 $0x1, s8  }
0x72: {  	s23 =	simm.s32 $0x80;
	_ =	swait.ge [sflag:s22], $0x2000  }
0x73: {  	s24 =	simm.s32 $0x1;
	s8 =	sshll.u32 s8, $0xD;
	[sflag:s22] =	ssyncset.done $0x0  }
0x74: {  	s15 =	simm.s32 $0x4;
	s8 =	sadd.s32 $0x2F00, s8;
	[sflag:s22] =	ssyncadd.s32 $0xFFFFE000  }
0x75: {  	[spmem:s2] =	stream.indirect.scatter.add.f32 [tilespmem:s8], [sflag:$0x5], $0x80, s23, s0, $0xb8;
	[tilespmem:$0x1EF00] =	vst v63  }
0x76: {  	s19 =	simm.s32 $0x5;
	p1 =	por $0x0, $0x0;
	_ =	swait.ge [sflag:s31], $0x2000  }
0x77: {  	s20 =	sand.u32 $0x3, s24;
	s8 =	simm.s32 $0x400;
	[sflag:s31] =	ssyncset.done $0x0  }
.LBB2_4:
0x78: {  	s21 =	sand.u32 @!p1 $0x3, s15  }
0x79: {  	[sflag:s31] =	ssyncadd.s32 $0xFFFFE000;
	s15 =	smov.u32 s19;
	s19 =	sadd.s32 $0x1, s19  }
0x7a: {  	p2 =	sne.s32 s19, $0x32;
	s22 =	sshll.u32 @!p1 s21, $0xD;
	s21 =	sadd.s32 @!p1 $0x1, s21  }
0x7b: {  	s23 =	simm.s32 @!p1 $0x40;
	s24 =	sadd.s32 $0x1, s20;
	s22 =	sadd.s32 @!p1 $0x2F00, s22  }
0x7c: {  	[tilespmem:s22], [sflag:s21] =	stream.indirect.gather @!p1 [hbm4b:s4+s23], $0x80, s8, s23, $0xb8;
	[tilespmem:$0x1EF00] =	vst v63  }
0x7d: {  	_ =	swait.ge [sflag:s24], $0x2000  }
.Ltmp3:
0x7e: {  	s20 =	sshll.u32 s20, $0xD;
	[sflag:s24] =	ssyncset.done $0x0;
	(pc) =	sbr.rel @p2 .LBB2_4-.Ltmp3, $4  }
0x7f: {  	s20 =	sadd.s32 $0x2F00, s20;
	s21 =	sadd.s32 $0xFFFFFD80, s8;
	[sflag:s24] =	ssyncadd.s32 $0xFFFFE000  }
0x80: {  	[spmem:s2] =	stream.indirect.scatter.add.f32 [tilespmem:s20], [sflag:$0x5], $0x80, s21, s0, $0xb8;
	[tilespmem:$0x1EF00] =	vst v63  }
0x81: {  	s8 =	sadd.s32 $0x100, s8;
	s20 =	sadd.s32 $0xFFFFFFFD, s15;
	_ =	swait.ge [sflag:s31], $0x2000  }
0x82: {  	p1 =	sgt.u32 s20, $0x2B;
	s20 =	sand.u32 $0x3, s20;
	[sflag:s31] =	ssyncset.done $0x0  }
0x83: {  	s15 =	sand.u32 @!p1 $0x3, s15  }
0x84: {  	[sflag:s31] =	ssyncadd.s32 $0xFFFFE000;
	s21 =	simm.s32 @!p1 $0x40;
	s19 =	sshll.u32 @!p1 s15, $0xD  }
0x85: {  	s22 =	sadd.s32 $0x1, s20;
	s15 =	sadd.s32 @!p1 $0x1, s15;
	s19 =	sadd.s32 @!p1 $0x2F00, s19  }
0x86: {  	[tilespmem:s19], [sflag:s15] =	stream.indirect.gather @!p1 [hbm4b:s4+s21], $0x80, s8, s21, $0xb8;
	[tilespmem:$0x1EF00] =	vst v63  }
0x87: {  	_ =	swait.ge [sflag:s22], $0x2000  }
0x88: {  	s20 =	sshll.u32 s20, $0xD;
	[sflag:s22] =	ssyncset.done $0x0  }
0x89: {  	s15 =	sadd.s32 $0x2F00, s20;
	s21 =	sadd.s32 $0xFFFFFD80, s8;
	[sflag:s22] =	ssyncadd.s32 $0xFFFFE000  }
0x8a: {  	[spmem:s2] =	stream.indirect.scatter.add.f32 [tilespmem:s15], [sflag:$0x5], $0x80, s21, s0, $0xb8;
	[tilespmem:$0x1EF00] =	vst v63  }
0x8b: {  	_ =	swait.ge [sflag:s31], $0x2000  }
0x8c: {  	[sflag:s31] =	ssyncset.done $0x0  }
0x8d: {  	s19 =	simm.s32 $0x0;
	[sflag:s31] =	ssyncadd.s32 $0xFFFFE000  }
0x8e: {  	[tilespmem:s19], [sflag:$0x5] =	stream.linear.gather [hbm4b:s29+s19], $0x2F00, $0x38;
	[tilespmem:$0x1EF00] =	vst v63  }
0x8f: {  	_ =	swait.ge [sflag:s31], $0x2F00  }
0x90: {  	[sflag:s31] =	ssyncset.done $0x0  }
0x91: {  	s24 =	simm.s32 $0x100;
	p3 =	sne.s32 s7, $0x1;
	[sflag:s31] =	ssyncadd.s32 $0xFFFFD100  }
0x92: {  	[tilespmem:s30], [sflag:$0x1] =	stream.indirect.gather [hbm4b:s4+s0], $0x80, s19, s0, $0xb8;
	[tilespmem:$0x1EF00] =	vst v63  }
.Ltmp4:
0x93: {  	s1 =	simm.s32 $0x4F00;
	s23 =	simm.s32 $0x6F00;
	(pc) =	sbr.rel @!p3 .LBB2_10-.Ltmp4, $4  }
0x94: {  	p2 =	sle.u32 s7, $0x3;
	s8 =	simm.s32 $0x300;
	s20 =	simm.s32 $0x3  }
0x95: {  	[tilespmem:s1], [sflag:$0x2] =	stream.indirect.gather [hbm4b:s4+s0], $0x80, s24, s0, $0xb8;
	[tilespmem:$0x1EF00] =	vst v63  }
0x96: {  	p1 =	por $0x0, $0x0;
	s22 =	simm.s32 $0x200;
	s15 =	simm.s32 $0x1  }
0x97: {  	[tilespmem:s23], [sflag:$0x3] =	stream.indirect.gather [hbm4b:s4+s0], $0x80, s22, s0, $0xb8;
	[tilespmem:$0x1EF00] =	vst v63  }
0x98: {  	s20 =	sand.u32 @!p2 $0x3, s20  }
0x99: {  	s22 =	simm.s32 @!p2 $0x40;
	s21 =	sshll.u32 @!p2 s20, $0xD  }
0x9a: {  	s23 =	sand.u32 $0x3, s19;
	s20 =	sadd.s32 @!p2 $0x1, s20;
	s21 =	sadd.s32 @!p2 $0x2F00, s21  }
0x9b: {  	[tilespmem:s21], [sflag:s20] =	stream.indirect.gather @!p2 [hbm4b:s4+s22], $0x80, s8, s22, $0xb8;
	[tilespmem:$0x1EF00] =	vst v63  }
0x9c: {  	s19 =	simm.s32 $0x2;
	p3 =	sne.s32 s7, $0x2;
	s21 =	sadd.s32 $0x1, s23  }
.Ltmp5:
0x9d: {  	p1 =	por $0x1, $0x1;
	_ =	swait.ge [sflag:s21], $0x2000;
	(pc) =	sbr.rel @!p3 .LBB2_7-.Ltmp5, $4  }
0x9e: {  	s22 =	sshll.u32 s23, $0xD;
	s23 =	simm.s32 $0x80;
	[sflag:s21] =	ssyncset.done $0x0  }
0x9f: {  	p2 =	sle.u32 s7, $0x4;
	s20 =	sadd.s32 $0x2F00, s22;
	[sflag:s21] =	ssyncadd.s32 $0xFFFFE000  }
0xa0: {  	[spmem:s2] =	stream.indirect.scatter.add.f32 [tilespmem:s20], [sflag:$0x5], $0x80, s23, s0, $0xb8;
	[tilespmem:$0x1EF00] =	vst v63  }
0xa1: {  	s8 =	simm.s32 $0x400;
	s20 =	simm.s32 $0x4;
	_ =	swait.ge [sflag:s31], $0x2000  }
.LBB2_8:
0xa2: {  	s20 =	sand.u32 @!p2 $0x3, s20  }
0xa3: {  	[sflag:s31] =	ssyncset.done $0x0;
	s21 =	smov.u32 s19;
	s19 =	sadd.s32 $0x1, s19  }
0xa4: {  	s22 =	sshll.u32 @!p2 s20, $0xD;
	s20 =	sadd.s32 @!p2 $0x1, s20;
	[sflag:s31] =	ssyncadd.s32 $0xFFFFE000  }
0xa5: {  	s23 =	simm.s32 @!p2 $0x40;
	s15 =	sand.u32 $0x3, s15;
	s22 =	sadd.s32 @!p2 $0x2F00, s22  }
0xa6: {  	[tilespmem:s22], [sflag:s20] =	stream.indirect.gather @!p2 [hbm4b:s4+s23], $0x80, s8, s23, $0xb8;
	[tilespmem:$0x1EF00] =	vst v63  }
0xa7: {  	p3 =	sne.s32 s7, s19;
	s20 =	sshll.u32 s15, $0xD;
	s22 =	sadd.s32 $0x1, s15  }
.Ltmp6:
0xa8: {  	s15 =	smov.u32 s21;
	_ =	swait.ge [sflag:s22], $0x2000;
	(pc) =	sbr.rel @p3 .LBB2_8-.Ltmp6, $4  }
0xa9: {  	s23 =	sadd.s32 $0xFFFFFD80, s8;
	s21 =	sadd.s32 $0x2F00, s20;
	[sflag:s22] =	ssyncset.done $0x0  }
0xaa: {  	s20 =	sadd.s32 $0x3, s15;
	[sflag:s22] =	ssyncadd.s32 $0xFFFFE000  }
0xab: {  	[spmem:s2] =	stream.indirect.scatter.add.f32 [tilespmem:s21], [sflag:$0x5], $0x80, s23, s0, $0xb8;
	[tilespmem:$0x1EF00] =	vst v63  }
0xac: {  	s8 =	sadd.s32 $0x100, s8;
	p2 =	sge.u32 s20, s7;
	_ =	swait.ge [sflag:s31], $0x2000  }
0xad: {  	s19 =	smov.u32 s15  }
.LBB2_10:
0xae: {  	s15 =	sand.u32 @!p2 $0x3, s20;
	[sflag:s31] =	ssyncset.done @p1 $0x0;
	s21 =	simm.s32 @!p2 $0x40  }
0xaf: {  	s19 =	sand.u32 $0x3, s19;
	s20 =	sshll.u32 @!p2 s15, $0xD;
	s15 =	sadd.s32 @!p2 $0x1, s15  }
0xb0: {  	[sflag:s31] =	ssyncadd.s32 @p1 $0xFFFFE000;
	s22 =	sadd.s32 $0x1, s19;
	s20 =	sadd.s32 @!p2 $0x2F00, s20  }
0xb1: {  	[tilespmem:s20], [sflag:s15] =	stream.indirect.gather @!p2 [hbm4b:s4+s21], $0x80, s8, s21, $0xb8;
	[tilespmem:$0x1EF00] =	vst v63  }
0xb2: {  	_ =	swait.ge [sflag:s22], $0x2000  }
0xb3: {  	s23 =	sadd.s32 $0xFFFFFD80, s8;
	s19 =	sshll.u32 s19, $0xD;
	[sflag:s22] =	ssyncset.done $0x0  }
.Ltmp7:
0xb4: {  	s19 =	sadd.s32 $0x2F00, s19;
	[sflag:s22] =	ssyncadd.s32 $0xFFFFE000;
	(pc) =	sbr.rel @p0 .LBB2_29-.Ltmp7, $4  }
0xb5: {  	[spmem:s2] =	stream.indirect.scatter.add.f32 [tilespmem:s19], [sflag:$0x5], $0x80, s23, s0, $0xb8;
	[tilespmem:$0x1EF00] =	vst v63  }
0xb6: {  	_ =	swait.ge [sflag:s31], $0x2000  }
0xb7: {  	[sflag:s31] =	ssyncset.done $0x0  }
0xb8: {  	[sflag:s31] =	ssyncadd.s32 $0xFFFFE000  }
0xb9: {  	s19 =	simm.s32 $0x0;
	s8 =	rddreg [dreg:$0x3]  }
0xba: {  	[tilespmem:s19], [sflag:$0x5] =	stream.linear.gather [hbm4b:s8+s19], $0x2F00, $0x38;
	[tilespmem:$0x1EF00] =	vst v63  }
0xbb: {  	s3 =	smov.u32 s25;
	_ =	swait.ge [sflag:s31], $0x2F00  }
0xbc: {  	s1 =	smov.u32 s14;
	s14 =	smov.u32 s12;
	[sflag:s31] =	ssyncset.done $0x0  }
0xbd: {  	s12 =	smov.u32 s10;
	p3 =	sne.s32 s16, $0x1;
	[sflag:s31] =	ssyncadd.s32 $0xFFFFD100  }
0xbe: {  	[tilespmem:s30], [sflag:$0x1] =	stream.indirect.gather [hbm4b:s4+s0], $0x80, s19, s0, $0xb8;
	[tilespmem:$0x1EF00] =	vst v63  }
.Ltmp8:
0xbf: {  	s23 =	simm.s32 $0x4F00;
	s25 =	simm.s32 $0x6F00;
	(pc) =	sbr.rel @!p3 .LBB2_12-.Ltmp8, $4  }
0xc0: {  	s15 =	simm.s32 $0x1;
	s20 =	simm.s32 $0x3;
	p2 =	sle.u32 s9, $0x3  }
0xc1: {  	[tilespmem:s23], [sflag:$0x2] =	stream.indirect.gather [hbm4b:s4+s0], $0x80, s24, s0, $0xb8;
	[tilespmem:$0x1EF00] =	vst v63  }
0xc2: {  	p1 =	por $0x0, $0x0;
	s8 =	simm.s32 $0x300;
	s24 =	simm.s32 $0x200  }
0xc3: {  	[tilespmem:s25], [sflag:$0x3] =	stream.indirect.gather [hbm4b:s4+s0], $0x80, s24, s0, $0xb8;
	[tilespmem:$0x1EF00] =	vst v63  }
0xc4: {  	s10 =	smov.u32 s29;
	s29 =	smov.u32 s28;
	s21 =	sand.u32 @!p2 $0x3, s20  }
0xc5: {  	s23 =	simm.s32 @!p2 $0x40;
	s24 =	sand.u32 $0x3, s19;
	p4 =	sne.s32 s16, $0x2  }
0xc6: {  	s28 =	simm.s32 $0x80;
	p3 =	por $0x1, $0x1;
	s22 =	sshll.u32 @!p2 s21, $0xD  }
0xc7: {  	s21 =	sadd.s32 @!p2 $0x1, s21;
	s25 =	sadd.s32 $0x1, s24;
	s22 =	sadd.s32 @!p2 $0x2F00, s22  }
0xc8: {  	[tilespmem:s22], [sflag:s21] =	stream.indirect.gather @!p2 [hbm4b:s4+s23], $0x80, s8, s23, $0xb8;
	[tilespmem:$0x1EF00] =	vst v63  }
.Ltmp9:
0xc9: {  	s26 =	sshll.u32 s24, $0xD;
	_ =	swait.ge [sflag:s25], $0x2000;
	(pc) =	sbr.rel @!p4 .LBB2_14-.Ltmp9, $4  }
0xca: {  	s24 =	simm.s32 $0x4;
	s22 =	simm.s32 $0x2;
	[sflag:s25] =	ssyncset.done $0x0  }
0xcb: {  	s23 =	sadd.s32 $0x2F00, s26;
	p2 =	sle.u32 s9, $0x4;
	[sflag:s25] =	ssyncadd.s32 $0xFFFFE000  }
0xcc: {  	[spmem:s2] =	stream.indirect.scatter.add.f32 [tilespmem:s23], [sflag:$0x5], $0x80, s28, s0, $0xb8;
	[tilespmem:$0x1EF00] =	vst v63  }
0xcd: {  	s21 =	simm.s32 $0x400;
	s23 =	simm.s32 $0x1;
	_ =	swait.ge [sflag:s31], $0x2000  }
.LBB2_15:
0xce: {  	s24 =	sand.u32 @!p2 $0x3, s24  }
0xcf: {  	[sflag:s31] =	ssyncset.done $0x0;
	s25 =	smov.u32 s22;
	s22 =	sadd.s32 $0x1, s22  }
0xd0: {  	s26 =	sshll.u32 @!p2 s24, $0xD;
	s24 =	sadd.s32 @!p2 $0x1, s24;
	[sflag:s31] =	ssyncadd.s32 $0xFFFFE000  }
0xd1: {  	s28 =	simm.s32 @!p2 $0x40;
	s23 =	sand.u32 $0x3, s23;
	s26 =	sadd.s32 @!p2 $0x2F00, s26  }
0xd2: {  	[tilespmem:s26], [sflag:s24] =	stream.indirect.gather @!p2 [hbm4b:s4+s28], $0x80, s21, s28, $0xb8;
	[tilespmem:$0x1EF00] =	vst v63  }
0xd3: {  	p4 =	sne.s32 s16, s22;
	s24 =	sshll.u32 s23, $0xD;
	s26 =	sadd.s32 $0x1, s23  }
.Ltmp10:
0xd4: {  	s23 =	smov.u32 s25;
	_ =	swait.ge [sflag:s26], $0x2000;
	(pc) =	sbr.rel @p4 .LBB2_15-.Ltmp10, $4  }
0xd5: {  	s28 =	sadd.s32 $0xFFFFFD80, s21;
	s25 =	sadd.s32 $0x2F00, s24;
	[sflag:s26] =	ssyncset.done $0x0  }
0xd6: {  	s24 =	sadd.s32 $0x3, s23;
	[sflag:s26] =	ssyncadd.s32 $0xFFFFE000  }
0xd7: {  	[spmem:s2] =	stream.indirect.scatter.add.f32 [tilespmem:s25], [sflag:$0x5], $0x80, s28, s0, $0xb8;
	[tilespmem:$0x1EF00] =	vst v63  }
0xd8: {  	s21 =	sadd.s32 $0x100, s21;
	p2 =	sge.u32 s24, s9;
	_ =	swait.ge [sflag:s31], $0x2000  }
0xd9: {  	s26 =	stileid.u32;
	s28 =	smov.u32 s29;
	s29 =	smov.u32 s10  }
.LBB2_17:
0xda: {  	s22 =	sand.u32 @!p2 $0x3, s24;
	[sflag:s31] =	ssyncset.done @p3 $0x0  }
0xdb: {  	s25 =	simm.s32 @!p2 $0x40;
	s23 =	sand.u32 $0x3, s23;
	s24 =	sshll.u32 @!p2 s22, $0xD  }
0xdc: {  	s22 =	sadd.s32 @!p2 $0x1, s22;
	[sflag:s31] =	ssyncadd.s32 @p3 $0xFFFFE000;
	s24 =	sadd.s32 @!p2 $0x2F00, s24  }
0xdd: {  	[tilespmem:s24], [sflag:s22] =	stream.indirect.gather @!p2 [hbm4b:s4+s25], $0x80, s21, s25, $0xb8;
	[tilespmem:$0x1EF00] =	vst v63  }
0xde: {  	s25 =	sadd.s32 $0x1, s23  }
0xdf: {  	_ =	swait.ge [sflag:s25], $0x2000  }
0xe0: {  	s23 =	sshll.u32 s23, $0xD;
	[sflag:s25] =	ssyncset.done $0x0  }
0xe1: {  	s10 =	sadd.s32 $0xFFFFFD80, s21;
	s23 =	sadd.s32 $0x2F00, s23;
	[sflag:s25] =	ssyncadd.s32 $0xFFFFE000  }
0xe2: {  	[spmem:s2] =	stream.indirect.scatter.add.f32 [tilespmem:s23], [sflag:$0x5], $0x80, s10, s0, $0xb8;
	[tilespmem:$0x1EF00] =	vst v63  }
0xe3: {  	_ =	swait.ge [sflag:s31], $0x2000  }
0xe4: {  	[sflag:s31] =	ssyncset.done $0x0  }
0xe5: {  	s10 =	rddreg [dreg:$0x4];
	[sflag:s31] =	ssyncadd.s32 $0xFFFFE000  }
0xe6: {  	[tilespmem:s19], [sflag:$0x5] =	stream.linear.gather [hbm4b:s10+s19], $0x2F00, $0x38;
	[tilespmem:$0x1EF00] =	vst v63  }
0xe7: {  	_ =	swait.ge [sflag:s31], $0x2F00  }
0xe8: {  	[sflag:s31] =	ssyncset.done $0x0  }
0xe9: {  	p3 =	sne.s32 s17, $0x1;
	[sflag:s31] =	ssyncadd.s32 $0xFFFFD100  }
0xea: {  	[tilespmem:s30], [sflag:$0x1] =	stream.indirect.gather [hbm4b:s4+s0], $0x80, s19, s0, $0xb8;
	[tilespmem:$0x1EF00] =	vst v63  }
.Ltmp11:
0xeb: {  	_ = 	snop;
	(pc) =	sbr.rel @!p3 .LBB2_18-.Ltmp11, $4  }
0xec: {  	s24 =	simm.s32 $0x100;
	s22 =	simm.s32 $0x4F00  }
0xed: {  	[tilespmem:s22], [sflag:$0x2] =	stream.indirect.gather [hbm4b:s4+s0], $0x80, s24, s0, $0xb8;
	[tilespmem:$0x1EF00] =	vst v63  }
0xee: {  	p2 =	sle.u32 s11, $0x3;
	s25 =	simm.s32 $0x6F00;
	s23 =	simm.s32 $0x200  }
0xef: {  	[tilespmem:s25], [sflag:$0x3] =	stream.indirect.gather [hbm4b:s4+s0], $0x80, s23, s0, $0xb8;
	[tilespmem:$0x1EF00] =	vst v63  }
0xf0: {  	s20 =	sand.u32 @!p2 $0x3, s20  }
0xf1: {  	s22 =	simm.s32 @!p2 $0x40;
	s21 =	sshll.u32 @!p2 s20, $0xD  }
0xf2: {  	s23 =	sand.u32 $0x3, s19;
	s20 =	sadd.s32 @!p2 $0x1, s20;
	s21 =	sadd.s32 @!p2 $0x2F00, s21  }
0xf3: {  	[tilespmem:s21], [sflag:s20] =	stream.indirect.gather @!p2 [hbm4b:s4+s22], $0x80, s8, s22, $0xb8;
	[tilespmem:$0x1EF00] =	vst v63  }
0xf4: {  	s19 =	simm.s32 $0x2;
	p3 =	sne.s32 s17, $0x2;
	s22 =	sadd.s32 $0x1, s23  }
.Ltmp12:
0xf5: {  	s25 =	simm.s32 $0x80;
	_ =	swait.ge [sflag:s22], $0x2000;
	(pc) =	sbr.rel @!p3 .LBB2_20-.Ltmp12, $4  }
0xf6: {  	p1 =	por $0x1, $0x1;
	s23 =	sshll.u32 s23, $0xD;
	[sflag:s22] =	ssyncset.done $0x0  }
0xf7: {  	p2 =	sle.u32 s11, $0x4;
	s20 =	sadd.s32 $0x2F00, s23;
	[sflag:s22] =	ssyncadd.s32 $0xFFFFE000  }
0xf8: {  	[spmem:s2] =	stream.indirect.scatter.add.f32 [tilespmem:s20], [sflag:$0x5], $0x80, s25, s0, $0xb8;
	[tilespmem:$0x1EF00] =	vst v63  }
0xf9: {  	s8 =	simm.s32 $0x400;
	s20 =	simm.s32 $0x4;
	_ =	swait.ge [sflag:s31], $0x2000  }
.LBB2_21:
0xfa: {  	s20 =	sand.u32 @!p2 $0x3, s20  }
0xfb: {  	[sflag:s31] =	ssyncset.done $0x0;
	s21 =	smov.u32 s19;
	s19 =	sadd.s32 $0x1, s19  }
0xfc: {  	s22 =	sshll.u32 @!p2 s20, $0xD;
	s20 =	sadd.s32 @!p2 $0x1, s20;
	[sflag:s31] =	ssyncadd.s32 $0xFFFFE000  }
0xfd: {  	s23 =	simm.s32 @!p2 $0x40;
	s15 =	sand.u32 $0x3, s15;
	s22 =	sadd.s32 @!p2 $0x2F00, s22  }
0xfe: {  	[tilespmem:s22], [sflag:s20] =	stream.indirect.gather @!p2 [hbm4b:s4+s23], $0x80, s8, s23, $0xb8;
	[tilespmem:$0x1EF00] =	vst v63  }
0xff: {  	p3 =	sne.s32 s17, s19;
	s20 =	sshll.u32 s15, $0xD;
	s22 =	sadd.s32 $0x1, s15  }
.Ltmp13:
0x100: {  	s15 =	smov.u32 s21;
	_ =	swait.ge [sflag:s22], $0x2000;
	(pc) =	sbr.rel @p3 .LBB2_21-.Ltmp13, $4  }
0x101: {  	s23 =	sadd.s32 $0xFFFFFD80, s8;
	s21 =	sadd.s32 $0x2F00, s20;
	[sflag:s22] =	ssyncset.done $0x0  }
0x102: {  	s20 =	sadd.s32 $0x3, s15;
	[sflag:s22] =	ssyncadd.s32 $0xFFFFE000  }
0x103: {  	[spmem:s2] =	stream.indirect.scatter.add.f32 [tilespmem:s21], [sflag:$0x5], $0x80, s23, s0, $0xb8;
	[tilespmem:$0x1EF00] =	vst v63  }
0x104: {  	s8 =	sadd.s32 $0x100, s8;
	p2 =	sge.u32 s20, s11;
	_ =	swait.ge [sflag:s31], $0x2000  }
0x105: {  	s19 =	smov.u32 s15;
	s10 =	smov.u32 s12  }
0x106: {  	s12 =	smov.u32 s14;
	s14 =	smov.u32 s1;
	s25 =	smov.u32 s3  }
.LBB2_23:
0x107: {  	s15 =	sand.u32 @!p2 $0x3, s20;
	[sflag:s31] =	ssyncset.done @p1 $0x0  }
0x108: {  	s21 =	simm.s32 @!p2 $0x40;
	s19 =	sand.u32 $0x3, s19;
	s20 =	sshll.u32 @!p2 s15, $0xD  }
0x109: {  	s15 =	sadd.s32 @!p2 $0x1, s15;
	[sflag:s31] =	ssyncadd.s32 @p1 $0xFFFFE000;
	s20 =	sadd.s32 @!p2 $0x2F00, s20  }
0x10a: {  	[tilespmem:s20], [sflag:s15] =	stream.indirect.gather @!p2 [hbm4b:s4+s21], $0x80, s8, s21, $0xb8;
	[tilespmem:$0x1EF00] =	vst v63  }
0x10b: {  	s20 =	sadd.s32 $0x1, s19  }
0x10c: {  	_ =	swait.ge [sflag:s20], $0x2000  }
0x10d: {  	s19 =	sshll.u32 s19, $0xD;
	[sflag:s20] =	ssyncset.done $0x0  }
0x10e: {  	s21 =	sadd.s32 $0xFFFFFD80, s8;
	s19 =	sadd.s32 $0x2F00, s19;
	[sflag:s20] =	ssyncadd.s32 $0xFFFFE000  }
0x10f: {  	[spmem:s2] =	stream.indirect.scatter.add.f32 [tilespmem:s19], [sflag:$0x5], $0x80, s21, s0, $0xb8;
	[tilespmem:$0x1EF00] =	vst v63  }
0x110: {  	_ =	swait.ge [sflag:s31], $0x2000  }
0x111: {  	[sflag:s31] =	ssyncset.done $0x0  }
0x112: {  	s19 =	simm.s32 $0x0;
	s22 =	rddreg [dreg:$0x5];
	[sflag:s31] =	ssyncadd.s32 $0xFFFFE000  }
0x113: {  	[tilespmem:s19], [sflag:$0x5] =	stream.linear.gather [hbm4b:s22+s19], $0x2F00, $0x38;
	[tilespmem:$0x1EF00] =	vst v63  }
0x114: {  	_ =	swait.ge [sflag:s31], $0x2F00  }
0x115: {  	[sflag:s31] =	ssyncset.done $0x0  }
0x116: {  	s1 =	simm.s32 $0x4F00;
	p3 =	sne.s32 s18, $0x1;
	[sflag:s31] =	ssyncadd.s32 $0xFFFFD100  }
0x117: {  	[tilespmem:s30], [sflag:$0x1] =	stream.indirect.gather [hbm4b:s4+s0], $0x80, s19, s0, $0xb8;
	[tilespmem:$0x1EF00] =	vst v63  }
.Ltmp14:
0x118: {  	s23 =	simm.s32 $0x200;
	s3 =	simm.s32 $0x6F00;
	(pc) =	sbr.rel @!p3 .LBB2_28-.Ltmp14, $4  }
0x119: {  	[tilespmem:s1], [sflag:$0x2] =	stream.indirect.gather [hbm4b:s4+s0], $0x80, s24, s0, $0xb8;
	[tilespmem:$0x1EF00] =	vst v63  }
0x11a: {  	p1 =	por $0x0, $0x0;
	s8 =	simm.s32 $0x300;
	s15 =	simm.s32 $0x1  }
0x11b: {  	[tilespmem:s3], [sflag:$0x3] =	stream.indirect.gather [hbm4b:s4+s0], $0x80, s23, s0, $0xb8;
	[tilespmem:$0x1EF00] =	vst v63  }
0x11c: {  	p2 =	sle.u32 s13, $0x3;
	s20 =	simm.s32 $0x3;
	s3 =	simm.s32 $0x0  }
0x11d: {  	s20 =	sand.u32 @!p2 $0x3, s20  }
0x11e: {  	s22 =	simm.s32 @!p2 $0x40;
	s21 =	sshll.u32 @!p2 s20, $0xD  }
0x11f: {  	s23 =	sand.u32 $0x3, s19;
	s20 =	sadd.s32 @!p2 $0x1, s20;
	s21 =	sadd.s32 @!p2 $0x2F00, s21  }
0x120: {  	[tilespmem:s21], [sflag:s20] =	stream.indirect.gather @!p2 [hbm4b:s4+s22], $0x80, s8, s22, $0xb8;
	[tilespmem:$0x1EF00] =	vst v63  }
0x121: {  	s19 =	simm.s32 $0x2;
	p3 =	sne.s32 s18, $0x2;
	s21 =	sadd.s32 $0x1, s23  }
.Ltmp15:
0x122: {  	p1 =	por $0x1, $0x1;
	_ =	swait.ge [sflag:s21], $0x2000;
	(pc) =	sbr.rel @!p3 .LBB2_25-.Ltmp15, $4  }
0x123: {  	s22 =	sshll.u32 s23, $0xD;
	s23 =	simm.s32 $0x80;
	[sflag:s21] =	ssyncset.done $0x0  }
0x124: {  	p2 =	sle.u32 s13, $0x4;
	s20 =	sadd.s32 $0x2F00, s22;
	[sflag:s21] =	ssyncadd.s32 $0xFFFFE000  }
0x125: {  	[spmem:s2] =	stream.indirect.scatter.add.f32 [tilespmem:s20], [sflag:$0x5], $0x80, s23, s0, $0xb8;
	[tilespmem:$0x1EF00] =	vst v63  }
0x126: {  	s8 =	simm.s32 $0x400;
	s20 =	simm.s32 $0x4;
	_ =	swait.ge [sflag:s31], $0x2000  }
.LBB2_26:
0x127: {  	s20 =	sand.u32 @!p2 $0x3, s20  }
0x128: {  	[sflag:s31] =	ssyncset.done $0x0;
	s21 =	smov.u32 s19;
	s19 =	sadd.s32 $0x1, s19  }
0x129: {  	s22 =	sshll.u32 @!p2 s20, $0xD;
	s20 =	sadd.s32 @!p2 $0x1, s20;
	[sflag:s31] =	ssyncadd.s32 $0xFFFFE000  }
0x12a: {  	s23 =	simm.s32 @!p2 $0x40;
	s15 =	sand.u32 $0x3, s15;
	s22 =	sadd.s32 @!p2 $0x2F00, s22  }
0x12b: {  	[tilespmem:s22], [sflag:s20] =	stream.indirect.gather @!p2 [hbm4b:s4+s23], $0x80, s8, s23, $0xb8;
	[tilespmem:$0x1EF00] =	vst v63  }
0x12c: {  	p3 =	sne.s32 s18, s19;
	s20 =	sshll.u32 s15, $0xD;
	s22 =	sadd.s32 $0x1, s15  }
.Ltmp16:
0x12d: {  	s15 =	smov.u32 s21;
	_ =	swait.ge [sflag:s22], $0x2000;
	(pc) =	sbr.rel @p3 .LBB2_26-.Ltmp16, $4  }
0x12e: {  	s23 =	sadd.s32 $0xFFFFFD80, s8;
	s21 =	sadd.s32 $0x2F00, s20;
	[sflag:s22] =	ssyncset.done $0x0  }
0x12f: {  	s20 =	sadd.s32 $0x3, s15;
	[sflag:s22] =	ssyncadd.s32 $0xFFFFE000  }
0x130: {  	[spmem:s2] =	stream.indirect.scatter.add.f32 [tilespmem:s21], [sflag:$0x5], $0x80, s23, s0, $0xb8;
	[tilespmem:$0x1EF00] =	vst v63  }
0x131: {  	s8 =	sadd.s32 $0x100, s8;
	p2 =	sge.u32 s20, s13;
	_ =	swait.ge [sflag:s31], $0x2000  }
.Ltmp17:
0x132: {  	(pc) =	sbr.rel .LBB2_28-.Ltmp17, $2  }
0x133: {  	_ =	sdelay $0x2  }
0x134: {  	s19 =	smov.u32 s15  }
.LBB2_7:
.Ltmp18:
0x135: {  	(pc) =	sbr.rel .LBB2_10-.Ltmp18, $2  }
0x136: {  	_ =	sdelay $0x2  }
0x137: {  	s19 =	simm.s32 $0x1  }
.LBB2_12:
.Ltmp19:
0x138: {  	(pc) =	sbr.rel .LBB2_17-.Ltmp19, $3  }
0x139: {  	_ =	sdelay $0x1  }
0x13a: {  	s24 =	simm.s32 $0x3  }
0x13b: {  	s23 =	simm.s32 $0x0;
	s21 =	simm.s32 $0x300;
	p3 =	por $0x0, $0x0  }
.LBB2_18:
.Ltmp20:
0x13c: {  	(pc) =	sbr.rel .LBB2_23-.Ltmp20, $3  }
0x13d: {  	_ =	sdelay $0x1  }
0x13e: {  	s10 =	smov.u32 s12  }
0x13f: {  	s12 =	smov.u32 s14;
	s14 =	smov.u32 s1;
	s25 =	smov.u32 s3  }
.LBB2_14:
.Ltmp21:
0x140: {  	(pc) =	sbr.rel .LBB2_17-.Ltmp21, $3  }
0x141: {  	_ =	sdelay $0x1  }
0x142: {  	s23 =	simm.s32 $0x1  }
0x143: {  	s26 =	stileid.u32;
	s28 =	smov.u32 s29;
	s29 =	smov.u32 s10  }
.LBB2_20:
.Ltmp22:
0x144: {  	(pc) =	sbr.rel .LBB2_23-.Ltmp22, $3  }
0x145: {  	_ =	sdelay $0x1  }
0x146: {  	s19 =	simm.s32 $0x1;
	s10 =	smov.u32 s12  }
0x147: {  	s12 =	smov.u32 s14;
	s14 =	smov.u32 s1;
	s25 =	smov.u32 s3  }
.LBB2_30:
0x148: {  	_ =	sfence.sel $0x180000  }
0x149: {  	[bflag:$0x0] =	sbarrier.arrive $0xFFFF  }
0x14a: {  	_ =	strace $0x9000004D  }
0x14b: {  	[bflag:$0x2] =	sbarrier.arrive $0xFFFF  }
0x14c: {  	p0 =	sne.s32 s26, $0x0;
	s0 =	rddreg [dreg:$0x2]  }
0x14d: {  	s0 =	sadd.s32 @!p0 $0x100000, s0  }
0x14e: {  	[sflag:s0] =	ssyncadd.tile.s32 @!p0 $0x1;
	_ =	shalt  }
.Lfunc_end2:
_tile_overlayer_lowered:
.L_overlay_start_2:
0x14f: {  	(tag) =	ssettag $0x2  }
0x150: {  	s0 =	rddreg [dreg:$0x0];
	s2 =	stileid.u32  }
0x151: {  	s1 =	rddreg [dreg:$0x1];
	p0 =	sne.s32 s2, $0x0  }
0x152: {  	s3 =	rddreg [dreg:$0x2];
	[bflag:$0x3] =	sbarrier.arrive $0xFFFF;
	s2 =	simm.s32 @!p0 $0x1C05  }
0x153: {  	[timem:s3], [sflag:s2] =	dma.local @!p0 [hbm:s0], s1  }
0x154: {  	s0 =	simm.s32 @!p0 $0x5  }
0x155: {  	_ =	swait.ge @!p0 [sflag:s0], s1  }
0x156: {  	s1 =	ssub.s32 @!p0 $0x0, s1;
	[sflag:s0] =	ssyncset.done @!p0 $0x0  }
0x157: {  	[sflag:s0] =	ssyncadd.s32 @!p0 s1  }
0x158: {  	[bflag:$0x3] =	sbarrier.arrive $0xFFFF  }
0x159: {  	_ =	shalt  }

// kernel: kernel.8.cloned.1.call-start
scs
__scs_entry_jumppad:
0x0: {  	(pc) =	sbr.rel $0x88, $3  }
0x1: {  	(tag) =	ssettag $0x0;
	lr =	simm.s32 $0x1  }
0x2: {  	[smem:$0x3F9B] =	sst lr;
	_ =	strace $0xD0000000  }
0x3: {  	_ = 	snop  }
0x4: {  	_ = 	snop  }
0x5: {  	_ = 	snop  }
0x6: {  	_ = 	snop  }
0x7: {  	_ = 	snop  }
__scs_overlays_trampoline_lowered:
0x8: {  	[smem:$0x3FAA] =	sst s0  }
0x9: {  	[smem:$0x3FAB] =	sst s1  }
0xa: {  	[smem:$0x3FAC] =	sst s2  }
0xb: {  	[smem:$0x3FAD] =	sst s3  }
0xc: {  	[smem:$0x3FAE] =	sst s4  }
0xd: {  	[smem:$0x3FAF] =	sst s5  }
0xe: {  	[smem:$0x3FB0] =	sst s6  }
0xf: {  	[smem:$0x3FB1] =	sst s7  }
0x10: {  	[smem:$0x3FB2] =	sst s8  }
0x11: {  	[smem:$0x3FB3] =	sst s9;
	s0 =	simm.s32 @!p0 $0x0  }
0x12: {  	s1 =	sld [smem:$0x3F99];
	s0 =	simm.s32 @p0 $0x1  }
0x13: {  	[smem:$0x3FB4] =	sst s0;
	s0 =	simm.s32 @!p1 $0x0  }
0x14: {  	s2 =	sld [smem:$0x3F98];
	s0 =	simm.s32 @p1 $0x1  }
0x15: {  	[smem:$0x3FB5] =	sst s0;
	s0 =	simm.s32 @!p2 $0x0  }
0x16: {  	s3 =	sld [smem:$0x3FDB];
	s0 =	simm.s32 @p2 $0x1  }
0x17: {  	s4 =	simm.s32 $0x1BF5;
	[smem:$0x3FB7] =	sst s0  }
0x18: {  	s0 =	sld [smem:$0x3F9A];
	_ =	swait.ge [sflag:s4], $0x0  }
0x19: {  	s7 =	sld [smem:$0x3F9B]  }
0x1a: {  	s8 =	sadd.s32 $0xFFFFE003, lr  }
0x1b: {  	s9 =	sadd.s32 $0xFFFFFEF7, lr;
	s5 =	simm.s32 $0xFFFFFFFF;
	p2 =	slt.u32 s8, $0xFFFFF086  }
0x1c: {  	p1 =	slt.u32 s9, $0xF7A;
	s5 =	simm.s32 @!p2 $0x0  }
0x1d: {  	s5 =	simm.s32 @p1 $0x1;
	p0 =	seq.s32 s7, s2  }
0x1e: {  	s7 =	smul.u32 @!p0 $0xF7A, s2;
	p2 =	seq.s32 @!p0 s5, $0x0  }
0x1f: {  	s9 =	smul.u32 $0xF7A, s1;
	s8 =	simm.s32 @!p0 $0x1BF5;
	p2 =	por !p2, p0  }
0x20: {  	[sflag:s8] =	ssyncset.s32 @!p0 $0xFFFFF086;
	s6 =	sadd.s32 @!p0 s3, s7;
	s7 =	simm.s32 @!p0 $0x108  }
0x21: {  	s3 =	sadd.s32 s3, s9;
	s6 =	sadd.s32 @!p0 $0x88, s6;
	s7 =	simm.s32 @p2 $0x1082  }
0x22: {  	[simem:s7], [sflag:s8] =	dma.local @!p0 [hbm:s6], $0xF7A  }
0x23: {  	s9 =	sor.u32 $0xD0000000, s2;
	s6 =	simm.s32 $0x108;
	_ =	swait.ge @!p0 [sflag:s8], $0x0  }
0x24: {  	s3 =	sadd.s32 $0x88, s3;
	s6 =	simm.s32 @!p1 $0x1082;
	[sflag:s4] =	ssyncset.s32 $0xFFFFF086  }
0x25: {  	[simem:s6], [sflag:s4] =	dma.local [hbm:s3], $0xF7A  }
0x26: {  	[smem:$0x3F9B] =	sst s1;
	(tag) =	ssettag s2;
	_ =	strace s9  }
0x27: {  	s1 =	sld [smem:$0x3FAB]  }
0x28: {  	s2 =	sld [smem:$0x3FAC]  }
0x29: {  	s4 =	sld [smem:$0x3FAE]  }
0x2a: {  	p0 =	seq.s32 s5, $0x0;
	s5 =	sld [smem:$0x3FAF]  }
0x2b: {  	s6 =	sld [smem:$0x3FB0]  }
0x2c: {  	s7 =	sld [smem:$0x3FB1]  }
0x2d: {  	s3 =	simm.s32 $0x108;
	s8 =	sld [smem:$0x3FB2]  }
0x2e: {  	s3 =	simm.s32 @!p0 $0x1082;
	s9 =	sld [smem:$0x3FB3]  }
0x2f: {  	lr =	sadd.s32 s0, s3;
	s0 =	sld [smem:$0x3FAA]  }
0x30: {  	s3 =	sld [smem:$0x3FAD]  }
0x31: {  	[smem:$0x3FB6] =	sst s10  }
0x32: {  	s10 =	sld [smem:$0x3FB4];
	_ =	sdelay $0x3  }
0x33: {  	p0 =	seq.s32 s10, $0x1;
	s10 =	sld [smem:$0x3FB6];
	_ =	sdelay $0x3  }
0x34: {  	[smem:$0x3FB6] =	sst s10  }
0x35: {  	s10 =	sld [smem:$0x3FB5];
	_ =	sdelay $0x3  }
0x36: {  	p1 =	seq.s32 s10, $0x1;
	s10 =	sld [smem:$0x3FB6];
	_ =	sdelay $0x3  }
0x37: {  	[smem:$0x3FB6] =	sst s10  }
0x38: {  	s10 =	sld [smem:$0x3FB7]  }
0x39: {  	_ = 	snop;
	(pc) =	sbr.ind lr, $3  }
0x3a: {  	_ = 	snop  }
0x3b: {  	_ = 	snop  }
0x3c: {  	p2 =	seq.s32 s10, $0x1;
	s10 =	sld [smem:$0x3FB6]  }
0x3d: {  	_ =	shalt  }
0x3e: {  	_ =	shalt  }
0x3f: {  	_ =	shalt  }
0x40: {  	_ =	shalt  }
0x41: {  	_ =	shalt  }
0x42: {  	_ =	shalt  }
0x43: {  	_ =	shalt  }
0x44: {  	_ =	shalt  }
0x45: {  	_ =	shalt  }
0x46: {  	_ =	shalt  }
0x47: {  	_ =	shalt  }
0x48: {  	_ =	shalt  }
0x49: {  	_ =	shalt  }
0x4a: {  	_ =	shalt  }
0x4b: {  	_ =	shalt  }
0x4c: {  	_ =	shalt  }
0x4d: {  	_ =	shalt  }
0x4e: {  	_ =	shalt  }
0x4f: {  	_ =	shalt  }
0x50: {  	_ =	shalt  }
0x51: {  	_ =	shalt  }
0x52: {  	_ =	shalt  }
0x53: {  	_ =	shalt  }
0x54: {  	_ =	shalt  }
0x55: {  	_ =	shalt  }
0x56: {  	_ =	shalt  }
0x57: {  	_ =	shalt  }
0x58: {  	_ =	shalt  }
0x59: {  	_ =	shalt  }
0x5a: {  	_ =	shalt  }
0x5b: {  	_ =	shalt  }
0x5c: {  	_ =	shalt  }
0x5d: {  	_ =	shalt  }
0x5e: {  	_ =	shalt  }
0x5f: {  	_ =	shalt  }
0x60: {  	_ =	shalt  }
0x61: {  	_ =	shalt  }
0x62: {  	_ =	shalt  }
0x63: {  	_ =	shalt  }
0x64: {  	_ =	shalt  }
0x65: {  	_ =	shalt  }
0x66: {  	_ =	shalt  }
0x67: {  	_ =	shalt  }
0x68: {  	_ =	shalt  }
0x69: {  	_ =	shalt  }
0x6a: {  	_ =	shalt  }
0x6b: {  	_ =	shalt  }
0x6c: {  	_ =	shalt  }
0x6d: {  	_ =	shalt  }
0x6e: {  	_ =	shalt  }
0x6f: {  	_ =	shalt  }
0x70: {  	_ =	shalt  }
0x71: {  	_ =	shalt  }
0x72: {  	_ =	shalt  }
0x73: {  	_ =	shalt  }
0x74: {  	_ =	shalt  }
0x75: {  	_ =	shalt  }
0x76: {  	_ =	shalt  }
0x77: {  	_ =	shalt  }
0x78: {  	_ =	shalt  }
0x79: {  	_ =	shalt  }
0x7a: {  	_ =	shalt  }
0x7b: {  	_ =	shalt  }
0x7c: {  	_ =	shalt  }
0x7d: {  	_ =	shalt  }
0x7e: {  	_ =	shalt  }
0x7f: {  	_ =	shalt  }
0x80: {  	_ =	shalt  }
0x81: {  	_ =	shalt  }
0x82: {  	_ =	shalt  }
0x83: {  	_ =	shalt  }
0x84: {  	_ =	shalt  }
0x85: {  	_ =	shalt  }
0x86: {  	_ =	shalt  }
0x87: {  	_ =	shalt  }
.Lfunc_end0:
.L_simem_size_0:
called_computation_lowered:
.L_overlay_start_0:
0x88: {  	s2 =	sld [smem:$0x3FD9]  }
0x89: {  	s3 =	sld [smem:$0x3FFE];
	_ =	sdelay $0x1  }
0x8a: {  	s1 =	srdreg.scid  }
0x8b: {  	s0 =	sand.u32 $0x1, s1  }
0x8c: {  	s17 =	sshll.u32 s0, $0xA;
	s2 =	sadd.s32 s3, s2  }
0x8d: {  	s2 =	sadd.s32 s2, s17  }
0x8e: {  	[smem:$0x3FC2] =	sst s2  }
0x8f: {  	_ = 	snop  }
0x90: {  	s2 =	sld [smem:$0x3FD0];
	(tm) =	ssettm $0x1  }
0x91: {  	s18 =	sld [smem:$0x3FFB];
	_ =	sdelay $0x3  }
0x92: {  	_ =	strace s18  }
0x93: {  	s3 =	sld [smem:$0x3FFC];
	_ =	sdelay $0x3  }
0x94: {  	_ =	strace s3  }
0x95: {  	s3 =	sld [smem:$0x3FFD];
	_ =	sdelay $0x3  }
0x96: {  	_ =	strace s3  }
0x97: {  	_ =	strace $0x8FFFFFFF  }
0x98: {  	s19 =	sld [smem:$0x3FDB];
	_ =	sdelay $0x1  }
0x99: {  	s4 =	simm.s32 $_scs_section_size  }
0x9a: {  	s5 =	simm.s32 $_size__tile_overlayer_lowered;
	s6 =	simm.s32 $_tile_overlayer_lowered  }
0x9b: {  	s22 =	simm.s32 $0x1BFF;
	s21 =	sshll.u32 s6, $0x1;
	s3 =	sadd.s32 s4, s19  }
0x9c: {  	s7 =	simm.s32 $0x0;
	s20 =	sshll.u32 s5, $0x1;
	s5 =	sadd.s32 s21, s3  }
0x9d: {  	[timem:s7], [sflag:s22] =	dma.local [hbm:s5], s20  }
0x9e: {  	_ =	swait.ge [sflag:s22], s20  }
0x9f: {  	s4 =	ssub.s32 $0x0, s20;
	[sflag:s22] =	ssyncset.done $0x0  }
0xa0: {  	[sflag:s22] =	ssyncadd.s32 s4;
	_ =	sdelay $0x1  }
0xa1: {  	s23 =	simm.s32 $0x1B8B  }
0xa2: {  	_ =	swait.ge [sflag:s23], $0x1  }
0xa3: {  	[sflag:s23] =	ssyncset.done $0x0  }
0xa4: {  	s25 =	simm.s32 $0x1B8E;
	s24 =	sld [smem:$0x3FFE];
	[sflag:s23] =	ssyncadd.s32 $0xFFFFFFFF  }
0xa5: {  	s26 =	simm.s32 $execute0_lowered;
	[smem:$0x3FD2] =	sst s25  }
0xa6: {  	s5 =	sshll.u32 s26, $0x1;
	_ =	strace $0x80000046;
	[dreg:$0x1] =	wrdreg $0xFFFFFFFF  }
0xa7: {  	s28 =	simm.s32 $_size_execute0_lowered;
	s3 =	sadd.s32 s3, s5;
	[dreg:$0x0] =	wrdreg $0x0  }
0xa8: {  	s5 =	sshll.u32 s28, $0x1;
	[dreg:$0x2] =	wrdreg s3  }
0xa9: {  	[dreg:$0x3] =	wrdreg s5  }
0xaa: {  	[dreg:$0x4] =	wrdreg $0xC0  }
0xab: {  	_ =	task [dreg:s7], $0x5FFFF  }
0xac: {  	[dreg:$0x1] =	wrdreg $0xFFFFFFFF  }
0xad: {  	[dreg:$0x0] =	wrdreg $0x60  }
0xae: {  	[dreg:$0x2] =	wrdreg s2  }
0xaf: {  	[dreg:$0x3] =	wrdreg s24  }
0xb0: {  	[dreg:$0x4] =	wrdreg $0x8F000  }
0xb1: {  	[dreg:$0x5] =	wrdreg $0x9  }
0xb2: {  	_ =	task.clear_ibuf [dreg:s7], $0x6FFFF;
	_ =	strace $0x90000046  }
0xb3: {  	s29 =	simm.s32 $0x9;
	_ =	strace $0x80000048  }
0xb4: {  	_ =	swait.ge [sflag:s29], $0x1  }
0xb5: {  	[sflag:s29] =	ssyncadd.s32 $0xFFFFFFFF  }
0xb6: {  	_ =	strace $0x90000048  }
0xb7: {  	_ =	sfence  }
0xb8: {  	s30 =	sld [smem:$0x0];
	_ =	sdelay $0x2  }
0xb9: {  	s31 =	sshll.u32 s1, $0xD;
	s1 =	sshrl.u32 s1, $0x2  }
0xba: {  	s3 =	sand.u32 $0x4000, s31;
	s1 =	sadd.s32 s1, s30  }
0xbb: {  	s0 =	sor.u32 s3, s0;
	s1 =	sshll.u32 s1, $0x11  }
0xbc: {  	s0 =	sor.u32 s1, s0  }
0xbd: {  	s0 =	sadd.s32 $0x8F2B, s0  }
0xbe: {  	[sflag:s0] =	ssyncadd.remote.s32 $0x1  }
0xbf: {  	_ =	sfence.sel $0xFFFF  }
0xc0: {  	[dreg:$0x0] =	wrdreg $0xFFFFFFFF;
	(pc) =	sbr.abs _section_cstart, $3  }
0xc1: {  	[dreg:$0x1] =	wrdreg $0xFFFFFFFF  }
0xc2: {  	_ =	task.clear_ibuf [dreg:s7], $0x2FFFF;
	_ =	strace $0x9FFFFFFF  }
0xc3: {  	(tm) =	ssettm $0x7FFFFFFF  }
tec
execute0_lowered:
.L_overlay_start_1:
0x0: {  	(tag) =	ssettag $0x1  }
0x1: {  	s5 =	rddreg [dreg:$0x0]  }
0x2: {  	s4 =	rddreg [dreg:$0x1];
	s0 =	srdreg.scid  }
0x3: {  	s2 =	rddreg [dreg:$0x2];
	s1 =	stileid.u32  }
0x4: {  	s3 =	simm.s32 $0x0;
	s12 =	simm.s32 $0x4F00;
	s13 =	simm.s32 $0x1  }
0x5: {  	s14 =	simm.s32 $0x80;
	s17 =	simm.s32 $0x0;
	s8 =	smul.u32 $0x14000, s1  }
0x6: {  	s6 =	sand.u32 $0x1, s0;
	s0 =	rddreg [dreg:$0x3];
	s9 =	smul.u32 $0x50000, s1  }
0x7: {  	[smem:$0x7FF] =	sst s3;
	s15 =	sshll.u32 s1, $0x6;
	s7 =	smul.u32 $0x140000, s6  }
0x8: {  	_ =	strace $0x80000047;
	s30 =	sshll.u32 s6, $0x4;
	s6 =	ssub.s32 $0x2, s6  }
0x9: {  	s15 =	sor.u32 $0x1C01, s15;
	s7 =	sadd.s32 s8, s7;
	s8 =	sor.u32 s1, s30  }
0xa: {  	s10 =	sshrl.u32 s6, $0x1;
	s7 =	sshrl.u32 s7, $0x3;
	s8 =	smul.u32 $0x9E0, s8  }
0xb: {  	s31 =	sshrl.u32 s9, $0x2;
	s10 =	ssub.s32 s6, s10;
	s7 =	sadd.s32 s7, s4  }
0xc: {  	s4 =	sadd.s32 s31, s2;
	s5 =	sadd.s32 s5, s8;
	s6 =	sadd.s32 $0x2200, s7  }
0xd: {  	s7 =	smax.u32 s10, $0x1;
	s8 =	sadd.s32 $0x4000, s4;
	s9 =	sadd.s32 $0x8000, s4  }
0xe: {  	v0 =	vimm.f32 $0.0e+00;
	v1 =	vimm.f32 $1.000000000e+00;
	s10 =	sadd.s32 $0xC000, s4;
	s11 =	sadd.s32 $0x10000, s4;
	s16 =	sshrl.u32 s4, $0x3  }
.LBB2_1:
0xf: {  	s18 =	sand.u32 $0xFE00, s3  }
0x10: {  	s19 =	sand.u32 $0x70, s3;
	s20 =	sshrl.u32 s18, $0x2  }
0x11: {  	s18 =	simm.s32 $0x40;
	s20 =	sor.u32 s19, s20;
	s19 =	simm.s32 $0x0  }
.LBB2_2:
0x12: {  	p0 =	sne.s32 s18, $0xFFC0  }
0x13: {  	[tilespmem:s20+$0x4F00] =	vst v0;
	s19 =	sadd.s32 $0x10, s19;
	s20 =	smov.u32 s18;
	s18 =	sadd.s32 $0x40, s18  }
.Ltmp0:
0x14: {  	(pc) =	sbr.rel @p0 .LBB2_2-.Ltmp0, $4  }
0x15: {  	_ = 	snop  }
0x16: {  	s20 =	sand.u32 $0xFE00, s20  }
0x17: {  	s21 =	sand.u32 $0x70, s19;
	s20 =	sshrl.u32 s20, $0x2  }
0x18: {  	s20 =	sor.u32 s21, s20  }
0x19: {  	[tilespmem:s20+$0x4F00] =	vst v0  }
0x1a: {  	[spmem:s4] =	stream.linear.scatter [tilespmem:s12], [sflag:$0x1], $0x4000, $0x38;
	[tilespmem:$0x1CF00] =	vst v63  }
0x1b: {  	_ =	swait.ge [sflag:s13], $0x4000  }
0x1c: {  	[sflag:s13] =	ssyncset.done $0x0  }
0x1d: {  	[sflag:s13] =	ssyncadd.s32 $0xFFFFC000  }
0x1e: {  	[spmem:s8] =	stream.linear.scatter [tilespmem:s12], [sflag:$0x1], $0x4000, $0x38;
	[tilespmem:$0x1CF00] =	vst v63  }
0x1f: {  	_ =	swait.ge [sflag:s13], $0x4000  }
0x20: {  	[sflag:s13] =	ssyncset.done $0x0  }
0x21: {  	[sflag:s13] =	ssyncadd.s32 $0xFFFFC000  }
0x22: {  	[spmem:s9] =	stream.linear.scatter [tilespmem:s12], [sflag:$0x1], $0x4000, $0x38;
	[tilespmem:$0x1CF00] =	vst v63  }
0x23: {  	_ =	swait.ge [sflag:s13], $0x4000  }
0x24: {  	[sflag:s13] =	ssyncset.done $0x0  }
0x25: {  	[sflag:s13] =	ssyncadd.s32 $0xFFFFC000  }
0x26: {  	[spmem:s10] =	stream.linear.scatter [tilespmem:s12], [sflag:$0x1], $0x4000, $0x38;
	[tilespmem:$0x1CF00] =	vst v63  }
0x27: {  	_ =	swait.ge [sflag:s13], $0x4000  }
0x28: {  	[sflag:s13] =	ssyncset.done $0x0  }
0x29: {  	s18 =	simm.s32 $0x0;
	[sflag:s13] =	ssyncadd.s32 $0xFFFFC000  }
0x2a: {  	[spmem:s11] =	stream.linear.scatter [tilespmem:s12], [sflag:$0x1], $0x4000, $0x38;
	[tilespmem:$0x1CF00] =	vst v63  }
0x2b: {  	s19 =	sand.u32 $0xFE00, s18;
	_ =	swait.ge [sflag:s13], $0x4000  }
0x2c: {  	s31 =	sand.u32 $0x70, s18;
	s21 =	sshrl.u32 s19, $0x2;
	[sflag:s13] =	ssyncset.done $0x0  }
0x2d: {  	s19 =	simm.s32 $0x40;
	s20 =	sor.u32 s31, s21;
	[sflag:s13] =	ssyncadd.s32 $0xFFFFC000  }
.LBB2_4:
0x2e: {  	p0 =	sne.s32 s19, $0xFFC0  }
0x2f: {  	[tilespmem:s20+$0x4F00] =	vst v1;
	s18 =	sadd.s32 $0x10, s18;
	s20 =	smov.u32 s19;
	s19 =	sadd.s32 $0x40, s19  }
.Ltmp1:
0x30: {  	(pc) =	sbr.rel @p0 .LBB2_4-.Ltmp1, $4  }
0x31: {  	_ = 	snop  }
0x32: {  	s20 =	sand.u32 $0xFE00, s20  }
0x33: {  	s21 =	sand.u32 $0x70, s18;
	s20 =	sshrl.u32 s20, $0x2  }
0x34: {  	s20 =	sor.u32 s21, s20  }
0x35: {  	[tilespmem:s20+$0x4F00] =	vst v1  }
0x36: {  	[tilespmem:s3], [sflag:$0x1] =	stream.linear.gather [hbm4b:s5+s3], $0x4F00, $0x38;
	[tilespmem:$0x1CF00] =	vst v63  }
0x37: {  	_ =	swait.ge [sflag:s13], $0x4F00  }
0x38: {  	[sflag:s13] =	ssyncset.done $0x0  }
0x39: {  	[sflag:s13] =	ssyncadd.s32 $0xFFFFB100  }
0x3a: {  	s18 =	simm.s32 $0x80;
	[bflag:$0x0] =	sbarrier.arrive $0xFFFF  }
0x3b: {  	[spmem:s2] =	stream.indirect.scatter.add.f32 [tilespmem:s12], [sflag:$0x1], $0x80, s18, s14, $0xb8;
	[tilespmem:$0x1CF00] =	vst v63  }
0x3c: {  	_ =	swait.ge [sflag:s13], $0x4000  }
0x3d: {  	s18 =	simm.s32 $0x600;
	[sflag:s13] =	ssyncset.done $0x0  }
.LBB2_6:
0x3e: {  	s19 =	sshra.s32 s18, $0x2;
	[sflag:s13] =	ssyncadd.s32 $0xFFFFC000;
	p0 =	sne.s32 s18, $0x13A00  }
0x3f: {  	[spmem:s2] =	stream.indirect.scatter.add.f32 [tilespmem:s12], [sflag:$0x1], $0x80, s19, s14, $0xb8;
	[tilespmem:$0x1CF00] =	vst v63  }
.Ltmp2:
0x40: {  	_ = 	snop;
	(pc) =	sbr.rel @p0 .LBB2_6-.Ltmp2, $4  }
0x41: {  	_ = 	snop  }
0x42: {  	s18 =	sadd.s32 $0x400, s18  }
0x43: {  	_ =	swait.ge [sflag:s13], $0x4000  }
0x44: {  	[sflag:s13] =	ssyncset.done $0x0  }
0x45: {  	s17 =	sadd.s32 $0x1, s17  }
0x46: {  	[sflag:s13] =	ssyncadd.s32 $0xFFFFC000;
	p0 =	sne.s32 s17, s7  }
.Ltmp3:
0x47: {  	[bflag:$0x0] =	sbarrier.arrive $0xFFFF;
	(pc) =	sbr.rel @p0 .LBB2_1-.Ltmp3, $4  }
0x48: {  	[hbm:s6], [sflag:s15] =	dma.local [spmem:s16], $0x2800  }
0x49: {  	_ =	swait.ge [sflag:s13], $0x2800  }
0x4a: {  	[sflag:s13] =	ssyncset.done $0x0  }
0x4b: {  	[sflag:s13] =	ssyncadd.s32 $0xFFFFD800  }
0x4c: {  	_ =	sfence.sel $0x180000  }
0x4d: {  	[bflag:$0x0] =	sbarrier.arrive $0xFFFF  }
0x4e: {  	p0 =	sne.s32 s1, $0x0;
	_ =	strace $0x90000047  }
0x4f: {  	s0 =	sadd.s32 @!p0 $0x100000, s0;
	[bflag:$0x2] =	sbarrier.arrive $0xFFFF  }
0x50: {  	[sflag:s0] =	ssyncadd.tile.s32 @!p0 $0x1;
	_ =	shalt  }
.Lfunc_end2:
_tile_overlayer_lowered:
.L_overlay_start_2:
0x51: {  	(tag) =	ssettag $0x2  }
0x52: {  	s0 =	rddreg [dreg:$0x0];
	s2 =	stileid.u32  }
0x53: {  	s1 =	rddreg [dreg:$0x1];
	p0 =	sne.s32 s2, $0x0  }
0x54: {  	s3 =	rddreg [dreg:$0x2];
	[bflag:$0x3] =	sbarrier.arrive $0xFFFF;
	s2 =	simm.s32 @!p0 $0x1C01  }
0x55: {  	[timem:s3], [sflag:s2] =	dma.local @!p0 [hbm:s0], s1  }
0x56: {  	s0 =	simm.s32 @!p0 $0x1  }
0x57: {  	_ =	swait.ge @!p0 [sflag:s0], s1  }
0x58: {  	s1 =	ssub.s32 @!p0 $0x0, s1;
	[sflag:s0] =	ssyncset.done @!p0 $0x0  }
0x59: {  	[sflag:s0] =	ssyncadd.s32 @!p0 s1  }
0x5a: {  	[bflag:$0x3] =	sbarrier.arrive $0xFFFF  }
0x5b: {  	_ =	shalt  }

</sc_bundles>
